<compile_context>
chip_gen: v7x
topology: tpu7x:2x2x1
jax: 0.10.2.dev20260603
libtpu: 0.0.44.dev20260713+nightly
codegen_flags: <defaults>
</compile_context>

<pallas_src>
import functools

import jax
import jax.numpy as jnp
from jax import lax
from jax.experimental import pallas as pl
from jax.experimental.pallas import tpu as pltpu
from jax.experimental.pallas import tpu_sc as plsc

NC = 2
NS = 16
NW = NC * NS
CH = 128
LANES = 16


def _mm_body(x_ref, t_ref, o0_ref, o1_ref, o2_ref):
    y = jnp.dot(x_ref[...], t_ref[...], preferred_element_type=jnp.float32)
    c = o0_ref.shape[1]
    o0_ref[...] = y[:, 0:c]
    o1_ref[...] = y[:, c:2 * c]
    o2_ref[...] = y[:, 2 * c:3 * c]


def _mm3(xT, thetaT, bm=2000):
    m, cin = xT.shape
    ck3 = thetaT.shape[1]
    c = ck3 // 3
    out = jax.ShapeDtypeStruct((m, c), jnp.float32)
    return pl.pallas_call(
        _mm_body,
        grid=(m // bm,),
        in_specs=[
            pl.BlockSpec((bm, cin), lambda i: (i, 0)),
            pl.BlockSpec((cin, ck3), lambda i: (0, 0)),
        ],
        out_specs=[pl.BlockSpec((bm, c), lambda i: (i, 0))] * 3,
        out_shape=[out, out, out],
    )(xT, thetaT)


def _add2_body(a_ref, b_ref, d_ref, o_ref):
    o_ref[...] = a_ref[...] + b_ref[...] + d_ref[...]


def _add2(a, b, brow, bm=2000):
    m, ch = a.shape
    spec = pl.BlockSpec((bm, ch), lambda i: (i, 0))
    return pl.pallas_call(
        _add2_body,
        grid=(m // bm,),
        in_specs=[spec, spec, pl.BlockSpec((1, ch), lambda i: (0, 0))],
        out_specs=spec,
        out_shape=jax.ShapeDtypeStruct((m, ch), jnp.float32),
    )(a, b, brow)


def _vgather(vec, idx16):
    dnums = lax.GatherDimensionNumbers(
        offset_dims=(), collapsed_slice_dims=(0,), start_index_map=(0,))
    return lax.gather(vec, idx16[:, None], dnums, (1,),
                      mode=lax.GatherScatterMode.PROMISE_IN_BOUNDS)


def _spmm_partials(rows, cols, vals, table, init):
    nnzp = vals.shape[0]
    m, c = table.shape
    nt = nnzp // (NW * CH)
    rpt = 8 * (m // 8 // NS)
    rem = m - NS * rpt

    mesh = plsc.VectorSubcoreMesh(core_axis_name="c", subcore_axis_name="s")

    scratch = [
        pltpu.VMEM((CH, c), jnp.float32),
        pltpu.VMEM((CH,), jnp.int32),
        pltpu.VMEM((CH,), jnp.int32),
        pltpu.VMEM((CH,), jnp.float32),
        pltpu.VMEM_SHARED((m, c), jnp.float32),
        pltpu.SemaphoreType.DMA,
    ]

    @functools.partial(
        pl.kernel,
        out_type=jax.ShapeDtypeStruct((NC, m, c), jnp.float32),
        mesh=mesh,
        scratch_types=scratch,
    )
    def spmm(rows_hbm, cols_hbm, vals_hbm, table_hbm, init_hbm, out_hbm,
             gath, rowv, colv, valv, acc, sem):
        cid = lax.axis_index("c")
        sid = lax.axis_index("s")
        wid = cid * NS + sid

        pltpu.sync_copy(init_hbm.at[cid, pl.ds(sid * rpt, rpt)],
                        acc.at[pl.ds(sid * rpt, rpt)])
        if rem:
            @pl.when(sid == NS - 1)
            def _():
                pltpu.sync_copy(init_hbm.at[cid, pl.ds(NS * rpt, rem)],
                                acc.at[pl.ds(NS * rpt, rem)])
        plsc.subcore_barrier()

        def chunk_body(t, carry):
            e0 = (wid + t * NW) * CH
            pltpu.sync_copy(rows_hbm.at[pl.ds(e0, CH)], rowv)
            pltpu.sync_copy(cols_hbm.at[pl.ds(e0, CH)], colv)
            pltpu.sync_copy(vals_hbm.at[pl.ds(e0, CH)], valv)
            pltpu.async_copy(table_hbm.at[colv], gath, sem).wait()

            def scale_block(eb, cc):
                vblock = valv[pl.ds(eb * LANES, LANES)]
                for l in range(LANES):
                    vv = _vgather(vblock, jnp.full((LANES,), l, jnp.int32))
                    e = eb * LANES + l
                    for j in range(c // LANES):
                        g = gath[e, pl.ds(j * LANES, LANES)]
                        gath[e, pl.ds(j * LANES, LANES)] = g * vv
                return cc

            lax.fori_loop(0, CH // LANES, scale_block, 0)
            pltpu.sync_copy(gath, acc.at[rowv], add=True)
            return carry

        lax.fori_loop(0, nt, chunk_body, 0)
        plsc.subcore_barrier()

        pltpu.sync_copy(acc.at[pl.ds(sid * rpt, rpt)],
                        out_hbm.at[cid, pl.ds(sid * rpt, rpt)])
        if rem:
            @pl.when(sid == NS - 1)
            def _():
                pltpu.sync_copy(acc.at[pl.ds(NS * rpt, rem)],
                                out_hbm.at[cid, pl.ds(NS * rpt, rem)])

    return spmm(rows, cols, vals, table, init)


def kernel(L_indices, L_values, x, theta, bias):
    rows = L_indices[0].astype(jnp.int32)
    cols = L_indices[1].astype(jnp.int32)
    vals = L_values.astype(jnp.float32)

    cout, cin, k = theta.shape
    nnz = vals.shape[0]

    quant = NW * CH
    nnzp = ((nnz + quant - 1) // quant) * quant
    pad = nnzp - nnz
    m = x.shape[2]
    if pad:
        spread = (jnp.arange(pad, dtype=jnp.int32) * 8) % m
        rows = jnp.concatenate([rows, spread])
        cols = jnp.concatenate([cols, spread])
        vals = jnp.concatenate([vals, jnp.zeros((pad,), jnp.float32)])

    thetaT = jnp.transpose(theta, (1, 2, 0)).reshape(cin, k * cout)
    biasT = bias[0, :, 0][None, :]
    zrow = jnp.zeros((1, cout), jnp.float32)
    zeros_mc = jnp.zeros((x.shape[2], cout), jnp.float32)

    xT = x[0].T
    z0, z1, z2 = _mm3(xT, thetaT)

    u_p = _spmm_partials(rows, cols, vals, z2, jnp.stack([z1, zeros_mc]))
    u = _add2(u_p[0], u_p[1], zrow)
    y_p = _spmm_partials(rows, cols, vals, u, jnp.stack([z0, zeros_mc]))
    yT = _add2(y_p[0], y_p[1], biasT)
    return yT.T[None]

# --- scband reference (transcript-rebuilt; emitter-appended) ---
"""Pipeline reference for scband-simplicial-convolution-57432302682842 (READ-ONLY COPY).

The authoritative reference and input builder live on the scoring server;
editing this copy changes nothing except your own understanding.
"""

import jax, jax.numpy as jnp
import numpy as np

M = 10000
NNZ = 320000
B = 1
CIN = 128
COUT = 128
K = 3


def setup_inputs(seed: int = 0) -> dict:
    key = jax.random.key(seed)
    k1, k2, k3, k4 = jax.random.split(key, 4)
    L_indices = jax.random.randint(k1, (2, NNZ), 0, M)
    # scale values ~1/avg_degree so repeated Laplacian powers stay numerically tame
    L_values = jax.random.normal(k2, (NNZ,), dtype=jnp.float32) * (1.0 / 32.0)
    x = jax.random.normal(k3, (B, CIN, M), dtype=jnp.float32)
    theta = 1.0 * jax.random.normal(k4, (COUT, CIN, K), dtype=jnp.float32)
    bias = jnp.zeros((1, COUT, 1), dtype=jnp.float32)
    return {"L_indices": L_indices, "L_values": L_values, "x": x, "theta": theta, "bias": bias}


def _spmm(L_indices, L_values, z):
    # z: (B, C, M); sparse COO L: rows=L_indices[0], cols=L_indices[1]
    rows = L_indices[0]
    cols = L_indices[1]
    gathered = jnp.take(z, cols, axis=-1)          # (B, C, nnz)
    contrib = gathered * L_values                   # broadcast over (B, C)
    contrib = jnp.moveaxis(contrib, -1, 0)          # (nnz, B, C)
    out = jax.ops.segment_sum(contrib, rows, num_segments=z.shape[-1])  # (M, B, C)
    return jnp.moveaxis(out, 0, -1)                 # (B, C, M)


def reference(L_indices, L_values, x, theta, bias):
    # assemble_powers: X[..., k] = L^k x for k = 0..K-1
    powers = [x]
    for _ in range(1, K):
        powers.append(_spmm(L_indices, L_values, powers[-1]))
    X = jnp.stack(powers, axis=-1)                  # (B, C_in, M, K)
    y = jnp.einsum('bimk,oik->bom', X, theta)       # (B, C_out, M)
    return y + bias

if __name__ == "__main__":
    import jax
    _d = setup_inputs()
    print(jax.jit(kernel)(*tuple(_d.values())))

</pallas_src>

<mosaic_0001>
#map = affine_map<(d0, d1) -> (0)>
#map1 = affine_map<(d0, d1) -> (0, 0)>
#map2 = affine_map<(d0, d1) -> (0, 0, 0)>
module attributes {stable_mosaic.version = 14 : i64} {
  func.func @spmm(%arg0: i32, %arg1: i32, %arg2: memref<323584xi32, #tpu.memory_space<hbm>>, %arg3: memref<323584xi32, #tpu.memory_space<hbm>>, %arg4: memref<323584xf32, #tpu.memory_space<hbm>>, %arg5: memref<10000x128xf32, #tpu.memory_space<hbm>>, %arg6: memref<2x10000x128xf32, #tpu.memory_space<hbm>>, %arg7: memref<2x10000x128xf32, #tpu.memory_space<hbm>>, %arg8: memref<128x128xf32, #tpu.memory_space<vmem>>, %arg9: memref<128xi32, #tpu.memory_space<vmem>>, %arg10: memref<128xi32, #tpu.memory_space<vmem>>, %arg11: memref<128xf32, #tpu.memory_space<vmem>>, %arg12: memref<10000x128xf32, #tpu.memory_space<vmem_shared>>, %arg13: memref<!tpu.dma_semaphore, #tpu.memory_space<semaphore_mem>>) attributes {dimension_semantics = [#tpu.dimension_semantics<core_parallel>, #tpu.dimension_semantics<subcore_parallel>], iteration_bounds = array<i64: 2, 16>, scalar_prefetch = 0 : i64, scratch_operands = 6 : i64, tpu.core_type = #tpu.core_type<sc_vector_subcore>, window_params = [{transform_indices = #map}, {transform_indices = #map}, {transform_indices = #map}, {transform_indices = #map1}, {transform_indices = #map2}, {transform_indices = #map2}]} {
    %mul3A = arith.constant 16 : i32
    %mul3A_0 = arith.muli %arg0, %mul3A : i32
    %add3A = arith.addi %mul3A_0, %arg1 : i32
    %mul3A_1 = arith.constant 624 : i32
    %mul3A_2 = arith.muli %arg1, %mul3A_1 : i32
    %mul3A_3 = arith.constant 624 : i32
    %mul3A_4 = arith.muli %arg1, %mul3A_3 : i32
    "tpu.region"() ({
      %run_scoped3A = tpu.sem_alloc : memref<!tpu.dma_semaphore, #tpu.memory_space<semaphore_mem>>
      %dma_start3A = arith.constant 0 : i32
      %dma_start3A_22 = tpu.memref_slice %arg12[%mul3A_4, %dma_start3A] : memref<10000x128xf32, #tpu.memory_space<vmem_shared>> -> memref<624x128xf32, #tpu.memory_space<vmem_shared>>
      %dma_start3A_23 = arith.constant 0 : i32
      %dma_start3A_24 = tpu.memref_slice %arg6[%arg0, %mul3A_2, %dma_start3A_23] : memref<2x10000x128xf32, #tpu.memory_space<hbm>> -> memref<1x624x128xf32, #tpu.memory_space<hbm>>
      %dma_start3A_25 = tpu.memref_squeeze %dma_start3A_24 : memref<1x624x128xf32, #tpu.memory_space<hbm>> -> memref<624x128xf32, #tpu.memory_space<hbm>>
      tpu.enqueue_dma source(%dma_start3A_25 : memref<624x128xf32, #tpu.memory_space<hbm>>) target(%dma_start3A_22 : memref<624x128xf32, #tpu.memory_space<vmem_shared>>) target_semaphore(%run_scoped3A : memref<!tpu.dma_semaphore, #tpu.memory_space<semaphore_mem>>)
      %dma_wait3A = arith.constant 0 : i32
      %dma_wait3A_26 = tpu.memref_slice %arg12[%mul3A_4, %dma_wait3A] : memref<10000x128xf32, #tpu.memory_space<vmem_shared>> -> memref<624x128xf32, #tpu.memory_space<vmem_shared>>
      %dma_wait3A_27 = arith.constant 0 : i32
      %dma_wait3A_28 = tpu.memref_slice %arg6[%arg0, %mul3A_2, %dma_wait3A_27] : memref<2x10000x128xf32, #tpu.memory_space<hbm>> -> memref<1x624x128xf32, #tpu.memory_space<hbm>>
      %dma_wait3A_29 = tpu.memref_squeeze %dma_wait3A_28 : memref<1x624x128xf32, #tpu.memory_space<hbm>> -> memref<624x128xf32, #tpu.memory_space<hbm>>
      tpu.wait_dma2 semaphore(%run_scoped3A : memref<!tpu.dma_semaphore, #tpu.memory_space<semaphore_mem>>) src(%dma_wait3A_29 : memref<624x128xf32, #tpu.memory_space<hbm>>) dst(%dma_wait3A_26 : memref<624x128xf32, #tpu.memory_space<vmem_shared>>)
      tpu.yield
    }) : () -> ()
    %eq3A = arith.constant 15 : i32
    %eq3A_5 = arith.cmpi eq, %arg1, %eq3A : i32
    %convert_element_type3A = arith.extui %eq3A_5 : i1 to i32
    %cond3A = arith.constant 0 : i32
    %cond3A_6 = arith.cmpi ne, %convert_element_type3A, %cond3A : i32
    scf.if %cond3A_6 {
      "tpu.region"() ({
        %run_scoped3A = tpu.sem_alloc : memref<!tpu.dma_semaphore, #tpu.memory_space<semaphore_mem>>
        %dma_start3A = arith.constant 9984 : i32
        %dma_start3A_22 = arith.constant 0 : i32
        %dma_start3A_23 = tpu.memref_slice %arg12[%dma_start3A, %dma_start3A_22] : memref<10000x128xf32, #tpu.memory_space<vmem_shared>> -> memref<16x128xf32, #tpu.memory_space<vmem_shared>>
        %dma_start3A_24 = arith.constant 9984 : i32
        %dma_start3A_25 = arith.constant 0 : i32
        %dma_start3A_26 = tpu.memref_slice %arg6[%arg0, %dma_start3A_24, %dma_start3A_25] : memref<2x10000x128xf32, #tpu.memory_space<hbm>> -> memref<1x16x128xf32, #tpu.memory_space<hbm>>
        %dma_start3A_27 = tpu.memref_squeeze %dma_start3A_26 : memref<1x16x128xf32, #tpu.memory_space<hbm>> -> memref<16x128xf32, #tpu.memory_space<hbm>>
        tpu.enqueue_dma source(%dma_start3A_27 : memref<16x128xf32, #tpu.memory_space<hbm>>) target(%dma_start3A_23 : memref<16x128xf32, #tpu.memory_space<vmem_shared>>) target_semaphore(%run_scoped3A : memref<!tpu.dma_semaphore, #tpu.memory_space<semaphore_mem>>)
        %dma_wait3A = arith.constant 9984 : i32
        %dma_wait3A_28 = arith.constant 0 : i32
        %dma_wait3A_29 = tpu.memref_slice %arg12[%dma_wait3A, %dma_wait3A_28] : memref<10000x128xf32, #tpu.memory_space<vmem_shared>> -> memref<16x128xf32, #tpu.memory_space<vmem_shared>>
        %dma_wait3A_30 = arith.constant 9984 : i32
        %dma_wait3A_31 = arith.constant 0 : i32
        %dma_wait3A_32 = tpu.memref_slice %arg6[%arg0, %dma_wait3A_30, %dma_wait3A_31] : memref<2x10000x128xf32, #tpu.memory_space<hbm>> -> memref<1x16x128xf32, #tpu.memory_space<hbm>>
        %dma_wait3A_33 = tpu.memref_squeeze %dma_wait3A_32 : memref<1x16x128xf32, #tpu.memory_space<hbm>> -> memref<16x128xf32, #tpu.memory_space<hbm>>
        tpu.wait_dma2 semaphore(%run_scoped3A : memref<!tpu.dma_semaphore, #tpu.memory_space<semaphore_mem>>) src(%dma_wait3A_33 : memref<16x128xf32, #tpu.memory_space<hbm>>) dst(%dma_wait3A_29 : memref<16x128xf32, #tpu.memory_space<vmem_shared>>)
        tpu.yield
      }) : () -> ()
    } else {
    }
    %barrier3A = arith.constant 0 : index
    tpu.barrier barrier_id(%barrier3A)
    %scan3A = arith.constant 0 : i32
    %scan3A_7 = arith.constant 0 : i32
    %scan3A_8 = arith.constant 79 : i32
    %scan3A_9 = arith.addi %scan3A_7, %scan3A_8 : i32
    %scan3A_10 = arith.constant 1 : i32
    scf.for %scan3A_22 = %scan3A_7 to %scan3A_9 step %scan3A_10  : i32 {
      %mul3A_23 = arith.constant 32 : i32
      %mul3A_24 = arith.muli %scan3A_22, %mul3A_23 : i32
      %add3A_25 = arith.addi %add3A, %mul3A_24 : i32
      %mul3A_26 = arith.constant 128 : i32
      %mul3A_27 = arith.muli %add3A_25, %mul3A_26 : i32
      "tpu.region"() ({
        %run_scoped3A = tpu.sem_alloc : memref<!tpu.dma_semaphore, #tpu.memory_space<semaphore_mem>>
        %dma_start3A_38 = tpu.memref_slice %arg2[%mul3A_27] : memref<323584xi32, #tpu.memory_space<hbm>> -> memref<128xi32, #tpu.memory_space<hbm>>
        %dma_start3A_39 = tpu.memref_slice %arg2[%mul3A_27] : memref<323584xi32, #tpu.memory_space<hbm>> -> memref<128xi32, #tpu.memory_space<hbm>>
        tpu.enqueue_dma source(%dma_start3A_39 : memref<128xi32, #tpu.memory_space<hbm>>) target(%arg9 : memref<128xi32, #tpu.memory_space<vmem>>) target_semaphore(%run_scoped3A : memref<!tpu.dma_semaphore, #tpu.memory_space<semaphore_mem>>)
        %dma_wait3A_40 = tpu.memref_slice %arg2[%mul3A_27] : memref<323584xi32, #tpu.memory_space<hbm>> -> memref<128xi32, #tpu.memory_space<hbm>>
        %dma_wait3A_41 = tpu.memref_slice %arg2[%mul3A_27] : memref<323584xi32, #tpu.memory_space<hbm>> -> memref<128xi32, #tpu.memory_space<hbm>>
        tpu.wait_dma2 semaphore(%run_scoped3A : memref<!tpu.dma_semaphore, #tpu.memory_space<semaphore_mem>>) src(%dma_wait3A_41 : memref<128xi32, #tpu.memory_space<hbm>>) dst(%arg9 : memref<128xi32, #tpu.memory_space<vmem>>)
        tpu.yield
      }) : () -> ()
      "tpu.region"() ({
        %run_scoped3A = tpu.sem_alloc : memref<!tpu.dma_semaphore, #tpu.memory_space<semaphore_mem>>
        %dma_start3A_38 = tpu.memref_slice %arg3[%mul3A_27] : memref<323584xi32, #tpu.memory_space<hbm>> -> memref<128xi32, #tpu.memory_space<hbm>>
        %dma_start3A_39 = tpu.memref_slice %arg3[%mul3A_27] : memref<323584xi32, #tpu.memory_space<hbm>> -> memref<128xi32, #tpu.memory_space<hbm>>
        tpu.enqueue_dma source(%dma_start3A_39 : memref<128xi32, #tpu.memory_space<hbm>>) target(%arg10 : memref<128xi32, #tpu.memory_space<vmem>>) target_semaphore(%run_scoped3A : memref<!tpu.dma_semaphore, #tpu.memory_space<semaphore_mem>>)
        %dma_wait3A_40 = tpu.memref_slice %arg3[%mul3A_27] : memref<323584xi32, #tpu.memory_space<hbm>> -> memref<128xi32, #tpu.memory_space<hbm>>
        %dma_wait3A_41 = tpu.memref_slice %arg3[%mul3A_27] : memref<323584xi32, #tpu.memory_space<hbm>> -> memref<128xi32, #tpu.memory_space<hbm>>
        tpu.wait_dma2 semaphore(%run_scoped3A : memref<!tpu.dma_semaphore, #tpu.memory_space<semaphore_mem>>) src(%dma_wait3A_41 : memref<128xi32, #tpu.memory_space<hbm>>) dst(%arg10 : memref<128xi32, #tpu.memory_space<vmem>>)
        tpu.yield
      }) : () -> ()
      "tpu.region"() ({
        %run_scoped3A = tpu.sem_alloc : memref<!tpu.dma_semaphore, #tpu.memory_space<semaphore_mem>>
        %dma_start3A_38 = tpu.memref_slice %arg4[%mul3A_27] : memref<323584xf32, #tpu.memory_space<hbm>> -> memref<128xf32, #tpu.memory_space<hbm>>
        %dma_start3A_39 = tpu.memref_slice %arg4[%mul3A_27] : memref<323584xf32, #tpu.memory_space<hbm>> -> memref<128xf32, #tpu.memory_space<hbm>>
        tpu.enqueue_dma source(%dma_start3A_39 : memref<128xf32, #tpu.memory_space<hbm>>) target(%arg11 : memref<128xf32, #tpu.memory_space<vmem>>) target_semaphore(%run_scoped3A : memref<!tpu.dma_semaphore, #tpu.memory_space<semaphore_mem>>)
        %dma_wait3A_40 = tpu.memref_slice %arg4[%mul3A_27] : memref<323584xf32, #tpu.memory_space<hbm>> -> memref<128xf32, #tpu.memory_space<hbm>>
        %dma_wait3A_41 = tpu.memref_slice %arg4[%mul3A_27] : memref<323584xf32, #tpu.memory_space<hbm>> -> memref<128xf32, #tpu.memory_space<hbm>>
        tpu.wait_dma2 semaphore(%run_scoped3A : memref<!tpu.dma_semaphore, #tpu.memory_space<semaphore_mem>>) src(%dma_wait3A_41 : memref<128xf32, #tpu.memory_space<hbm>>) dst(%arg11 : memref<128xf32, #tpu.memory_space<vmem>>)
        tpu.yield
      }) : () -> ()
      %dma_start3A = arith.constant 0 : i32
      %dma_start3A_28 = arith.constant 0 : i32
      %dma_start3A_29 = tpu.memref_slice %arg5[%dma_start3A, %dma_start3A_28] : memref<10000x128xf32, #tpu.memory_space<hbm>> -> memref<10000x128xf32, #tpu.memory_space<hbm>>
      tpu.enqueue_indirect_dma source(%dma_start3A_29 : memref<10000x128xf32, #tpu.memory_space<hbm>>) target(%arg8 : memref<128x128xf32, #tpu.memory_space<vmem>>) offsets(%arg10 : memref<128xi32, #tpu.memory_space<vmem>>) semaphore(%arg13 : memref<!tpu.dma_semaphore, #tpu.memory_space<semaphore_mem>>)
      %dma_wait3A = arith.constant 0 : i32
      %dma_wait3A_30 = arith.constant 0 : i32
      %dma_wait3A_31 = tpu.memref_slice %arg5[%dma_wait3A, %dma_wait3A_30] : memref<10000x128xf32, #tpu.memory_space<hbm>> -> memref<10000x128xf32, #tpu.memory_space<hbm>>
      tpu.wait_indirect_dma semaphore(%arg13 : memref<!tpu.dma_semaphore, #tpu.memory_space<semaphore_mem>>) src(%dma_wait3A_31 : memref<10000x128xf32, #tpu.memory_space<hbm>>) dst(%arg8 : memref<128x128xf32, #tpu.memory_space<vmem>>)
      %scan3A_32 = arith.constant 0 : i32
      %scan3A_33 = arith.constant 0 : i32
      %scan3A_34 = arith.constant 8 : i32
      %scan3A_35 = arith.addi %scan3A_33, %scan3A_34 : i32
      %scan3A_36 = arith.constant 1 : i32
      scf.for %scan3A_38 = %scan3A_33 to %scan3A_35 step %scan3A_36  : i32 {
        %mul3A_39 = arith.constant 16 : i32
        %mul3A_40 = arith.muli %scan3A_38, %mul3A_39 : i32
        %get3A = arith.index_cast %mul3A_40 : i32 to index
        %get3A_41 = tpu.vector_load %arg11[%get3A] {strides = array<i32>} : memref<128xf32, #tpu.memory_space<vmem>>, vector<16xf32>,
        %get3A_42 = vector.shape_cast %get3A_41 : vector<16xf32> to vector<16xf32>
        %broadcast_in_dim3A = arith.constant 0 : i32
        %broadcast_in_dim3A_43 = vector.broadcast %broadcast_in_dim3A : i32 to vector<16xi32>
        %broadcast_in_dim3A_44 = vector.shape_cast %broadcast_in_dim3A_43 : vector<16xi32> to vector<16x1xi32>
        %gather3A = vector.shape_cast %broadcast_in_dim3A_44 : vector<16x1xi32> to vector<16xi32>
        %gather3A_45 = tpu.dynamic_gather %get3A_42[%gather3A] in [0] : vector<16xf32>, vector<16xi32> -> vector<16xf32>
        %mul3A_46 = arith.constant 16 : i32
        %mul3A_47 = arith.muli %scan3A_38, %mul3A_46 : i32
        %add3A_48 = arith.constant 0 : i32
        %add3A_49 = arith.addi %mul3A_47, %add3A_48 : i32
        %get3A_50 = arith.index_cast %add3A_49 : i32 to index
        %get3A_51 = arith.constant 0 : index
        %get3A_52 = tpu.vector_load %arg8[%get3A_50, %get3A_51] {strides = array<i32>} : memref<128x128xf32, #tpu.memory_space<vmem>>, vector<1x16xf32>,
        %get3A_53 = vector.shape_cast %get3A_52 : vector<1x16xf32> to vector<16xf32>
        %mul3A_54 = arith.mulf %get3A_53, %gather3A_45 : vector<16xf32>
        %swap3A = arith.index_cast %add3A_49 : i32 to index
        %swap3A_55 = arith.constant 0 : index
        %swap3A_56 = tpu.vector_load %arg8[%swap3A, %swap3A_55] {strides = array<i32>} : memref<128x128xf32, #tpu.memory_space<vmem>>, vector<1x16xf32>,
        %swap3A_57 = vector.shape_cast %swap3A_56 : vector<1x16xf32> to vector<16xf32>
        %swap3A_58 = vector.shape_cast %mul3A_54 : vector<16xf32> to vector<1x16xf32>
        tpu.vector_store %arg8[%swap3A, %swap3A_55], %swap3A_58 {strides = array<i32>} : memref<128x128xf32, #tpu.memory_space<vmem>>, vector<1x16xf32>,
        %get3A_59 = arith.index_cast %add3A_49 : i32 to index
        %get3A_60 = arith.constant 16 : index
        %get3A_61 = tpu.vector_load %arg8[%get3A_59, %get3A_60] {strides = array<i32>} : memref<128x128xf32, #tpu.memory_space<vmem>>, vector<1x16xf32>,
        %get3A_62 = vector.shape_cast %get3A_61 : vector<1x16xf32> to vector<16xf32>
        %mul3A_63 = arith.mulf %get3A_62, %gather3A_45 : vector<16xf32>
        %swap3A_64 = arith.index_cast %add3A_49 : i32 to index
        %swap3A_65 = arith.constant 16 : index
        %swap3A_66 = tpu.vector_load %arg8[%swap3A_64, %swap3A_65] {strides = array<i32>} : memref<128x128xf32, #tpu.memory_space<vmem>>, vector<1x16xf32>,
        %swap3A_67 = vector.shape_cast %swap3A_66 : vector<1x16xf32> to vector<16xf32>
        %swap3A_68 = vector.shape_cast %mul3A_63 : vector<16xf32> to vector<1x16xf32>
        tpu.vector_store %arg8[%swap3A_64, %swap3A_65], %swap3A_68 {strides = array<i32>} : memref<128x128xf32, #tpu.memory_space<vmem>>, vector<1x16xf32>,
        %get3A_69 = arith.index_cast %add3A_49 : i32 to index
        %get3A_70 = arith.constant 32 : index
        %get3A_71 = tpu.vector_load %arg8[%get3A_69, %get3A_70] {strides = array<i32>} : memref<128x128xf32, #tpu.memory_space<vmem>>, vector<1x16xf32>,
        %get3A_72 = vector.shape_cast %get3A_71 : vector<1x16xf32> to vector<16xf32>
        %mul3A_73 = arith.mulf %get3A_72, %gather3A_45 : vector<16xf32>
        %swap3A_74 = arith.index_cast %add3A_49 : i32 to index
        %swap3A_75 = arith.constant 32 : index
        %swap3A_76 = tpu.vector_load %arg8[%swap3A_74, %swap3A_75] {strides = array<i32>} : memref<128x128xf32, #tpu.memory_space<vmem>>, vector<1x16xf32>,
        %swap3A_77 = vector.shape_cast %swap3A_76 : vector<1x16xf32> to vector<16xf32>
        %swap3A_78 = vector.shape_cast %mul3A_73 : vector<16xf32> to vector<1x16xf32>
        tpu.vector_store %arg8[%swap3A_74, %swap3A_75], %swap3A_78 {strides = array<i32>} : memref<128x128xf32, #tpu.memory_space<vmem>>, vector<1x16xf32>,
        %get3A_79 = arith.index_cast %add3A_49 : i32 to index
        %get3A_80 = arith.constant 48 : index
        %get3A_81 = tpu.vector_load %arg8[%get3A_79, %get3A_80] {strides = array<i32>} : memref<128x128xf32, #tpu.memory_space<vmem>>, vector<1x16xf32>,
        %get3A_82 = vector.shape_cast %get3A_81 : vector<1x16xf32> to vector<16xf32>
        %mul3A_83 = arith.mulf %get3A_82, %gather3A_45 : vector<16xf32>
        %swap3A_84 = arith.index_cast %add3A_49 : i32 to index
        %swap3A_85 = arith.constant 48 : index
        %swap3A_86 = tpu.vector_load %arg8[%swap3A_84, %swap3A_85] {strides = array<i32>} : memref<128x128xf32, #tpu.memory_space<vmem>>, vector<1x16xf32>,
        %swap3A_87 = vector.shape_cast %swap3A_86 : vector<1x16xf32> to vector<16xf32>
        %swap3A_88 = vector.shape_cast %mul3A_83 : vector<16xf32> to vector<1x16xf32>
        tpu.vector_store %arg8[%swap3A_84, %swap3A_85], %swap3A_88 {strides = array<i32>} : memref<128x128xf32, #tpu.memory_space<vmem>>, vector<1x16xf32>,
        %get3A_89 = arith.index_cast %add3A_49 : i32 to index
        %get3A_90 = arith.constant 64 : index
        %get3A_91 = tpu.vector_load %arg8[%get3A_89, %get3A_90] {strides = array<i32>} : memref<128x128xf32, #tpu.memory_space<vmem>>, vector<1x16xf32>,
        %get3A_92 = vector.shape_cast %get3A_91 : vector<1x16xf32> to vector<16xf32>
        %mul3A_93 = arith.mulf %get3A_92, %gather3A_45 : vector<16xf32>
        %swap3A_94 = arith.index_cast %add3A_49 : i32 to index
        %swap3A_95 = arith.constant 64 : index
        %swap3A_96 = tpu.vector_load %arg8[%swap3A_94, %swap3A_95] {strides = array<i32>} : memref<128x128xf32, #tpu.memory_space<vmem>>, vector<1x16xf32>,
        %swap3A_97 = vector.shape_cast %swap3A_96 : vector<1x16xf32> to vector<16xf32>
        %swap3A_98 = vector.shape_cast %mul3A_93 : vector<16xf32> to vector<1x16xf32>
        tpu.vector_store %arg8[%swap3A_94, %swap3A_95], %swap3A_98 {strides = array<i32>} : memref<128x128xf32, #tpu.memory_space<vmem>>, vector<1x16xf32>,
        %get3A_99 = arith.index_cast %add3A_49 : i32 to index
        %get3A_100 = arith.constant 80 : index
        %get3A_101 = tpu.vector_load %arg8[%get3A_99, %get3A_100] {strides = array<i32>} : memref<128x128xf32, #tpu.memory_space<vmem>>, vector<1x16xf32>,
        %get3A_102 = vector.shape_cast %get3A_101 : vector<1x16xf32> to vector<16xf32>
        %mul3A_103 = arith.mulf %get3A_102, %gather3A_45 : vector<16xf32>
        %swap3A_104 = arith.index_cast %add3A_49 : i32 to index
        %swap3A_105 = arith.constant 80 : index
        %swap3A_106 = tpu.vector_load %arg8[%swap3A_104, %swap3A_105] {strides = array<i32>} : memref<128x128xf32, #tpu.memory_space<vmem>>, vector<1x16xf32>,
        %swap3A_107 = vector.shape_cast %swap3A_106 : vector<1x16xf32> to vector<16xf32>
        %swap3A_108 = vector.shape_cast %mul3A_103 : vector<16xf32> to vector<1x16xf32>
        tpu.vector_store %arg8[%swap3A_104, %swap3A_105], %swap3A_108 {strides = array<i32>} : memref<128x128xf32, #tpu.memory_space<vmem>>, vector<1x16xf32>,
        %get3A_109 = arith.index_cast %add3A_49 : i32 to index
        %get3A_110 = arith.constant 96 : index
        %get3A_111 = tpu.vector_load %arg8[%get3A_109, %get3A_110] {strides = array<i32>} : memref<128x128xf32, #tpu.memory_space<vmem>>, vector<1x16xf32>,
        %get3A_112 = vector.shape_cast %get3A_111 : vector<1x16xf32> to vector<16xf32>
        %mul3A_113 = arith.mulf %get3A_112, %gather3A_45 : vector<16xf32>
        %swap3A_114 = arith.index_cast %add3A_49 : i32 to index
        %swap3A_115 = arith.constant 96 : index
        %swap3A_116 = tpu.vector_load %arg8[%swap3A_114, %swap3A_115] {strides = array<i32>} : memref<128x128xf32, #tpu.memory_space<vmem>>, vector<1x16xf32>,
        %swap3A_117 = vector.shape_cast %swap3A_116 : vector<1x16xf32> to vector<16xf32>
        %swap3A_118 = vector.shape_cast %mul3A_113 : vector<16xf32> to vector<1x16xf32>
        tpu.vector_store %arg8[%swap3A_114, %swap3A_115], %swap3A_118 {strides = array<i32>} : memref<128x128xf32, #tpu.memory_space<vmem>>, vector<1x16xf32>,
        %get3A_119 = arith.index_cast %add3A_49 : i32 to index
        %get3A_120 = arith.constant 112 : index
        %get3A_121 = tpu.vector_load %arg8[%get3A_119, %get3A_120] {strides = array<i32>} : memref<128x128xf32, #tpu.memory_space<vmem>>, vector<1x16xf32>,
        %get3A_122 = vector.shape_cast %get3A_121 : vector<1x16xf32> to vector<16xf32>
        %mul3A_123 = arith.mulf %get3A_122, %gather3A_45 : vector<16xf32>
        %swap3A_124 = arith.index_cast %add3A_49 : i32 to index
        %swap3A_125 = arith.constant 112 : index
        %swap3A_126 = tpu.vector_load %arg8[%swap3A_124, %swap3A_125] {strides = array<i32>} : memref<128x128xf32, #tpu.memory_space<vmem>>, vector<1x16xf32>,
        %swap3A_127 = vector.shape_cast %swap3A_126 : vector<1x16xf32> to vector<16xf32>
        %swap3A_128 = vector.shape_cast %mul3A_123 : vector<16xf32> to vector<1x16xf32>
        tpu.vector_store %arg8[%swap3A_124, %swap3A_125], %swap3A_128 {strides = array<i32>} : memref<128x128xf32, #tpu.memory_space<vmem>>, vector<1x16xf32>,
        %broadcast_in_dim3A_129 = arith.constant 1 : i32
        %broadcast_in_dim3A_130 = vector.broadcast %broadcast_in_dim3A_129 : i32 to vector<16xi32>
        %broadcast_in_dim3A_131 = vector.shape_cast %broadcast_in_dim3A_130 : vector<16xi32> to vector<16x1xi32>
        %gather3A_132 = vector.shape_cast %broadcast_in_dim3A_131 : vector<16x1xi32> to vector<16xi32>
        %gather3A_133 = tpu.dynamic_gather %get3A_42[%gather3A_132] in [0] : vector<16xf32>, vector<16xi32> -> vector<16xf32>
        %mul3A_134 = arith.constant 16 : i32
        %mul3A_135 = arith.muli %scan3A_38, %mul3A_134 : i32
        %add3A_136 = arith.constant 1 : i32
        %add3A_137 = arith.addi %mul3A_135, %add3A_136 : i32
        %get3A_138 = arith.index_cast %add3A_137 : i32 to index
        %get3A_139 = arith.constant 0 : index
        %get3A_140 = tpu.vector_load %arg8[%get3A_138, %get3A_139] {strides = array<i32>} : memref<128x128xf32, #tpu.memory_space<vmem>>, vector<1x16xf32>,
        %get3A_141 = vector.shape_cast %get3A_140 : vector<1x16xf32> to vector<16xf32>
        %mul3A_142 = arith.mulf %get3A_141, %gather3A_133 : vector<16xf32>
        %swap3A_143 = arith.index_cast %add3A_137 : i32 to index
        %swap3A_144 = arith.constant 0 : index
        %swap3A_145 = tpu.vector_load %arg8[%swap3A_143, %swap3A_144] {strides = array<i32>} : memref<128x128xf32, #tpu.memory_space<vmem>>, vector<1x16xf32>,
        %swap3A_146 = vector.shape_cast %swap3A_145 : vector<1x16xf32> to vector<16xf32>
        %swap3A_147 = vector.shape_cast %mul3A_142 : vector<16xf32> to vector<1x16xf32>
        tpu.vector_store %arg8[%swap3A_143, %swap3A_144], %swap3A_147 {strides = array<i32>} : memref<128x128xf32, #tpu.memory_space<vmem>>, vector<1x16xf32>,
        %get3A_148 = arith.index_cast %add3A_137 : i32 to index
        %get3A_149 = arith.constant 16 : index
        %get3A_150 = tpu.vector_load %arg8[%get3A_148, %get3A_149] {strides = array<i32>} : memref<128x128xf32, #tpu.memory_space<vmem>>, vector<1x16xf32>,
        %get3A_151 = vector.shape_cast %get3A_150 : vector<1x16xf32> to vector<16xf32>
        %mul3A_152 = arith.mulf %get3A_151, %gather3A_133 : vector<16xf32>
        %swap3A_153 = arith.index_cast %add3A_137 : i32 to index
        %swap3A_154 = arith.constant 16 : index
        %swap3A_155 = tpu.vector_load %arg8[%swap3A_153, %swap3A_154] {strides = array<i32>} : memref<128x128xf32, #tpu.memory_space<vmem>>, vector<1x16xf32>,
        %swap3A_156 = vector.shape_cast %swap3A_155 : vector<1x16xf32> to vector<16xf32>
        %swap3A_157 = vector.shape_cast %mul3A_152 : vector<16xf32> to vector<1x16xf32>
        tpu.vector_store %arg8[%swap3A_153, %swap3A_154], %swap3A_157 {strides = array<i32>} : memref<128x128xf32, #tpu.memory_space<vmem>>, vector<1x16xf32>,
        %get3A_158 = arith.index_cast %add3A_137 : i32 to index
        %get3A_159 = arith.constant 32 : index
        %get3A_160 = tpu.vector_load %arg8[%get3A_158, %get3A_159] {strides = array<i32>} : memref<128x128xf32, #tpu.memory_space<vmem>>, vector<1x16xf32>,
        %get3A_161 = vector.shape_cast %get3A_160 : vector<1x16xf32> to vector<16xf32>
        %mul3A_162 = arith.mulf %get3A_161, %gather3A_133 : vector<16xf32>
        %swap3A_163 = arith.index_cast %add3A_137 : i32 to index
        %swap3A_164 = arith.constant 32 : index
        %swap3A_165 = tpu.vector_load %arg8[%swap3A_163, %swap3A_164] {strides = array<i32>} : memref<128x128xf32, #tpu.memory_space<vmem>>, vector<1x16xf32>,
        %swap3A_166 = vector.shape_cast %swap3A_165 : vector<1x16xf32> to vector<16xf32>
        %swap3A_167 = vector.shape_cast %mul3A_162 : vector<16xf32> to vector<1x16xf32>
        tpu.vector_store %arg8[%swap3A_163, %swap3A_164], %swap3A_167 {strides = array<i32>} : memref<128x128xf32, #tpu.memory_space<vmem>>, vector<1x16xf32>,
        %get3A_168 = arith.index_cast %add3A_137 : i32 to index
        %get3A_169 = arith.constant 48 : index
        %get3A_170 = tpu.vector_load %arg8[%get3A_168, %get3A_169] {strides = array<i32>} : memref<128x128xf32, #tpu.memory_space<vmem>>, vector<1x16xf32>,
        %get3A_171 = vector.shape_cast %get3A_170 : vector<1x16xf32> to vector<16xf32>
        %mul3A_172 = arith.mulf %get3A_171, %gather3A_133 : vector<16xf32>
        %swap3A_173 = arith.index_cast %add3A_137 : i32 to index
        %swap3A_174 = arith.constant 48 : index
        %swap3A_175 = tpu.vector_load %arg8[%swap3A_173, %swap3A_174] {strides = array<i32>} : memref<128x128xf32, #tpu.memory_space<vmem>>, vector<1x16xf32>,
        %swap3A_176 = vector.shape_cast %swap3A_175 : vector<1x16xf32> to vector<16xf32>
        %swap3A_177 = vector.shape_cast %mul3A_172 : vector<16xf32> to vector<1x16xf32>
        tpu.vector_store %arg8[%swap3A_173, %swap3A_174], %swap3A_177 {strides = array<i32>} : memref<128x128xf32, #tpu.memory_space<vmem>>, vector<1x16xf32>,
        %get3A_178 = arith.index_cast %add3A_137 : i32 to index
        %get3A_179 = arith.constant 64 : index
        %get3A_180 = tpu.vector_load %arg8[%get3A_178, %get3A_179] {strides = array<i32>} : memref<128x128xf32, #tpu.memory_space<vmem>>, vector<1x16xf32>,
        %get3A_181 = vector.shape_cast %get3A_180 : vector<1x16xf32> to vector<16xf32>
        %mul3A_182 = arith.mulf %get3A_181, %gather3A_133 : vector<16xf32>
        %swap3A_183 = arith.index_cast %add3A_137 : i32 to index
        %swap3A_184 = arith.constant 64 : index
        %swap3A_185 = tpu.vector_load %arg8[%swap3A_183, %swap3A_184] {strides = array<i32>} : memref<128x128xf32, #tpu.memory_space<vmem>>, vector<1x16xf32>,
        %swap3A_186 = vector.shape_cast %swap3A_185 : vector<1x16xf32> to vector<16xf32>
        %swap3A_187 = vector.shape_cast %mul3A_182 : vector<16xf32> to vector<1x16xf32>
        tpu.vector_store %arg8[%swap3A_183, %swap3A_184], %swap3A_187 {strides = array<i32>} : memref<128x128xf32, #tpu.memory_space<vmem>>, vector<1x16xf32>,
        %get3A_188 = arith.index_cast %add3A_137 : i32 to index
        %get3A_189 = arith.constant 80 : index
        %get3A_190 = tpu.vector_load %arg8[%get3A_188, %get3A_189] {strides = array<i32>} : memref<128x128xf32, #tpu.memory_space<vmem>>, vector<1x16xf32>,
        %get3A_191 = vector.shape_cast %get3A_190 : vector<1x16xf32> to vector<16xf32>
        %mul3A_192 = arith.mulf %get3A_191, %gather3A_133 : vector<16xf32>
        %swap3A_193 = arith.index_cast %add3A_137 : i32 to index
        %swap3A_194 = arith.constant 80 : index
        %swap3A_195 = tpu.vector_load %arg8[%swap3A_193, %swap3A_194] {strides = array<i32>} : memref<128x128xf32, #tpu.memory_space<vmem>>, vector<1x16xf32>,
        %swap3A_196 = vector.shape_cast %swap3A_195 : vector<1x16xf32> to vector<16xf32>
        %swap3A_197 = vector.shape_cast %mul3A_192 : vector<16xf32> to vector<1x16xf32>
        tpu.vector_store %arg8[%swap3A_193, %swap3A_194], %swap3A_197 {strides = array<i32>} : memref<128x128xf32, #tpu.memory_space<vmem>>, vector<1x16xf32>,
        %get3A_198 = arith.index_cast %add3A_137 : i32 to index
        %get3A_199 = arith.constant 96 : index
        %get3A_200 = tpu.vector_load %arg8[%get3A_198, %get3A_199] {strides = array<i32>} : memref<128x128xf32, #tpu.memory_space<vmem>>, vector<1x16xf32>,
        %get3A_201 = vector.shape_cast %get3A_200 : vector<1x16xf32> to vector<16xf32>
        %mul3A_202 = arith.mulf %get3A_201, %gather3A_133 : vector<16xf32>
        %swap3A_203 = arith.index_cast %add3A_137 : i32 to index
        %swap3A_204 = arith.constant 96 : index
        %swap3A_205 = tpu.vector_load %arg8[%swap3A_203, %swap3A_204] {strides = array<i32>} : memref<128x128xf32, #tpu.memory_space<vmem>>, vector<1x16xf32>,
        %swap3A_206 = vector.shape_cast %swap3A_205 : vector<1x16xf32> to vector<16xf32>
        %swap3A_207 = vector.shape_cast %mul3A_202 : vector<16xf32> to vector<1x16xf32>
        tpu.vector_store %arg8[%swap3A_203, %swap3A_204], %swap3A_207 {strides = array<i32>} : memref<128x128xf32, #tpu.memory_space<vmem>>, vector<1x16xf32>,
        %get3A_208 = arith.index_cast %add3A_137 : i32 to index
        %get3A_209 = arith.constant 112 : index
        %get3A_210 = tpu.vector_load %arg8[%get3A_208, %get3A_209] {strides = array<i32>} : memref<128x128xf32, #tpu.memory_space<vmem>>, vector<1x16xf32>,
        %get3A_211 = vector.shape_cast %get3A_210 : vector<1x16xf32> to vector<16xf32>
        %mul3A_212 = arith.mulf %get3A_211, %gather3A_133 : vector<16xf32>
        %swap3A_213 = arith.index_cast %add3A_137 : i32 to index
        %swap3A_214 = arith.constant 112 : index
        %swap3A_215 = tpu.vector_load %arg8[%swap3A_213, %swap3A_214] {strides = array<i32>} : memref<128x128xf32, #tpu.memory_space<vmem>>, vector<1x16xf32>,
        %swap3A_216 = vector.shape_cast %swap3A_215 : vector<1x16xf32> to vector<16xf32>
        %swap3A_217 = vector.shape_cast %mul3A_212 : vector<16xf32> to vector<1x16xf32>
        tpu.vector_store %arg8[%swap3A_213, %swap3A_214], %swap3A_217 {strides = array<i32>} : memref<128x128xf32, #tpu.memory_space<vmem>>, vector<1x16xf32>,
        %broadcast_in_dim3A_218 = arith.constant 2 : i32
        %broadcast_in_dim3A_219 = vector.broadcast %broadcast_in_dim3A_218 : i32 to vector<16xi32>
        %broadcast_in_dim3A_220 = vector.shape_cast %broadcast_in_dim3A_219 : vector<16xi32> to vector<16x1xi32>
        %gather3A_221 = vector.shape_cast %broadcast_in_dim3A_220 : vector<16x1xi32> to vector<16xi32>
        %gather3A_222 = tpu.dynamic_gather %get3A_42[%gather3A_221] in [0] : vector<16xf32>, vector<16xi32> -> vector<16xf32>
        %mul3A_223 = arith.constant 16 : i32
        %mul3A_224 = arith.muli %scan3A_38, %mul3A_223 : i32
        %add3A_225 = arith.constant 2 : i32
        %add3A_226 = arith.addi %mul3A_224, %add3A_225 : i32
        %get3A_227 = arith.index_cast %add3A_226 : i32 to index
        %get3A_228 = arith.constant 0 : index
        %get3A_229 = tpu.vector_load %arg8[%get3A_227, %get3A_228] {strides = array<i32>} : memref<128x128xf32, #tpu.memory_space<vmem>>, vector<1x16xf32>,
        %get3A_230 = vector.shape_cast %get3A_229 : vector<1x16xf32> to vector<16xf32>
        %mul3A_231 = arith.mulf %get3A_230, %gather3A_222 : vector<16xf32>
        %swap3A_232 = arith.index_cast %add3A_226 : i32 to index
        %swap3A_233 = arith.constant 0 : index
        %swap3A_234 = tpu.vector_load %arg8[%swap3A_232, %swap3A_233] {strides = array<i32>} : memref<128x128xf32, #tpu.memory_space<vmem>>, vector<1x16xf32>,
        %swap3A_235 = vector.shape_cast %swap3A_234 : vector<1x16xf32> to vector<16xf32>
        %swap3A_236 = vector.shape_cast %mul3A_231 : vector<16xf32> to vector<1x16xf32>
        tpu.vector_store %arg8[%swap3A_232, %swap3A_233], %swap3A_236 {strides = array<i32>} : memref<128x128xf32, #tpu.memory_space<vmem>>, vector<1x16xf32>,
        %get3A_237 = arith.index_cast %add3A_226 : i32 to index
        %get3A_238 = arith.constant 16 : index
        %get3A_239 = tpu.vector_load %arg8[%get3A_237, %get3A_238] {strides = array<i32>} : memref<128x128xf32, #tpu.memory_space<vmem>>, vector<1x16xf32>,
        %get3A_240 = vector.shape_cast %get3A_239 : vector<1x16xf32> to vector<16xf32>
        %mul3A_241 = arith.mulf %get3A_240, %gather3A_222 : vector<16xf32>
        %swap3A_242 = arith.index_cast %add3A_226 : i32 to index
        %swap3A_243 = arith.constant 16 : index
        %swap3A_244 = tpu.vector_load %arg8[%swap3A_242, %swap3A_243] {strides = array<i32>} : memref<128x128xf32, #tpu.memory_space<vmem>>, vector<1x16xf32>,
        %swap3A_245 = vector.shape_cast %swap3A_244 : vector<1x16xf32> to vector<16xf32>
        %swap3A_246 = vector.shape_cast %mul3A_241 : vector<16xf32> to vector<1x16xf32>
        tpu.vector_store %arg8[%swap3A_242, %swap3A_243], %swap3A_246 {strides = array<i32>} : memref<128x128xf32, #tpu.memory_space<vmem>>, vector<1x16xf32>,
        %get3A_247 = arith.index_cast %add3A_226 : i32 to index
        %get3A_248 = arith.constant 32 : index
        %get3A_249 = tpu.vector_load %arg8[%get3A_247, %get3A_248] {strides = array<i32>} : memref<128x128xf32, #tpu.memory_space<vmem>>, vector<1x16xf32>,
        %get3A_250 = vector.shape_cast %get3A_249 : vector<1x16xf32> to vector<16xf32>
        %mul3A_251 = arith.mulf %get3A_250, %gather3A_222 : vector<16xf32>
        %swap3A_252 = arith.index_cast %add3A_226 : i32 to index
        %swap3A_253 = arith.constant 32 : index
        %swap3A_254 = tpu.vector_load %arg8[%swap3A_252, %swap3A_253] {strides = array<i32>} : memref<128x128xf32, #tpu.memory_space<vmem>>, vector<1x16xf32>,
        %swap3A_255 = vector.shape_cast %swap3A_254 : vector<1x16xf32> to vector<16xf32>
        %swap3A_256 = vector.shape_cast %mul3A_251 : vector<16xf32> to vector<1x16xf32>
        tpu.vector_store %arg8[%swap3A_252, %swap3A_253], %swap3A_256 {strides = array<i32>} : memref<128x128xf32, #tpu.memory_space<vmem>>, vector<1x16xf32>,
        %get3A_257 = arith.index_cast %add3A_226 : i32 to index
        %get3A_258 = arith.constant 48 : index
        %get3A_259 = tpu.vector_load %arg8[%get3A_257, %get3A_258] {strides = array<i32>} : memref<128x128xf32, #tpu.memory_space<vmem>>, vector<1x16xf32>,
        %get3A_260 = vector.shape_cast %get3A_259 : vector<1x16xf32> to vector<16xf32>
        %mul3A_261 = arith.mulf %get3A_260, %gather3A_222 : vector<16xf32>
        %swap3A_262 = arith.index_cast %add3A_226 : i32 to index
        %swap3A_263 = arith.constant 48 : index
        %swap3A_264 = tpu.vector_load %arg8[%swap3A_262, %swap3A_263] {strides = array<i32>} : memref<128x128xf32, #tpu.memory_space<vmem>>, vector<1x16xf32>,
        %swap3A_265 = vector.shape_cast %swap3A_264 : vector<1x16xf32> to vector<16xf32>
        %swap3A_266 = vector.shape_cast %mul3A_261 : vector<16xf32> to vector<1x16xf32>
        tpu.vector_store %arg8[%swap3A_262, %swap3A_263], %swap3A_266 {strides = array<i32>} : memref<128x128xf32, #tpu.memory_space<vmem>>, vector<1x16xf32>,
        %get3A_267 = arith.index_cast %add3A_226 : i32 to index
        %get3A_268 = arith.constant 64 : index
        %get3A_269 = tpu.vector_load %arg8[%get3A_267, %get3A_268] {strides = array<i32>} : memref<128x128xf32, #tpu.memory_space<vmem>>, vector<1x16xf32>,
        %get3A_270 = vector.shape_cast %get3A_269 : vector<1x16xf32> to vector<16xf32>
        %mul3A_271 = arith.mulf %get3A_270, %gather3A_222 : vector<16xf32>
        %swap3A_272 = arith.index_cast %add3A_226 : i32 to index
        %swap3A_273 = arith.constant 64 : index
        %swap3A_274 = tpu.vector_load %arg8[%swap3A_272, %swap3A_273] {strides = array<i32>} : memref<128x128xf32, #tpu.memory_space<vmem>>, vector<1x16xf32>,
        %swap3A_275 = vector.shape_cast %swap3A_274 : vector<1x16xf32> to vector<16xf32>
        %swap3A_276 = vector.shape_cast %mul3A_271 : vector<16xf32> to vector<1x16xf32>
        tpu.vector_store %arg8[%swap3A_272, %swap3A_273], %swap3A_276 {strides = array<i32>} : memref<128x128xf32, #tpu.memory_space<vmem>>, vector<1x16xf32>,
        %get3A_277 = arith.index_cast %add3A_226 : i32 to index
        %get3A_278 = arith.constant 80 : index
        %get3A_279 = tpu.vector_load %arg8[%get3A_277, %get3A_278] {strides = array<i32>} : memref<128x128xf32, #tpu.memory_space<vmem>>, vector<1x16xf32>,
        %get3A_280 = vector.shape_cast %get3A_279 : vector<1x16xf32> to vector<16xf32>
        %mul3A_281 = arith.mulf %get3A_280, %gather3A_222 : vector<16xf32>
        %swap3A_282 = arith.index_cast %add3A_226 : i32 to index
        %swap3A_283 = arith.constant 80 : index
        %swap3A_284 = tpu.vector_load %arg8[%swap3A_282, %swap3A_283] {strides = array<i32>} : memref<128x128xf32, #tpu.memory_space<vmem>>, vector<1x16xf32>,
        %swap3A_285 = vector.shape_cast %swap3A_284 : vector<1x16xf32> to vector<16xf32>
        %swap3A_286 = vector.shape_cast %mul3A_281 : vector<16xf32> to vector<1x16xf32>
        tpu.vector_store %arg8[%swap3A_282, %swap3A_283], %swap3A_286 {strides = array<i32>} : memref<128x128xf32, #tpu.memory_space<vmem>>, vector<1x16xf32>,
        %get3A_287 = arith.index_cast %add3A_226 : i32 to index
        %get3A_288 = arith.constant 96 : index
        %get3A_289 = tpu.vector_load %arg8[%get3A_287, %get3A_288] {strides = array<i32>} : memref<128x128xf32, #tpu.memory_space<vmem>>, vector<1x16xf32>,
        %get3A_290 = vector.shape_cast %get3A_289 : vector<1x16xf32> to vector<16xf32>
        %mul3A_291 = arith.mulf %get3A_290, %gather3A_222 : vector<16xf32>
        %swap3A_292 = arith.index_cast %add3A_226 : i32 to index
        %swap3A_293 = arith.constant 96 : index
        %swap3A_294 = tpu.vector_load %arg8[%swap3A_292, %swap3A_293] {strides = array<i32>} : memref<128x128xf32, #tpu.memory_space<vmem>>, vector<1x16xf32>,
        %swap3A_295 = vector.shape_cast %swap3A_294 : vector<1x16xf32> to vector<16xf32>
        %swap3A_296 = vector.shape_cast %mul3A_291 : vector<16xf32> to vector<1x16xf32>
        tpu.vector_store %arg8[%swap3A_292, %swap3A_293], %swap3A_296 {strides = array<i32>} : memref<128x128xf32, #tpu.memory_space<vmem>>, vector<1x16xf32>,
        %get3A_297 = arith.index_cast %add3A_226 : i32 to index
        %get3A_298 = arith.constant 112 : index
        %get3A_299 = tpu.vector_load %arg8[%get3A_297, %get3A_298] {strides = array<i32>} : memref<128x128xf32, #tpu.memory_space<vmem>>, vector<1x16xf32>,
        %get3A_300 = vector.shape_cast %get3A_299 : vector<1x16xf32> to vector<16xf32>
        %mul3A_301 = arith.mulf %get3A_300, %gather3A_222 : vector<16xf32>
        %swap3A_302 = arith.index_cast %add3A_226 : i32 to index
        %swap3A_303 = arith.constant 112 : index
        %swap3A_304 = tpu.vector_load %arg8[%swap3A_302, %swap3A_303] {strides = array<i32>} : memref<128x128xf32, #tpu.memory_space<vmem>>, vector<1x16xf32>,
        %swap3A_305 = vector.shape_cast %swap3A_304 : vector<1x16xf32> to vector<16xf32>
        %swap3A_306 = vector.shape_cast %mul3A_301 : vector<16xf32> to vector<1x16xf32>
        tpu.vector_store %arg8[%swap3A_302, %swap3A_303], %swap3A_306 {strides = array<i32>} : memref<128x128xf32, #tpu.memory_space<vmem>>, vector<1x16xf32>,
        %broadcast_in_dim3A_307 = arith.constant 3 : i32
        %broadcast_in_dim3A_308 = vector.broadcast %broadcast_in_dim3A_307 : i32 to vector<16xi32>
        %broadcast_in_dim3A_309 = vector.shape_cast %broadcast_in_dim3A_308 : vector<16xi32> to vector<16x1xi32>
        %gather3A_310 = vector.shape_cast %broadcast_in_dim3A_309 : vector<16x1xi32> to vector<16xi32>
        %gather3A_311 = tpu.dynamic_gather %get3A_42[%gather3A_310] in [0] : vector<16xf32>, vector<16xi32> -> vector<16xf32>
        %mul3A_312 = arith.constant 16 : i32
        %mul3A_313 = arith.muli %scan3A_38, %mul3A_312 : i32
        %add3A_314 = arith.constant 3 : i32
        %add3A_315 = arith.addi %mul3A_313, %add3A_314 : i32
        %get3A_316 = arith.index_cast %add3A_315 : i32 to index
        %get3A_317 = arith.constant 0 : index
        %get3A_318 = tpu.vector_load %arg8[%get3A_316, %get3A_317] {strides = array<i32>} : memref<128x128xf32, #tpu.memory_space<vmem>>, vector<1x16xf32>,
        %get3A_319 = vector.shape_cast %get3A_318 : vector<1x16xf32> to vector<16xf32>
        %mul3A_320 = arith.mulf %get3A_319, %gather3A_311 : vector<16xf32>
        %swap3A_321 = arith.index_cast %add3A_315 : i32 to index
        %swap3A_322 = arith.constant 0 : index
        %swap3A_323 = tpu.vector_load %arg8[%swap3A_321, %swap3A_322] {strides = array<i32>} : memref<128x128xf32, #tpu.memory_space<vmem>>, vector<1x16xf32>,
        %swap3A_324 = vector.shape_cast %swap3A_323 : vector<1x16xf32> to vector<16xf32>
        %swap3A_325 = vector.shape_cast %mul3A_320 : vector<16xf32> to vector<1x16xf32>
        tpu.vector_store %arg8[%swap3A_321, %swap3A_322], %swap3A_325 {strides = array<i32>} : memref<128x128xf32, #tpu.memory_space<vmem>>, vector<1x16xf32>,
        %get3A_326 = arith.index_cast %add3A_315 : i32 to index
        %get3A_327 = arith.constant 16 : index
        %get3A_328 = tpu.vector_load %arg8[%get3A_326, %get3A_327] {strides = array<i32>} : memref<128x128xf32, #tpu.memory_space<vmem>>, vector<1x16xf32>,
        %get3A_329 = vector.shape_cast %get3A_328 : vector<1x16xf32> to vector<16xf32>
        %mul3A_330 = arith.mulf %get3A_329, %gather3A_311 : vector<16xf32>
        %swap3A_331 = arith.index_cast %add3A_315 : i32 to index
        %swap3A_332 = arith.constant 16 : index
        %swap3A_333 = tpu.vector_load %arg8[%swap3A_331, %swap3A_332] {strides = array<i32>} : memref<128x128xf32, #tpu.memory_space<vmem>>, vector<1x16xf32>,
        %swap3A_334 = vector.shape_cast %swap3A_333 : vector<1x16xf32> to vector<16xf32>
        %swap3A_335 = vector.shape_cast %mul3A_330 : vector<16xf32> to vector<1x16xf32>
        tpu.vector_store %arg8[%swap3A_331, %swap3A_332], %swap3A_335 {strides = array<i32>} : memref<128x128xf32, #tpu.memory_space<vmem>>, vector<1x16xf32>,
        %get3A_336 = arith.index_cast %add3A_315 : i32 to index
        %get3A_337 = arith.constant 32 : index
        %get3A_338 = tpu.vector_load %arg8[%get3A_336, %get3A_337] {strides = array<i32>} : memref<128x128xf32, #tpu.memory_space<vmem>>, vector<1x16xf32>,
        %get3A_339 = vector.shape_cast %get3A_338 : vector<1x16xf32> to vector<16xf32>
        %mul3A_340 = arith.mulf %get3A_339, %gather3A_311 : vector<16xf32>
        %swap3A_341 = arith.index_cast %add3A_315 : i32 to index
        %swap3A_342 = arith.constant 32 : index
        %swap3A_343 = tpu.vector_load %arg8[%swap3A_341, %swap3A_342] {strides = array<i32>} : memref<128x128xf32, #tpu.memory_space<vmem>>, vector<1x16xf32>,
        %swap3A_344 = vector.shape_cast %swap3A_343 : vector<1x16xf32> to vector<16xf32>
        %swap3A_345 = vector.shape_cast %mul3A_340 : vector<16xf32> to vector<1x16xf32>
        tpu.vector_store %arg8[%swap3A_341, %swap3A_342], %swap3A_345 {strides = array<i32>} : memref<128x128xf32, #tpu.memory_space<vmem>>, vector<1x16xf32>,
        %get3A_346 = arith.index_cast %add3A_315 : i32 to index
        %get3A_347 = arith.constant 48 : index
        %get3A_348 = tpu.vector_load %arg8[%get3A_346, %get3A_347] {strides = array<i32>} : memref<128x128xf32, #tpu.memory_space<vmem>>, vector<1x16xf32>,
        %get3A_349 = vector.shape_cast %get3A_348 : vector<1x16xf32> to vector<16xf32>
        %mul3A_350 = arith.mulf %get3A_349, %gather3A_311 : vector<16xf32>
        %swap3A_351 = arith.index_cast %add3A_315 : i32 to index
        %swap3A_352 = arith.constant 48 : index
        %swap3A_353 = tpu.vector_load %arg8[%swap3A_351, %swap3A_352] {strides = array<i32>} : memref<128x128xf32, #tpu.memory_space<vmem>>, vector<1x16xf32>,
        %swap3A_354 = vector.shape_cast %swap3A_353 : vector<1x16xf32> to vector<16xf32>
        %swap3A_355 = vector.shape_cast %mul3A_350 : vector<16xf32> to vector<1x16xf32>
        tpu.vector_store %arg8[%swap3A_351, %swap3A_352], %swap3A_355 {strides = array<i32>} : memref<128x128xf32, #tpu.memory_space<vmem>>, vector<1x16xf32>,
        %get3A_356 = arith.index_cast %add3A_315 : i32 to index
        %get3A_357 = arith.constant 64 : index
        %get3A_358 = tpu.vector_load %arg8[%get3A_356, %get3A_357] {strides = array<i32>} : memref<128x128xf32, #tpu.memory_space<vmem>>, vector<1x16xf32>,
        %get3A_359 = vector.shape_cast %get3A_358 : vector<1x16xf32> to vector<16xf32>
        %mul3A_360 = arith.mulf %get3A_359, %gather3A_311 : vector<16xf32>
        %swap3A_361 = arith.index_cast %add3A_315 : i32 to index
        %swap3A_362 = arith.constant 64 : index
        %swap3A_363 = tpu.vector_load %arg8[%swap3A_361, %swap3A_362] {strides = array<i32>} : memref<128x128xf32, #tpu.memory_space<vmem>>, vector<1x16xf32>,
        %swap3A_364 = vector.shape_cast %swap3A_363 : vector<1x16xf32> to vector<16xf32>
        %swap3A_365 = vector.shape_cast %mul3A_360 : vector<16xf32> to vector<1x16xf32>
        tpu.vector_store %arg8[%swap3A_361, %swap3A_362], %swap3A_365 {strides = array<i32>} : memref<128x128xf32, #tpu.memory_space<vmem>>, vector<1x16xf32>,
        %get3A_366 = arith.index_cast %add3A_315 : i32 to index
        %get3A_367 = arith.constant 80 : index
        %get3A_368 = tpu.vector_load %arg8[%get3A_366, %get3A_367] {strides = array<i32>} : memref<128x128xf32, #tpu.memory_space<vmem>>, vector<1x16xf32>,
        %get3A_369 = vector.shape_cast %get3A_368 : vector<1x16xf32> to vector<16xf32>
        %mul3A_370 = arith.mulf %get3A_369, %gather3A_311 : vector<16xf32>
        %swap3A_371 = arith.index_cast %add3A_315 : i32 to index
        %swap3A_372 = arith.constant 80 : index
        %swap3A_373 = tpu.vector_load %arg8[%swap3A_371, %swap3A_372] {strides = array<i32>} : memref<128x128xf32, #tpu.memory_space<vmem>>, vector<1x16xf32>,
        %swap3A_374 = vector.shape_cast %swap3A_373 : vector<1x16xf32> to vector<16xf32>
        %swap3A_375 = vector.shape_cast %mul3A_370 : vector<16xf32> to vector<1x16xf32>
        tpu.vector_store %arg8[%swap3A_371, %swap3A_372], %swap3A_375 {strides = array<i32>} : memref<128x128xf32, #tpu.memory_space<vmem>>, vector<1x16xf32>,
        %get3A_376 = arith.index_cast %add3A_315 : i32 to index
        %get3A_377 = arith.constant 96 : index
        %get3A_378 = tpu.vector_load %arg8[%get3A_376, %get3A_377] {strides = array<i32>} : memref<128x128xf32, #tpu.memory_space<vmem>>, vector<1x16xf32>,
        %get3A_379 = vector.shape_cast %get3A_378 : vector<1x16xf32> to vector<16xf32>
        %mul3A_380 = arith.mulf %get3A_379, %gather3A_311 : vector<16xf32>
        %swap3A_381 = arith.index_cast %add3A_315 : i32 to index
        %swap3A_382 = arith.constant 96 : index
        %swap3A_383 = tpu.vector_load %arg8[%swap3A_381, %swap3A_382] {strides = array<i32>} : memref<128x128xf32, #tpu.memory_space<vmem>>, vector<1x16xf32>,
        %swap3A_384 = vector.shape_cast %swap3A_383 : vector<1x16xf32> to vector<16xf32>
        %swap3A_385 = vector.shape_cast %mul3A_380 : vector<16xf32> to vector<1x16xf32>
        tpu.vector_store %arg8[%swap3A_381, %swap3A_382], %swap3A_385 {strides = array<i32>} : memref<128x128xf32, #tpu.memory_space<vmem>>, vector<1x16xf32>,
        %get3A_386 = arith.index_cast %add3A_315 : i32 to index
        %get3A_387 = arith.constant 112 : index
        %get3A_388 = tpu.vector_load %arg8[%get3A_386, %get3A_387] {strides = array<i32>} : memref<128x128xf32, #tpu.memory_space<vmem>>, vector<1x16xf32>,
        %get3A_389 = vector.shape_cast %get3A_388 : vector<1x16xf32> to vector<16xf32>
        %mul3A_390 = arith.mulf %get3A_389, %gather3A_311 : vector<16xf32>
        %swap3A_391 = arith.index_cast %add3A_315 : i32 to index
        %swap3A_392 = arith.constant 112 : index
        %swap3A_393 = tpu.vector_load %arg8[%swap3A_391, %swap3A_392] {strides = array<i32>} : memref<128x128xf32, #tpu.memory_space<vmem>>, vector<1x16xf32>,
        %swap3A_394 = vector.shape_cast %swap3A_393 : vector<1x16xf32> to vector<16xf32>
        %swap3A_395 = vector.shape_cast %mul3A_390 : vector<16xf32> to vector<1x16xf32>
        tpu.vector_store %arg8[%swap3A_391, %swap3A_392], %swap3A_395 {strides = array<i32>} : memref<128x128xf32, #tpu.memory_space<vmem>>, vector<1x16xf32>,
        %broadcast_in_dim3A_396 = arith.constant 4 : i32
        %broadcast_in_dim3A_397 = vector.broadcast %broadcast_in_dim3A_396 : i32 to vector<16xi32>
        %broadcast_in_dim3A_398 = vector.shape_cast %broadcast_in_dim3A_397 : vector<16xi32> to vector<16x1xi32>
        %gather3A_399 = vector.shape_cast %broadcast_in_dim3A_398 : vector<16x1xi32> to vector<16xi32>
        %gather3A_400 = tpu.dynamic_gather %get3A_42[%gather3A_399] in [0] : vector<16xf32>, vector<16xi32> -> vector<16xf32>
        %mul3A_401 = arith.constant 16 : i32
        %mul3A_402 = arith.muli %scan3A_38, %mul3A_401 : i32
        %add3A_403 = arith.constant 4 : i32
        %add3A_404 = arith.addi %mul3A_402, %add3A_403 : i32
        %get3A_405 = arith.index_cast %add3A_404 : i32 to index
        %get3A_406 = arith.constant 0 : index
        %get3A_407 = tpu.vector_load %arg8[%get3A_405, %get3A_406] {strides = array<i32>} : memref<128x128xf32, #tpu.memory_space<vmem>>, vector<1x16xf32>,
        %get3A_408 = vector.shape_cast %get3A_407 : vector<1x16xf32> to vector<16xf32>
        %mul3A_409 = arith.mulf %get3A_408, %gather3A_400 : vector<16xf32>
        %swap3A_410 = arith.index_cast %add3A_404 : i32 to index
        %swap3A_411 = arith.constant 0 : index
        %swap3A_412 = tpu.vector_load %arg8[%swap3A_410, %swap3A_411] {strides = array<i32>} : memref<128x128xf32, #tpu.memory_space<vmem>>, vector<1x16xf32>,
        %swap3A_413 = vector.shape_cast %swap3A_412 : vector<1x16xf32> to vector<16xf32>
        %swap3A_414 = vector.shape_cast %mul3A_409 : vector<16xf32> to vector<1x16xf32>
        tpu.vector_store %arg8[%swap3A_410, %swap3A_411], %swap3A_414 {strides = array<i32>} : memref<128x128xf32, #tpu.memory_space<vmem>>, vector<1x16xf32>,
        %get3A_415 = arith.index_cast %add3A_404 : i32 to index
        %get3A_416 = arith.constant 16 : index
        %get3A_417 = tpu.vector_load %arg8[%get3A_415, %get3A_416] {strides = array<i32>} : memref<128x128xf32, #tpu.memory_space<vmem>>, vector<1x16xf32>,
        %get3A_418 = vector.shape_cast %get3A_417 : vector<1x16xf32> to vector<16xf32>
        %mul3A_419 = arith.mulf %get3A_418, %gather3A_400 : vector<16xf32>
        %swap3A_420 = arith.index_cast %add3A_404 : i32 to index
        %swap3A_421 = arith.constant 16 : index
        %swap3A_422 = tpu.vector_load %arg8[%swap3A_420, %swap3A_421] {strides = array<i32>} : memref<128x128xf32, #tpu.memory_space<vmem>>, vector<1x16xf32>,
        %swap3A_423 = vector.shape_cast %swap3A_422 : vector<1x16xf32> to vector<16xf32>
        %swap3A_424 = vector.shape_cast %mul3A_419 : vector<16xf32> to vector<1x16xf32>
        tpu.vector_store %arg8[%swap3A_420, %swap3A_421], %swap3A_424 {strides = array<i32>} : memref<128x128xf32, #tpu.memory_space<vmem>>, vector<1x16xf32>,
        %get3A_425 = arith.index_cast %add3A_404 : i32 to index
        %get3A_426 = arith.constant 32 : index
        %get3A_427 = tpu.vector_load %arg8[%get3A_425, %get3A_426] {strides = array<i32>} : memref<128x128xf32, #tpu.memory_space<vmem>>, vector<1x16xf32>,
        %get3A_428 = vector.shape_cast %get3A_427 : vector<1x16xf32> to vector<16xf32>
        %mul3A_429 = arith.mulf %get3A_428, %gather3A_400 : vector<16xf32>
        %swap3A_430 = arith.index_cast %add3A_404 : i32 to index
        %swap3A_431 = arith.constant 32 : index
        %swap3A_432 = tpu.vector_load %arg8[%swap3A_430, %swap3A_431] {strides = array<i32>} : memref<128x128xf32, #tpu.memory_space<vmem>>, vector<1x16xf32>,
        %swap3A_433 = vector.shape_cast %swap3A_432 : vector<1x16xf32> to vector<16xf32>
        %swap3A_434 = vector.shape_cast %mul3A_429 : vector<16xf32> to vector<1x16xf32>
        tpu.vector_store %arg8[%swap3A_430, %swap3A_431], %swap3A_434 {strides = array<i32>} : memref<128x128xf32, #tpu.memory_space<vmem>>, vector<1x16xf32>,
        %get3A_435 = arith.index_cast %add3A_404 : i32 to index
        %get3A_436 = arith.constant 48 : index
        %get3A_437 = tpu.vector_load %arg8[%get3A_435, %get3A_436] {strides = array<i32>} : memref<128x128xf32, #tpu.memory_space<vmem>>, vector<1x16xf32>,
        %get3A_438 = vector.shape_cast %get3A_437 : vector<1x16xf32> to vector<16xf32>
        %mul3A_439 = arith.mulf %get3A_438, %gather3A_400 : vector<16xf32>
        %swap3A_440 = arith.index_cast %add3A_404 : i32 to index
        %swap3A_441 = arith.constant 48 : index
        %swap3A_442 = tpu.vector_load %arg8[%swap3A_440, %swap3A_441] {strides = array<i32>} : memref<128x128xf32, #tpu.memory_space<vmem>>, vector<1x16xf32>,
        %swap3A_443 = vector.shape_cast %swap3A_442 : vector<1x16xf32> to vector<16xf32>
        %swap3A_444 = vector.shape_cast %mul3A_439 : vector<16xf32> to vector<1x16xf32>
        tpu.vector_store %arg8[%swap3A_440, %swap3A_441], %swap3A_444 {strides = array<i32>} : memref<128x128xf32, #tpu.memory_space<vmem>>, vector<1x16xf32>,
        %get3A_445 = arith.index_cast %add3A_404 : i32 to index
        %get3A_446 = arith.constant 64 : index
        %get3A_447 = tpu.vector_load %arg8[%get3A_445, %get3A_446] {strides = array<i32>} : memref<128x128xf32, #tpu.memory_space<vmem>>, vector<1x16xf32>,
        %get3A_448 = vector.shape_cast %get3A_447 : vector<1x16xf32> to vector<16xf32>
        %mul3A_449 = arith.mulf %get3A_448, %gather3A_400 : vector<16xf32>
        %swap3A_450 = arith.index_cast %add3A_404 : i32 to index
        %swap3A_451 = arith.constant 64 : index
        %swap3A_452 = tpu.vector_load %arg8[%swap3A_450, %swap3A_451] {strides = array<i32>} : memref<128x128xf32, #tpu.memory_space<vmem>>, vector<1x16xf32>,
        %swap3A_453 = vector.shape_cast %swap3A_452 : vector<1x16xf32> to vector<16xf32>
        %swap3A_454 = vector.shape_cast %mul3A_449 : vector<16xf32> to vector<1x16xf32>
        tpu.vector_store %arg8[%swap3A_450, %swap3A_451], %swap3A_454 {strides = array<i32>} : memref<128x128xf32, #tpu.memory_space<vmem>>, vector<1x16xf32>,
        %get3A_455 = arith.index_cast %add3A_404 : i32 to index
        %get3A_456 = arith.constant 80 : index
        %get3A_457 = tpu.vector_load %arg8[%get3A_455, %get3A_456] {strides = array<i32>} : memref<128x128xf32, #tpu.memory_space<vmem>>, vector<1x16xf32>,
        %get3A_458 = vector.shape_cast %get3A_457 : vector<1x16xf32> to vector<16xf32>
        %mul3A_459 = arith.mulf %get3A_458, %gather3A_400 : vector<16xf32>
        %swap3A_460 = arith.index_cast %add3A_404 : i32 to index
        %swap3A_461 = arith.constant 80 : index
        %swap3A_462 = tpu.vector_load %arg8[%swap3A_460, %swap3A_461] {strides = array<i32>} : memref<128x128xf32, #tpu.memory_space<vmem>>, vector<1x16xf32>,
        %swap3A_463 = vector.shape_cast %swap3A_462 : vector<1x16xf32> to vector<16xf32>
        %swap3A_464 = vector.shape_cast %mul3A_459 : vector<16xf32> to vector<1x16xf32>
        tpu.vector_store %arg8[%swap3A_460, %swap3A_461], %swap3A_464 {strides = array<i32>} : memref<128x128xf32, #tpu.memory_space<vmem>>, vector<1x16xf32>,
        %get3A_465 = arith.index_cast %add3A_404 : i32 to index
        %get3A_466 = arith.constant 96 : index
        %get3A_467 = tpu.vector_load %arg8[%get3A_465, %get3A_466] {strides = array<i32>} : memref<128x128xf32, #tpu.memory_space<vmem>>, vector<1x16xf32>,
        %get3A_468 = vector.shape_cast %get3A_467 : vector<1x16xf32> to vector<16xf32>
        %mul3A_469 = arith.mulf %get3A_468, %gather3A_400 : vector<16xf32>
        %swap3A_470 = arith.index_cast %add3A_404 : i32 to index
        %swap3A_471 = arith.constant 96 : index
        %swap3A_472 = tpu.vector_load %arg8[%swap3A_470, %swap3A_471] {strides = array<i32>} : memref<128x128xf32, #tpu.memory_space<vmem>>, vector<1x16xf32>,
        %swap3A_473 = vector.shape_cast %swap3A_472 : vector<1x16xf32> to vector<16xf32>
        %swap3A_474 = vector.shape_cast %mul3A_469 : vector<16xf32> to vector<1x16xf32>
        tpu.vector_store %arg8[%swap3A_470, %swap3A_471], %swap3A_474 {strides = array<i32>} : memref<128x128xf32, #tpu.memory_space<vmem>>, vector<1x16xf32>,
        %get3A_475 = arith.index_cast %add3A_404 : i32 to index
        %get3A_476 = arith.constant 112 : index
        %get3A_477 = tpu.vector_load %arg8[%get3A_475, %get3A_476] {strides = array<i32>} : memref<128x128xf32, #tpu.memory_space<vmem>>, vector<1x16xf32>,
        %get3A_478 = vector.shape_cast %get3A_477 : vector<1x16xf32> to vector<16xf32>
        %mul3A_479 = arith.mulf %get3A_478, %gather3A_400 : vector<16xf32>
        %swap3A_480 = arith.index_cast %add3A_404 : i32 to index
        %swap3A_481 = arith.constant 112 : index
        %swap3A_482 = tpu.vector_load %arg8[%swap3A_480, %swap3A_481] {strides = array<i32>} : memref<128x128xf32, #tpu.memory_space<vmem>>, vector<1x16xf32>,
        %swap3A_483 = vector.shape_cast %swap3A_482 : vector<1x16xf32> to vector<16xf32>
        %swap3A_484 = vector.shape_cast %mul3A_479 : vector<16xf32> to vector<1x16xf32>
        tpu.vector_store %arg8[%swap3A_480, %swap3A_481], %swap3A_484 {strides = array<i32>} : memref<128x128xf32, #tpu.memory_space<vmem>>, vector<1x16xf32>,
        %broadcast_in_dim3A_485 = arith.constant 5 : i32
        %broadcast_in_dim3A_486 = vector.broadcast %broadcast_in_dim3A_485 : i32 to vector<16xi32>
        %broadcast_in_dim3A_487 = vector.shape_cast %broadcast_in_dim3A_486 : vector<16xi32> to vector<16x1xi32>
        %gather3A_488 = vector.shape_cast %broadcast_in_dim3A_487 : vector<16x1xi32> to vector<16xi32>
        %gather3A_489 = tpu.dynamic_gather %get3A_42[%gather3A_488] in [0] : vector<16xf32>, vector<16xi32> -> vector<16xf32>
        %mul3A_490 = arith.constant 16 : i32
        %mul3A_491 = arith.muli %scan3A_38, %mul3A_490 : i32
        %add3A_492 = arith.constant 5 : i32
        %add3A_493 = arith.addi %mul3A_491, %add3A_492 : i32
        %get3A_494 = arith.index_cast %add3A_493 : i32 to index
        %get3A_495 = arith.constant 0 : index
        %get3A_496 = tpu.vector_load %arg8[%get3A_494, %get3A_495] {strides = array<i32>} : memref<128x128xf32, #tpu.memory_space<vmem>>, vector<1x16xf32>,
        %get3A_497 = vector.shape_cast %get3A_496 : vector<1x16xf32> to vector<16xf32>
        %mul3A_498 = arith.mulf %get3A_497, %gather3A_489 : vector<16xf32>
        %swap3A_499 = arith.index_cast %add3A_493 : i32 to index
        %swap3A_500 = arith.constant 0 : index
        %swap3A_501 = tpu.vector_load %arg8[%swap3A_499, %swap3A_500] {strides = array<i32>} : memref<128x128xf32, #tpu.memory_space<vmem>>, vector<1x16xf32>,
        %swap3A_502 = vector.shape_cast %swap3A_501 : vector<1x16xf32> to vector<16xf32>
        %swap3A_503 = vector.shape_cast %mul3A_498 : vector<16xf32> to vector<1x16xf32>
        tpu.vector_store %arg8[%swap3A_499, %swap3A_500], %swap3A_503 {strides = array<i32>} : memref<128x128xf32, #tpu.memory_space<vmem>>, vector<1x16xf32>,
        %get3A_504 = arith.index_cast %add3A_493 : i32 to index
        %get3A_505 = arith.constant 16 : index
        %get3A_506 = tpu.vector_load %arg8[%get3A_504, %get3A_505] {strides = array<i32>} : memref<128x128xf32, #tpu.memory_space<vmem>>, vector<1x16xf32>,
        %get3A_507 = vector.shape_cast %get3A_506 : vector<1x16xf32> to vector<16xf32>
        %mul3A_508 = arith.mulf %get3A_507, %gather3A_489 : vector<16xf32>
        %swap3A_509 = arith.index_cast %add3A_493 : i32 to index
        %swap3A_510 = arith.constant 16 : index
        %swap3A_511 = tpu.vector_load %arg8[%swap3A_509, %swap3A_510] {strides = array<i32>} : memref<128x128xf32, #tpu.memory_space<vmem>>, vector<1x16xf32>,
        %swap3A_512 = vector.shape_cast %swap3A_511 : vector<1x16xf32> to vector<16xf32>
        %swap3A_513 = vector.shape_cast %mul3A_508 : vector<16xf32> to vector<1x16xf32>
        tpu.vector_store %arg8[%swap3A_509, %swap3A_510], %swap3A_513 {strides = array<i32>} : memref<128x128xf32, #tpu.memory_space<vmem>>, vector<1x16xf32>,
        %get3A_514 = arith.index_cast %add3A_493 : i32 to index
        %get3A_515 = arith.constant 32 : index
        %get3A_516 = tpu.vector_load %arg8[%get3A_514, %get3A_515] {strides = array<i32>} : memref<128x128xf32, #tpu.memory_space<vmem>>, vector<1x16xf32>,
        %get3A_517 = vector.shape_cast %get3A_516 : vector<1x16xf32> to vector<16xf32>
        %mul3A_518 = arith.mulf %get3A_517, %gather3A_489 : vector<16xf32>
        %swap3A_519 = arith.index_cast %add3A_493 : i32 to index
        %swap3A_520 = arith.constant 32 : index
        %swap3A_521 = tpu.vector_load %arg8[%swap3A_519, %swap3A_520] {strides = array<i32>} : memref<128x128xf32, #tpu.memory_space<vmem>>, vector<1x16xf32>,
        %swap3A_522 = vector.shape_cast %swap3A_521 : vector<1x16xf32> to vector<16xf32>
        %swap3A_523 = vector.shape_cast %mul3A_518 : vector<16xf32> to vector<1x16xf32>
        tpu.vector_store %arg8[%swap3A_519, %swap3A_520], %swap3A_523 {strides = array<i32>} : memref<128x128xf32, #tpu.memory_space<vmem>>, vector<1x16xf32>,
        %get3A_524 = arith.index_cast %add3A_493 : i32 to index
        %get3A_525 = arith.constant 48 : index
        %get3A_526 = tpu.vector_load %arg8[%get3A_524, %get3A_525] {strides = array<i32>} : memref<128x128xf32, #tpu.memory_space<vmem>>, vector<1x16xf32>,
        %get3A_527 = vector.shape_cast %get3A_526 : vector<1x16xf32> to vector<16xf32>
        %mul3A_528 = arith.mulf %get3A_527, %gather3A_489 : vector<16xf32>
        %swap3A_529 = arith.index_cast %add3A_493 : i32 to index
        %swap3A_530 = arith.constant 48 : index
        %swap3A_531 = tpu.vector_load %arg8[%swap3A_529, %swap3A_530] {strides = array<i32>} : memref<128x128xf32, #tpu.memory_space<vmem>>, vector<1x16xf32>,
        %swap3A_532 = vector.shape_cast %swap3A_531 : vector<1x16xf32> to vector<16xf32>
        %swap3A_533 = vector.shape_cast %mul3A_528 : vector<16xf32> to vector<1x16xf32>
        tpu.vector_store %arg8[%swap3A_529, %swap3A_530], %swap3A_533 {strides = array<i32>} : memref<128x128xf32, #tpu.memory_space<vmem>>, vector<1x16xf32>,
        %get3A_534 = arith.index_cast %add3A_493 : i32 to index
        %get3A_535 = arith.constant 64 : index
        %get3A_536 = tpu.vector_load %arg8[%get3A_534, %get3A_535] {strides = array<i32>} : memref<128x128xf32, #tpu.memory_space<vmem>>, vector<1x16xf32>,
        %get3A_537 = vector.shape_cast %get3A_536 : vector<1x16xf32> to vector<16xf32>
        %mul3A_538 = arith.mulf %get3A_537, %gather3A_489 : vector<16xf32>
        %swap3A_539 = arith.index_cast %add3A_493 : i32 to index
        %swap3A_540 = arith.constant 64 : index
        %swap3A_541 = tpu.vector_load %arg8[%swap3A_539, %swap3A_540] {strides = array<i32>} : memref<128x128xf32, #tpu.memory_space<vmem>>, vector<1x16xf32>,
        %swap3A_542 = vector.shape_cast %swap3A_541 : vector<1x16xf32> to vector<16xf32>
        %swap3A_543 = vector.shape_cast %mul3A_538 : vector<16xf32> to vector<1x16xf32>
        tpu.vector_store %arg8[%swap3A_539, %swap3A_540], %swap3A_543 {strides = array<i32>} : memref<128x128xf32, #tpu.memory_space<vmem>>, vector<1x16xf32>,
        %get3A_544 = arith.index_cast %add3A_493 : i32 to index
        %get3A_545 = arith.constant 80 : index
        %get3A_546 = tpu.vector_load %arg8[%get3A_544, %get3A_545] {strides = array<i32>} : memref<128x128xf32, #tpu.memory_space<vmem>>, vector<1x16xf32>,
        %get3A_547 = vector.shape_cast %get3A_546 : vector<1x16xf32> to vector<16xf32>
        %mul3A_548 = arith.mulf %get3A_547, %gather3A_489 : vector<16xf32>
        %swap3A_549 = arith.index_cast %add3A_493 : i32 to index
        %swap3A_550 = arith.constant 80 : index
        %swap3A_551 = tpu.vector_load %arg8[%swap3A_549, %swap3A_550] {strides = array<i32>} : memref<128x128xf32, #tpu.memory_space<vmem>>, vector<1x16xf32>,
        %swap3A_552 = vector.shape_cast %swap3A_551 : vector<1x16xf32> to vector<16xf32>
        %swap3A_553 = vector.shape_cast %mul3A_548 : vector<16xf32> to vector<1x16xf32>
        tpu.vector_store %arg8[%swap3A_549, %swap3A_550], %swap3A_553 {strides = array<i32>} : memref<128x128xf32, #tpu.memory_space<vmem>>, vector<1x16xf32>,
        %get3A_554 = arith.index_cast %add3A_493 : i32 to index
        %get3A_555 = arith.constant 96 : index
        %get3A_556 = tpu.vector_load %arg8[%get3A_554, %get3A_555] {strides = array<i32>} : memref<128x128xf32, #tpu.memory_space<vmem>>, vector<1x16xf32>,
        %get3A_557 = vector.shape_cast %get3A_556 : vector<1x16xf32> to vector<16xf32>
        %mul3A_558 = arith.mulf %get3A_557, %gather3A_489 : vector<16xf32>
        %swap3A_559 = arith.index_cast %add3A_493 : i32 to index
        %swap3A_560 = arith.constant 96 : index
        %swap3A_561 = tpu.vector_load %arg8[%swap3A_559, %swap3A_560] {strides = array<i32>} : memref<128x128xf32, #tpu.memory_space<vmem>>, vector<1x16xf32>,
        %swap3A_562 = vector.shape_cast %swap3A_561 : vector<1x16xf32> to vector<16xf32>
        %swap3A_563 = vector.shape_cast %mul3A_558 : vector<16xf32> to vector<1x16xf32>
        tpu.vector_store %arg8[%swap3A_559, %swap3A_560], %swap3A_563 {strides = array<i32>} : memref<128x128xf32, #tpu.memory_space<vmem>>, vector<1x16xf32>,
        %get3A_564 = arith.index_cast %add3A_493 : i32 to index
        %get3A_565 = arith.constant 112 : index
        %get3A_566 = tpu.vector_load %arg8[%get3A_564, %get3A_565] {strides = array<i32>} : memref<128x128xf32, #tpu.memory_space<vmem>>, vector<1x16xf32>,
        %get3A_567 = vector.shape_cast %get3A_566 : vector<1x16xf32> to vector<16xf32>
        %mul3A_568 = arith.mulf %get3A_567, %gather3A_489 : vector<16xf32>
        %swap3A_569 = arith.index_cast %add3A_493 : i32 to index
        %swap3A_570 = arith.constant 112 : index
        %swap3A_571 = tpu.vector_load %arg8[%swap3A_569, %swap3A_570] {strides = array<i32>} : memref<128x128xf32, #tpu.memory_space<vmem>>, vector<1x16xf32>,
        %swap3A_572 = vector.shape_cast %swap3A_571 : vector<1x16xf32> to vector<16xf32>
        %swap3A_573 = vector.shape_cast %mul3A_568 : vector<16xf32> to vector<1x16xf32>
        tpu.vector_store %arg8[%swap3A_569, %swap3A_570], %swap3A_573 {strides = array<i32>} : memref<128x128xf32, #tpu.memory_space<vmem>>, vector<1x16xf32>,
        %broadcast_in_dim3A_574 = arith.constant 6 : i32
        %broadcast_in_dim3A_575 = vector.broadcast %broadcast_in_dim3A_574 : i32 to vector<16xi32>
        %broadcast_in_dim3A_576 = vector.shape_cast %broadcast_in_dim3A_575 : vector<16xi32> to vector<16x1xi32>
        %gather3A_577 = vector.shape_cast %broadcast_in_dim3A_576 : vector<16x1xi32> to vector<16xi32>
        %gather3A_578 = tpu.dynamic_gather %get3A_42[%gather3A_577] in [0] : vector<16xf32>, vector<16xi32> -> vector<16xf32>
        %mul3A_579 = arith.constant 16 : i32
        %mul3A_580 = arith.muli %scan3A_38, %mul3A_579 : i32
        %add3A_581 = arith.constant 6 : i32
        %add3A_582 = arith.addi %mul3A_580, %add3A_581 : i32
        %get3A_583 = arith.index_cast %add3A_582 : i32 to index
        %get3A_584 = arith.constant 0 : index
        %get3A_585 = tpu.vector_load %arg8[%get3A_583, %get3A_584] {strides = array<i32>} : memref<128x128xf32, #tpu.memory_space<vmem>>, vector<1x16xf32>,
        %get3A_586 = vector.shape_cast %get3A_585 : vector<1x16xf32> to vector<16xf32>
        %mul3A_587 = arith.mulf %get3A_586, %gather3A_578 : vector<16xf32>
        %swap3A_588 = arith.index_cast %add3A_582 : i32 to index
        %swap3A_589 = arith.constant 0 : index
        %swap3A_590 = tpu.vector_load %arg8[%swap3A_588, %swap3A_589] {strides = array<i32>} : memref<128x128xf32, #tpu.memory_space<vmem>>, vector<1x16xf32>,
        %swap3A_591 = vector.shape_cast %swap3A_590 : vector<1x16xf32> to vector<16xf32>
        %swap3A_592 = vector.shape_cast %mul3A_587 : vector<16xf32> to vector<1x16xf32>
        tpu.vector_store %arg8[%swap3A_588, %swap3A_589], %swap3A_592 {strides = array<i32>} : memref<128x128xf32, #tpu.memory_space<vmem>>, vector<1x16xf32>,
        %get3A_593 = arith.index_cast %add3A_582 : i32 to index
        %get3A_594 = arith.constant 16 : index
        %get3A_595 = tpu.vector_load %arg8[%get3A_593, %get3A_594] {strides = array<i32>} : memref<128x128xf32, #tpu.memory_space<vmem>>, vector<1x16xf32>,
        %get3A_596 = vector.shape_cast %get3A_595 : vector<1x16xf32> to vector<16xf32>
        %mul3A_597 = arith.mulf %get3A_596, %gather3A_578 : vector<16xf32>
        %swap3A_598 = arith.index_cast %add3A_582 : i32 to index
        %swap3A_599 = arith.constant 16 : index
        %swap3A_600 = tpu.vector_load %arg8[%swap3A_598, %swap3A_599] {strides = array<i32>} : memref<128x128xf32, #tpu.memory_space<vmem>>, vector<1x16xf32>,
        %swap3A_601 = vector.shape_cast %swap3A_600 : vector<1x16xf32> to vector<16xf32>
        %swap3A_602 = vector.shape_cast %mul3A_597 : vector<16xf32> to vector<1x16xf32>
        tpu.vector_store %arg8[%swap3A_598, %swap3A_599], %swap3A_602 {strides = array<i32>} : memref<128x128xf32, #tpu.memory_space<vmem>>, vector<1x16xf32>,
        %get3A_603 = arith.index_cast %add3A_582 : i32 to index
        %get3A_604 = arith.constant 32 : index
        %get3A_605 = tpu.vector_load %arg8[%get3A_603, %get3A_604] {strides = array<i32>} : memref<128x128xf32, #tpu.memory_space<vmem>>, vector<1x16xf32>,
        %get3A_606 = vector.shape_cast %get3A_605 : vector<1x16xf32> to vector<16xf32>
        %mul3A_607 = arith.mulf %get3A_606, %gather3A_578 : vector<16xf32>
        %swap3A_608 = arith.index_cast %add3A_582 : i32 to index
        %swap3A_609 = arith.constant 32 : index
        %swap3A_610 = tpu.vector_load %arg8[%swap3A_608, %swap3A_609] {strides = array<i32>} : memref<128x128xf32, #tpu.memory_space<vmem>>, vector<1x16xf32>,
        %swap3A_611 = vector.shape_cast %swap3A_610 : vector<1x16xf32> to vector<16xf32>
        %swap3A_612 = vector.shape_cast %mul3A_607 : vector<16xf32> to vector<1x16xf32>
        tpu.vector_store %arg8[%swap3A_608, %swap3A_609], %swap3A_612 {strides = array<i32>} : memref<128x128xf32, #tpu.memory_space<vmem>>, vector<1x16xf32>,
        %get3A_613 = arith.index_cast %add3A_582 : i32 to index
        %get3A_614 = arith.constant 48 : index
        %get3A_615 = tpu.vector_load %arg8[%get3A_613, %get3A_614] {strides = array<i32>} : memref<128x128xf32, #tpu.memory_space<vmem>>, vector<1x16xf32>,
        %get3A_616 = vector.shape_cast %get3A_615 : vector<1x16xf32> to vector<16xf32>
        %mul3A_617 = arith.mulf %get3A_616, %gather3A_578 : vector<16xf32>
        %swap3A_618 = arith.index_cast %add3A_582 : i32 to index
        %swap3A_619 = arith.constant 48 : index
        %swap3A_620 = tpu.vector_load %arg8[%swap3A_618, %swap3A_619] {strides = array<i32>} : memref<128x128xf32, #tpu.memory_space<vmem>>, vector<1x16xf32>,
        %swap3A_621 = vector.shape_cast %swap3A_620 : vector<1x16xf32> to vector<16xf32>
        %swap3A_622 = vector.shape_cast %mul3A_617 : vector<16xf32> to vector<1x16xf32>
        tpu.vector_store %arg8[%swap3A_618, %swap3A_619], %swap3A_622 {strides = array<i32>} : memref<128x128xf32, #tpu.memory_space<vmem>>, vector<1x16xf32>,
        %get3A_623 = arith.index_cast %add3A_582 : i32 to index
        %get3A_624 = arith.constant 64 : index
        %get3A_625 = tpu.vector_load %arg8[%get3A_623, %get3A_624] {strides = array<i32>} : memref<128x128xf32, #tpu.memory_space<vmem>>, vector<1x16xf32>,
        %get3A_626 = vector.shape_cast %get3A_625 : vector<1x16xf32> to vector<16xf32>
        %mul3A_627 = arith.mulf %get3A_626, %gather3A_578 : vector<16xf32>
        %swap3A_628 = arith.index_cast %add3A_582 : i32 to index
        %swap3A_629 = arith.constant 64 : index
        %swap3A_630 = tpu.vector_load %arg8[%swap3A_628, %swap3A_629] {strides = array<i32>} : memref<128x128xf32, #tpu.memory_space<vmem>>, vector<1x16xf32>,
        %swap3A_631 = vector.shape_cast %swap3A_630 : vector<1x16xf32> to vector<16xf32>
        %swap3A_632 = vector.shape_cast %mul3A_627 : vector<16xf32> to vector<1x16xf32>
        tpu.vector_store %arg8[%swap3A_628, %swap3A_629], %swap3A_632 {strides = array<i32>} : memref<128x128xf32, #tpu.memory_space<vmem>>, vector<1x16xf32>,
        %get3A_633 = arith.index_cast %add3A_582 : i32 to index
        %get3A_634 = arith.constant 80 : index
        %get3A_635 = tpu.vector_load %arg8[%get3A_633, %get3A_634] {strides = array<i32>} : memref<128x128xf32, #tpu.memory_space<vmem>>, vector<1x16xf32>,
        %get3A_636 = vector.shape_cast %get3A_635 : vector<1x16xf32> to vector<16xf32>
        %mul3A_637 = arith.mulf %get3A_636, %gather3A_578 : vector<16xf32>
        %swap3A_638 = arith.index_cast %add3A_582 : i32 to index
        %swap3A_639 = arith.constant 80 : index
        %swap3A_640 = tpu.vector_load %arg8[%swap3A_638, %swap3A_639] {strides = array<i32>} : memref<128x128xf32, #tpu.memory_space<vmem>>, vector<1x16xf32>,
        %swap3A_641 = vector.shape_cast %swap3A_640 : vector<1x16xf32> to vector<16xf32>
        %swap3A_642 = vector.shape_cast %mul3A_637 : vector<16xf32> to vector<1x16xf32>
        tpu.vector_store %arg8[%swap3A_638, %swap3A_639], %swap3A_642 {strides = array<i32>} : memref<128x128xf32, #tpu.memory_space<vmem>>, vector<1x16xf32>,
        %get3A_643 = arith.index_cast %add3A_582 : i32 to index
        %get3A_644 = arith.constant 96 : index
        %get3A_645 = tpu.vector_load %arg8[%get3A_643, %get3A_644] {strides = array<i32>} : memref<128x128xf32, #tpu.memory_space<vmem>>, vector<1x16xf32>,
        %get3A_646 = vector.shape_cast %get3A_645 : vector<1x16xf32> to vector<16xf32>
        %mul3A_647 = arith.mulf %get3A_646, %gather3A_578 : vector<16xf32>
        %swap3A_648 = arith.index_cast %add3A_582 : i32 to index
        %swap3A_649 = arith.constant 96 : index
        %swap3A_650 = tpu.vector_load %arg8[%swap3A_648, %swap3A_649] {strides = array<i32>} : memref<128x128xf32, #tpu.memory_space<vmem>>, vector<1x16xf32>,
        %swap3A_651 = vector.shape_cast %swap3A_650 : vector<1x16xf32> to vector<16xf32>
        %swap3A_652 = vector.shape_cast %mul3A_647 : vector<16xf32> to vector<1x16xf32>
        tpu.vector_store %arg8[%swap3A_648, %swap3A_649], %swap3A_652 {strides = array<i32>} : memref<128x128xf32, #tpu.memory_space<vmem>>, vector<1x16xf32>,
        %get3A_653 = arith.index_cast %add3A_582 : i32 to index
        %get3A_654 = arith.constant 112 : index
        %get3A_655 = tpu.vector_load %arg8[%get3A_653, %get3A_654] {strides = array<i32>} : memref<128x128xf32, #tpu.memory_space<vmem>>, vector<1x16xf32>,
        %get3A_656 = vector.shape_cast %get3A_655 : vector<1x16xf32> to vector<16xf32>
        %mul3A_657 = arith.mulf %get3A_656, %gather3A_578 : vector<16xf32>
        %swap3A_658 = arith.index_cast %add3A_582 : i32 to index
        %swap3A_659 = arith.constant 112 : index
        %swap3A_660 = tpu.vector_load %arg8[%swap3A_658, %swap3A_659] {strides = array<i32>} : memref<128x128xf32, #tpu.memory_space<vmem>>, vector<1x16xf32>,
        %swap3A_661 = vector.shape_cast %swap3A_660 : vector<1x16xf32> to vector<16xf32>
        %swap3A_662 = vector.shape_cast %mul3A_657 : vector<16xf32> to vector<1x16xf32>
        tpu.vector_store %arg8[%swap3A_658, %swap3A_659], %swap3A_662 {strides = array<i32>} : memref<128x128xf32, #tpu.memory_space<vmem>>, vector<1x16xf32>,
        %broadcast_in_dim3A_663 = arith.constant 7 : i32
        %broadcast_in_dim3A_664 = vector.broadcast %broadcast_in_dim3A_663 : i32 to vector<16xi32>
        %broadcast_in_dim3A_665 = vector.shape_cast %broadcast_in_dim3A_664 : vector<16xi32> to vector<16x1xi32>
        %gather3A_666 = vector.shape_cast %broadcast_in_dim3A_665 : vector<16x1xi32> to vector<16xi32>
        %gather3A_667 = tpu.dynamic_gather %get3A_42[%gather3A_666] in [0] : vector<16xf32>, vector<16xi32> -> vector<16xf32>
        %mul3A_668 = arith.constant 16 : i32
        %mul3A_669 = arith.muli %scan3A_38, %mul3A_668 : i32
        %add3A_670 = arith.constant 7 : i32
        %add3A_671 = arith.addi %mul3A_669, %add3A_670 : i32
        %get3A_672 = arith.index_cast %add3A_671 : i32 to index
        %get3A_673 = arith.constant 0 : index
        %get3A_674 = tpu.vector_load %arg8[%get3A_672, %get3A_673] {strides = array<i32>} : memref<128x128xf32, #tpu.memory_space<vmem>>, vector<1x16xf32>,
        %get3A_675 = vector.shape_cast %get3A_674 : vector<1x16xf32> to vector<16xf32>
        %mul3A_676 = arith.mulf %get3A_675, %gather3A_667 : vector<16xf32>
        %swap3A_677 = arith.index_cast %add3A_671 : i32 to index
        %swap3A_678 = arith.constant 0 : index
        %swap3A_679 = tpu.vector_load %arg8[%swap3A_677, %swap3A_678] {strides = array<i32>} : memref<128x128xf32, #tpu.memory_space<vmem>>, vector<1x16xf32>,
        %swap3A_680 = vector.shape_cast %swap3A_679 : vector<1x16xf32> to vector<16xf32>
        %swap3A_681 = vector.shape_cast %mul3A_676 : vector<16xf32> to vector<1x16xf32>
        tpu.vector_store %arg8[%swap3A_677, %swap3A_678], %swap3A_681 {strides = array<i32>} : memref<128x128xf32, #tpu.memory_space<vmem>>, vector<1x16xf32>,
        %get3A_682 = arith.index_cast %add3A_671 : i32 to index
        %get3A_683 = arith.constant 16 : index
        %get3A_684 = tpu.vector_load %arg8[%get3A_682, %get3A_683] {strides = array<i32>} : memref<128x128xf32, #tpu.memory_space<vmem>>, vector<1x16xf32>,
        %get3A_685 = vector.shape_cast %get3A_684 : vector<1x16xf32> to vector<16xf32>
        %mul3A_686 = arith.mulf %get3A_685, %gather3A_667 : vector<16xf32>
        %swap3A_687 = arith.index_cast %add3A_671 : i32 to index
        %swap3A_688 = arith.constant 16 : index
        %swap3A_689 = tpu.vector_load %arg8[%swap3A_687, %swap3A_688] {strides = array<i32>} : memref<128x128xf32, #tpu.memory_space<vmem>>, vector<1x16xf32>,
        %swap3A_690 = vector.shape_cast %swap3A_689 : vector<1x16xf32> to vector<16xf32>
        %swap3A_691 = vector.shape_cast %mul3A_686 : vector<16xf32> to vector<1x16xf32>
        tpu.vector_store %arg8[%swap3A_687, %swap3A_688], %swap3A_691 {strides = array<i32>} : memref<128x128xf32, #tpu.memory_space<vmem>>, vector<1x16xf32>,
        %get3A_692 = arith.index_cast %add3A_671 : i32 to index
        %get3A_693 = arith.constant 32 : index
        %get3A_694 = tpu.vector_load %arg8[%get3A_692, %get3A_693] {strides = array<i32>} : memref<128x128xf32, #tpu.memory_space<vmem>>, vector<1x16xf32>,
        %get3A_695 = vector.shape_cast %get3A_694 : vector<1x16xf32> to vector<16xf32>
        %mul3A_696 = arith.mulf %get3A_695, %gather3A_667 : vector<16xf32>
        %swap3A_697 = arith.index_cast %add3A_671 : i32 to index
        %swap3A_698 = arith.constant 32 : index
        %swap3A_699 = tpu.vector_load %arg8[%swap3A_697, %swap3A_698] {strides = array<i32>} : memref<128x128xf32, #tpu.memory_space<vmem>>, vector<1x16xf32>,
        %swap3A_700 = vector.shape_cast %swap3A_699 : vector<1x16xf32> to vector<16xf32>
        %swap3A_701 = vector.shape_cast %mul3A_696 : vector<16xf32> to vector<1x16xf32>
        tpu.vector_store %arg8[%swap3A_697, %swap3A_698], %swap3A_701 {strides = array<i32>} : memref<128x128xf32, #tpu.memory_space<vmem>>, vector<1x16xf32>,
        %get3A_702 = arith.index_cast %add3A_671 : i32 to index
        %get3A_703 = arith.constant 48 : index
        %get3A_704 = tpu.vector_load %arg8[%get3A_702, %get3A_703] {strides = array<i32>} : memref<128x128xf32, #tpu.memory_space<vmem>>, vector<1x16xf32>,
        %get3A_705 = vector.shape_cast %get3A_704 : vector<1x16xf32> to vector<16xf32>
        %mul3A_706 = arith.mulf %get3A_705, %gather3A_667 : vector<16xf32>
        %swap3A_707 = arith.index_cast %add3A_671 : i32 to index
        %swap3A_708 = arith.constant 48 : index
        %swap3A_709 = tpu.vector_load %arg8[%swap3A_707, %swap3A_708] {strides = array<i32>} : memref<128x128xf32, #tpu.memory_space<vmem>>, vector<1x16xf32>,
        %swap3A_710 = vector.shape_cast %swap3A_709 : vector<1x16xf32> to vector<16xf32>
        %swap3A_711 = vector.shape_cast %mul3A_706 : vector<16xf32> to vector<1x16xf32>
        tpu.vector_store %arg8[%swap3A_707, %swap3A_708], %swap3A_711 {strides = array<i32>} : memref<128x128xf32, #tpu.memory_space<vmem>>, vector<1x16xf32>,
        %get3A_712 = arith.index_cast %add3A_671 : i32 to index
        %get3A_713 = arith.constant 64 : index
        %get3A_714 = tpu.vector_load %arg8[%get3A_712, %get3A_713] {strides = array<i32>} : memref<128x128xf32, #tpu.memory_space<vmem>>, vector<1x16xf32>,
        %get3A_715 = vector.shape_cast %get3A_714 : vector<1x16xf32> to vector<16xf32>
        %mul3A_716 = arith.mulf %get3A_715, %gather3A_667 : vector<16xf32>
        %swap3A_717 = arith.index_cast %add3A_671 : i32 to index
        %swap3A_718 = arith.constant 64 : index
        %swap3A_719 = tpu.vector_load %arg8[%swap3A_717, %swap3A_718] {strides = array<i32>} : memref<128x128xf32, #tpu.memory_space<vmem>>, vector<1x16xf32>,
        %swap3A_720 = vector.shape_cast %swap3A_719 : vector<1x16xf32> to vector<16xf32>
        %swap3A_721 = vector.shape_cast %mul3A_716 : vector<16xf32> to vector<1x16xf32>
        tpu.vector_store %arg8[%swap3A_717, %swap3A_718], %swap3A_721 {strides = array<i32>} : memref<128x128xf32, #tpu.memory_space<vmem>>, vector<1x16xf32>,
        %get3A_722 = arith.index_cast %add3A_671 : i32 to index
        %get3A_723 = arith.constant 80 : index
        %get3A_724 = tpu.vector_load %arg8[%get3A_722, %get3A_723] {strides = array<i32>} : memref<128x128xf32, #tpu.memory_space<vmem>>, vector<1x16xf32>,
        %get3A_725 = vector.shape_cast %get3A_724 : vector<1x16xf32> to vector<16xf32>
        %mul3A_726 = arith.mulf %get3A_725, %gather3A_667 : vector<16xf32>
        %swap3A_727 = arith.index_cast %add3A_671 : i32 to index
        %swap3A_728 = arith.constant 80 : index
        %swap3A_729 = tpu.vector_load %arg8[%swap3A_727, %swap3A_728] {strides = array<i32>} : memref<128x128xf32, #tpu.memory_space<vmem>>, vector<1x16xf32>,
        %swap3A_730 = vector.shape_cast %swap3A_729 : vector<1x16xf32> to vector<16xf32>
        %swap3A_731 = vector.shape_cast %mul3A_726 : vector<16xf32> to vector<1x16xf32>
        tpu.vector_store %arg8[%swap3A_727, %swap3A_728], %swap3A_731 {strides = array<i32>} : memref<128x128xf32, #tpu.memory_space<vmem>>, vector<1x16xf32>,
        %get3A_732 = arith.index_cast %add3A_671 : i32 to index
        %get3A_733 = arith.constant 96 : index
        %get3A_734 = tpu.vector_load %arg8[%get3A_732, %get3A_733] {strides = array<i32>} : memref<128x128xf32, #tpu.memory_space<vmem>>, vector<1x16xf32>,
        %get3A_735 = vector.shape_cast %get3A_734 : vector<1x16xf32> to vector<16xf32>
        %mul3A_736 = arith.mulf %get3A_735, %gather3A_667 : vector<16xf32>
        %swap3A_737 = arith.index_cast %add3A_671 : i32 to index
        %swap3A_738 = arith.constant 96 : index
        %swap3A_739 = tpu.vector_load %arg8[%swap3A_737, %swap3A_738] {strides = array<i32>} : memref<128x128xf32, #tpu.memory_space<vmem>>, vector<1x16xf32>,
        %swap3A_740 = vector.shape_cast %swap3A_739 : vector<1x16xf32> to vector<16xf32>
        %swap3A_741 = vector.shape_cast %mul3A_736 : vector<16xf32> to vector<1x16xf32>
        tpu.vector_store %arg8[%swap3A_737, %swap3A_738], %swap3A_741 {strides = array<i32>} : memref<128x128xf32, #tpu.memory_space<vmem>>, vector<1x16xf32>,
        %get3A_742 = arith.index_cast %add3A_671 : i32 to index
        %get3A_743 = arith.constant 112 : index
        %get3A_744 = tpu.vector_load %arg8[%get3A_742, %get3A_743] {strides = array<i32>} : memref<128x128xf32, #tpu.memory_space<vmem>>, vector<1x16xf32>,
        %get3A_745 = vector.shape_cast %get3A_744 : vector<1x16xf32> to vector<16xf32>
        %mul3A_746 = arith.mulf %get3A_745, %gather3A_667 : vector<16xf32>
        %swap3A_747 = arith.index_cast %add3A_671 : i32 to index
        %swap3A_748 = arith.constant 112 : index
        %swap3A_749 = tpu.vector_load %arg8[%swap3A_747, %swap3A_748] {strides = array<i32>} : memref<128x128xf32, #tpu.memory_space<vmem>>, vector<1x16xf32>,
        %swap3A_750 = vector.shape_cast %swap3A_749 : vector<1x16xf32> to vector<16xf32>
        %swap3A_751 = vector.shape_cast %mul3A_746 : vector<16xf32> to vector<1x16xf32>
        tpu.vector_store %arg8[%swap3A_747, %swap3A_748], %swap3A_751 {strides = array<i32>} : memref<128x128xf32, #tpu.memory_space<vmem>>, vector<1x16xf32>,
        %broadcast_in_dim3A_752 = arith.constant 8 : i32
        %broadcast_in_dim3A_753 = vector.broadcast %broadcast_in_dim3A_752 : i32 to vector<16xi32>
        %broadcast_in_dim3A_754 = vector.shape_cast %broadcast_in_dim3A_753 : vector<16xi32> to vector<16x1xi32>
        %gather3A_755 = vector.shape_cast %broadcast_in_dim3A_754 : vector<16x1xi32> to vector<16xi32>
        %gather3A_756 = tpu.dynamic_gather %get3A_42[%gather3A_755] in [0] : vector<16xf32>, vector<16xi32> -> vector<16xf32>
        %mul3A_757 = arith.constant 16 : i32
        %mul3A_758 = arith.muli %scan3A_38, %mul3A_757 : i32
        %add3A_759 = arith.constant 8 : i32
        %add3A_760 = arith.addi %mul3A_758, %add3A_759 : i32
        %get3A_761 = arith.index_cast %add3A_760 : i32 to index
        %get3A_762 = arith.constant 0 : index
        %get3A_763 = tpu.vector_load %arg8[%get3A_761, %get3A_762] {strides = array<i32>} : memref<128x128xf32, #tpu.memory_space<vmem>>, vector<1x16xf32>,
        %get3A_764 = vector.shape_cast %get3A_763 : vector<1x16xf32> to vector<16xf32>
        %mul3A_765 = arith.mulf %get3A_764, %gather3A_756 : vector<16xf32>
        %swap3A_766 = arith.index_cast %add3A_760 : i32 to index
        %swap3A_767 = arith.constant 0 : index
        %swap3A_768 = tpu.vector_load %arg8[%swap3A_766, %swap3A_767] {strides = array<i32>} : memref<128x128xf32, #tpu.memory_space<vmem>>, vector<1x16xf32>,
        %swap3A_769 = vector.shape_cast %swap3A_768 : vector<1x16xf32> to vector<16xf32>
        %swap3A_770 = vector.shape_cast %mul3A_765 : vector<16xf32> to vector<1x16xf32>
        tpu.vector_store %arg8[%swap3A_766, %swap3A_767], %swap3A_770 {strides = array<i32>} : memref<128x128xf32, #tpu.memory_space<vmem>>, vector<1x16xf32>,
        %get3A_771 = arith.index_cast %add3A_760 : i32 to index
        %get3A_772 = arith.constant 16 : index
        %get3A_773 = tpu.vector_load %arg8[%get3A_771, %get3A_772] {strides = array<i32>} : memref<128x128xf32, #tpu.memory_space<vmem>>, vector<1x16xf32>,
        %get3A_774 = vector.shape_cast %get3A_773 : vector<1x16xf32> to vector<16xf32>
        %mul3A_775 = arith.mulf %get3A_774, %gather3A_756 : vector<16xf32>
        %swap3A_776 = arith.index_cast %add3A_760 : i32 to index
        %swap3A_777 = arith.constant 16 : index
        %swap3A_778 = tpu.vector_load %arg8[%swap3A_776, %swap3A_777] {strides = array<i32>} : memref<128x128xf32, #tpu.memory_space<vmem>>, vector<1x16xf32>,
        %swap3A_779 = vector.shape_cast %swap3A_778 : vector<1x16xf32> to vector<16xf32>
        %swap3A_780 = vector.shape_cast %mul3A_775 : vector<16xf32> to vector<1x16xf32>
        tpu.vector_store %arg8[%swap3A_776, %swap3A_777], %swap3A_780 {strides = array<i32>} : memref<128x128xf32, #tpu.memory_space<vmem>>, vector<1x16xf32>,
        %get3A_781 = arith.index_cast %add3A_760 : i32 to index
        %get3A_782 = arith.constant 32 : index
        %get3A_783 = tpu.vector_load %arg8[%get3A_781, %get3A_782] {strides = array<i32>} : memref<128x128xf32, #tpu.memory_space<vmem>>, vector<1x16xf32>,
        %get3A_784 = vector.shape_cast %get3A_783 : vector<1x16xf32> to vector<16xf32>
        %mul3A_785 = arith.mulf %get3A_784, %gather3A_756 : vector<16xf32>
        %swap3A_786 = arith.index_cast %add3A_760 : i32 to index
        %swap3A_787 = arith.constant 32 : index
        %swap3A_788 = tpu.vector_load %arg8[%swap3A_786, %swap3A_787] {strides = array<i32>} : memref<128x128xf32, #tpu.memory_space<vmem>>, vector<1x16xf32>,
        %swap3A_789 = vector.shape_cast %swap3A_788 : vector<1x16xf32> to vector<16xf32>
        %swap3A_790 = vector.shape_cast %mul3A_785 : vector<16xf32> to vector<1x16xf32>
        tpu.vector_store %arg8[%swap3A_786, %swap3A_787], %swap3A_790 {strides = array<i32>} : memref<128x128xf32, #tpu.memory_space<vmem>>, vector<1x16xf32>,
        %get3A_791 = arith.index_cast %add3A_760 : i32 to index
        %get3A_792 = arith.constant 48 : index
        %get3A_793 = tpu.vector_load %arg8[%get3A_791, %get3A_792] {strides = array<i32>} : memref<128x128xf32, #tpu.memory_space<vmem>>, vector<1x16xf32>,
        %get3A_794 = vector.shape_cast %get3A_793 : vector<1x16xf32> to vector<16xf32>
        %mul3A_795 = arith.mulf %get3A_794, %gather3A_756 : vector<16xf32>
        %swap3A_796 = arith.index_cast %add3A_760 : i32 to index
        %swap3A_797 = arith.constant 48 : index
        %swap3A_798 = tpu.vector_load %arg8[%swap3A_796, %swap3A_797] {strides = array<i32>} : memref<128x128xf32, #tpu.memory_space<vmem>>, vector<1x16xf32>,
        %swap3A_799 = vector.shape_cast %swap3A_798 : vector<1x16xf32> to vector<16xf32>
        %swap3A_800 = vector.shape_cast %mul3A_795 : vector<16xf32> to vector<1x16xf32>
        tpu.vector_store %arg8[%swap3A_796, %swap3A_797], %swap3A_800 {strides = array<i32>} : memref<128x128xf32, #tpu.memory_space<vmem>>, vector<1x16xf32>,
        %get3A_801 = arith.index_cast %add3A_760 : i32 to index
        %get3A_802 = arith.constant 64 : index
        %get3A_803 = tpu.vector_load %arg8[%get3A_801, %get3A_802] {strides = array<i32>} : memref<128x128xf32, #tpu.memory_space<vmem>>, vector<1x16xf32>,
        %get3A_804 = vector.shape_cast %get3A_803 : vector<1x16xf32> to vector<16xf32>
        %mul3A_805 = arith.mulf %get3A_804, %gather3A_756 : vector<16xf32>
        %swap3A_806 = arith.index_cast %add3A_760 : i32 to index
        %swap3A_807 = arith.constant 64 : index
        %swap3A_808 = tpu.vector_load %arg8[%swap3A_806, %swap3A_807] {strides = array<i32>} : memref<128x128xf32, #tpu.memory_space<vmem>>, vector<1x16xf32>,
        %swap3A_809 = vector.shape_cast %swap3A_808 : vector<1x16xf32> to vector<16xf32>
        %swap3A_810 = vector.shape_cast %mul3A_805 : vector<16xf32> to vector<1x16xf32>
        tpu.vector_store %arg8[%swap3A_806, %swap3A_807], %swap3A_810 {strides = array<i32>} : memref<128x128xf32, #tpu.memory_space<vmem>>, vector<1x16xf32>,
        %get3A_811 = arith.index_cast %add3A_760 : i32 to index
        %get3A_812 = arith.constant 80 : index
        %get3A_813 = tpu.vector_load %arg8[%get3A_811, %get3A_812] {strides = array<i32>} : memref<128x128xf32, #tpu.memory_space<vmem>>, vector<1x16xf32>,
        %get3A_814 = vector.shape_cast %get3A_813 : vector<1x16xf32> to vector<16xf32>
        %mul3A_815 = arith.mulf %get3A_814, %gather3A_756 : vector<16xf32>
        %swap3A_816 = arith.index_cast %add3A_760 : i32 to index
        %swap3A_817 = arith.constant 80 : index
        %swap3A_818 = tpu.vector_load %arg8[%swap3A_816, %swap3A_817] {strides = array<i32>} : memref<128x128xf32, #tpu.memory_space<vmem>>, vector<1x16xf32>,
        %swap3A_819 = vector.shape_cast %swap3A_818 : vector<1x16xf32> to vector<16xf32>
        %swap3A_820 = vector.shape_cast %mul3A_815 : vector<16xf32> to vector<1x16xf32>
        tpu.vector_store %arg8[%swap3A_816, %swap3A_817], %swap3A_820 {strides = array<i32>} : memref<128x128xf32, #tpu.memory_space<vmem>>, vector<1x16xf32>,
        %get3A_821 = arith.index_cast %add3A_760 : i32 to index
        %get3A_822 = arith.constant 96 : index
        %get3A_823 = tpu.vector_load %arg8[%get3A_821, %get3A_822] {strides = array<i32>} : memref<128x128xf32, #tpu.memory_space<vmem>>, vector<1x16xf32>,
        %get3A_824 = vector.shape_cast %get3A_823 : vector<1x16xf32> to vector<16xf32>
        %mul3A_825 = arith.mulf %get3A_824, %gather3A_756 : vector<16xf32>
        %swap3A_826 = arith.index_cast %add3A_760 : i32 to index
        %swap3A_827 = arith.constant 96 : index
        %swap3A_828 = tpu.vector_load %arg8[%swap3A_826, %swap3A_827] {strides = array<i32>} : memref<128x128xf32, #tpu.memory_space<vmem>>, vector<1x16xf32>,
        %swap3A_829 = vector.shape_cast %swap3A_828 : vector<1x16xf32> to vector<16xf32>
        %swap3A_830 = vector.shape_cast %mul3A_825 : vector<16xf32> to vector<1x16xf32>
        tpu.vector_store %arg8[%swap3A_826, %swap3A_827], %swap3A_830 {strides = array<i32>} : memref<128x128xf32, #tpu.memory_space<vmem>>, vector<1x16xf32>,
        %get3A_831 = arith.index_cast %add3A_760 : i32 to index
        %get3A_832 = arith.constant 112 : index
        %get3A_833 = tpu.vector_load %arg8[%get3A_831, %get3A_832] {strides = array<i32>} : memref<128x128xf32, #tpu.memory_space<vmem>>, vector<1x16xf32>,
        %get3A_834 = vector.shape_cast %get3A_833 : vector<1x16xf32> to vector<16xf32>
        %mul3A_835 = arith.mulf %get3A_834, %gather3A_756 : vector<16xf32>
        %swap3A_836 = arith.index_cast %add3A_760 : i32 to index
        %swap3A_837 = arith.constant 112 : index
        %swap3A_838 = tpu.vector_load %arg8[%swap3A_836, %swap3A_837] {strides = array<i32>} : memref<128x128xf32, #tpu.memory_space<vmem>>, vector<1x16xf32>,
        %swap3A_839 = vector.shape_cast %swap3A_838 : vector<1x16xf32> to vector<16xf32>
        %swap3A_840 = vector.shape_cast %mul3A_835 : vector<16xf32> to vector<1x16xf32>
        tpu.vector_store %arg8[%swap3A_836, %swap3A_837], %swap3A_840 {strides = array<i32>} : memref<128x128xf32, #tpu.memory_space<vmem>>, vector<1x16xf32>,
        %broadcast_in_dim3A_841 = arith.constant 9 : i32
        %broadcast_in_dim3A_842 = vector.broadcast %broadcast_in_dim3A_841 : i32 to vector<16xi32>
        %broadcast_in_dim3A_843 = vector.shape_cast %broadcast_in_dim3A_842 : vector<16xi32> to vector<16x1xi32>
        %gather3A_844 = vector.shape_cast %broadcast_in_dim3A_843 : vector<16x1xi32> to vector<16xi32>
        %gather3A_845 = tpu.dynamic_gather %get3A_42[%gather3A_844] in [0] : vector<16xf32>, vector<16xi32> -> vector<16xf32>
        %mul3A_846 = arith.constant 16 : i32
        %mul3A_847 = arith.muli %scan3A_38, %mul3A_846 : i32
        %add3A_848 = arith.constant 9 : i32
        %add3A_849 = arith.addi %mul3A_847, %add3A_848 : i32
        %get3A_850 = arith.index_cast %add3A_849 : i32 to index
        %get3A_851 = arith.constant 0 : index
        %get3A_852 = tpu.vector_load %arg8[%get3A_850, %get3A_851] {strides = array<i32>} : memref<128x128xf32, #tpu.memory_space<vmem>>, vector<1x16xf32>,
        %get3A_853 = vector.shape_cast %get3A_852 : vector<1x16xf32> to vector<16xf32>
        %mul3A_854 = arith.mulf %get3A_853, %gather3A_845 : vector<16xf32>
        %swap3A_855 = arith.index_cast %add3A_849 : i32 to index
        %swap3A_856 = arith.constant 0 : index
        %swap3A_857 = tpu.vector_load %arg8[%swap3A_855, %swap3A_856] {strides = array<i32>} : memref<128x128xf32, #tpu.memory_space<vmem>>, vector<1x16xf32>,
        %swap3A_858 = vector.shape_cast %swap3A_857 : vector<1x16xf32> to vector<16xf32>
        %swap3A_859 = vector.shape_cast %mul3A_854 : vector<16xf32> to vector<1x16xf32>
        tpu.vector_store %arg8[%swap3A_855, %swap3A_856], %swap3A_859 {strides = array<i32>} : memref<128x128xf32, #tpu.memory_space<vmem>>, vector<1x16xf32>,
        %get3A_860 = arith.index_cast %add3A_849 : i32 to index
        %get3A_861 = arith.constant 16 : index
        %get3A_862 = tpu.vector_load %arg8[%get3A_860, %get3A_861] {strides = array<i32>} : memref<128x128xf32, #tpu.memory_space<vmem>>, vector<1x16xf32>,
        %get3A_863 = vector.shape_cast %get3A_862 : vector<1x16xf32> to vector<16xf32>
        %mul3A_864 = arith.mulf %get3A_863, %gather3A_845 : vector<16xf32>
        %swap3A_865 = arith.index_cast %add3A_849 : i32 to index
        %swap3A_866 = arith.constant 16 : index
        %swap3A_867 = tpu.vector_load %arg8[%swap3A_865, %swap3A_866] {strides = array<i32>} : memref<128x128xf32, #tpu.memory_space<vmem>>, vector<1x16xf32>,
        %swap3A_868 = vector.shape_cast %swap3A_867 : vector<1x16xf32> to vector<16xf32>
        %swap3A_869 = vector.shape_cast %mul3A_864 : vector<16xf32> to vector<1x16xf32>
        tpu.vector_store %arg8[%swap3A_865, %swap3A_866], %swap3A_869 {strides = array<i32>} : memref<128x128xf32, #tpu.memory_space<vmem>>, vector<1x16xf32>,
        %get3A_870 = arith.index_cast %add3A_849 : i32 to index
        %get3A_871 = arith.constant 32 : index
        %get3A_872 = tpu.vector_load %arg8[%get3A_870, %get3A_871] {strides = array<i32>} : memref<128x128xf32, #tpu.memory_space<vmem>>, vector<1x16xf32>,
        %get3A_873 = vector.shape_cast %get3A_872 : vector<1x16xf32> to vector<16xf32>
        %mul3A_874 = arith.mulf %get3A_873, %gather3A_845 : vector<16xf32>
        %swap3A_875 = arith.index_cast %add3A_849 : i32 to index
        %swap3A_876 = arith.constant 32 : index
        %swap3A_877 = tpu.vector_load %arg8[%swap3A_875, %swap3A_876] {strides = array<i32>} : memref<128x128xf32, #tpu.memory_space<vmem>>, vector<1x16xf32>,
        %swap3A_878 = vector.shape_cast %swap3A_877 : vector<1x16xf32> to vector<16xf32>
        %swap3A_879 = vector.shape_cast %mul3A_874 : vector<16xf32> to vector<1x16xf32>
        tpu.vector_store %arg8[%swap3A_875, %swap3A_876], %swap3A_879 {strides = array<i32>} : memref<128x128xf32, #tpu.memory_space<vmem>>, vector<1x16xf32>,
        %get3A_880 = arith.index_cast %add3A_849 : i32 to index
        %get3A_881 = arith.constant 48 : index
        %get3A_882 = tpu.vector_load %arg8[%get3A_880, %get3A_881] {strides = array<i32>} : memref<128x128xf32, #tpu.memory_space<vmem>>, vector<1x16xf32>,
        %get3A_883 = vector.shape_cast %get3A_882 : vector<1x16xf32> to vector<16xf32>
        %mul3A_884 = arith.mulf %get3A_883, %gather3A_845 : vector<16xf32>
        %swap3A_885 = arith.index_cast %add3A_849 : i32 to index
        %swap3A_886 = arith.constant 48 : index
        %swap3A_887 = tpu.vector_load %arg8[%swap3A_885, %swap3A_886] {strides = array<i32>} : memref<128x128xf32, #tpu.memory_space<vmem>>, vector<1x16xf32>,
        %swap3A_888 = vector.shape_cast %swap3A_887 : vector<1x16xf32> to vector<16xf32>
        %swap3A_889 = vector.shape_cast %mul3A_884 : vector<16xf32> to vector<1x16xf32>
        tpu.vector_store %arg8[%swap3A_885, %swap3A_886], %swap3A_889 {strides = array<i32>} : memref<128x128xf32, #tpu.memory_space<vmem>>, vector<1x16xf32>,
        %get3A_890 = arith.index_cast %add3A_849 : i32 to index
        %get3A_891 = arith.constant 64 : index
        %get3A_892 = tpu.vector_load %arg8[%get3A_890, %get3A_891] {strides = array<i32>} : memref<128x128xf32, #tpu.memory_space<vmem>>, vector<1x16xf32>,
        %get3A_893 = vector.shape_cast %get3A_892 : vector<1x16xf32> to vector<16xf32>
        %mul3A_894 = arith.mulf %get3A_893, %gather3A_845 : vector<16xf32>
        %swap3A_895 = arith.index_cast %add3A_849 : i32 to index
        %swap3A_896 = arith.constant 64 : index
        %swap3A_897 = tpu.vector_load %arg8[%swap3A_895, %swap3A_896] {strides = array<i32>} : memref<128x128xf32, #tpu.memory_space<vmem>>, vector<1x16xf32>,
        %swap3A_898 = vector.shape_cast %swap3A_897 : vector<1x16xf32> to vector<16xf32>
        %swap3A_899 = vector.shape_cast %mul3A_894 : vector<16xf32> to vector<1x16xf32>
        tpu.vector_store %arg8[%swap3A_895, %swap3A_896], %swap3A_899 {strides = array<i32>} : memref<128x128xf32, #tpu.memory_space<vmem>>, vector<1x16xf32>,
        %get3A_900 = arith.index_cast %add3A_849 : i32 to index
        %get3A_901 = arith.constant 80 : index
        %get3A_902 = tpu.vector_load %arg8[%get3A_900, %get3A_901] {strides = array<i32>} : memref<128x128xf32, #tpu.memory_space<vmem>>, vector<1x16xf32>,
        %get3A_903 = vector.shape_cast %get3A_902 : vector<1x16xf32> to vector<16xf32>
        %mul3A_904 = arith.mulf %get3A_903, %gather3A_845 : vector<16xf32>
        %swap3A_905 = arith.index_cast %add3A_849 : i32 to index
        %swap3A_906 = arith.constant 80 : index
        %swap3A_907 = tpu.vector_load %arg8[%swap3A_905, %swap3A_906] {strides = array<i32>} : memref<128x128xf32, #tpu.memory_space<vmem>>, vector<1x16xf32>,
        %swap3A_908 = vector.shape_cast %swap3A_907 : vector<1x16xf32> to vector<16xf32>
        %swap3A_909 = vector.shape_cast %mul3A_904 : vector<16xf32> to vector<1x16xf32>
        tpu.vector_store %arg8[%swap3A_905, %swap3A_906], %swap3A_909 {strides = array<i32>} : memref<128x128xf32, #tpu.memory_space<vmem>>, vector<1x16xf32>,
        %get3A_910 = arith.index_cast %add3A_849 : i32 to index
        %get3A_911 = arith.constant 96 : index
        %get3A_912 = tpu.vector_load %arg8[%get3A_910, %get3A_911] {strides = array<i32>} : memref<128x128xf32, #tpu.memory_space<vmem>>, vector<1x16xf32>,
        %get3A_913 = vector.shape_cast %get3A_912 : vector<1x16xf32> to vector<16xf32>
        %mul3A_914 = arith.mulf %get3A_913, %gather3A_845 : vector<16xf32>
        %swap3A_915 = arith.index_cast %add3A_849 : i32 to index
        %swap3A_916 = arith.constant 96 : index
        %swap3A_917 = tpu.vector_load %arg8[%swap3A_915, %swap3A_916] {strides = array<i32>} : memref<128x128xf32, #tpu.memory_space<vmem>>, vector<1x16xf32>,
        %swap3A_918 = vector.shape_cast %swap3A_917 : vector<1x16xf32> to vector<16xf32>
        %swap3A_919 = vector.shape_cast %mul3A_914 : vector<16xf32> to vector<1x16xf32>
        tpu.vector_store %arg8[%swap3A_915, %swap3A_916], %swap3A_919 {strides = array<i32>} : memref<128x128xf32, #tpu.memory_space<vmem>>, vector<1x16xf32>,
        %get3A_920 = arith.index_cast %add3A_849 : i32 to index
        %get3A_921 = arith.constant 112 : index
        %get3A_922 = tpu.vector_load %arg8[%get3A_920, %get3A_921] {strides = array<i32>} : memref<128x128xf32, #tpu.memory_space<vmem>>, vector<1x16xf32>,
        %get3A_923 = vector.shape_cast %get3A_922 : vector<1x16xf32> to vector<16xf32>
        %mul3A_924 = arith.mulf %get3A_923, %gather3A_845 : vector<16xf32>
        %swap3A_925 = arith.index_cast %add3A_849 : i32 to index
        %swap3A_926 = arith.constant 112 : index
        %swap3A_927 = tpu.vector_load %arg8[%swap3A_925, %swap3A_926] {strides = array<i32>} : memref<128x128xf32, #tpu.memory_space<vmem>>, vector<1x16xf32>,
        %swap3A_928 = vector.shape_cast %swap3A_927 : vector<1x16xf32> to vector<16xf32>
        %swap3A_929 = vector.shape_cast %mul3A_924 : vector<16xf32> to vector<1x16xf32>
        tpu.vector_store %arg8[%swap3A_925, %swap3A_926], %swap3A_929 {strides = array<i32>} : memref<128x128xf32, #tpu.memory_space<vmem>>, vector<1x16xf32>,
        %broadcast_in_dim3A_930 = arith.constant 10 : i32
        %broadcast_in_dim3A_931 = vector.broadcast %broadcast_in_dim3A_930 : i32 to vector<16xi32>
        %broadcast_in_dim3A_932 = vector.shape_cast %broadcast_in_dim3A_931 : vector<16xi32> to vector<16x1xi32>
        %gather3A_933 = vector.shape_cast %broadcast_in_dim3A_932 : vector<16x1xi32> to vector<16xi32>
        %gather3A_934 = tpu.dynamic_gather %get3A_42[%gather3A_933] in [0] : vector<16xf32>, vector<16xi32> -> vector<16xf32>
        %mul3A_935 = arith.constant 16 : i32
        %mul3A_936 = arith.muli %scan3A_38, %mul3A_935 : i32
        %add3A_937 = arith.constant 10 : i32
        %add3A_938 = arith.addi %mul3A_936, %add3A_937 : i32
        %get3A_939 = arith.index_cast %add3A_938 : i32 to index
        %get3A_940 = arith.constant 0 : index
        %get3A_941 = tpu.vector_load %arg8[%get3A_939, %get3A_940] {strides = array<i32>} : memref<128x128xf32, #tpu.memory_space<vmem>>, vector<1x16xf32>,
        %get3A_942 = vector.shape_cast %get3A_941 : vector<1x16xf32> to vector<16xf32>
        %mul3A_943 = arith.mulf %get3A_942, %gather3A_934 : vector<16xf32>
        %swap3A_944 = arith.index_cast %add3A_938 : i32 to index
        %swap3A_945 = arith.constant 0 : index
        %swap3A_946 = tpu.vector_load %arg8[%swap3A_944, %swap3A_945] {strides = array<i32>} : memref<128x128xf32, #tpu.memory_space<vmem>>, vector<1x16xf32>,
        %swap3A_947 = vector.shape_cast %swap3A_946 : vector<1x16xf32> to vector<16xf32>
        %swap3A_948 = vector.shape_cast %mul3A_943 : vector<16xf32> to vector<1x16xf32>
        tpu.vector_store %arg8[%swap3A_944, %swap3A_945], %swap3A_948 {strides = array<i32>} : memref<128x128xf32, #tpu.memory_space<vmem>>, vector<1x16xf32>,
        %get3A_949 = arith.index_cast %add3A_938 : i32 to index
        %get3A_950 = arith.constant 16 : index
        %get3A_951 = tpu.vector_load %arg8[%get3A_949, %get3A_950] {strides = array<i32>} : memref<128x128xf32, #tpu.memory_space<vmem>>, vector<1x16xf32>,
        %get3A_952 = vector.shape_cast %get3A_951 : vector<1x16xf32> to vector<16xf32>
        %mul3A_953 = arith.mulf %get3A_952, %gather3A_934 : vector<16xf32>
        %swap3A_954 = arith.index_cast %add3A_938 : i32 to index
        %swap3A_955 = arith.constant 16 : index
        %swap3A_956 = tpu.vector_load %arg8[%swap3A_954, %swap3A_955] {strides = array<i32>} : memref<128x128xf32, #tpu.memory_space<vmem>>, vector<1x16xf32>,
        %swap3A_957 = vector.shape_cast %swap3A_956 : vector<1x16xf32> to vector<16xf32>
        %swap3A_958 = vector.shape_cast %mul3A_953 : vector<16xf32> to vector<1x16xf32>
        tpu.vector_store %arg8[%swap3A_954, %swap3A_955], %swap3A_958 {strides = array<i32>} : memref<128x128xf32, #tpu.memory_space<vmem>>, vector<1x16xf32>,
        %get3A_959 = arith.index_cast %add3A_938 : i32 to index
        %get3A_960 = arith.constant 32 : index
        %get3A_961 = tpu.vector_load %arg8[%get3A_959, %get3A_960] {strides = array<i32>} : memref<128x128xf32, #tpu.memory_space<vmem>>, vector<1x16xf32>,
        %get3A_962 = vector.shape_cast %get3A_961 : vector<1x16xf32> to vector<16xf32>
        %mul3A_963 = arith.mulf %get3A_962, %gather3A_934 : vector<16xf32>
        %swap3A_964 = arith.index_cast %add3A_938 : i32 to index
        %swap3A_965 = arith.constant 32 : index
        %swap3A_966 = tpu.vector_load %arg8[%swap3A_964, %swap3A_965] {strides = array<i32>} : memref<128x128xf32, #tpu.memory_space<vmem>>, vector<1x16xf32>,
        %swap3A_967 = vector.shape_cast %swap3A_966 : vector<1x16xf32> to vector<16xf32>
        %swap3A_968 = vector.shape_cast %mul3A_963 : vector<16xf32> to vector<1x16xf32>
        tpu.vector_store %arg8[%swap3A_964, %swap3A_965], %swap3A_968 {strides = array<i32>} : memref<128x128xf32, #tpu.memory_space<vmem>>, vector<1x16xf32>,
        %get3A_969 = arith.index_cast %add3A_938 : i32 to index
        %get3A_970 = arith.constant 48 : index
        %get3A_971 = tpu.vector_load %arg8[%get3A_969, %get3A_970] {strides = array<i32>} : memref<128x128xf32, #tpu.memory_space<vmem>>, vector<1x16xf32>,
        %get3A_972 = vector.shape_cast %get3A_971 : vector<1x16xf32> to vector<16xf32>
        %mul3A_973 = arith.mulf %get3A_972, %gather3A_934 : vector<16xf32>
        %swap3A_974 = arith.index_cast %add3A_938 : i32 to index
        %swap3A_975 = arith.constant 48 : index
        %swap3A_976 = tpu.vector_load %arg8[%swap3A_974, %swap3A_975] {strides = array<i32>} : memref<128x128xf32, #tpu.memory_space<vmem>>, vector<1x16xf32>,
        %swap3A_977 = vector.shape_cast %swap3A_976 : vector<1x16xf32> to vector<16xf32>
        %swap3A_978 = vector.shape_cast %mul3A_973 : vector<16xf32> to vector<1x16xf32>
        tpu.vector_store %arg8[%swap3A_974, %swap3A_975], %swap3A_978 {strides = array<i32>} : memref<128x128xf32, #tpu.memory_space<vmem>>, vector<1x16xf32>,
        %get3A_979 = arith.index_cast %add3A_938 : i32 to index
        %get3A_980 = arith.constant 64 : index
        %get3A_981 = tpu.vector_load %arg8[%get3A_979, %get3A_980] {strides = array<i32>} : memref<128x128xf32, #tpu.memory_space<vmem>>, vector<1x16xf32>,
        %get3A_982 = vector.shape_cast %get3A_981 : vector<1x16xf32> to vector<16xf32>
        %mul3A_983 = arith.mulf %get3A_982, %gather3A_934 : vector<16xf32>
        %swap3A_984 = arith.index_cast %add3A_938 : i32 to index
        %swap3A_985 = arith.constant 64 : index
        %swap3A_986 = tpu.vector_load %arg8[%swap3A_984, %swap3A_985] {strides = array<i32>} : memref<128x128xf32, #tpu.memory_space<vmem>>, vector<1x16xf32>,
        %swap3A_987 = vector.shape_cast %swap3A_986 : vector<1x16xf32> to vector<16xf32>
        %swap3A_988 = vector.shape_cast %mul3A_983 : vector<16xf32> to vector<1x16xf32>
        tpu.vector_store %arg8[%swap3A_984, %swap3A_985], %swap3A_988 {strides = array<i32>} : memref<128x128xf32, #tpu.memory_space<vmem>>, vector<1x16xf32>,
        %get3A_989 = arith.index_cast %add3A_938 : i32 to index
        %get3A_990 = arith.constant 80 : index
        %get3A_991 = tpu.vector_load %arg8[%get3A_989, %get3A_990] {strides = array<i32>} : memref<128x128xf32, #tpu.memory_space<vmem>>, vector<1x16xf32>,
        %get3A_992 = vector.shape_cast %get3A_991 : vector<1x16xf32> to vector<16xf32>
        %mul3A_993 = arith.mulf %get3A_992, %gather3A_934 : vector<16xf32>
        %swap3A_994 = arith.index_cast %add3A_938 : i32 to index
        %swap3A_995 = arith.constant 80 : index
        %swap3A_996 = tpu.vector_load %arg8[%swap3A_994, %swap3A_995] {strides = array<i32>} : memref<128x128xf32, #tpu.memory_space<vmem>>, vector<1x16xf32>,
        %swap3A_997 = vector.shape_cast %swap3A_996 : vector<1x16xf32> to vector<16xf32>
        %swap3A_998 = vector.shape_cast %mul3A_993 : vector<16xf32> to vector<1x16xf32>
        tpu.vector_store %arg8[%swap3A_994, %swap3A_995], %swap3A_998 {strides = array<i32>} : memref<128x128xf32, #tpu.memory_space<vmem>>, vector<1x16xf32>,
        %get3A_999 = arith.index_cast %add3A_938 : i32 to index
        %get3A_1000 = arith.constant 96 : index
        %get3A_1001 = tpu.vector_load %arg8[%get3A_999, %get3A_1000] {strides = array<i32>} : memref<128x128xf32, #tpu.memory_space<vmem>>, vector<1x16xf32>,
        %get3A_1002 = vector.shape_cast %get3A_1001 : vector<1x16xf32> to vector<16xf32>
        %mul3A_1003 = arith.mulf %get3A_1002, %gather3A_934 : vector<16xf32>
        %swap3A_1004 = arith.index_cast %add3A_938 : i32 to index
        %swap3A_1005 = arith.constant 96 : index
        %swap3A_1006 = tpu.vector_load %arg8[%swap3A_1004, %swap3A_1005] {strides = array<i32>} : memref<128x128xf32, #tpu.memory_space<vmem>>, vector<1x16xf32>,
        %swap3A_1007 = vector.shape_cast %swap3A_1006 : vector<1x16xf32> to vector<16xf32>
        %swap3A_1008 = vector.shape_cast %mul3A_1003 : vector<16xf32> to vector<1x16xf32>
        tpu.vector_store %arg8[%swap3A_1004, %swap3A_1005], %swap3A_1008 {strides = array<i32>} : memref<128x128xf32, #tpu.memory_space<vmem>>, vector<1x16xf32>,
        %get3A_1009 = arith.index_cast %add3A_938 : i32 to index
        %get3A_1010 = arith.constant 112 : index
        %get3A_1011 = tpu.vector_load %arg8[%get3A_1009, %get3A_1010] {strides = array<i32>} : memref<128x128xf32, #tpu.memory_space<vmem>>, vector<1x16xf32>,
        %get3A_1012 = vector.shape_cast %get3A_1011 : vector<1x16xf32> to vector<16xf32>
        %mul3A_1013 = arith.mulf %get3A_1012, %gather3A_934 : vector<16xf32>
        %swap3A_1014 = arith.index_cast %add3A_938 : i32 to index
        %swap3A_1015 = arith.constant 112 : index
        %swap3A_1016 = tpu.vector_load %arg8[%swap3A_1014, %swap3A_1015] {strides = array<i32>} : memref<128x128xf32, #tpu.memory_space<vmem>>, vector<1x16xf32>,
        %swap3A_1017 = vector.shape_cast %swap3A_1016 : vector<1x16xf32> to vector<16xf32>
        %swap3A_1018 = vector.shape_cast %mul3A_1013 : vector<16xf32> to vector<1x16xf32>
        tpu.vector_store %arg8[%swap3A_1014, %swap3A_1015], %swap3A_1018 {strides = array<i32>} : memref<128x128xf32, #tpu.memory_space<vmem>>, vector<1x16xf32>,
        %broadcast_in_dim3A_1019 = arith.constant 11 : i32
        %broadcast_in_dim3A_1020 = vector.broadcast %broadcast_in_dim3A_1019 : i32 to vector<16xi32>
        %broadcast_in_dim3A_1021 = vector.shape_cast %broadcast_in_dim3A_1020 : vector<16xi32> to vector<16x1xi32>
        %gather3A_1022 = vector.shape_cast %broadcast_in_dim3A_1021 : vector<16x1xi32> to vector<16xi32>
        %gather3A_1023 = tpu.dynamic_gather %get3A_42[%gather3A_1022] in [0] : vector<16xf32>, vector<16xi32> -> vector<16xf32>
        %mul3A_1024 = arith.constant 16 : i32
        %mul3A_1025 = arith.muli %scan3A_38, %mul3A_1024 : i32
        %add3A_1026 = arith.constant 11 : i32
        %add3A_1027 = arith.addi %mul3A_1025, %add3A_1026 : i32
        %get3A_1028 = arith.index_cast %add3A_1027 : i32 to index
        %get3A_1029 = arith.constant 0 : index
        %get3A_1030 = tpu.vector_load %arg8[%get3A_1028, %get3A_1029] {strides = array<i32>} : memref<128x128xf32, #tpu.memory_space<vmem>>, vector<1x16xf32>,
        %get3A_1031 = vector.shape_cast %get3A_1030 : vector<1x16xf32> to vector<16xf32>
        %mul3A_1032 = arith.mulf %get3A_1031, %gather3A_1023 : vector<16xf32>
        %swap3A_1033 = arith.index_cast %add3A_1027 : i32 to index
        %swap3A_1034 = arith.constant 0 : index
        %swap3A_1035 = tpu.vector_load %arg8[%swap3A_1033, %swap3A_1034] {strides = array<i32>} : memref<128x128xf32, #tpu.memory_space<vmem>>, vector<1x16xf32>,
        %swap3A_1036 = vector.shape_cast %swap3A_1035 : vector<1x16xf32> to vector<16xf32>
        %swap3A_1037 = vector.shape_cast %mul3A_1032 : vector<16xf32> to vector<1x16xf32>
        tpu.vector_store %arg8[%swap3A_1033, %swap3A_1034], %swap3A_1037 {strides = array<i32>} : memref<128x128xf32, #tpu.memory_space<vmem>>, vector<1x16xf32>,
        %get3A_1038 = arith.index_cast %add3A_1027 : i32 to index
        %get3A_1039 = arith.constant 16 : index
        %get3A_1040 = tpu.vector_load %arg8[%get3A_1038, %get3A_1039] {strides = array<i32>} : memref<128x128xf32, #tpu.memory_space<vmem>>, vector<1x16xf32>,
        %get3A_1041 = vector.shape_cast %get3A_1040 : vector<1x16xf32> to vector<16xf32>
        %mul3A_1042 = arith.mulf %get3A_1041, %gather3A_1023 : vector<16xf32>
        %swap3A_1043 = arith.index_cast %add3A_1027 : i32 to index
        %swap3A_1044 = arith.constant 16 : index
        %swap3A_1045 = tpu.vector_load %arg8[%swap3A_1043, %swap3A_1044] {strides = array<i32>} : memref<128x128xf32, #tpu.memory_space<vmem>>, vector<1x16xf32>,
        %swap3A_1046 = vector.shape_cast %swap3A_1045 : vector<1x16xf32> to vector<16xf32>
        %swap3A_1047 = vector.shape_cast %mul3A_1042 : vector<16xf32> to vector<1x16xf32>
        tpu.vector_store %arg8[%swap3A_1043, %swap3A_1044], %swap3A_1047 {strides = array<i32>} : memref<128x128xf32, #tpu.memory_space<vmem>>, vector<1x16xf32>,
        %get3A_1048 = arith.index_cast %add3A_1027 : i32 to index
        %get3A_1049 = arith.constant 32 : index
        %get3A_1050 = tpu.vector_load %arg8[%get3A_1048, %get3A_1049] {strides = array<i32>} : memref<128x128xf32, #tpu.memory_space<vmem>>, vector<1x16xf32>,
        %get3A_1051 = vector.shape_cast %get3A_1050 : vector<1x16xf32> to vector<16xf32>
        %mul3A_1052 = arith.mulf %get3A_1051, %gather3A_1023 : vector<16xf32>
        %swap3A_1053 = arith.index_cast %add3A_1027 : i32 to index
        %swap3A_1054 = arith.constant 32 : index
        %swap3A_1055 = tpu.vector_load %arg8[%swap3A_1053, %swap3A_1054] {strides = array<i32>} : memref<128x128xf32, #tpu.memory_space<vmem>>, vector<1x16xf32>,
        %swap3A_1056 = vector.shape_cast %swap3A_1055 : vector<1x16xf32> to vector<16xf32>
        %swap3A_1057 = vector.shape_cast %mul3A_1052 : vector<16xf32> to vector<1x16xf32>
        tpu.vector_store %arg8[%swap3A_1053, %swap3A_1054], %swap3A_1057 {strides = array<i32>} : memref<128x128xf32, #tpu.memory_space<vmem>>, vector<1x16xf32>,
        %get3A_1058 = arith.index_cast %add3A_1027 : i32 to index
        %get3A_1059 = arith.constant 48 : index
        %get3A_1060 = tpu.vector_load %arg8[%get3A_1058, %get3A_1059] {strides = array<i32>} : memref<128x128xf32, #tpu.memory_space<vmem>>, vector<1x16xf32>,
        %get3A_1061 = vector.shape_cast %get3A_1060 : vector<1x16xf32> to vector<16xf32>
        %mul3A_1062 = arith.mulf %get3A_1061, %gather3A_1023 : vector<16xf32>
        %swap3A_1063 = arith.index_cast %add3A_1027 : i32 to index
        %swap3A_1064 = arith.constant 48 : index
        %swap3A_1065 = tpu.vector_load %arg8[%swap3A_1063, %swap3A_1064] {strides = array<i32>} : memref<128x128xf32, #tpu.memory_space<vmem>>, vector<1x16xf32>,
        %swap3A_1066 = vector.shape_cast %swap3A_1065 : vector<1x16xf32> to vector<16xf32>
        %swap3A_1067 = vector.shape_cast %mul3A_1062 : vector<16xf32> to vector<1x16xf32>
        tpu.vector_store %arg8[%swap3A_1063, %swap3A_1064], %swap3A_1067 {strides = array<i32>} : memref<128x128xf32, #tpu.memory_space<vmem>>, vector<1x16xf32>,
        %get3A_1068 = arith.index_cast %add3A_1027 : i32 to index
        %get3A_1069 = arith.constant 64 : index
        %get3A_1070 = tpu.vector_load %arg8[%get3A_1068, %get3A_1069] {strides = array<i32>} : memref<128x128xf32, #tpu.memory_space<vmem>>, vector<1x16xf32>,
        %get3A_1071 = vector.shape_cast %get3A_1070 : vector<1x16xf32> to vector<16xf32>
        %mul3A_1072 = arith.mulf %get3A_1071, %gather3A_1023 : vector<16xf32>
        %swap3A_1073 = arith.index_cast %add3A_1027 : i32 to index
        %swap3A_1074 = arith.constant 64 : index
        %swap3A_1075 = tpu.vector_load %arg8[%swap3A_1073, %swap3A_1074] {strides = array<i32>} : memref<128x128xf32, #tpu.memory_space<vmem>>, vector<1x16xf32>,
        %swap3A_1076 = vector.shape_cast %swap3A_1075 : vector<1x16xf32> to vector<16xf32>
        %swap3A_1077 = vector.shape_cast %mul3A_1072 : vector<16xf32> to vector<1x16xf32>
        tpu.vector_store %arg8[%swap3A_1073, %swap3A_1074], %swap3A_1077 {strides = array<i32>} : memref<128x128xf32, #tpu.memory_space<vmem>>, vector<1x16xf32>,
        %get3A_1078 = arith.index_cast %add3A_1027 : i32 to index
        %get3A_1079 = arith.constant 80 : index
        %get3A_1080 = tpu.vector_load %arg8[%get3A_1078, %get3A_1079] {strides = array<i32>} : memref<128x128xf32, #tpu.memory_space<vmem>>, vector<1x16xf32>,
        %get3A_1081 = vector.shape_cast %get3A_1080 : vector<1x16xf32> to vector<16xf32>
        %mul3A_1082 = arith.mulf %get3A_1081, %gather3A_1023 : vector<16xf32>
        %swap3A_1083 = arith.index_cast %add3A_1027 : i32 to index
        %swap3A_1084 = arith.constant 80 : index
        %swap3A_1085 = tpu.vector_load %arg8[%swap3A_1083, %swap3A_1084] {strides = array<i32>} : memref<128x128xf32, #tpu.memory_space<vmem>>, vector<1x16xf32>,
        %swap3A_1086 = vector.shape_cast %swap3A_1085 : vector<1x16xf32> to vector<16xf32>
        %swap3A_1087 = vector.shape_cast %mul3A_1082 : vector<16xf32> to vector<1x16xf32>
        tpu.vector_store %arg8[%swap3A_1083, %swap3A_1084], %swap3A_1087 {strides = array<i32>} : memref<128x128xf32, #tpu.memory_space<vmem>>, vector<1x16xf32>,
        %get3A_1088 = arith.index_cast %add3A_1027 : i32 to index
        %get3A_1089 = arith.constant 96 : index
        %get3A_1090 = tpu.vector_load %arg8[%get3A_1088, %get3A_1089] {strides = array<i32>} : memref<128x128xf32, #tpu.memory_space<vmem>>, vector<1x16xf32>,
        %get3A_1091 = vector.shape_cast %get3A_1090 : vector<1x16xf32> to vector<16xf32>
        %mul3A_1092 = arith.mulf %get3A_1091, %gather3A_1023 : vector<16xf32>
        %swap3A_1093 = arith.index_cast %add3A_1027 : i32 to index
        %swap3A_1094 = arith.constant 96 : index
        %swap3A_1095 = tpu.vector_load %arg8[%swap3A_1093, %swap3A_1094] {strides = array<i32>} : memref<128x128xf32, #tpu.memory_space<vmem>>, vector<1x16xf32>,
        %swap3A_1096 = vector.shape_cast %swap3A_1095 : vector<1x16xf32> to vector<16xf32>
        %swap3A_1097 = vector.shape_cast %mul3A_1092 : vector<16xf32> to vector<1x16xf32>
        tpu.vector_store %arg8[%swap3A_1093, %swap3A_1094], %swap3A_1097 {strides = array<i32>} : memref<128x128xf32, #tpu.memory_space<vmem>>, vector<1x16xf32>,
        %get3A_1098 = arith.index_cast %add3A_1027 : i32 to index
        %get3A_1099 = arith.constant 112 : index
        %get3A_1100 = tpu.vector_load %arg8[%get3A_1098, %get3A_1099] {strides = array<i32>} : memref<128x128xf32, #tpu.memory_space<vmem>>, vector<1x16xf32>,
        %get3A_1101 = vector.shape_cast %get3A_1100 : vector<1x16xf32> to vector<16xf32>
        %mul3A_1102 = arith.mulf %get3A_1101, %gather3A_1023 : vector<16xf32>
        %swap3A_1103 = arith.index_cast %add3A_1027 : i32 to index
        %swap3A_1104 = arith.constant 112 : index
        %swap3A_1105 = tpu.vector_load %arg8[%swap3A_1103, %swap3A_1104] {strides = array<i32>} : memref<128x128xf32, #tpu.memory_space<vmem>>, vector<1x16xf32>,
        %swap3A_1106 = vector.shape_cast %swap3A_1105 : vector<1x16xf32> to vector<16xf32>
        %swap3A_1107 = vector.shape_cast %mul3A_1102 : vector<16xf32> to vector<1x16xf32>
        tpu.vector_store %arg8[%swap3A_1103, %swap3A_1104], %swap3A_1107 {strides = array<i32>} : memref<128x128xf32, #tpu.memory_space<vmem>>, vector<1x16xf32>,
        %broadcast_in_dim3A_1108 = arith.constant 12 : i32
        %broadcast_in_dim3A_1109 = vector.broadcast %broadcast_in_dim3A_1108 : i32 to vector<16xi32>
        %broadcast_in_dim3A_1110 = vector.shape_cast %broadcast_in_dim3A_1109 : vector<16xi32> to vector<16x1xi32>
        %gather3A_1111 = vector.shape_cast %broadcast_in_dim3A_1110 : vector<16x1xi32> to vector<16xi32>
        %gather3A_1112 = tpu.dynamic_gather %get3A_42[%gather3A_1111] in [0] : vector<16xf32>, vector<16xi32> -> vector<16xf32>
        %mul3A_1113 = arith.constant 16 : i32
        %mul3A_1114 = arith.muli %scan3A_38, %mul3A_1113 : i32
        %add3A_1115 = arith.constant 12 : i32
        %add3A_1116 = arith.addi %mul3A_1114, %add3A_1115 : i32
        %get3A_1117 = arith.index_cast %add3A_1116 : i32 to index
        %get3A_1118 = arith.constant 0 : index
        %get3A_1119 = tpu.vector_load %arg8[%get3A_1117, %get3A_1118] {strides = array<i32>} : memref<128x128xf32, #tpu.memory_space<vmem>>, vector<1x16xf32>,
        %get3A_1120 = vector.shape_cast %get3A_1119 : vector<1x16xf32> to vector<16xf32>
        %mul3A_1121 = arith.mulf %get3A_1120, %gather3A_1112 : vector<16xf32>
        %swap3A_1122 = arith.index_cast %add3A_1116 : i32 to index
        %swap3A_1123 = arith.constant 0 : index
        %swap3A_1124 = tpu.vector_load %arg8[%swap3A_1122, %swap3A_1123] {strides = array<i32>} : memref<128x128xf32, #tpu.memory_space<vmem>>, vector<1x16xf32>,
        %swap3A_1125 = vector.shape_cast %swap3A_1124 : vector<1x16xf32> to vector<16xf32>
        %swap3A_1126 = vector.shape_cast %mul3A_1121 : vector<16xf32> to vector<1x16xf32>
        tpu.vector_store %arg8[%swap3A_1122, %swap3A_1123], %swap3A_1126 {strides = array<i32>} : memref<128x128xf32, #tpu.memory_space<vmem>>, vector<1x16xf32>,
        %get3A_1127 = arith.index_cast %add3A_1116 : i32 to index
        %get3A_1128 = arith.constant 16 : index
        %get3A_1129 = tpu.vector_load %arg8[%get3A_1127, %get3A_1128] {strides = array<i32>} : memref<128x128xf32, #tpu.memory_space<vmem>>, vector<1x16xf32>,
        %get3A_1130 = vector.shape_cast %get3A_1129 : vector<1x16xf32> to vector<16xf32>
        %mul3A_1131 = arith.mulf %get3A_1130, %gather3A_1112 : vector<16xf32>
        %swap3A_1132 = arith.index_cast %add3A_1116 : i32 to index
        %swap3A_1133 = arith.constant 16 : index
        %swap3A_1134 = tpu.vector_load %arg8[%swap3A_1132, %swap3A_1133] {strides = array<i32>} : memref<128x128xf32, #tpu.memory_space<vmem>>, vector<1x16xf32>,
        %swap3A_1135 = vector.shape_cast %swap3A_1134 : vector<1x16xf32> to vector<16xf32>
        %swap3A_1136 = vector.shape_cast %mul3A_1131 : vector<16xf32> to vector<1x16xf32>
        tpu.vector_store %arg8[%swap3A_1132, %swap3A_1133], %swap3A_1136 {strides = array<i32>} : memref<128x128xf32, #tpu.memory_space<vmem>>, vector<1x16xf32>,
        %get3A_1137 = arith.index_cast %add3A_1116 : i32 to index
        %get3A_1138 = arith.constant 32 : index
        %get3A_1139 = tpu.vector_load %arg8[%get3A_1137, %get3A_1138] {strides = array<i32>} : memref<128x128xf32, #tpu.memory_space<vmem>>, vector<1x16xf32>,
        %get3A_1140 = vector.shape_cast %get3A_1139 : vector<1x16xf32> to vector<16xf32>
        %mul3A_1141 = arith.mulf %get3A_1140, %gather3A_1112 : vector<16xf32>
        %swap3A_1142 = arith.index_cast %add3A_1116 : i32 to index
        %swap3A_1143 = arith.constant 32 : index
        %swap3A_1144 = tpu.vector_load %arg8[%swap3A_1142, %swap3A_1143] {strides = array<i32>} : memref<128x128xf32, #tpu.memory_space<vmem>>, vector<1x16xf32>,
        %swap3A_1145 = vector.shape_cast %swap3A_1144 : vector<1x16xf32> to vector<16xf32>
        %swap3A_1146 = vector.shape_cast %mul3A_1141 : vector<16xf32> to vector<1x16xf32>
        tpu.vector_store %arg8[%swap3A_1142, %swap3A_1143], %swap3A_1146 {strides = array<i32>} : memref<128x128xf32, #tpu.memory_space<vmem>>, vector<1x16xf32>,
        %get3A_1147 = arith.index_cast %add3A_1116 : i32 to index
        %get3A_1148 = arith.constant 48 : index
        %get3A_1149 = tpu.vector_load %arg8[%get3A_1147, %get3A_1148] {strides = array<i32>} : memref<128x128xf32, #tpu.memory_space<vmem>>, vector<1x16xf32>,
        %get3A_1150 = vector.shape_cast %get3A_1149 : vector<1x16xf32> to vector<16xf32>
        %mul3A_1151 = arith.mulf %get3A_1150, %gather3A_1112 : vector<16xf32>
        %swap3A_1152 = arith.index_cast %add3A_1116 : i32 to index
        %swap3A_1153 = arith.constant 48 : index
        %swap3A_1154 = tpu.vector_load %arg8[%swap3A_1152, %swap3A_1153] {strides = array<i32>} : memref<128x128xf32, #tpu.memory_space<vmem>>, vector<1x16xf32>,
        %swap3A_1155 = vector.shape_cast %swap3A_1154 : vector<1x16xf32> to vector<16xf32>
        %swap3A_1156 = vector.shape_cast %mul3A_1151 : vector<16xf32> to vector<1x16xf32>
        tpu.vector_store %arg8[%swap3A_1152, %swap3A_1153], %swap3A_1156 {strides = array<i32>} : memref<128x128xf32, #tpu.memory_space<vmem>>, vector<1x16xf32>,
        %get3A_1157 = arith.index_cast %add3A_1116 : i32 to index
        %get3A_1158 = arith.constant 64 : index
        %get3A_1159 = tpu.vector_load %arg8[%get3A_1157, %get3A_1158] {strides = array<i32>} : memref<128x128xf32, #tpu.memory_space<vmem>>, vector<1x16xf32>,
        %get3A_1160 = vector.shape_cast %get3A_1159 : vector<1x16xf32> to vector<16xf32>
        %mul3A_1161 = arith.mulf %get3A_1160, %gather3A_1112 : vector<16xf32>
        %swap3A_1162 = arith.index_cast %add3A_1116 : i32 to index
        %swap3A_1163 = arith.constant 64 : index
        %swap3A_1164 = tpu.vector_load %arg8[%swap3A_1162, %swap3A_1163] {strides = array<i32>} : memref<128x128xf32, #tpu.memory_space<vmem>>, vector<1x16xf32>,
        %swap3A_1165 = vector.shape_cast %swap3A_1164 : vector<1x16xf32> to vector<16xf32>
        %swap3A_1166 = vector.shape_cast %mul3A_1161 : vector<16xf32> to vector<1x16xf32>
        tpu.vector_store %arg8[%swap3A_1162, %swap3A_1163], %swap3A_1166 {strides = array<i32>} : memref<128x128xf32, #tpu.memory_space<vmem>>, vector<1x16xf32>,
        %get3A_1167 = arith.index_cast %add3A_1116 : i32 to index
        %get3A_1168 = arith.constant 80 : index
        %get3A_1169 = tpu.vector_load %arg8[%get3A_1167, %get3A_1168] {strides = array<i32>} : memref<128x128xf32, #tpu.memory_space<vmem>>, vector<1x16xf32>,
        %get3A_1170 = vector.shape_cast %get3A_1169 : vector<1x16xf32> to vector<16xf32>
        %mul3A_1171 = arith.mulf %get3A_1170, %gather3A_1112 : vector<16xf32>
        %swap3A_1172 = arith.index_cast %add3A_1116 : i32 to index
        %swap3A_1173 = arith.constant 80 : index
        %swap3A_1174 = tpu.vector_load %arg8[%swap3A_1172, %swap3A_1173] {strides = array<i32>} : memref<128x128xf32, #tpu.memory_space<vmem>>, vector<1x16xf32>,
        %swap3A_1175 = vector.shape_cast %swap3A_1174 : vector<1x16xf32> to vector<16xf32>
        %swap3A_1176 = vector.shape_cast %mul3A_1171 : vector<16xf32> to vector<1x16xf32>
        tpu.vector_store %arg8[%swap3A_1172, %swap3A_1173], %swap3A_1176 {strides = array<i32>} : memref<128x128xf32, #tpu.memory_space<vmem>>, vector<1x16xf32>,
        %get3A_1177 = arith.index_cast %add3A_1116 : i32 to index
        %get3A_1178 = arith.constant 96 : index
        %get3A_1179 = tpu.vector_load %arg8[%get3A_1177, %get3A_1178] {strides = array<i32>} : memref<128x128xf32, #tpu.memory_space<vmem>>, vector<1x16xf32>,
        %get3A_1180 = vector.shape_cast %get3A_1179 : vector<1x16xf32> to vector<16xf32>
        %mul3A_1181 = arith.mulf %get3A_1180, %gather3A_1112 : vector<16xf32>
        %swap3A_1182 = arith.index_cast %add3A_1116 : i32 to index
        %swap3A_1183 = arith.constant 96 : index
        %swap3A_1184 = tpu.vector_load %arg8[%swap3A_1182, %swap3A_1183] {strides = array<i32>} : memref<128x128xf32, #tpu.memory_space<vmem>>, vector<1x16xf32>,
        %swap3A_1185 = vector.shape_cast %swap3A_1184 : vector<1x16xf32> to vector<16xf32>
        %swap3A_1186 = vector.shape_cast %mul3A_1181 : vector<16xf32> to vector<1x16xf32>
        tpu.vector_store %arg8[%swap3A_1182, %swap3A_1183], %swap3A_1186 {strides = array<i32>} : memref<128x128xf32, #tpu.memory_space<vmem>>, vector<1x16xf32>,
        %get3A_1187 = arith.index_cast %add3A_1116 : i32 to index
        %get3A_1188 = arith.constant 112 : index
        %get3A_1189 = tpu.vector_load %arg8[%get3A_1187, %get3A_1188] {strides = array<i32>} : memref<128x128xf32, #tpu.memory_space<vmem>>, vector<1x16xf32>,
        %get3A_1190 = vector.shape_cast %get3A_1189 : vector<1x16xf32> to vector<16xf32>
        %mul3A_1191 = arith.mulf %get3A_1190, %gather3A_1112 : vector<16xf32>
        %swap3A_1192 = arith.index_cast %add3A_1116 : i32 to index
        %swap3A_1193 = arith.constant 112 : index
        %swap3A_1194 = tpu.vector_load %arg8[%swap3A_1192, %swap3A_1193] {strides = array<i32>} : memref<128x128xf32, #tpu.memory_space<vmem>>, vector<1x16xf32>,
        %swap3A_1195 = vector.shape_cast %swap3A_1194 : vector<1x16xf32> to vector<16xf32>
        %swap3A_1196 = vector.shape_cast %mul3A_1191 : vector<16xf32> to vector<1x16xf32>
        tpu.vector_store %arg8[%swap3A_1192, %swap3A_1193], %swap3A_1196 {strides = array<i32>} : memref<128x128xf32, #tpu.memory_space<vmem>>, vector<1x16xf32>,
        %broadcast_in_dim3A_1197 = arith.constant 13 : i32
        %broadcast_in_dim3A_1198 = vector.broadcast %broadcast_in_dim3A_1197 : i32 to vector<16xi32>
        %broadcast_in_dim3A_1199 = vector.shape_cast %broadcast_in_dim3A_1198 : vector<16xi32> to vector<16x1xi32>
        %gather3A_1200 = vector.shape_cast %broadcast_in_dim3A_1199 : vector<16x1xi32> to vector<16xi32>
        %gather3A_1201 = tpu.dynamic_gather %get3A_42[%gather3A_1200] in [0] : vector<16xf32>, vector<16xi32> -> vector<16xf32>
        %mul3A_1202 = arith.constant 16 : i32
        %mul3A_1203 = arith.muli %scan3A_38, %mul3A_1202 : i32
        %add3A_1204 = arith.constant 13 : i32
        %add3A_1205 = arith.addi %mul3A_1203, %add3A_1204 : i32
        %get3A_1206 = arith.index_cast %add3A_1205 : i32 to index
        %get3A_1207 = arith.constant 0 : index
        %get3A_1208 = tpu.vector_load %arg8[%get3A_1206, %get3A_1207] {strides = array<i32>} : memref<128x128xf32, #tpu.memory_space<vmem>>, vector<1x16xf32>,
        %get3A_1209 = vector.shape_cast %get3A_1208 : vector<1x16xf32> to vector<16xf32>
        %mul3A_1210 = arith.mulf %get3A_1209, %gather3A_1201 : vector<16xf32>
        %swap3A_1211 = arith.index_cast %add3A_1205 : i32 to index
        %swap3A_1212 = arith.constant 0 : index
        %swap3A_1213 = tpu.vector_load %arg8[%swap3A_1211, %swap3A_1212] {strides = array<i32>} : memref<128x128xf32, #tpu.memory_space<vmem>>, vector<1x16xf32>,
        %swap3A_1214 = vector.shape_cast %swap3A_1213 : vector<1x16xf32> to vector<16xf32>
        %swap3A_1215 = vector.shape_cast %mul3A_1210 : vector<16xf32> to vector<1x16xf32>
        tpu.vector_store %arg8[%swap3A_1211, %swap3A_1212], %swap3A_1215 {strides = array<i32>} : memref<128x128xf32, #tpu.memory_space<vmem>>, vector<1x16xf32>,
        %get3A_1216 = arith.index_cast %add3A_1205 : i32 to index
        %get3A_1217 = arith.constant 16 : index
        %get3A_1218 = tpu.vector_load %arg8[%get3A_1216, %get3A_1217] {strides = array<i32>} : memref<128x128xf32, #tpu.memory_space<vmem>>, vector<1x16xf32>,
        %get3A_1219 = vector.shape_cast %get3A_1218 : vector<1x16xf32> to vector<16xf32>
        %mul3A_1220 = arith.mulf %get3A_1219, %gather3A_1201 : vector<16xf32>
        %swap3A_1221 = arith.index_cast %add3A_1205 : i32 to index
        %swap3A_1222 = arith.constant 16 : index
        %swap3A_1223 = tpu.vector_load %arg8[%swap3A_1221, %swap3A_1222] {strides = array<i32>} : memref<128x128xf32, #tpu.memory_space<vmem>>, vector<1x16xf32>,
        %swap3A_1224 = vector.shape_cast %swap3A_1223 : vector<1x16xf32> to vector<16xf32>
        %swap3A_1225 = vector.shape_cast %mul3A_1220 : vector<16xf32> to vector<1x16xf32>
        tpu.vector_store %arg8[%swap3A_1221, %swap3A_1222], %swap3A_1225 {strides = array<i32>} : memref<128x128xf32, #tpu.memory_space<vmem>>, vector<1x16xf32>,
        %get3A_1226 = arith.index_cast %add3A_1205 : i32 to index
        %get3A_1227 = arith.constant 32 : index
        %get3A_1228 = tpu.vector_load %arg8[%get3A_1226, %get3A_1227] {strides = array<i32>} : memref<128x128xf32, #tpu.memory_space<vmem>>, vector<1x16xf32>,
        %get3A_1229 = vector.shape_cast %get3A_1228 : vector<1x16xf32> to vector<16xf32>
        %mul3A_1230 = arith.mulf %get3A_1229, %gather3A_1201 : vector<16xf32>
        %swap3A_1231 = arith.index_cast %add3A_1205 : i32 to index
        %swap3A_1232 = arith.constant 32 : index
        %swap3A_1233 = tpu.vector_load %arg8[%swap3A_1231, %swap3A_1232] {strides = array<i32>} : memref<128x128xf32, #tpu.memory_space<vmem>>, vector<1x16xf32>,
        %swap3A_1234 = vector.shape_cast %swap3A_1233 : vector<1x16xf32> to vector<16xf32>
        %swap3A_1235 = vector.shape_cast %mul3A_1230 : vector<16xf32> to vector<1x16xf32>
        tpu.vector_store %arg8[%swap3A_1231, %swap3A_1232], %swap3A_1235 {strides = array<i32>} : memref<128x128xf32, #tpu.memory_space<vmem>>, vector<1x16xf32>,
        %get3A_1236 = arith.index_cast %add3A_1205 : i32 to index
        %get3A_1237 = arith.constant 48 : index
        %get3A_1238 = tpu.vector_load %arg8[%get3A_1236, %get3A_1237] {strides = array<i32>} : memref<128x128xf32, #tpu.memory_space<vmem>>, vector<1x16xf32>,
        %get3A_1239 = vector.shape_cast %get3A_1238 : vector<1x16xf32> to vector<16xf32>
        %mul3A_1240 = arith.mulf %get3A_1239, %gather3A_1201 : vector<16xf32>
        %swap3A_1241 = arith.index_cast %add3A_1205 : i32 to index
        %swap3A_1242 = arith.constant 48 : index
        %swap3A_1243 = tpu.vector_load %arg8[%swap3A_1241, %swap3A_1242] {strides = array<i32>} : memref<128x128xf32, #tpu.memory_space<vmem>>, vector<1x16xf32>,
        %swap3A_1244 = vector.shape_cast %swap3A_1243 : vector<1x16xf32> to vector<16xf32>
        %swap3A_1245 = vector.shape_cast %mul3A_1240 : vector<16xf32> to vector<1x16xf32>
        tpu.vector_store %arg8[%swap3A_1241, %swap3A_1242], %swap3A_1245 {strides = array<i32>} : memref<128x128xf32, #tpu.memory_space<vmem>>, vector<1x16xf32>,
        %get3A_1246 = arith.index_cast %add3A_1205 : i32 to index
        %get3A_1247 = arith.constant 64 : index
        %get3A_1248 = tpu.vector_load %arg8[%get3A_1246, %get3A_1247] {strides = array<i32>} : memref<128x128xf32, #tpu.memory_space<vmem>>, vector<1x16xf32>,
        %get3A_1249 = vector.shape_cast %get3A_1248 : vector<1x16xf32> to vector<16xf32>
        %mul3A_1250 = arith.mulf %get3A_1249, %gather3A_1201 : vector<16xf32>
        %swap3A_1251 = arith.index_cast %add3A_1205 : i32 to index
        %swap3A_1252 = arith.constant 64 : index
        %swap3A_1253 = tpu.vector_load %arg8[%swap3A_1251, %swap3A_1252] {strides = array<i32>} : memref<128x128xf32, #tpu.memory_space<vmem>>, vector<1x16xf32>,
        %swap3A_1254 = vector.shape_cast %swap3A_1253 : vector<1x16xf32> to vector<16xf32>
        %swap3A_1255 = vector.shape_cast %mul3A_1250 : vector<16xf32> to vector<1x16xf32>
        tpu.vector_store %arg8[%swap3A_1251, %swap3A_1252], %swap3A_1255 {strides = array<i32>} : memref<128x128xf32, #tpu.memory_space<vmem>>, vector<1x16xf32>,
        %get3A_1256 = arith.index_cast %add3A_1205 : i32 to index
        %get3A_1257 = arith.constant 80 : index
        %get3A_1258 = tpu.vector_load %arg8[%get3A_1256, %get3A_1257] {strides = array<i32>} : memref<128x128xf32, #tpu.memory_space<vmem>>, vector<1x16xf32>,
        %get3A_1259 = vector.shape_cast %get3A_1258 : vector<1x16xf32> to vector<16xf32>
        %mul3A_1260 = arith.mulf %get3A_1259, %gather3A_1201 : vector<16xf32>
        %swap3A_1261 = arith.index_cast %add3A_1205 : i32 to index
        %swap3A_1262 = arith.constant 80 : index
        %swap3A_1263 = tpu.vector_load %arg8[%swap3A_1261, %swap3A_1262] {strides = array<i32>} : memref<128x128xf32, #tpu.memory_space<vmem>>, vector<1x16xf32>,
        %swap3A_1264 = vector.shape_cast %swap3A_1263 : vector<1x16xf32> to vector<16xf32>
        %swap3A_1265 = vector.shape_cast %mul3A_1260 : vector<16xf32> to vector<1x16xf32>
        tpu.vector_store %arg8[%swap3A_1261, %swap3A_1262], %swap3A_1265 {strides = array<i32>} : memref<128x128xf32, #tpu.memory_space<vmem>>, vector<1x16xf32>,
        %get3A_1266 = arith.index_cast %add3A_1205 : i32 to index
        %get3A_1267 = arith.constant 96 : index
        %get3A_1268 = tpu.vector_load %arg8[%get3A_1266, %get3A_1267] {strides = array<i32>} : memref<128x128xf32, #tpu.memory_space<vmem>>, vector<1x16xf32>,
        %get3A_1269 = vector.shape_cast %get3A_1268 : vector<1x16xf32> to vector<16xf32>
        %mul3A_1270 = arith.mulf %get3A_1269, %gather3A_1201 : vector<16xf32>
        %swap3A_1271 = arith.index_cast %add3A_1205 : i32 to index
        %swap3A_1272 = arith.constant 96 : index
        %swap3A_1273 = tpu.vector_load %arg8[%swap3A_1271, %swap3A_1272] {strides = array<i32>} : memref<128x128xf32, #tpu.memory_space<vmem>>, vector<1x16xf32>,
        %swap3A_1274 = vector.shape_cast %swap3A_1273 : vector<1x16xf32> to vector<16xf32>
        %swap3A_1275 = vector.shape_cast %mul3A_1270 : vector<16xf32> to vector<1x16xf32>
        tpu.vector_store %arg8[%swap3A_1271, %swap3A_1272], %swap3A_1275 {strides = array<i32>} : memref<128x128xf32, #tpu.memory_space<vmem>>, vector<1x16xf32>,
        %get3A_1276 = arith.index_cast %add3A_1205 : i32 to index
        %get3A_1277 = arith.constant 112 : index
        %get3A_1278 = tpu.vector_load %arg8[%get3A_1276, %get3A_1277] {strides = array<i32>} : memref<128x128xf32, #tpu.memory_space<vmem>>, vector<1x16xf32>,
        %get3A_1279 = vector.shape_cast %get3A_1278 : vector<1x16xf32> to vector<16xf32>
        %mul3A_1280 = arith.mulf %get3A_1279, %gather3A_1201 : vector<16xf32>
        %swap3A_1281 = arith.index_cast %add3A_1205 : i32 to index
        %swap3A_1282 = arith.constant 112 : index
        %swap3A_1283 = tpu.vector_load %arg8[%swap3A_1281, %swap3A_1282] {strides = array<i32>} : memref<128x128xf32, #tpu.memory_space<vmem>>, vector<1x16xf32>,
        %swap3A_1284 = vector.shape_cast %swap3A_1283 : vector<1x16xf32> to vector<16xf32>
        %swap3A_1285 = vector.shape_cast %mul3A_1280 : vector<16xf32> to vector<1x16xf32>
        tpu.vector_store %arg8[%swap3A_1281, %swap3A_1282], %swap3A_1285 {strides = array<i32>} : memref<128x128xf32, #tpu.memory_space<vmem>>, vector<1x16xf32>,
        %broadcast_in_dim3A_1286 = arith.constant 14 : i32
        %broadcast_in_dim3A_1287 = vector.broadcast %broadcast_in_dim3A_1286 : i32 to vector<16xi32>
        %broadcast_in_dim3A_1288 = vector.shape_cast %broadcast_in_dim3A_1287 : vector<16xi32> to vector<16x1xi32>
        %gather3A_1289 = vector.shape_cast %broadcast_in_dim3A_1288 : vector<16x1xi32> to vector<16xi32>
        %gather3A_1290 = tpu.dynamic_gather %get3A_42[%gather3A_1289] in [0] : vector<16xf32>, vector<16xi32> -> vector<16xf32>
        %mul3A_1291 = arith.constant 16 : i32
        %mul3A_1292 = arith.muli %scan3A_38, %mul3A_1291 : i32
        %add3A_1293 = arith.constant 14 : i32
        %add3A_1294 = arith.addi %mul3A_1292, %add3A_1293 : i32
        %get3A_1295 = arith.index_cast %add3A_1294 : i32 to index
        %get3A_1296 = arith.constant 0 : index
        %get3A_1297 = tpu.vector_load %arg8[%get3A_1295, %get3A_1296] {strides = array<i32>} : memref<128x128xf32, #tpu.memory_space<vmem>>, vector<1x16xf32>,
        %get3A_1298 = vector.shape_cast %get3A_1297 : vector<1x16xf32> to vector<16xf32>
        %mul3A_1299 = arith.mulf %get3A_1298, %gather3A_1290 : vector<16xf32>
        %swap3A_1300 = arith.index_cast %add3A_1294 : i32 to index
        %swap3A_1301 = arith.constant 0 : index
        %swap3A_1302 = tpu.vector_load %arg8[%swap3A_1300, %swap3A_1301] {strides = array<i32>} : memref<128x128xf32, #tpu.memory_space<vmem>>, vector<1x16xf32>,
        %swap3A_1303 = vector.shape_cast %swap3A_1302 : vector<1x16xf32> to vector<16xf32>
        %swap3A_1304 = vector.shape_cast %mul3A_1299 : vector<16xf32> to vector<1x16xf32>
        tpu.vector_store %arg8[%swap3A_1300, %swap3A_1301], %swap3A_1304 {strides = array<i32>} : memref<128x128xf32, #tpu.memory_space<vmem>>, vector<1x16xf32>,
        %get3A_1305 = arith.index_cast %add3A_1294 : i32 to index
        %get3A_1306 = arith.constant 16 : index
        %get3A_1307 = tpu.vector_load %arg8[%get3A_1305, %get3A_1306] {strides = array<i32>} : memref<128x128xf32, #tpu.memory_space<vmem>>, vector<1x16xf32>,
        %get3A_1308 = vector.shape_cast %get3A_1307 : vector<1x16xf32> to vector<16xf32>
        %mul3A_1309 = arith.mulf %get3A_1308, %gather3A_1290 : vector<16xf32>
        %swap3A_1310 = arith.index_cast %add3A_1294 : i32 to index
        %swap3A_1311 = arith.constant 16 : index
        %swap3A_1312 = tpu.vector_load %arg8[%swap3A_1310, %swap3A_1311] {strides = array<i32>} : memref<128x128xf32, #tpu.memory_space<vmem>>, vector<1x16xf32>,
        %swap3A_1313 = vector.shape_cast %swap3A_1312 : vector<1x16xf32> to vector<16xf32>
        %swap3A_1314 = vector.shape_cast %mul3A_1309 : vector<16xf32> to vector<1x16xf32>
        tpu.vector_store %arg8[%swap3A_1310, %swap3A_1311], %swap3A_1314 {strides = array<i32>} : memref<128x128xf32, #tpu.memory_space<vmem>>, vector<1x16xf32>,
        %get3A_1315 = arith.index_cast %add3A_1294 : i32 to index
        %get3A_1316 = arith.constant 32 : index
        %get3A_1317 = tpu.vector_load %arg8[%get3A_1315, %get3A_1316] {strides = array<i32>} : memref<128x128xf32, #tpu.memory_space<vmem>>, vector<1x16xf32>,
        %get3A_1318 = vector.shape_cast %get3A_1317 : vector<1x16xf32> to vector<16xf32>
        %mul3A_1319 = arith.mulf %get3A_1318, %gather3A_1290 : vector<16xf32>
        %swap3A_1320 = arith.index_cast %add3A_1294 : i32 to index
        %swap3A_1321 = arith.constant 32 : index
        %swap3A_1322 = tpu.vector_load %arg8[%swap3A_1320, %swap3A_1321] {strides = array<i32>} : memref<128x128xf32, #tpu.memory_space<vmem>>, vector<1x16xf32>,
        %swap3A_1323 = vector.shape_cast %swap3A_1322 : vector<1x16xf32> to vector<16xf32>
        %swap3A_1324 = vector.shape_cast %mul3A_1319 : vector<16xf32> to vector<1x16xf32>
        tpu.vector_store %arg8[%swap3A_1320, %swap3A_1321], %swap3A_1324 {strides = array<i32>} : memref<128x128xf32, #tpu.memory_space<vmem>>, vector<1x16xf32>,
        %get3A_1325 = arith.index_cast %add3A_1294 : i32 to index
        %get3A_1326 = arith.constant 48 : index
        %get3A_1327 = tpu.vector_load %arg8[%get3A_1325, %get3A_1326] {strides = array<i32>} : memref<128x128xf32, #tpu.memory_space<vmem>>, vector<1x16xf32>,
        %get3A_1328 = vector.shape_cast %get3A_1327 : vector<1x16xf32> to vector<16xf32>
        %mul3A_1329 = arith.mulf %get3A_1328, %gather3A_1290 : vector<16xf32>
        %swap3A_1330 = arith.index_cast %add3A_1294 : i32 to index
        %swap3A_1331 = arith.constant 48 : index
        %swap3A_1332 = tpu.vector_load %arg8[%swap3A_1330, %swap3A_1331] {strides = array<i32>} : memref<128x128xf32, #tpu.memory_space<vmem>>, vector<1x16xf32>,
        %swap3A_1333 = vector.shape_cast %swap3A_1332 : vector<1x16xf32> to vector<16xf32>
        %swap3A_1334 = vector.shape_cast %mul3A_1329 : vector<16xf32> to vector<1x16xf32>
        tpu.vector_store %arg8[%swap3A_1330, %swap3A_1331], %swap3A_1334 {strides = array<i32>} : memref<128x128xf32, #tpu.memory_space<vmem>>, vector<1x16xf32>,
        %get3A_1335 = arith.index_cast %add3A_1294 : i32 to index
        %get3A_1336 = arith.constant 64 : index
        %get3A_1337 = tpu.vector_load %arg8[%get3A_1335, %get3A_1336] {strides = array<i32>} : memref<128x128xf32, #tpu.memory_space<vmem>>, vector<1x16xf32>,
        %get3A_1338 = vector.shape_cast %get3A_1337 : vector<1x16xf32> to vector<16xf32>
        %mul3A_1339 = arith.mulf %get3A_1338, %gather3A_1290 : vector<16xf32>
        %swap3A_1340 = arith.index_cast %add3A_1294 : i32 to index
        %swap3A_1341 = arith.constant 64 : index
        %swap3A_1342 = tpu.vector_load %arg8[%swap3A_1340, %swap3A_1341] {strides = array<i32>} : memref<128x128xf32, #tpu.memory_space<vmem>>, vector<1x16xf32>,
        %swap3A_1343 = vector.shape_cast %swap3A_1342 : vector<1x16xf32> to vector<16xf32>
        %swap3A_1344 = vector.shape_cast %mul3A_1339 : vector<16xf32> to vector<1x16xf32>
        tpu.vector_store %arg8[%swap3A_1340, %swap3A_1341], %swap3A_1344 {strides = array<i32>} : memref<128x128xf32, #tpu.memory_space<vmem>>, vector<1x16xf32>,
        %get3A_1345 = arith.index_cast %add3A_1294 : i32 to index
        %get3A_1346 = arith.constant 80 : index
        %get3A_1347 = tpu.vector_load %arg8[%get3A_1345, %get3A_1346] {strides = array<i32>} : memref<128x128xf32, #tpu.memory_space<vmem>>, vector<1x16xf32>,
        %get3A_1348 = vector.shape_cast %get3A_1347 : vector<1x16xf32> to vector<16xf32>
        %mul3A_1349 = arith.mulf %get3A_1348, %gather3A_1290 : vector<16xf32>
        %swap3A_1350 = arith.index_cast %add3A_1294 : i32 to index
        %swap3A_1351 = arith.constant 80 : index
        %swap3A_1352 = tpu.vector_load %arg8[%swap3A_1350, %swap3A_1351] {strides = array<i32>} : memref<128x128xf32, #tpu.memory_space<vmem>>, vector<1x16xf32>,
        %swap3A_1353 = vector.shape_cast %swap3A_1352 : vector<1x16xf32> to vector<16xf32>
        %swap3A_1354 = vector.shape_cast %mul3A_1349 : vector<16xf32> to vector<1x16xf32>
        tpu.vector_store %arg8[%swap3A_1350, %swap3A_1351], %swap3A_1354 {strides = array<i32>} : memref<128x128xf32, #tpu.memory_space<vmem>>, vector<1x16xf32>,
        %get3A_1355 = arith.index_cast %add3A_1294 : i32 to index
        %get3A_1356 = arith.constant 96 : index
        %get3A_1357 = tpu.vector_load %arg8[%get3A_1355, %get3A_1356] {strides = array<i32>} : memref<128x128xf32, #tpu.memory_space<vmem>>, vector<1x16xf32>,
        %get3A_1358 = vector.shape_cast %get3A_1357 : vector<1x16xf32> to vector<16xf32>
        %mul3A_1359 = arith.mulf %get3A_1358, %gather3A_1290 : vector<16xf32>
        %swap3A_1360 = arith.index_cast %add3A_1294 : i32 to index
        %swap3A_1361 = arith.constant 96 : index
        %swap3A_1362 = tpu.vector_load %arg8[%swap3A_1360, %swap3A_1361] {strides = array<i32>} : memref<128x128xf32, #tpu.memory_space<vmem>>, vector<1x16xf32>,
        %swap3A_1363 = vector.shape_cast %swap3A_1362 : vector<1x16xf32> to vector<16xf32>
        %swap3A_1364 = vector.shape_cast %mul3A_1359 : vector<16xf32> to vector<1x16xf32>
        tpu.vector_store %arg8[%swap3A_1360, %swap3A_1361], %swap3A_1364 {strides = array<i32>} : memref<128x128xf32, #tpu.memory_space<vmem>>, vector<1x16xf32>,
        %get3A_1365 = arith.index_cast %add3A_1294 : i32 to index
        %get3A_1366 = arith.constant 112 : index
        %get3A_1367 = tpu.vector_load %arg8[%get3A_1365, %get3A_1366] {strides = array<i32>} : memref<128x128xf32, #tpu.memory_space<vmem>>, vector<1x16xf32>,
        %get3A_1368 = vector.shape_cast %get3A_1367 : vector<1x16xf32> to vector<16xf32>
        %mul3A_1369 = arith.mulf %get3A_1368, %gather3A_1290 : vector<16xf32>
        %swap3A_1370 = arith.index_cast %add3A_1294 : i32 to index
        %swap3A_1371 = arith.constant 112 : index
        %swap3A_1372 = tpu.vector_load %arg8[%swap3A_1370, %swap3A_1371] {strides = array<i32>} : memref<128x128xf32, #tpu.memory_space<vmem>>, vector<1x16xf32>,
        %swap3A_1373 = vector.shape_cast %swap3A_1372 : vector<1x16xf32> to vector<16xf32>
        %swap3A_1374 = vector.shape_cast %mul3A_1369 : vector<16xf32> to vector<1x16xf32>
        tpu.vector_store %arg8[%swap3A_1370, %swap3A_1371], %swap3A_1374 {strides = array<i32>} : memref<128x128xf32, #tpu.memory_space<vmem>>, vector<1x16xf32>,
        %broadcast_in_dim3A_1375 = arith.constant 15 : i32
        %broadcast_in_dim3A_1376 = vector.broadcast %broadcast_in_dim3A_1375 : i32 to vector<16xi32>
        %broadcast_in_dim3A_1377 = vector.shape_cast %broadcast_in_dim3A_1376 : vector<16xi32> to vector<16x1xi32>
        %gather3A_1378 = vector.shape_cast %broadcast_in_dim3A_1377 : vector<16x1xi32> to vector<16xi32>
        %gather3A_1379 = tpu.dynamic_gather %get3A_42[%gather3A_1378] in [0] : vector<16xf32>, vector<16xi32> -> vector<16xf32>
        %mul3A_1380 = arith.constant 16 : i32
        %mul3A_1381 = arith.muli %scan3A_38, %mul3A_1380 : i32
        %add3A_1382 = arith.constant 15 : i32
        %add3A_1383 = arith.addi %mul3A_1381, %add3A_1382 : i32
        %get3A_1384 = arith.index_cast %add3A_1383 : i32 to index
        %get3A_1385 = arith.constant 0 : index
        %get3A_1386 = tpu.vector_load %arg8[%get3A_1384, %get3A_1385] {strides = array<i32>} : memref<128x128xf32, #tpu.memory_space<vmem>>, vector<1x16xf32>,
        %get3A_1387 = vector.shape_cast %get3A_1386 : vector<1x16xf32> to vector<16xf32>
        %mul3A_1388 = arith.mulf %get3A_1387, %gather3A_1379 : vector<16xf32>
        %swap3A_1389 = arith.index_cast %add3A_1383 : i32 to index
        %swap3A_1390 = arith.constant 0 : index
        %swap3A_1391 = tpu.vector_load %arg8[%swap3A_1389, %swap3A_1390] {strides = array<i32>} : memref<128x128xf32, #tpu.memory_space<vmem>>, vector<1x16xf32>,
        %swap3A_1392 = vector.shape_cast %swap3A_1391 : vector<1x16xf32> to vector<16xf32>
        %swap3A_1393 = vector.shape_cast %mul3A_1388 : vector<16xf32> to vector<1x16xf32>
        tpu.vector_store %arg8[%swap3A_1389, %swap3A_1390], %swap3A_1393 {strides = array<i32>} : memref<128x128xf32, #tpu.memory_space<vmem>>, vector<1x16xf32>,
        %get3A_1394 = arith.index_cast %add3A_1383 : i32 to index
        %get3A_1395 = arith.constant 16 : index
        %get3A_1396 = tpu.vector_load %arg8[%get3A_1394, %get3A_1395] {strides = array<i32>} : memref<128x128xf32, #tpu.memory_space<vmem>>, vector<1x16xf32>,
        %get3A_1397 = vector.shape_cast %get3A_1396 : vector<1x16xf32> to vector<16xf32>
        %mul3A_1398 = arith.mulf %get3A_1397, %gather3A_1379 : vector<16xf32>
        %swap3A_1399 = arith.index_cast %add3A_1383 : i32 to index
        %swap3A_1400 = arith.constant 16 : index
        %swap3A_1401 = tpu.vector_load %arg8[%swap3A_1399, %swap3A_1400] {strides = array<i32>} : memref<128x128xf32, #tpu.memory_space<vmem>>, vector<1x16xf32>,
        %swap3A_1402 = vector.shape_cast %swap3A_1401 : vector<1x16xf32> to vector<16xf32>
        %swap3A_1403 = vector.shape_cast %mul3A_1398 : vector<16xf32> to vector<1x16xf32>
        tpu.vector_store %arg8[%swap3A_1399, %swap3A_1400], %swap3A_1403 {strides = array<i32>} : memref<128x128xf32, #tpu.memory_space<vmem>>, vector<1x16xf32>,
        %get3A_1404 = arith.index_cast %add3A_1383 : i32 to index
        %get3A_1405 = arith.constant 32 : index
        %get3A_1406 = tpu.vector_load %arg8[%get3A_1404, %get3A_1405] {strides = array<i32>} : memref<128x128xf32, #tpu.memory_space<vmem>>, vector<1x16xf32>,
        %get3A_1407 = vector.shape_cast %get3A_1406 : vector<1x16xf32> to vector<16xf32>
        %mul3A_1408 = arith.mulf %get3A_1407, %gather3A_1379 : vector<16xf32>
        %swap3A_1409 = arith.index_cast %add3A_1383 : i32 to index
        %swap3A_1410 = arith.constant 32 : index
        %swap3A_1411 = tpu.vector_load %arg8[%swap3A_1409, %swap3A_1410] {strides = array<i32>} : memref<128x128xf32, #tpu.memory_space<vmem>>, vector<1x16xf32>,
        %swap3A_1412 = vector.shape_cast %swap3A_1411 : vector<1x16xf32> to vector<16xf32>
        %swap3A_1413 = vector.shape_cast %mul3A_1408 : vector<16xf32> to vector<1x16xf32>
        tpu.vector_store %arg8[%swap3A_1409, %swap3A_1410], %swap3A_1413 {strides = array<i32>} : memref<128x128xf32, #tpu.memory_space<vmem>>, vector<1x16xf32>,
        %get3A_1414 = arith.index_cast %add3A_1383 : i32 to index
        %get3A_1415 = arith.constant 48 : index
        %get3A_1416 = tpu.vector_load %arg8[%get3A_1414, %get3A_1415] {strides = array<i32>} : memref<128x128xf32, #tpu.memory_space<vmem>>, vector<1x16xf32>,
        %get3A_1417 = vector.shape_cast %get3A_1416 : vector<1x16xf32> to vector<16xf32>
        %mul3A_1418 = arith.mulf %get3A_1417, %gather3A_1379 : vector<16xf32>
        %swap3A_1419 = arith.index_cast %add3A_1383 : i32 to index
        %swap3A_1420 = arith.constant 48 : index
        %swap3A_1421 = tpu.vector_load %arg8[%swap3A_1419, %swap3A_1420] {strides = array<i32>} : memref<128x128xf32, #tpu.memory_space<vmem>>, vector<1x16xf32>,
        %swap3A_1422 = vector.shape_cast %swap3A_1421 : vector<1x16xf32> to vector<16xf32>
        %swap3A_1423 = vector.shape_cast %mul3A_1418 : vector<16xf32> to vector<1x16xf32>
        tpu.vector_store %arg8[%swap3A_1419, %swap3A_1420], %swap3A_1423 {strides = array<i32>} : memref<128x128xf32, #tpu.memory_space<vmem>>, vector<1x16xf32>,
        %get3A_1424 = arith.index_cast %add3A_1383 : i32 to index
        %get3A_1425 = arith.constant 64 : index
        %get3A_1426 = tpu.vector_load %arg8[%get3A_1424, %get3A_1425] {strides = array<i32>} : memref<128x128xf32, #tpu.memory_space<vmem>>, vector<1x16xf32>,
        %get3A_1427 = vector.shape_cast %get3A_1426 : vector<1x16xf32> to vector<16xf32>
        %mul3A_1428 = arith.mulf %get3A_1427, %gather3A_1379 : vector<16xf32>
        %swap3A_1429 = arith.index_cast %add3A_1383 : i32 to index
        %swap3A_1430 = arith.constant 64 : index
        %swap3A_1431 = tpu.vector_load %arg8[%swap3A_1429, %swap3A_1430] {strides = array<i32>} : memref<128x128xf32, #tpu.memory_space<vmem>>, vector<1x16xf32>,
        %swap3A_1432 = vector.shape_cast %swap3A_1431 : vector<1x16xf32> to vector<16xf32>
        %swap3A_1433 = vector.shape_cast %mul3A_1428 : vector<16xf32> to vector<1x16xf32>
        tpu.vector_store %arg8[%swap3A_1429, %swap3A_1430], %swap3A_1433 {strides = array<i32>} : memref<128x128xf32, #tpu.memory_space<vmem>>, vector<1x16xf32>,
        %get3A_1434 = arith.index_cast %add3A_1383 : i32 to index
        %get3A_1435 = arith.constant 80 : index
        %get3A_1436 = tpu.vector_load %arg8[%get3A_1434, %get3A_1435] {strides = array<i32>} : memref<128x128xf32, #tpu.memory_space<vmem>>, vector<1x16xf32>,
        %get3A_1437 = vector.shape_cast %get3A_1436 : vector<1x16xf32> to vector<16xf32>
        %mul3A_1438 = arith.mulf %get3A_1437, %gather3A_1379 : vector<16xf32>
        %swap3A_1439 = arith.index_cast %add3A_1383 : i32 to index
        %swap3A_1440 = arith.constant 80 : index
        %swap3A_1441 = tpu.vector_load %arg8[%swap3A_1439, %swap3A_1440] {strides = array<i32>} : memref<128x128xf32, #tpu.memory_space<vmem>>, vector<1x16xf32>,
        %swap3A_1442 = vector.shape_cast %swap3A_1441 : vector<1x16xf32> to vector<16xf32>
        %swap3A_1443 = vector.shape_cast %mul3A_1438 : vector<16xf32> to vector<1x16xf32>
        tpu.vector_store %arg8[%swap3A_1439, %swap3A_1440], %swap3A_1443 {strides = array<i32>} : memref<128x128xf32, #tpu.memory_space<vmem>>, vector<1x16xf32>,
        %get3A_1444 = arith.index_cast %add3A_1383 : i32 to index
        %get3A_1445 = arith.constant 96 : index
        %get3A_1446 = tpu.vector_load %arg8[%get3A_1444, %get3A_1445] {strides = array<i32>} : memref<128x128xf32, #tpu.memory_space<vmem>>, vector<1x16xf32>,
        %get3A_1447 = vector.shape_cast %get3A_1446 : vector<1x16xf32> to vector<16xf32>
        %mul3A_1448 = arith.mulf %get3A_1447, %gather3A_1379 : vector<16xf32>
        %swap3A_1449 = arith.index_cast %add3A_1383 : i32 to index
        %swap3A_1450 = arith.constant 96 : index
        %swap3A_1451 = tpu.vector_load %arg8[%swap3A_1449, %swap3A_1450] {strides = array<i32>} : memref<128x128xf32, #tpu.memory_space<vmem>>, vector<1x16xf32>,
        %swap3A_1452 = vector.shape_cast %swap3A_1451 : vector<1x16xf32> to vector<16xf32>
        %swap3A_1453 = vector.shape_cast %mul3A_1448 : vector<16xf32> to vector<1x16xf32>
        tpu.vector_store %arg8[%swap3A_1449, %swap3A_1450], %swap3A_1453 {strides = array<i32>} : memref<128x128xf32, #tpu.memory_space<vmem>>, vector<1x16xf32>,
        %get3A_1454 = arith.index_cast %add3A_1383 : i32 to index
        %get3A_1455 = arith.constant 112 : index
        %get3A_1456 = tpu.vector_load %arg8[%get3A_1454, %get3A_1455] {strides = array<i32>} : memref<128x128xf32, #tpu.memory_space<vmem>>, vector<1x16xf32>,
        %get3A_1457 = vector.shape_cast %get3A_1456 : vector<1x16xf32> to vector<16xf32>
        %mul3A_1458 = arith.mulf %get3A_1457, %gather3A_1379 : vector<16xf32>
        %swap3A_1459 = arith.index_cast %add3A_1383 : i32 to index
        %swap3A_1460 = arith.constant 112 : index
        %swap3A_1461 = tpu.vector_load %arg8[%swap3A_1459, %swap3A_1460] {strides = array<i32>} : memref<128x128xf32, #tpu.memory_space<vmem>>, vector<1x16xf32>,
        %swap3A_1462 = vector.shape_cast %swap3A_1461 : vector<1x16xf32> to vector<16xf32>
        %swap3A_1463 = vector.shape_cast %mul3A_1458 : vector<16xf32> to vector<1x16xf32>
        tpu.vector_store %arg8[%swap3A_1459, %swap3A_1460], %swap3A_1463 {strides = array<i32>} : memref<128x128xf32, #tpu.memory_space<vmem>>, vector<1x16xf32>,
      }
      %scan3A_37 = arith.constant 8 : i32
      "tpu.region"() ({
        %run_scoped3A = tpu.sem_alloc : memref<!tpu.dma_semaphore, #tpu.memory_space<semaphore_mem>>
        %dma_start3A_38 = arith.constant 0 : i32
        %dma_start3A_39 = arith.constant 0 : i32
        %dma_start3A_40 = tpu.memref_slice %arg12[%dma_start3A_38, %dma_start3A_39] : memref<10000x128xf32, #tpu.memory_space<vmem_shared>> -> memref<10000x128xf32, #tpu.memory_space<vmem_shared>>
        tpu.enqueue_indirect_dma source(%arg8 : memref<128x128xf32, #tpu.memory_space<vmem>>) target(%dma_start3A_40 : memref<10000x128xf32, #tpu.memory_space<vmem_shared>>) offsets(%arg9 : memref<128xi32, #tpu.memory_space<vmem>>) semaphore(%run_scoped3A : memref<!tpu.dma_semaphore, #tpu.memory_space<semaphore_mem>>) {add = true}
        %dma_wait3A_41 = arith.constant 0 : i32
        %dma_wait3A_42 = arith.constant 0 : i32
        %dma_wait3A_43 = tpu.memref_slice %arg12[%dma_wait3A_41, %dma_wait3A_42] : memref<10000x128xf32, #tpu.memory_space<vmem_shared>> -> memref<10000x128xf32, #tpu.memory_space<vmem_shared>>
        tpu.wait_indirect_dma semaphore(%run_scoped3A : memref<!tpu.dma_semaphore, #tpu.memory_space<semaphore_mem>>) src(%arg8 : memref<128x128xf32, #tpu.memory_space<vmem>>) dst(%dma_wait3A_43 : memref<10000x128xf32, #tpu.memory_space<vmem_shared>>)
        tpu.yield
      }) : () -> ()
    }
    %scan3A_11 = arith.constant 79 : i32
    %barrier3A_12 = arith.constant 0 : index
    tpu.barrier barrier_id(%barrier3A_12)
    %mul3A_13 = arith.constant 624 : i32
    %mul3A_14 = arith.muli %arg1, %mul3A_13 : i32
    %mul3A_15 = arith.constant 624 : i32
    %mul3A_16 = arith.muli %arg1, %mul3A_15 : i32
    "tpu.region"() ({
      %run_scoped3A = tpu.sem_alloc : memref<!tpu.dma_semaphore, #tpu.memory_space<semaphore_mem>>
      %dma_start3A = arith.constant 0 : i32
      %dma_start3A_22 = tpu.memref_slice %arg7[%arg0, %mul3A_16, %dma_start3A] : memref<2x10000x128xf32, #tpu.memory_space<hbm>> -> memref<1x624x128xf32, #tpu.memory_space<hbm>>
      %dma_start3A_23 = tpu.memref_squeeze %dma_start3A_22 : memref<1x624x128xf32, #tpu.memory_space<hbm>> -> memref<624x128xf32, #tpu.memory_space<hbm>>
      %dma_start3A_24 = arith.constant 0 : i32
      %dma_start3A_25 = tpu.memref_slice %arg12[%mul3A_14, %dma_start3A_24] : memref<10000x128xf32, #tpu.memory_space<vmem_shared>> -> memref<624x128xf32, #tpu.memory_space<vmem_shared>>
      tpu.enqueue_dma source(%dma_start3A_25 : memref<624x128xf32, #tpu.memory_space<vmem_shared>>) target(%dma_start3A_23 : memref<624x128xf32, #tpu.memory_space<hbm>>) target_semaphore(%run_scoped3A : memref<!tpu.dma_semaphore, #tpu.memory_space<semaphore_mem>>)
      %dma_wait3A = arith.constant 0 : i32
      %dma_wait3A_26 = tpu.memref_slice %arg7[%arg0, %mul3A_16, %dma_wait3A] : memref<2x10000x128xf32, #tpu.memory_space<hbm>> -> memref<1x624x128xf32, #tpu.memory_space<hbm>>
      %dma_wait3A_27 = tpu.memref_squeeze %dma_wait3A_26 : memref<1x624x128xf32, #tpu.memory_space<hbm>> -> memref<624x128xf32, #tpu.memory_space<hbm>>
      %dma_wait3A_28 = arith.constant 0 : i32
      %dma_wait3A_29 = tpu.memref_slice %arg12[%mul3A_14, %dma_wait3A_28] : memref<10000x128xf32, #tpu.memory_space<vmem_shared>> -> memref<624x128xf32, #tpu.memory_space<vmem_shared>>
      tpu.wait_dma2 semaphore(%run_scoped3A : memref<!tpu.dma_semaphore, #tpu.memory_space<semaphore_mem>>) src(%dma_wait3A_29 : memref<624x128xf32, #tpu.memory_space<vmem_shared>>) dst(%dma_wait3A_27 : memref<624x128xf32, #tpu.memory_space<hbm>>)
      tpu.yield
    }) : () -> ()
    %eq3A_17 = arith.constant 15 : i32
    %eq3A_18 = arith.cmpi eq, %arg1, %eq3A_17 : i32
    %convert_element_type3A_19 = arith.extui %eq3A_18 : i1 to i32
    %cond3A_20 = arith.constant 0 : i32
    %cond3A_21 = arith.cmpi ne, %convert_element_type3A_19, %cond3A_20 : i32
    scf.if %cond3A_21 {
      "tpu.region"() ({
        %run_scoped3A = tpu.sem_alloc : memref<!tpu.dma_semaphore, #tpu.memory_space<semaphore_mem>>
        %dma_start3A = arith.constant 9984 : i32
        %dma_start3A_22 = arith.constant 0 : i32
        %dma_start3A_23 = tpu.memref_slice %arg7[%arg0, %dma_start3A, %dma_start3A_22] : memref<2x10000x128xf32, #tpu.memory_space<hbm>> -> memref<1x16x128xf32, #tpu.memory_space<hbm>>
        %dma_start3A_24 = tpu.memref_squeeze %dma_start3A_23 : memref<1x16x128xf32, #tpu.memory_space<hbm>> -> memref<16x128xf32, #tpu.memory_space<hbm>>
        %dma_start3A_25 = arith.constant 9984 : i32
        %dma_start3A_26 = arith.constant 0 : i32
        %dma_start3A_27 = tpu.memref_slice %arg12[%dma_start3A_25, %dma_start3A_26] : memref<10000x128xf32, #tpu.memory_space<vmem_shared>> -> memref<16x128xf32, #tpu.memory_space<vmem_shared>>
        tpu.enqueue_dma source(%dma_start3A_27 : memref<16x128xf32, #tpu.memory_space<vmem_shared>>) target(%dma_start3A_24 : memref<16x128xf32, #tpu.memory_space<hbm>>) target_semaphore(%run_scoped3A : memref<!tpu.dma_semaphore, #tpu.memory_space<semaphore_mem>>)
        %dma_wait3A = arith.constant 9984 : i32
        %dma_wait3A_28 = arith.constant 0 : i32
        %dma_wait3A_29 = tpu.memref_slice %arg7[%arg0, %dma_wait3A, %dma_wait3A_28] : memref<2x10000x128xf32, #tpu.memory_space<hbm>> -> memref<1x16x128xf32, #tpu.memory_space<hbm>>
        %dma_wait3A_30 = tpu.memref_squeeze %dma_wait3A_29 : memref<1x16x128xf32, #tpu.memory_space<hbm>> -> memref<16x128xf32, #tpu.memory_space<hbm>>
        %dma_wait3A_31 = arith.constant 9984 : i32
        %dma_wait3A_32 = arith.constant 0 : i32
        %dma_wait3A_33 = tpu.memref_slice %arg12[%dma_wait3A_31, %dma_wait3A_32] : memref<10000x128xf32, #tpu.memory_space<vmem_shared>> -> memref<16x128xf32, #tpu.memory_space<vmem_shared>>
        tpu.wait_dma2 semaphore(%run_scoped3A : memref<!tpu.dma_semaphore, #tpu.memory_space<semaphore_mem>>) src(%dma_wait3A_33 : memref<16x128xf32, #tpu.memory_space<vmem_shared>>) dst(%dma_wait3A_30 : memref<16x128xf32, #tpu.memory_space<hbm>>)
        tpu.yield
      }) : () -> ()
    } else {
    }
    return
  }
}

#map = affine_map<(d0, d1) -> (0)>
#map1 = affine_map<(d0, d1) -> (0, 0)>
#map2 = affine_map<(d0, d1) -> (0, 0, 0)>
module attributes {stable_mosaic.version = 14 : i64} {
  func.func @spmm(%arg0: i32, %arg1: i32, %arg2: memref<323584xi32, #tpu.memory_space<hbm>>, %arg3: memref<323584xi32, #tpu.memory_space<hbm>>, %arg4: memref<323584xf32, #tpu.memory_space<hbm>>, %arg5: memref<10000x128xf32, #tpu.memory_space<hbm>>, %arg6: memref<2x10000x128xf32, #tpu.memory_space<hbm>>, %arg7: memref<2x10000x128xf32, #tpu.memory_space<hbm>>, %arg8: memref<128x128xf32, #tpu.memory_space<vmem>>, %arg9: memref<128xi32, #tpu.memory_space<vmem>>, %arg10: memref<128xi32, #tpu.memory_space<vmem>>, %arg11: memref<128xf32, #tpu.memory_space<vmem>>, %arg12: memref<10000x128xf32, #tpu.memory_space<vmem_shared>>, %arg13: memref<!tpu.dma_semaphore, #tpu.memory_space<semaphore_mem>>) attributes {dimension_semantics = [#tpu.dimension_semantics<core_parallel>, #tpu.dimension_semantics<subcore_parallel>], iteration_bounds = array<i64: 2, 16>, scalar_prefetch = 0 : i64, scratch_operands = 6 : i64, tpu.core_type = #tpu.core_type<sc_vector_subcore>, window_params = [{transform_indices = #map}, {transform_indices = #map}, {transform_indices = #map}, {transform_indices = #map1}, {transform_indices = #map2}, {transform_indices = #map2}]} {
    %mul3A = arith.constant 16 : i32
    %mul3A_0 = arith.muli %arg0, %mul3A : i32
    %add3A = arith.addi %mul3A_0, %arg1 : i32
    %mul3A_1 = arith.constant 624 : i32
    %mul3A_2 = arith.muli %arg1, %mul3A_1 : i32
    %mul3A_3 = arith.constant 624 : i32
    %mul3A_4 = arith.muli %arg1, %mul3A_3 : i32
    "tpu.region"() ({
      %run_scoped3A = tpu.sem_alloc : memref<!tpu.dma_semaphore, #tpu.memory_space<semaphore_mem>>
      %dma_start3A = arith.constant 0 : i32
      %dma_start3A_22 = tpu.memref_slice %arg12[%mul3A_4, %dma_start3A] : memref<10000x128xf32, #tpu.memory_space<vmem_shared>> -> memref<624x128xf32, #tpu.memory_space<vmem_shared>>
      %dma_start3A_23 = arith.constant 0 : i32
      %dma_start3A_24 = tpu.memref_slice %arg6[%arg0, %mul3A_2, %dma_start3A_23] : memref<2x10000x128xf32, #tpu.memory_space<hbm>> -> memref<1x624x128xf32, #tpu.memory_space<hbm>>
      %dma_start3A_25 = tpu.memref_squeeze %dma_start3A_24 : memref<1x624x128xf32, #tpu.memory_space<hbm>> -> memref<624x128xf32, #tpu.memory_space<hbm>>
      tpu.enqueue_dma source(%dma_start3A_25 : memref<624x128xf32, #tpu.memory_space<hbm>>) target(%dma_start3A_22 : memref<624x128xf32, #tpu.memory_space<vmem_shared>>) target_semaphore(%run_scoped3A : memref<!tpu.dma_semaphore, #tpu.memory_space<semaphore_mem>>)
      %dma_wait3A = arith.constant 0 : i32
      %dma_wait3A_26 = tpu.memref_slice %arg12[%mul3A_4, %dma_wait3A] : memref<10000x128xf32, #tpu.memory_space<vmem_shared>> -> memref<624x128xf32, #tpu.memory_space<vmem_shared>>
      %dma_wait3A_27 = arith.constant 0 : i32
      %dma_wait3A_28 = tpu.memref_slice %arg6[%arg0, %mul3A_2, %dma_wait3A_27] : memref<2x10000x128xf32, #tpu.memory_space<hbm>> -> memref<1x624x128xf32, #tpu.memory_space<hbm>>
      %dma_wait3A_29 = tpu.memref_squeeze %dma_wait3A_28 : memref<1x624x128xf32, #tpu.memory_space<hbm>> -> memref<624x128xf32, #tpu.memory_space<hbm>>
      tpu.wait_dma2 semaphore(%run_scoped3A : memref<!tpu.dma_semaphore, #tpu.memory_space<semaphore_mem>>) src(%dma_wait3A_29 : memref<624x128xf32, #tpu.memory_space<hbm>>) dst(%dma_wait3A_26 : memref<624x128xf32, #tpu.memory_space<vmem_shared>>)
      tpu.yield
    }) : () -> ()
    %eq3A = arith.constant 15 : i32
    %eq3A_5 = arith.cmpi eq, %arg1, %eq3A : i32
    %convert_element_type3A = arith.extui %eq3A_5 : i1 to i32
    %cond3A = arith.constant 0 : i32
    %cond3A_6 = arith.cmpi ne, %convert_element_type3A, %cond3A : i32
    scf.if %cond3A_6 {
      "tpu.region"() ({
        %run_scoped3A = tpu.sem_alloc : memref<!tpu.dma_semaphore, #tpu.memory_space<semaphore_mem>>
        %dma_start3A = arith.constant 9984 : i32
        %dma_start3A_22 = arith.constant 0 : i32
        %dma_start3A_23 = tpu.memref_slice %arg12[%dma_start3A, %dma_start3A_22] : memref<10000x128xf32, #tpu.memory_space<vmem_shared>> -> memref<16x128xf32, #tpu.memory_space<vmem_shared>>
        %dma_start3A_24 = arith.constant 9984 : i32
        %dma_start3A_25 = arith.constant 0 : i32
        %dma_start3A_26 = tpu.memref_slice %arg6[%arg0, %dma_start3A_24, %dma_start3A_25] : memref<2x10000x128xf32, #tpu.memory_space<hbm>> -> memref<1x16x128xf32, #tpu.memory_space<hbm>>
        %dma_start3A_27 = tpu.memref_squeeze %dma_start3A_26 : memref<1x16x128xf32, #tpu.memory_space<hbm>> -> memref<16x128xf32, #tpu.memory_space<hbm>>
        tpu.enqueue_dma source(%dma_start3A_27 : memref<16x128xf32, #tpu.memory_space<hbm>>) target(%dma_start3A_23 : memref<16x128xf32, #tpu.memory_space<vmem_shared>>) target_semaphore(%run_scoped3A : memref<!tpu.dma_semaphore, #tpu.memory_space<semaphore_mem>>)
        %dma_wait3A = arith.constant 9984 : i32
        %dma_wait3A_28 = arith.constant 0 : i32
        %dma_wait3A_29 = tpu.memref_slice %arg12[%dma_wait3A, %dma_wait3A_28] : memref<10000x128xf32, #tpu.memory_space<vmem_shared>> -> memref<16x128xf32, #tpu.memory_space<vmem_shared>>
        %dma_wait3A_30 = arith.constant 9984 : i32
        %dma_wait3A_31 = arith.constant 0 : i32
        %dma_wait3A_32 = tpu.memref_slice %arg6[%arg0, %dma_wait3A_30, %dma_wait3A_31] : memref<2x10000x128xf32, #tpu.memory_space<hbm>> -> memref<1x16x128xf32, #tpu.memory_space<hbm>>
        %dma_wait3A_33 = tpu.memref_squeeze %dma_wait3A_32 : memref<1x16x128xf32, #tpu.memory_space<hbm>> -> memref<16x128xf32, #tpu.memory_space<hbm>>
        tpu.wait_dma2 semaphore(%run_scoped3A : memref<!tpu.dma_semaphore, #tpu.memory_space<semaphore_mem>>) src(%dma_wait3A_33 : memref<16x128xf32, #tpu.memory_space<hbm>>) dst(%dma_wait3A_29 : memref<16x128xf32, #tpu.memory_space<vmem_shared>>)
        tpu.yield
      }) : () -> ()
    } else {
    }
    %barrier3A = arith.constant 0 : index
    tpu.barrier barrier_id(%barrier3A)
    %scan3A = arith.constant 0 : i32
    %scan3A_7 = arith.constant 0 : i32
    %scan3A_8 = arith.constant 79 : i32
    %scan3A_9 = arith.addi %scan3A_7, %scan3A_8 : i32
    %scan3A_10 = arith.constant 1 : i32
    scf.for %scan3A_22 = %scan3A_7 to %scan3A_9 step %scan3A_10  : i32 {
      %mul3A_23 = arith.constant 32 : i32
      %mul3A_24 = arith.muli %scan3A_22, %mul3A_23 : i32
      %add3A_25 = arith.addi %add3A, %mul3A_24 : i32
      %mul3A_26 = arith.constant 128 : i32
      %mul3A_27 = arith.muli %add3A_25, %mul3A_26 : i32
      "tpu.region"() ({
        %run_scoped3A = tpu.sem_alloc : memref<!tpu.dma_semaphore, #tpu.memory_space<semaphore_mem>>
        %dma_start3A_38 = tpu.memref_slice %arg2[%mul3A_27] : memref<323584xi32, #tpu.memory_space<hbm>> -> memref<128xi32, #tpu.memory_space<hbm>>
        %dma_start3A_39 = tpu.memref_slice %arg2[%mul3A_27] : memref<323584xi32, #tpu.memory_space<hbm>> -> memref<128xi32, #tpu.memory_space<hbm>>
        tpu.enqueue_dma source(%dma_start3A_39 : memref<128xi32, #tpu.memory_space<hbm>>) target(%arg9 : memref<128xi32, #tpu.memory_space<vmem>>) target_semaphore(%run_scoped3A : memref<!tpu.dma_semaphore, #tpu.memory_space<semaphore_mem>>)
        %dma_wait3A_40 = tpu.memref_slice %arg2[%mul3A_27] : memref<323584xi32, #tpu.memory_space<hbm>> -> memref<128xi32, #tpu.memory_space<hbm>>
        %dma_wait3A_41 = tpu.memref_slice %arg2[%mul3A_27] : memref<323584xi32, #tpu.memory_space<hbm>> -> memref<128xi32, #tpu.memory_space<hbm>>
        tpu.wait_dma2 semaphore(%run_scoped3A : memref<!tpu.dma_semaphore, #tpu.memory_space<semaphore_mem>>) src(%dma_wait3A_41 : memref<128xi32, #tpu.memory_space<hbm>>) dst(%arg9 : memref<128xi32, #tpu.memory_space<vmem>>)
        tpu.yield
      }) : () -> ()
      "tpu.region"() ({
        %run_scoped3A = tpu.sem_alloc : memref<!tpu.dma_semaphore, #tpu.memory_space<semaphore_mem>>
        %dma_start3A_38 = tpu.memref_slice %arg3[%mul3A_27] : memref<323584xi32, #tpu.memory_space<hbm>> -> memref<128xi32, #tpu.memory_space<hbm>>
        %dma_start3A_39 = tpu.memref_slice %arg3[%mul3A_27] : memref<323584xi32, #tpu.memory_space<hbm>> -> memref<128xi32, #tpu.memory_space<hbm>>
        tpu.enqueue_dma source(%dma_start3A_39 : memref<128xi32, #tpu.memory_space<hbm>>) target(%arg10 : memref<128xi32, #tpu.memory_space<vmem>>) target_semaphore(%run_scoped3A : memref<!tpu.dma_semaphore, #tpu.memory_space<semaphore_mem>>)
        %dma_wait3A_40 = tpu.memref_slice %arg3[%mul3A_27] : memref<323584xi32, #tpu.memory_space<hbm>> -> memref<128xi32, #tpu.memory_space<hbm>>
        %dma_wait3A_41 = tpu.memref_slice %arg3[%mul3A_27] : memref<323584xi32, #tpu.memory_space<hbm>> -> memref<128xi32, #tpu.memory_space<hbm>>
        tpu.wait_dma2 semaphore(%run_scoped3A : memref<!tpu.dma_semaphore, #tpu.memory_space<semaphore_mem>>) src(%dma_wait3A_41 : memref<128xi32, #tpu.memory_space<hbm>>) dst(%arg10 : memref<128xi32, #tpu.memory_space<vmem>>)
        tpu.yield
      }) : () -> ()
      "tpu.region"() ({
        %run_scoped3A = tpu.sem_alloc : memref<!tpu.dma_semaphore, #tpu.memory_space<semaphore_mem>>
        %dma_start3A_38 = tpu.memref_slice %arg4[%mul3A_27] : memref<323584xf32, #tpu.memory_space<hbm>> -> memref<128xf32, #tpu.memory_space<hbm>>
        %dma_start3A_39 = tpu.memref_slice %arg4[%mul3A_27] : memref<323584xf32, #tpu.memory_space<hbm>> -> memref<128xf32, #tpu.memory_space<hbm>>
        tpu.enqueue_dma source(%dma_start3A_39 : memref<128xf32, #tpu.memory_space<hbm>>) target(%arg11 : memref<128xf32, #tpu.memory_space<vmem>>) target_semaphore(%run_scoped3A : memref<!tpu.dma_semaphore, #tpu.memory_space<semaphore_mem>>)
        %dma_wait3A_40 = tpu.memref_slice %arg4[%mul3A_27] : memref<323584xf32, #tpu.memory_space<hbm>> -> memref<128xf32, #tpu.memory_space<hbm>>
        %dma_wait3A_41 = tpu.memref_slice %arg4[%mul3A_27] : memref<323584xf32, #tpu.memory_space<hbm>> -> memref<128xf32, #tpu.memory_space<hbm>>
        tpu.wait_dma2 semaphore(%run_scoped3A : memref<!tpu.dma_semaphore, #tpu.memory_space<semaphore_mem>>) src(%dma_wait3A_41 : memref<128xf32, #tpu.memory_space<hbm>>) dst(%arg11 : memref<128xf32, #tpu.memory_space<vmem>>)
        tpu.yield
      }) : () -> ()
      %dma_start3A = arith.constant 0 : i32
      %dma_start3A_28 = arith.constant 0 : i32
      %dma_start3A_29 = tpu.memref_slice %arg5[%dma_start3A, %dma_start3A_28] : memref<10000x128xf32, #tpu.memory_space<hbm>> -> memref<10000x128xf32, #tpu.memory_space<hbm>>
      tpu.enqueue_indirect_dma source(%dma_start3A_29 : memref<10000x128xf32, #tpu.memory_space<hbm>>) target(%arg8 : memref<128x128xf32, #tpu.memory_space<vmem>>) offsets(%arg10 : memref<128xi32, #tpu.memory_space<vmem>>) semaphore(%arg13 : memref<!tpu.dma_semaphore, #tpu.memory_space<semaphore_mem>>)
      %dma_wait3A = arith.constant 0 : i32
      %dma_wait3A_30 = arith.constant 0 : i32
      %dma_wait3A_31 = tpu.memref_slice %arg5[%dma_wait3A, %dma_wait3A_30] : memref<10000x128xf32, #tpu.memory_space<hbm>> -> memref<10000x128xf32, #tpu.memory_space<hbm>>
      tpu.wait_indirect_dma semaphore(%arg13 : memref<!tpu.dma_semaphore, #tpu.memory_space<semaphore_mem>>) src(%dma_wait3A_31 : memref<10000x128xf32, #tpu.memory_space<hbm>>) dst(%arg8 : memref<128x128xf32, #tpu.memory_space<vmem>>)
      %scan3A_32 = arith.constant 0 : i32
      %scan3A_33 = arith.constant 0 : i32
      %scan3A_34 = arith.constant 8 : i32
      %scan3A_35 = arith.addi %scan3A_33, %scan3A_34 : i32
      %scan3A_36 = arith.constant 1 : i32
      scf.for %scan3A_38 = %scan3A_33 to %scan3A_35 step %scan3A_36  : i32 {
        %mul3A_39 = arith.constant 16 : i32
        %mul3A_40 = arith.muli %scan3A_38, %mul3A_39 : i32
        %get3A = arith.index_cast %mul3A_40 : i32 to index
        %get3A_41 = tpu.vector_load %arg11[%get3A] {strides = array<i32>} : memref<128xf32, #tpu.memory_space<vmem>>, vector<16xf32>,
        %get3A_42 = vector.shape_cast %get3A_41 : vector<16xf32> to vector<16xf32>
        %broadcast_in_dim3A = arith.constant 0 : i32
        %broadcast_in_dim3A_43 = vector.broadcast %broadcast_in_dim3A : i32 to vector<16xi32>
        %broadcast_in_dim3A_44 = vector.shape_cast %broadcast_in_dim3A_43 : vector<16xi32> to vector<16x1xi32>
        %gather3A = vector.shape_cast %broadcast_in_dim3A_44 : vector<16x1xi32> to vector<16xi32>
        %gather3A_45 = tpu.dynamic_gather %get3A_42[%gather3A] in [0] : vector<16xf32>, vector<16xi32> -> vector<16xf32>
        %mul3A_46 = arith.constant 16 : i32
        %mul3A_47 = arith.muli %scan3A_38, %mul3A_46 : i32
        %add3A_48 = arith.constant 0 : i32
        %add3A_49 = arith.addi %mul3A_47, %add3A_48 : i32
        %get3A_50 = arith.index_cast %add3A_49 : i32 to index
        %get3A_51 = arith.constant 0 : index
        %get3A_52 = tpu.vector_load %arg8[%get3A_50, %get3A_51] {strides = array<i32>} : memref<128x128xf32, #tpu.memory_space<vmem>>, vector<1x16xf32>,
        %get3A_53 = vector.shape_cast %get3A_52 : vector<1x16xf32> to vector<16xf32>
        %mul3A_54 = arith.mulf %get3A_53, %gather3A_45 : vector<16xf32>
        %swap3A = arith.index_cast %add3A_49 : i32 to index
        %swap3A_55 = arith.constant 0 : index
        %swap3A_56 = tpu.vector_load %arg8[%swap3A, %swap3A_55] {strides = array<i32>} : memref<128x128xf32, #tpu.memory_space<vmem>>, vector<1x16xf32>,
        %swap3A_57 = vector.shape_cast %swap3A_56 : vector<1x16xf32> to vector<16xf32>
        %swap3A_58 = vector.shape_cast %mul3A_54 : vector<16xf32> to vector<1x16xf32>
        tpu.vector_store %arg8[%swap3A, %swap3A_55], %swap3A_58 {strides = array<i32>} : memref<128x128xf32, #tpu.memory_space<vmem>>, vector<1x16xf32>,
        %get3A_59 = arith.index_cast %add3A_49 : i32 to index
        %get3A_60 = arith.constant 16 : index
        %get3A_61 = tpu.vector_load %arg8[%get3A_59, %get3A_60] {strides = array<i32>} : memref<128x128xf32, #tpu.memory_space<vmem>>, vector<1x16xf32>,
        %get3A_62 = vector.shape_cast %get3A_61 : vector<1x16xf32> to vector<16xf32>
        %mul3A_63 = arith.mulf %get3A_62, %gather3A_45 : vector<16xf32>
        %swap3A_64 = arith.index_cast %add3A_49 : i32 to index
        %swap3A_65 = arith.constant 16 : index
        %swap3A_66 = tpu.vector_load %arg8[%swap3A_64, %swap3A_65] {strides = array<i32>} : memref<128x128xf32, #tpu.memory_space<vmem>>, vector<1x16xf32>,
        %swap3A_67 = vector.shape_cast %swap3A_66 : vector<1x16xf32> to vector<16xf32>
        %swap3A_68 = vector.shape_cast %mul3A_63 : vector<16xf32> to vector<1x16xf32>
        tpu.vector_store %arg8[%swap3A_64, %swap3A_65], %swap3A_68 {strides = array<i32>} : memref<128x128xf32, #tpu.memory_space<vmem>>, vector<1x16xf32>,
        %get3A_69 = arith.index_cast %add3A_49 : i32 to index
        %get3A_70 = arith.constant 32 : index
        %get3A_71 = tpu.vector_load %arg8[%get3A_69, %get3A_70] {strides = array<i32>} : memref<128x128xf32, #tpu.memory_space<vmem>>, vector<1x16xf32>,
        %get3A_72 = vector.shape_cast %get3A_71 : vector<1x16xf32> to vector<16xf32>
        %mul3A_73 = arith.mulf %get3A_72, %gather3A_45 : vector<16xf32>
        %swap3A_74 = arith.index_cast %add3A_49 : i32 to index
        %swap3A_75 = arith.constant 32 : index
        %swap3A_76 = tpu.vector_load %arg8[%swap3A_74, %swap3A_75] {strides = array<i32>} : memref<128x128xf32, #tpu.memory_space<vmem>>, vector<1x16xf32>,
        %swap3A_77 = vector.shape_cast %swap3A_76 : vector<1x16xf32> to vector<16xf32>
        %swap3A_78 = vector.shape_cast %mul3A_73 : vector<16xf32> to vector<1x16xf32>
        tpu.vector_store %arg8[%swap3A_74, %swap3A_75], %swap3A_78 {strides = array<i32>} : memref<128x128xf32, #tpu.memory_space<vmem>>, vector<1x16xf32>,
        %get3A_79 = arith.index_cast %add3A_49 : i32 to index
        %get3A_80 = arith.constant 48 : index
        %get3A_81 = tpu.vector_load %arg8[%get3A_79, %get3A_80] {strides = array<i32>} : memref<128x128xf32, #tpu.memory_space<vmem>>, vector<1x16xf32>,
        %get3A_82 = vector.shape_cast %get3A_81 : vector<1x16xf32> to vector<16xf32>
        %mul3A_83 = arith.mulf %get3A_82, %gather3A_45 : vector<16xf32>
        %swap3A_84 = arith.index_cast %add3A_49 : i32 to index
        %swap3A_85 = arith.constant 48 : index
        %swap3A_86 = tpu.vector_load %arg8[%swap3A_84, %swap3A_85] {strides = array<i32>} : memref<128x128xf32, #tpu.memory_space<vmem>>, vector<1x16xf32>,
        %swap3A_87 = vector.shape_cast %swap3A_86 : vector<1x16xf32> to vector<16xf32>
        %swap3A_88 = vector.shape_cast %mul3A_83 : vector<16xf32> to vector<1x16xf32>
        tpu.vector_store %arg8[%swap3A_84, %swap3A_85], %swap3A_88 {strides = array<i32>} : memref<128x128xf32, #tpu.memory_space<vmem>>, vector<1x16xf32>,
        %get3A_89 = arith.index_cast %add3A_49 : i32 to index
        %get3A_90 = arith.constant 64 : index
        %get3A_91 = tpu.vector_load %arg8[%get3A_89, %get3A_90] {strides = array<i32>} : memref<128x128xf32, #tpu.memory_space<vmem>>, vector<1x16xf32>,
        %get3A_92 = vector.shape_cast %get3A_91 : vector<1x16xf32> to vector<16xf32>
        %mul3A_93 = arith.mulf %get3A_92, %gather3A_45 : vector<16xf32>
        %swap3A_94 = arith.index_cast %add3A_49 : i32 to index
        %swap3A_95 = arith.constant 64 : index
        %swap3A_96 = tpu.vector_load %arg8[%swap3A_94, %swap3A_95] {strides = array<i32>} : memref<128x128xf32, #tpu.memory_space<vmem>>, vector<1x16xf32>,
        %swap3A_97 = vector.shape_cast %swap3A_96 : vector<1x16xf32> to vector<16xf32>
        %swap3A_98 = vector.shape_cast %mul3A_93 : vector<16xf32> to vector<1x16xf32>
        tpu.vector_store %arg8[%swap3A_94, %swap3A_95], %swap3A_98 {strides = array<i32>} : memref<128x128xf32, #tpu.memory_space<vmem>>, vector<1x16xf32>,
        %get3A_99 = arith.index_cast %add3A_49 : i32 to index
        %get3A_100 = arith.constant 80 : index
        %get3A_101 = tpu.vector_load %arg8[%get3A_99, %get3A_100] {strides = array<i32>} : memref<128x128xf32, #tpu.memory_space<vmem>>, vector<1x16xf32>,
        %get3A_102 = vector.shape_cast %get3A_101 : vector<1x16xf32> to vector<16xf32>
        %mul3A_103 = arith.mulf %get3A_102, %gather3A_45 : vector<16xf32>
        %swap3A_104 = arith.index_cast %add3A_49 : i32 to index
        %swap3A_105 = arith.constant 80 : index
        %swap3A_106 = tpu.vector_load %arg8[%swap3A_104, %swap3A_105] {strides = array<i32>} : memref<128x128xf32, #tpu.memory_space<vmem>>, vector<1x16xf32>,
        %swap3A_107 = vector.shape_cast %swap3A_106 : vector<1x16xf32> to vector<16xf32>
        %swap3A_108 = vector.shape_cast %mul3A_103 : vector<16xf32> to vector<1x16xf32>
        tpu.vector_store %arg8[%swap3A_104, %swap3A_105], %swap3A_108 {strides = array<i32>} : memref<128x128xf32, #tpu.memory_space<vmem>>, vector<1x16xf32>,
        %get3A_109 = arith.index_cast %add3A_49 : i32 to index
        %get3A_110 = arith.constant 96 : index
        %get3A_111 = tpu.vector_load %arg8[%get3A_109, %get3A_110] {strides = array<i32>} : memref<128x128xf32, #tpu.memory_space<vmem>>, vector<1x16xf32>,
        %get3A_112 = vector.shape_cast %get3A_111 : vector<1x16xf32> to vector<16xf32>
        %mul3A_113 = arith.mulf %get3A_112, %gather3A_45 : vector<16xf32>
        %swap3A_114 = arith.index_cast %add3A_49 : i32 to index
        %swap3A_115 = arith.constant 96 : index
        %swap3A_116 = tpu.vector_load %arg8[%swap3A_114, %swap3A_115] {strides = array<i32>} : memref<128x128xf32, #tpu.memory_space<vmem>>, vector<1x16xf32>,
        %swap3A_117 = vector.shape_cast %swap3A_116 : vector<1x16xf32> to vector<16xf32>
        %swap3A_118 = vector.shape_cast %mul3A_113 : vector<16xf32> to vector<1x16xf32>
        tpu.vector_store %arg8[%swap3A_114, %swap3A_115], %swap3A_118 {strides = array<i32>} : memref<128x128xf32, #tpu.memory_space<vmem>>, vector<1x16xf32>,
        %get3A_119 = arith.index_cast %add3A_49 : i32 to index
        %get3A_120 = arith.constant 112 : index
        %get3A_121 = tpu.vector_load %arg8[%get3A_119, %get3A_120] {strides = array<i32>} : memref<128x128xf32, #tpu.memory_space<vmem>>, vector<1x16xf32>,
        %get3A_122 = vector.shape_cast %get3A_121 : vector<1x16xf32> to vector<16xf32>
        %mul3A_123 = arith.mulf %get3A_122, %gather3A_45 : vector<16xf32>
        %swap3A_124 = arith.index_cast %add3A_49 : i32 to index
        %swap3A_125 = arith.constant 112 : index
        %swap3A_126 = tpu.vector_load %arg8[%swap3A_124, %swap3A_125] {strides = array<i32>} : memref<128x128xf32, #tpu.memory_space<vmem>>, vector<1x16xf32>,
        %swap3A_127 = vector.shape_cast %swap3A_126 : vector<1x16xf32> to vector<16xf32>
        %swap3A_128 = vector.shape_cast %mul3A_123 : vector<16xf32> to vector<1x16xf32>
        tpu.vector_store %arg8[%swap3A_124, %swap3A_125], %swap3A_128 {strides = array<i32>} : memref<128x128xf32, #tpu.memory_space<vmem>>, vector<1x16xf32>,
        %broadcast_in_dim3A_129 = arith.constant 1 : i32
        %broadcast_in_dim3A_130 = vector.broadcast %broadcast_in_dim3A_129 : i32 to vector<16xi32>
        %broadcast_in_dim3A_131 = vector.shape_cast %broadcast_in_dim3A_130 : vector<16xi32> to vector<16x1xi32>
        %gather3A_132 = vector.shape_cast %broadcast_in_dim3A_131 : vector<16x1xi32> to vector<16xi32>
        %gather3A_133 = tpu.dynamic_gather %get3A_42[%gather3A_132] in [0] : vector<16xf32>, vector<16xi32> -> vector<16xf32>
        %mul3A_134 = arith.constant 16 : i32
        %mul3A_135 = arith.muli %scan3A_38, %mul3A_134 : i32
        %add3A_136 = arith.constant 1 : i32
        %add3A_137 = arith.addi %mul3A_135, %add3A_136 : i32
        %get3A_138 = arith.index_cast %add3A_137 : i32 to index
        %get3A_139 = arith.constant 0 : index
        %get3A_140 = tpu.vector_load %arg8[%get3A_138, %get3A_139] {strides = array<i32>} : memref<128x128xf32, #tpu.memory_space<vmem>>, vector<1x16xf32>,
        %get3A_141 = vector.shape_cast %get3A_140 : vector<1x16xf32> to vector<16xf32>
        %mul3A_142 = arith.mulf %get3A_141, %gather3A_133 : vector<16xf32>
        %swap3A_143 = arith.index_cast %add3A_137 : i32 to index
        %swap3A_144 = arith.constant 0 : index
        %swap3A_145 = tpu.vector_load %arg8[%swap3A_143, %swap3A_144] {strides = array<i32>} : memref<128x128xf32, #tpu.memory_space<vmem>>, vector<1x16xf32>,
        %swap3A_146 = vector.shape_cast %swap3A_145 : vector<1x16xf32> to vector<16xf32>
        %swap3A_147 = vector.shape_cast %mul3A_142 : vector<16xf32> to vector<1x16xf32>
        tpu.vector_store %arg8[%swap3A_143, %swap3A_144], %swap3A_147 {strides = array<i32>} : memref<128x128xf32, #tpu.memory_space<vmem>>, vector<1x16xf32>,
        %get3A_148 = arith.index_cast %add3A_137 : i32 to index
        %get3A_149 = arith.constant 16 : index
        %get3A_150 = tpu.vector_load %arg8[%get3A_148, %get3A_149] {strides = array<i32>} : memref<128x128xf32, #tpu.memory_space<vmem>>, vector<1x16xf32>,
        %get3A_151 = vector.shape_cast %get3A_150 : vector<1x16xf32> to vector<16xf32>
        %mul3A_152 = arith.mulf %get3A_151, %gather3A_133 : vector<16xf32>
        %swap3A_153 = arith.index_cast %add3A_137 : i32 to index
        %swap3A_154 = arith.constant 16 : index
        %swap3A_155 = tpu.vector_load %arg8[%swap3A_153, %swap3A_154] {strides = array<i32>} : memref<128x128xf32, #tpu.memory_space<vmem>>, vector<1x16xf32>,
        %swap3A_156 = vector.shape_cast %swap3A_155 : vector<1x16xf32> to vector<16xf32>
        %swap3A_157 = vector.shape_cast %mul3A_152 : vector<16xf32> to vector<1x16xf32>
        tpu.vector_store %arg8[%swap3A_153, %swap3A_154], %swap3A_157 {strides = array<i32>} : memref<128x128xf32, #tpu.memory_space<vmem>>, vector<1x16xf32>,
        %get3A_158 = arith.index_cast %add3A_137 : i32 to index
        %get3A_159 = arith.constant 32 : index
        %get3A_160 = tpu.vector_load %arg8[%get3A_158, %get3A_159] {strides = array<i32>} : memref<128x128xf32, #tpu.memory_space<vmem>>, vector<1x16xf32>,
        %get3A_161 = vector.shape_cast %get3A_160 : vector<1x16xf32> to vector<16xf32>
        %mul3A_162 = arith.mulf %get3A_161, %gather3A_133 : vector<16xf32>
        %swap3A_163 = arith.index_cast %add3A_137 : i32 to index
        %swap3A_164 = arith.constant 32 : index
        %swap3A_165 = tpu.vector_load %arg8[%swap3A_163, %swap3A_164] {strides = array<i32>} : memref<128x128xf32, #tpu.memory_space<vmem>>, vector<1x16xf32>,
        %swap3A_166 = vector.shape_cast %swap3A_165 : vector<1x16xf32> to vector<16xf32>
        %swap3A_167 = vector.shape_cast %mul3A_162 : vector<16xf32> to vector<1x16xf32>
        tpu.vector_store %arg8[%swap3A_163, %swap3A_164], %swap3A_167 {strides = array<i32>} : memref<128x128xf32, #tpu.memory_space<vmem>>, vector<1x16xf32>,
        %get3A_168 = arith.index_cast %add3A_137 : i32 to index
        %get3A_169 = arith.constant 48 : index
        %get3A_170 = tpu.vector_load %arg8[%get3A_168, %get3A_169] {strides = array<i32>} : memref<128x128xf32, #tpu.memory_space<vmem>>, vector<1x16xf32>,
        %get3A_171 = vector.shape_cast %get3A_170 : vector<1x16xf32> to vector<16xf32>
        %mul3A_172 = arith.mulf %get3A_171, %gather3A_133 : vector<16xf32>
        %swap3A_173 = arith.index_cast %add3A_137 : i32 to index
        %swap3A_174 = arith.constant 48 : index
        %swap3A_175 = tpu.vector_load %arg8[%swap3A_173, %swap3A_174] {strides = array<i32>} : memref<128x128xf32, #tpu.memory_space<vmem>>, vector<1x16xf32>,
        %swap3A_176 = vector.shape_cast %swap3A_175 : vector<1x16xf32> to vector<16xf32>
        %swap3A_177 = vector.shape_cast %mul3A_172 : vector<16xf32> to vector<1x16xf32>
        tpu.vector_store %arg8[%swap3A_173, %swap3A_174], %swap3A_177 {strides = array<i32>} : memref<128x128xf32, #tpu.memory_space<vmem>>, vector<1x16xf32>,
        %get3A_178 = arith.index_cast %add3A_137 : i32 to index
        %get3A_179 = arith.constant 64 : index
        %get3A_180 = tpu.vector_load %arg8[%get3A_178, %get3A_179] {strides = array<i32>} : memref<128x128xf32, #tpu.memory_space<vmem>>, vector<1x16xf32>,
        %get3A_181 = vector.shape_cast %get3A_180 : vector<1x16xf32> to vector<16xf32>
        %mul3A_182 = arith.mulf %get3A_181, %gather3A_133 : vector<16xf32>
        %swap3A_183 = arith.index_cast %add3A_137 : i32 to index
        %swap3A_184 = arith.constant 64 : index
        %swap3A_185 = tpu.vector_load %arg8[%swap3A_183, %swap3A_184] {strides = array<i32>} : memref<128x128xf32, #tpu.memory_space<vmem>>, vector<1x16xf32>,
        %swap3A_186 = vector.shape_cast %swap3A_185 : vector<1x16xf32> to vector<16xf32>
        %swap3A_187 = vector.shape_cast %mul3A_182 : vector<16xf32> to vector<1x16xf32>
        tpu.vector_store %arg8[%swap3A_183, %swap3A_184], %swap3A_187 {strides = array<i32>} : memref<128x128xf32, #tpu.memory_space<vmem>>, vector<1x16xf32>,
        %get3A_188 = arith.index_cast %add3A_137 : i32 to index
        %get3A_189 = arith.constant 80 : index
        %get3A_190 = tpu.vector_load %arg8[%get3A_188, %get3A_189] {strides = array<i32>} : memref<128x128xf32, #tpu.memory_space<vmem>>, vector<1x16xf32>,
        %get3A_191 = vector.shape_cast %get3A_190 : vector<1x16xf32> to vector<16xf32>
        %mul3A_192 = arith.mulf %get3A_191, %gather3A_133 : vector<16xf32>
        %swap3A_193 = arith.index_cast %add3A_137 : i32 to index
        %swap3A_194 = arith.constant 80 : index
        %swap3A_195 = tpu.vector_load %arg8[%swap3A_193, %swap3A_194] {strides = array<i32>} : memref<128x128xf32, #tpu.memory_space<vmem>>, vector<1x16xf32>,
        %swap3A_196 = vector.shape_cast %swap3A_195 : vector<1x16xf32> to vector<16xf32>
        %swap3A_197 = vector.shape_cast %mul3A_192 : vector<16xf32> to vector<1x16xf32>
        tpu.vector_store %arg8[%swap3A_193, %swap3A_194], %swap3A_197 {strides = array<i32>} : memref<128x128xf32, #tpu.memory_space<vmem>>, vector<1x16xf32>,
        %get3A_198 = arith.index_cast %add3A_137 : i32 to index
        %get3A_199 = arith.constant 96 : index
        %get3A_200 = tpu.vector_load %arg8[%get3A_198, %get3A_199] {strides = array<i32>} : memref<128x128xf32, #tpu.memory_space<vmem>>, vector<1x16xf32>,
        %get3A_201 = vector.shape_cast %get3A_200 : vector<1x16xf32> to vector<16xf32>
        %mul3A_202 = arith.mulf %get3A_201, %gather3A_133 : vector<16xf32>
        %swap3A_203 = arith.index_cast %add3A_137 : i32 to index
        %swap3A_204 = arith.constant 96 : index
        %swap3A_205 = tpu.vector_load %arg8[%swap3A_203, %swap3A_204] {strides = array<i32>} : memref<128x128xf32, #tpu.memory_space<vmem>>, vector<1x16xf32>,
        %swap3A_206 = vector.shape_cast %swap3A_205 : vector<1x16xf32> to vector<16xf32>
        %swap3A_207 = vector.shape_cast %mul3A_202 : vector<16xf32> to vector<1x16xf32>
        tpu.vector_store %arg8[%swap3A_203, %swap3A_204], %swap3A_207 {strides = array<i32>} : memref<128x128xf32, #tpu.memory_space<vmem>>, vector<1x16xf32>,
        %get3A_208 = arith.index_cast %add3A_137 : i32 to index
        %get3A_209 = arith.constant 112 : index
        %get3A_210 = tpu.vector_load %arg8[%get3A_208, %get3A_209] {strides = array<i32>} : memref<128x128xf32, #tpu.memory_space<vmem>>, vector<1x16xf32>,
        %get3A_211 = vector.shape_cast %get3A_210 : vector<1x16xf32> to vector<16xf32>
        %mul3A_212 = arith.mulf %get3A_211, %gather3A_133 : vector<16xf32>
        %swap3A_213 = arith.index_cast %add3A_137 : i32 to index
        %swap3A_214 = arith.constant 112 : index
        %swap3A_215 = tpu.vector_load %arg8[%swap3A_213, %swap3A_214] {strides = array<i32>} : memref<128x128xf32, #tpu.memory_space<vmem>>, vector<1x16xf32>,
        %swap3A_216 = vector.shape_cast %swap3A_215 : vector<1x16xf32> to vector<16xf32>
        %swap3A_217 = vector.shape_cast %mul3A_212 : vector<16xf32> to vector<1x16xf32>
        tpu.vector_store %arg8[%swap3A_213, %swap3A_214], %swap3A_217 {strides = array<i32>} : memref<128x128xf32, #tpu.memory_space<vmem>>, vector<1x16xf32>,
        %broadcast_in_dim3A_218 = arith.constant 2 : i32
        %broadcast_in_dim3A_219 = vector.broadcast %broadcast_in_dim3A_218 : i32 to vector<16xi32>
        %broadcast_in_dim3A_220 = vector.shape_cast %broadcast_in_dim3A_219 : vector<16xi32> to vector<16x1xi32>
        %gather3A_221 = vector.shape_cast %broadcast_in_dim3A_220 : vector<16x1xi32> to vector<16xi32>
        %gather3A_222 = tpu.dynamic_gather %get3A_42[%gather3A_221] in [0] : vector<16xf32>, vector<16xi32> -> vector<16xf32>
        %mul3A_223 = arith.constant 16 : i32
        %mul3A_224 = arith.muli %scan3A_38, %mul3A_223 : i32
        %add3A_225 = arith.constant 2 : i32
        %add3A_226 = arith.addi %mul3A_224, %add3A_225 : i32
        %get3A_227 = arith.index_cast %add3A_226 : i32 to index
        %get3A_228 = arith.constant 0 : index
        %get3A_229 = tpu.vector_load %arg8[%get3A_227, %get3A_228] {strides = array<i32>} : memref<128x128xf32, #tpu.memory_space<vmem>>, vector<1x16xf32>,
        %get3A_230 = vector.shape_cast %get3A_229 : vector<1x16xf32> to vector<16xf32>
        %mul3A_231 = arith.mulf %get3A_230, %gather3A_222 : vector<16xf32>
        %swap3A_232 = arith.index_cast %add3A_226 : i32 to index
        %swap3A_233 = arith.constant 0 : index
        %swap3A_234 = tpu.vector_load %arg8[%swap3A_232, %swap3A_233] {strides = array<i32>} : memref<128x128xf32, #tpu.memory_space<vmem>>, vector<1x16xf32>,
        %swap3A_235 = vector.shape_cast %swap3A_234 : vector<1x16xf32> to vector<16xf32>
        %swap3A_236 = vector.shape_cast %mul3A_231 : vector<16xf32> to vector<1x16xf32>
        tpu.vector_store %arg8[%swap3A_232, %swap3A_233], %swap3A_236 {strides = array<i32>} : memref<128x128xf32, #tpu.memory_space<vmem>>, vector<1x16xf32>,
        %get3A_237 = arith.index_cast %add3A_226 : i32 to index
        %get3A_238 = arith.constant 16 : index
        %get3A_239 = tpu.vector_load %arg8[%get3A_237, %get3A_238] {strides = array<i32>} : memref<128x128xf32, #tpu.memory_space<vmem>>, vector<1x16xf32>,
        %get3A_240 = vector.shape_cast %get3A_239 : vector<1x16xf32> to vector<16xf32>
        %mul3A_241 = arith.mulf %get3A_240, %gather3A_222 : vector<16xf32>
        %swap3A_242 = arith.index_cast %add3A_226 : i32 to index
        %swap3A_243 = arith.constant 16 : index
        %swap3A_244 = tpu.vector_load %arg8[%swap3A_242, %swap3A_243] {strides = array<i32>} : memref<128x128xf32, #tpu.memory_space<vmem>>, vector<1x16xf32>,
        %swap3A_245 = vector.shape_cast %swap3A_244 : vector<1x16xf32> to vector<16xf32>
        %swap3A_246 = vector.shape_cast %mul3A_241 : vector<16xf32> to vector<1x16xf32>
        tpu.vector_store %arg8[%swap3A_242, %swap3A_243], %swap3A_246 {strides = array<i32>} : memref<128x128xf32, #tpu.memory_space<vmem>>, vector<1x16xf32>,
        %get3A_247 = arith.index_cast %add3A_226 : i32 to index
        %get3A_248 = arith.constant 32 : index
        %get3A_249 = tpu.vector_load %arg8[%get3A_247, %get3A_248] {strides = array<i32>} : memref<128x128xf32, #tpu.memory_space<vmem>>, vector<1x16xf32>,
        %get3A_250 = vector.shape_cast %get3A_249 : vector<1x16xf32> to vector<16xf32>
        %mul3A_251 = arith.mulf %get3A_250, %gather3A_222 : vector<16xf32>
        %swap3A_252 = arith.index_cast %add3A_226 : i32 to index
        %swap3A_253 = arith.constant 32 : index
        %swap3A_254 = tpu.vector_load %arg8[%swap3A_252, %swap3A_253] {strides = array<i32>} : memref<128x128xf32, #tpu.memory_space<vmem>>, vector<1x16xf32>,
        %swap3A_255 = vector.shape_cast %swap3A_254 : vector<1x16xf32> to vector<16xf32>
        %swap3A_256 = vector.shape_cast %mul3A_251 : vector<16xf32> to vector<1x16xf32>
        tpu.vector_store %arg8[%swap3A_252, %swap3A_253], %swap3A_256 {strides = array<i32>} : memref<128x128xf32, #tpu.memory_space<vmem>>, vector<1x16xf32>,
        %get3A_257 = arith.index_cast %add3A_226 : i32 to index
        %get3A_258 = arith.constant 48 : index
        %get3A_259 = tpu.vector_load %arg8[%get3A_257, %get3A_258] {strides = array<i32>} : memref<128x128xf32, #tpu.memory_space<vmem>>, vector<1x16xf32>,
        %get3A_260 = vector.shape_cast %get3A_259 : vector<1x16xf32> to vector<16xf32>
        %mul3A_261 = arith.mulf %get3A_260, %gather3A_222 : vector<16xf32>
        %swap3A_262 = arith.index_cast %add3A_226 : i32 to index
        %swap3A_263 = arith.constant 48 : index
        %swap3A_264 = tpu.vector_load %arg8[%swap3A_262, %swap3A_263] {strides = array<i32>} : memref<128x128xf32, #tpu.memory_space<vmem>>, vector<1x16xf32>,
        %swap3A_265 = vector.shape_cast %swap3A_264 : vector<1x16xf32> to vector<16xf32>
        %swap3A_266 = vector.shape_cast %mul3A_261 : vector<16xf32> to vector<1x16xf32>
        tpu.vector_store %arg8[%swap3A_262, %swap3A_263], %swap3A_266 {strides = array<i32>} : memref<128x128xf32, #tpu.memory_space<vmem>>, vector<1x16xf32>,
        %get3A_267 = arith.index_cast %add3A_226 : i32 to index
        %get3A_268 = arith.constant 64 : index
        %get3A_269 = tpu.vector_load %arg8[%get3A_267, %get3A_268] {strides = array<i32>} : memref<128x128xf32, #tpu.memory_space<vmem>>, vector<1x16xf32>,
        %get3A_270 = vector.shape_cast %get3A_269 : vector<1x16xf32> to vector<16xf32>
        %mul3A_271 = arith.mulf %get3A_270, %gather3A_222 : vector<16xf32>
        %swap3A_272 = arith.index_cast %add3A_226 : i32 to index
        %swap3A_273 = arith.constant 64 : index
        %swap3A_274 = tpu.vector_load %arg8[%swap3A_272, %swap3A_273] {strides = array<i32>} : memref<128x128xf32, #tpu.memory_space<vmem>>, vector<1x16xf32>,
        %swap3A_275 = vector.shape_cast %swap3A_274 : vector<1x16xf32> to vector<16xf32>
        %swap3A_276 = vector.shape_cast %mul3A_271 : vector<16xf32> to vector<1x16xf32>
        tpu.vector_store %arg8[%swap3A_272, %swap3A_273], %swap3A_276 {strides = array<i32>} : memref<128x128xf32, #tpu.memory_space<vmem>>, vector<1x16xf32>,
        %get3A_277 = arith.index_cast %add3A_226 : i32 to index
        %get3A_278 = arith.constant 80 : index
        %get3A_279 = tpu.vector_load %arg8[%get3A_277, %get3A_278] {strides = array<i32>} : memref<128x128xf32, #tpu.memory_space<vmem>>, vector<1x16xf32>,
        %get3A_280 = vector.shape_cast %get3A_279 : vector<1x16xf32> to vector<16xf32>
        %mul3A_281 = arith.mulf %get3A_280, %gather3A_222 : vector<16xf32>
        %swap3A_282 = arith.index_cast %add3A_226 : i32 to index
        %swap3A_283 = arith.constant 80 : index
        %swap3A_284 = tpu.vector_load %arg8[%swap3A_282, %swap3A_283] {strides = array<i32>} : memref<128x128xf32, #tpu.memory_space<vmem>>, vector<1x16xf32>,
        %swap3A_285 = vector.shape_cast %swap3A_284 : vector<1x16xf32> to vector<16xf32>
        %swap3A_286 = vector.shape_cast %mul3A_281 : vector<16xf32> to vector<1x16xf32>
        tpu.vector_store %arg8[%swap3A_282, %swap3A_283], %swap3A_286 {strides = array<i32>} : memref<128x128xf32, #tpu.memory_space<vmem>>, vector<1x16xf32>,
        %get3A_287 = arith.index_cast %add3A_226 : i32 to index
        %get3A_288 = arith.constant 96 : index
        %get3A_289 = tpu.vector_load %arg8[%get3A_287, %get3A_288] {strides = array<i32>} : memref<128x128xf32, #tpu.memory_space<vmem>>, vector<1x16xf32>,
        %get3A_290 = vector.shape_cast %get3A_289 : vector<1x16xf32> to vector<16xf32>
        %mul3A_291 = arith.mulf %get3A_290, %gather3A_222 : vector<16xf32>
        %swap3A_292 = arith.index_cast %add3A_226 : i32 to index
        %swap3A_293 = arith.constant 96 : index
        %swap3A_294 = tpu.vector_load %arg8[%swap3A_292, %swap3A_293] {strides = array<i32>} : memref<128x128xf32, #tpu.memory_space<vmem>>, vector<1x16xf32>,
        %swap3A_295 = vector.shape_cast %swap3A_294 : vector<1x16xf32> to vector<16xf32>
        %swap3A_296 = vector.shape_cast %mul3A_291 : vector<16xf32> to vector<1x16xf32>
        tpu.vector_store %arg8[%swap3A_292, %swap3A_293], %swap3A_296 {strides = array<i32>} : memref<128x128xf32, #tpu.memory_space<vmem>>, vector<1x16xf32>,
        %get3A_297 = arith.index_cast %add3A_226 : i32 to index
        %get3A_298 = arith.constant 112 : index
        %get3A_299 = tpu.vector_load %arg8[%get3A_297, %get3A_298] {strides = array<i32>} : memref<128x128xf32, #tpu.memory_space<vmem>>, vector<1x16xf32>,
        %get3A_300 = vector.shape_cast %get3A_299 : vector<1x16xf32> to vector<16xf32>
        %mul3A_301 = arith.mulf %get3A_300, %gather3A_222 : vector<16xf32>
        %swap3A_302 = arith.index_cast %add3A_226 : i32 to index
        %swap3A_303 = arith.constant 112 : index
        %swap3A_304 = tpu.vector_load %arg8[%swap3A_302, %swap3A_303] {strides = array<i32>} : memref<128x128xf32, #tpu.memory_space<vmem>>, vector<1x16xf32>,
        %swap3A_305 = vector.shape_cast %swap3A_304 : vector<1x16xf32> to vector<16xf32>
        %swap3A_306 = vector.shape_cast %mul3A_301 : vector<16xf32> to vector<1x16xf32>
        tpu.vector_store %arg8[%swap3A_302, %swap3A_303], %swap3A_306 {strides = array<i32>} : memref<128x128xf32, #tpu.memory_space<vmem>>, vector<1x16xf32>,
        %broadcast_in_dim3A_307 = arith.constant 3 : i32
        %broadcast_in_dim3A_308 = vector.broadcast %broadcast_in_dim3A_307 : i32 to vector<16xi32>
        %broadcast_in_dim3A_309 = vector.shape_cast %broadcast_in_dim3A_308 : vector<16xi32> to vector<16x1xi32>
        %gather3A_310 = vector.shape_cast %broadcast_in_dim3A_309 : vector<16x1xi32> to vector<16xi32>
        %gather3A_311 = tpu.dynamic_gather %get3A_42[%gather3A_310] in [0] : vector<16xf32>, vector<16xi32> -> vector<16xf32>
        %mul3A_312 = arith.constant 16 : i32
        %mul3A_313 = arith.muli %scan3A_38, %mul3A_312 : i32
        %add3A_314 = arith.constant 3 : i32
        %add3A_315 = arith.addi %mul3A_313, %add3A_314 : i32
        %get3A_316 = arith.index_cast %add3A_315 : i32 to index
        %get3A_317 = arith.constant 0 : index
        %get3A_318 = tpu.vector_load %arg8[%get3A_316, %get3A_317] {strides = array<i32>} : memref<128x128xf32, #tpu.memory_space<vmem>>, vector<1x16xf32>,
        %get3A_319 = vector.shape_cast %get3A_318 : vector<1x16xf32> to vector<16xf32>
        %mul3A_320 = arith.mulf %get3A_319, %gather3A_311 : vector<16xf32>
        %swap3A_321 = arith.index_cast %add3A_315 : i32 to index
        %swap3A_322 = arith.constant 0 : index
        %swap3A_323 = tpu.vector_load %arg8[%swap3A_321, %swap3A_322] {strides = array<i32>} : memref<128x128xf32, #tpu.memory_space<vmem>>, vector<1x16xf32>,
        %swap3A_324 = vector.shape_cast %swap3A_323 : vector<1x16xf32> to vector<16xf32>
        %swap3A_325 = vector.shape_cast %mul3A_320 : vector<16xf32> to vector<1x16xf32>
        tpu.vector_store %arg8[%swap3A_321, %swap3A_322], %swap3A_325 {strides = array<i32>} : memref<128x128xf32, #tpu.memory_space<vmem>>, vector<1x16xf32>,
        %get3A_326 = arith.index_cast %add3A_315 : i32 to index
        %get3A_327 = arith.constant 16 : index
        %get3A_328 = tpu.vector_load %arg8[%get3A_326, %get3A_327] {strides = array<i32>} : memref<128x128xf32, #tpu.memory_space<vmem>>, vector<1x16xf32>,
        %get3A_329 = vector.shape_cast %get3A_328 : vector<1x16xf32> to vector<16xf32>
        %mul3A_330 = arith.mulf %get3A_329, %gather3A_311 : vector<16xf32>
        %swap3A_331 = arith.index_cast %add3A_315 : i32 to index
        %swap3A_332 = arith.constant 16 : index
        %swap3A_333 = tpu.vector_load %arg8[%swap3A_331, %swap3A_332] {strides = array<i32>} : memref<128x128xf32, #tpu.memory_space<vmem>>, vector<1x16xf32>,
        %swap3A_334 = vector.shape_cast %swap3A_333 : vector<1x16xf32> to vector<16xf32>
        %swap3A_335 = vector.shape_cast %mul3A_330 : vector<16xf32> to vector<1x16xf32>
        tpu.vector_store %arg8[%swap3A_331, %swap3A_332], %swap3A_335 {strides = array<i32>} : memref<128x128xf32, #tpu.memory_space<vmem>>, vector<1x16xf32>,
        %get3A_336 = arith.index_cast %add3A_315 : i32 to index
        %get3A_337 = arith.constant 32 : index
        %get3A_338 = tpu.vector_load %arg8[%get3A_336, %get3A_337] {strides = array<i32>} : memref<128x128xf32, #tpu.memory_space<vmem>>, vector<1x16xf32>,
        %get3A_339 = vector.shape_cast %get3A_338 : vector<1x16xf32> to vector<16xf32>
        %mul3A_340 = arith.mulf %get3A_339, %gather3A_311 : vector<16xf32>
        %swap3A_341 = arith.index_cast %add3A_315 : i32 to index
        %swap3A_342 = arith.constant 32 : index
        %swap3A_343 = tpu.vector_load %arg8[%swap3A_341, %swap3A_342] {strides = array<i32>} : memref<128x128xf32, #tpu.memory_space<vmem>>, vector<1x16xf32>,
        %swap3A_344 = vector.shape_cast %swap3A_343 : vector<1x16xf32> to vector<16xf32>
        %swap3A_345 = vector.shape_cast %mul3A_340 : vector<16xf32> to vector<1x16xf32>
        tpu.vector_store %arg8[%swap3A_341, %swap3A_342], %swap3A_345 {strides = array<i32>} : memref<128x128xf32, #tpu.memory_space<vmem>>, vector<1x16xf32>,
        %get3A_346 = arith.index_cast %add3A_315 : i32 to index
        %get3A_347 = arith.constant 48 : index
        %get3A_348 = tpu.vector_load %arg8[%get3A_346, %get3A_347] {strides = array<i32>} : memref<128x128xf32, #tpu.memory_space<vmem>>, vector<1x16xf32>,
        %get3A_349 = vector.shape_cast %get3A_348 : vector<1x16xf32> to vector<16xf32>
        %mul3A_350 = arith.mulf %get3A_349, %gather3A_311 : vector<16xf32>
        %swap3A_351 = arith.index_cast %add3A_315 : i32 to index
        %swap3A_352 = arith.constant 48 : index
        %swap3A_353 = tpu.vector_load %arg8[%swap3A_351, %swap3A_352] {strides = array<i32>} : memref<128x128xf32, #tpu.memory_space<vmem>>, vector<1x16xf32>,
        %swap3A_354 = vector.shape_cast %swap3A_353 : vector<1x16xf32> to vector<16xf32>
        %swap3A_355 = vector.shape_cast %mul3A_350 : vector<16xf32> to vector<1x16xf32>
        tpu.vector_store %arg8[%swap3A_351, %swap3A_352], %swap3A_355 {strides = array<i32>} : memref<128x128xf32, #tpu.memory_space<vmem>>, vector<1x16xf32>,
        %get3A_356 = arith.index_cast %add3A_315 : i32 to index
        %get3A_357 = arith.constant 64 : index
        %get3A_358 = tpu.vector_load %arg8[%get3A_356, %get3A_357] {strides = array<i32>} : memref<128x128xf32, #tpu.memory_space<vmem>>, vector<1x16xf32>,
        %get3A_359 = vector.shape_cast %get3A_358 : vector<1x16xf32> to vector<16xf32>
        %mul3A_360 = arith.mulf %get3A_359, %gather3A_311 : vector<16xf32>
        %swap3A_361 = arith.index_cast %add3A_315 : i32 to index
        %swap3A_362 = arith.constant 64 : index
        %swap3A_363 = tpu.vector_load %arg8[%swap3A_361, %swap3A_362] {strides = array<i32>} : memref<128x128xf32, #tpu.memory_space<vmem>>, vector<1x16xf32>,
        %swap3A_364 = vector.shape_cast %swap3A_363 : vector<1x16xf32> to vector<16xf32>
        %swap3A_365 = vector.shape_cast %mul3A_360 : vector<16xf32> to vector<1x16xf32>
        tpu.vector_store %arg8[%swap3A_361, %swap3A_362], %swap3A_365 {strides = array<i32>} : memref<128x128xf32, #tpu.memory_space<vmem>>, vector<1x16xf32>,
        %get3A_366 = arith.index_cast %add3A_315 : i32 to index
        %get3A_367 = arith.constant 80 : index
        %get3A_368 = tpu.vector_load %arg8[%get3A_366, %get3A_367] {strides = array<i32>} : memref<128x128xf32, #tpu.memory_space<vmem>>, vector<1x16xf32>,
        %get3A_369 = vector.shape_cast %get3A_368 : vector<1x16xf32> to vector<16xf32>
        %mul3A_370 = arith.mulf %get3A_369, %gather3A_311 : vector<16xf32>
        %swap3A_371 = arith.index_cast %add3A_315 : i32 to index
        %swap3A_372 = arith.constant 80 : index
        %swap3A_373 = tpu.vector_load %arg8[%swap3A_371, %swap3A_372] {strides = array<i32>} : memref<128x128xf32, #tpu.memory_space<vmem>>, vector<1x16xf32>,
        %swap3A_374 = vector.shape_cast %swap3A_373 : vector<1x16xf32> to vector<16xf32>
        %swap3A_375 = vector.shape_cast %mul3A_370 : vector<16xf32> to vector<1x16xf32>
        tpu.vector_store %arg8[%swap3A_371, %swap3A_372], %swap3A_375 {strides = array<i32>} : memref<128x128xf32, #tpu.memory_space<vmem>>, vector<1x16xf32>,
        %get3A_376 = arith.index_cast %add3A_315 : i32 to index
        %get3A_377 = arith.constant 96 : index
        %get3A_378 = tpu.vector_load %arg8[%get3A_376, %get3A_377] {strides = array<i32>} : memref<128x128xf32, #tpu.memory_space<vmem>>, vector<1x16xf32>,
        %get3A_379 = vector.shape_cast %get3A_378 : vector<1x16xf32> to vector<16xf32>
        %mul3A_380 = arith.mulf %get3A_379, %gather3A_311 : vector<16xf32>
        %swap3A_381 = arith.index_cast %add3A_315 : i32 to index
        %swap3A_382 = arith.constant 96 : index
        %swap3A_383 = tpu.vector_load %arg8[%swap3A_381, %swap3A_382] {strides = array<i32>} : memref<128x128xf32, #tpu.memory_space<vmem>>, vector<1x16xf32>,
        %swap3A_384 = vector.shape_cast %swap3A_383 : vector<1x16xf32> to vector<16xf32>
        %swap3A_385 = vector.shape_cast %mul3A_380 : vector<16xf32> to vector<1x16xf32>
        tpu.vector_store %arg8[%swap3A_381, %swap3A_382], %swap3A_385 {strides = array<i32>} : memref<128x128xf32, #tpu.memory_space<vmem>>, vector<1x16xf32>,
        %get3A_386 = arith.index_cast %add3A_315 : i32 to index
        %get3A_387 = arith.constant 112 : index
        %get3A_388 = tpu.vector_load %arg8[%get3A_386, %get3A_387] {strides = array<i32>} : memref<128x128xf32, #tpu.memory_space<vmem>>, vector<1x16xf32>,
        %get3A_389 = vector.shape_cast %get3A_388 : vector<1x16xf32> to vector<16xf32>
        %mul3A_390 = arith.mulf %get3A_389, %gather3A_311 : vector<16xf32>
        %swap3A_391 = arith.index_cast %add3A_315 : i32 to index
        %swap3A_392 = arith.constant 112 : index
        %swap3A_393 = tpu.vector_load %arg8[%swap3A_391, %swap3A_392] {strides = array<i32>} : memref<128x128xf32, #tpu.memory_space<vmem>>, vector<1x16xf32>,
        %swap3A_394 = vector.shape_cast %swap3A_393 : vector<1x16xf32> to vector<16xf32>
        %swap3A_395 = vector.shape_cast %mul3A_390 : vector<16xf32> to vector<1x16xf32>
        tpu.vector_store %arg8[%swap3A_391, %swap3A_392], %swap3A_395 {strides = array<i32>} : memref<128x128xf32, #tpu.memory_space<vmem>>, vector<1x16xf32>,
        %broadcast_in_dim3A_396 = arith.constant 4 : i32
        %broadcast_in_dim3A_397 = vector.broadcast %broadcast_in_dim3A_396 : i32 to vector<16xi32>
        %broadcast_in_dim3A_398 = vector.shape_cast %broadcast_in_dim3A_397 : vector<16xi32> to vector<16x1xi32>
        %gather3A_399 = vector.shape_cast %broadcast_in_dim3A_398 : vector<16x1xi32> to vector<16xi32>
        %gather3A_400 = tpu.dynamic_gather %get3A_42[%gather3A_399] in [0] : vector<16xf32>, vector<16xi32> -> vector<16xf32>
        %mul3A_401 = arith.constant 16 : i32
        %mul3A_402 = arith.muli %scan3A_38, %mul3A_401 : i32
        %add3A_403 = arith.constant 4 : i32
        %add3A_404 = arith.addi %mul3A_402, %add3A_403 : i32
        %get3A_405 = arith.index_cast %add3A_404 : i32 to index
        %get3A_406 = arith.constant 0 : index
        %get3A_407 = tpu.vector_load %arg8[%get3A_405, %get3A_406] {strides = array<i32>} : memref<128x128xf32, #tpu.memory_space<vmem>>, vector<1x16xf32>,
        %get3A_408 = vector.shape_cast %get3A_407 : vector<1x16xf32> to vector<16xf32>
        %mul3A_409 = arith.mulf %get3A_408, %gather3A_400 : vector<16xf32>
        %swap3A_410 = arith.index_cast %add3A_404 : i32 to index
        %swap3A_411 = arith.constant 0 : index
        %swap3A_412 = tpu.vector_load %arg8[%swap3A_410, %swap3A_411] {strides = array<i32>} : memref<128x128xf32, #tpu.memory_space<vmem>>, vector<1x16xf32>,
        %swap3A_413 = vector.shape_cast %swap3A_412 : vector<1x16xf32> to vector<16xf32>
        %swap3A_414 = vector.shape_cast %mul3A_409 : vector<16xf32> to vector<1x16xf32>
        tpu.vector_store %arg8[%swap3A_410, %swap3A_411], %swap3A_414 {strides = array<i32>} : memref<128x128xf32, #tpu.memory_space<vmem>>, vector<1x16xf32>,
        %get3A_415 = arith.index_cast %add3A_404 : i32 to index
        %get3A_416 = arith.constant 16 : index
        %get3A_417 = tpu.vector_load %arg8[%get3A_415, %get3A_416] {strides = array<i32>} : memref<128x128xf32, #tpu.memory_space<vmem>>, vector<1x16xf32>,
        %get3A_418 = vector.shape_cast %get3A_417 : vector<1x16xf32> to vector<16xf32>
        %mul3A_419 = arith.mulf %get3A_418, %gather3A_400 : vector<16xf32>
        %swap3A_420 = arith.index_cast %add3A_404 : i32 to index
        %swap3A_421 = arith.constant 16 : index
        %swap3A_422 = tpu.vector_load %arg8[%swap3A_420, %swap3A_421] {strides = array<i32>} : memref<128x128xf32, #tpu.memory_space<vmem>>, vector<1x16xf32>,
        %swap3A_423 = vector.shape_cast %swap3A_422 : vector<1x16xf32> to vector<16xf32>
        %swap3A_424 = vector.shape_cast %mul3A_419 : vector<16xf32> to vector<1x16xf32>
        tpu.vector_store %arg8[%swap3A_420, %swap3A_421], %swap3A_424 {strides = array<i32>} : memref<128x128xf32, #tpu.memory_space<vmem>>, vector<1x16xf32>,
        %get3A_425 = arith.index_cast %add3A_404 : i32 to index
        %get3A_426 = arith.constant 32 : index
        %get3A_427 = tpu.vector_load %arg8[%get3A_425, %get3A_426] {strides = array<i32>} : memref<128x128xf32, #tpu.memory_space<vmem>>, vector<1x16xf32>,
        %get3A_428 = vector.shape_cast %get3A_427 : vector<1x16xf32> to vector<16xf32>
        %mul3A_429 = arith.mulf %get3A_428, %gather3A_400 : vector<16xf32>
        %swap3A_430 = arith.index_cast %add3A_404 : i32 to index
        %swap3A_431 = arith.constant 32 : index
        %swap3A_432 = tpu.vector_load %arg8[%swap3A_430, %swap3A_431] {strides = array<i32>} : memref<128x128xf32, #tpu.memory_space<vmem>>, vector<1x16xf32>,
        %swap3A_433 = vector.shape_cast %swap3A_432 : vector<1x16xf32> to vector<16xf32>
        %swap3A_434 = vector.shape_cast %mul3A_429 : vector<16xf32> to vector<1x16xf32>
        tpu.vector_store %arg8[%swap3A_430, %swap3A_431], %swap3A_434 {strides = array<i32>} : memref<128x128xf32, #tpu.memory_space<vmem>>, vector<1x16xf32>,
        %get3A_435 = arith.index_cast %add3A_404 : i32 to index
        %get3A_436 = arith.constant 48 : index
        %get3A_437 = tpu.vector_load %arg8[%get3A_435, %get3A_436] {strides = array<i32>} : memref<128x128xf32, #tpu.memory_space<vmem>>, vector<1x16xf32>,
        %get3A_438 = vector.shape_cast %get3A_437 : vector<1x16xf32> to vector<16xf32>
        %mul3A_439 = arith.mulf %get3A_438, %gather3A_400 : vector<16xf32>
        %swap3A_440 = arith.index_cast %add3A_404 : i32 to index
        %swap3A_441 = arith.constant 48 : index
        %swap3A_442 = tpu.vector_load %arg8[%swap3A_440, %swap3A_441] {strides = array<i32>} : memref<128x128xf32, #tpu.memory_space<vmem>>, vector<1x16xf32>,
        %swap3A_443 = vector.shape_cast %swap3A_442 : vector<1x16xf32> to vector<16xf32>
        %swap3A_444 = vector.shape_cast %mul3A_439 : vector<16xf32> to vector<1x16xf32>
        tpu.vector_store %arg8[%swap3A_440, %swap3A_441], %swap3A_444 {strides = array<i32>} : memref<128x128xf32, #tpu.memory_space<vmem>>, vector<1x16xf32>,
        %get3A_445 = arith.index_cast %add3A_404 : i32 to index
        %get3A_446 = arith.constant 64 : index
        %get3A_447 = tpu.vector_load %arg8[%get3A_445, %get3A_446] {strides = array<i32>} : memref<128x128xf32, #tpu.memory_space<vmem>>, vector<1x16xf32>,
        %get3A_448 = vector.shape_cast %get3A_447 : vector<1x16xf32> to vector<16xf32>
        %mul3A_449 = arith.mulf %get3A_448, %gather3A_400 : vector<16xf32>
        %swap3A_450 = arith.index_cast %add3A_404 : i32 to index
        %swap3A_451 = arith.constant 64 : index
        %swap3A_452 = tpu.vector_load %arg8[%swap3A_450, %swap3A_451] {strides = array<i32>} : memref<128x128xf32, #tpu.memory_space<vmem>>, vector<1x16xf32>,
        %swap3A_453 = vector.shape_cast %swap3A_452 : vector<1x16xf32> to vector<16xf32>
        %swap3A_454 = vector.shape_cast %mul3A_449 : vector<16xf32> to vector<1x16xf32>
        tpu.vector_store %arg8[%swap3A_450, %swap3A_451], %swap3A_454 {strides = array<i32>} : memref<128x128xf32, #tpu.memory_space<vmem>>, vector<1x16xf32>,
        %get3A_455 = arith.index_cast %add3A_404 : i32 to index
        %get3A_456 = arith.constant 80 : index
        %get3A_457 = tpu.vector_load %arg8[%get3A_455, %get3A_456] {strides = array<i32>} : memref<128x128xf32, #tpu.memory_space<vmem>>, vector<1x16xf32>,
        %get3A_458 = vector.shape_cast %get3A_457 : vector<1x16xf32> to vector<16xf32>
        %mul3A_459 = arith.mulf %get3A_458, %gather3A_400 : vector<16xf32>
        %swap3A_460 = arith.index_cast %add3A_404 : i32 to index
        %swap3A_461 = arith.constant 80 : index
        %swap3A_462 = tpu.vector_load %arg8[%swap3A_460, %swap3A_461] {strides = array<i32>} : memref<128x128xf32, #tpu.memory_space<vmem>>, vector<1x16xf32>,
        %swap3A_463 = vector.shape_cast %swap3A_462 : vector<1x16xf32> to vector<16xf32>
        %swap3A_464 = vector.shape_cast %mul3A_459 : vector<16xf32> to vector<1x16xf32>
        tpu.vector_store %arg8[%swap3A_460, %swap3A_461], %swap3A_464 {strides = array<i32>} : memref<128x128xf32, #tpu.memory_space<vmem>>, vector<1x16xf32>,
        %get3A_465 = arith.index_cast %add3A_404 : i32 to index
        %get3A_466 = arith.constant 96 : index
        %get3A_467 = tpu.vector_load %arg8[%get3A_465, %get3A_466] {strides = array<i32>} : memref<128x128xf32, #tpu.memory_space<vmem>>, vector<1x16xf32>,
        %get3A_468 = vector.shape_cast %get3A_467 : vector<1x16xf32> to vector<16xf32>
        %mul3A_469 = arith.mulf %get3A_468, %gather3A_400 : vector<16xf32>
        %swap3A_470 = arith.index_cast %add3A_404 : i32 to index
        %swap3A_471 = arith.constant 96 : index
        %swap3A_472 = tpu.vector_load %arg8[%swap3A_470, %swap3A_471] {strides = array<i32>} : memref<128x128xf32, #tpu.memory_space<vmem>>, vector<1x16xf32>,
        %swap3A_473 = vector.shape_cast %swap3A_472 : vector<1x16xf32> to vector<16xf32>
        %swap3A_474 = vector.shape_cast %mul3A_469 : vector<16xf32> to vector<1x16xf32>
        tpu.vector_store %arg8[%swap3A_470, %swap3A_471], %swap3A_474 {strides = array<i32>} : memref<128x128xf32, #tpu.memory_space<vmem>>, vector<1x16xf32>,
        %get3A_475 = arith.index_cast %add3A_404 : i32 to index
        %get3A_476 = arith.constant 112 : index
        %get3A_477 = tpu.vector_load %arg8[%get3A_475, %get3A_476] {strides = array<i32>} : memref<128x128xf32, #tpu.memory_space<vmem>>, vector<1x16xf32>,
        %get3A_478 = vector.shape_cast %get3A_477 : vector<1x16xf32> to vector<16xf32>
        %mul3A_479 = arith.mulf %get3A_478, %gather3A_400 : vector<16xf32>
        %swap3A_480 = arith.index_cast %add3A_404 : i32 to index
        %swap3A_481 = arith.constant 112 : index
        %swap3A_482 = tpu.vector_load %arg8[%swap3A_480, %swap3A_481] {strides = array<i32>} : memref<128x128xf32, #tpu.memory_space<vmem>>, vector<1x16xf32>,
        %swap3A_483 = vector.shape_cast %swap3A_482 : vector<1x16xf32> to vector<16xf32>
        %swap3A_484 = vector.shape_cast %mul3A_479 : vector<16xf32> to vector<1x16xf32>
        tpu.vector_store %arg8[%swap3A_480, %swap3A_481], %swap3A_484 {strides = array<i32>} : memref<128x128xf32, #tpu.memory_space<vmem>>, vector<1x16xf32>,
        %broadcast_in_dim3A_485 = arith.constant 5 : i32
        %broadcast_in_dim3A_486 = vector.broadcast %broadcast_in_dim3A_485 : i32 to vector<16xi32>
        %broadcast_in_dim3A_487 = vector.shape_cast %broadcast_in_dim3A_486 : vector<16xi32> to vector<16x1xi32>
        %gather3A_488 = vector.shape_cast %broadcast_in_dim3A_487 : vector<16x1xi32> to vector<16xi32>
        %gather3A_489 = tpu.dynamic_gather %get3A_42[%gather3A_488] in [0] : vector<16xf32>, vector<16xi32> -> vector<16xf32>
        %mul3A_490 = arith.constant 16 : i32
        %mul3A_491 = arith.muli %scan3A_38, %mul3A_490 : i32
        %add3A_492 = arith.constant 5 : i32
        %add3A_493 = arith.addi %mul3A_491, %add3A_492 : i32
        %get3A_494 = arith.index_cast %add3A_493 : i32 to index
        %get3A_495 = arith.constant 0 : index
        %get3A_496 = tpu.vector_load %arg8[%get3A_494, %get3A_495] {strides = array<i32>} : memref<128x128xf32, #tpu.memory_space<vmem>>, vector<1x16xf32>,
        %get3A_497 = vector.shape_cast %get3A_496 : vector<1x16xf32> to vector<16xf32>
        %mul3A_498 = arith.mulf %get3A_497, %gather3A_489 : vector<16xf32>
        %swap3A_499 = arith.index_cast %add3A_493 : i32 to index
        %swap3A_500 = arith.constant 0 : index
        %swap3A_501 = tpu.vector_load %arg8[%swap3A_499, %swap3A_500] {strides = array<i32>} : memref<128x128xf32, #tpu.memory_space<vmem>>, vector<1x16xf32>,
        %swap3A_502 = vector.shape_cast %swap3A_501 : vector<1x16xf32> to vector<16xf32>
        %swap3A_503 = vector.shape_cast %mul3A_498 : vector<16xf32> to vector<1x16xf32>
        tpu.vector_store %arg8[%swap3A_499, %swap3A_500], %swap3A_503 {strides = array<i32>} : memref<128x128xf32, #tpu.memory_space<vmem>>, vector<1x16xf32>,
        %get3A_504 = arith.index_cast %add3A_493 : i32 to index
        %get3A_505 = arith.constant 16 : index
        %get3A_506 = tpu.vector_load %arg8[%get3A_504, %get3A_505] {strides = array<i32>} : memref<128x128xf32, #tpu.memory_space<vmem>>, vector<1x16xf32>,
        %get3A_507 = vector.shape_cast %get3A_506 : vector<1x16xf32> to vector<16xf32>
        %mul3A_508 = arith.mulf %get3A_507, %gather3A_489 : vector<16xf32>
        %swap3A_509 = arith.index_cast %add3A_493 : i32 to index
        %swap3A_510 = arith.constant 16 : index
        %swap3A_511 = tpu.vector_load %arg8[%swap3A_509, %swap3A_510] {strides = array<i32>} : memref<128x128xf32, #tpu.memory_space<vmem>>, vector<1x16xf32>,
        %swap3A_512 = vector.shape_cast %swap3A_511 : vector<1x16xf32> to vector<16xf32>
        %swap3A_513 = vector.shape_cast %mul3A_508 : vector<16xf32> to vector<1x16xf32>
        tpu.vector_store %arg8[%swap3A_509, %swap3A_510], %swap3A_513 {strides = array<i32>} : memref<128x128xf32, #tpu.memory_space<vmem>>, vector<1x16xf32>,
        %get3A_514 = arith.index_cast %add3A_493 : i32 to index
        %get3A_515 = arith.constant 32 : index
        %get3A_516 = tpu.vector_load %arg8[%get3A_514, %get3A_515] {strides = array<i32>} : memref<128x128xf32, #tpu.memory_space<vmem>>, vector<1x16xf32>,
        %get3A_517 = vector.shape_cast %get3A_516 : vector<1x16xf32> to vector<16xf32>
        %mul3A_518 = arith.mulf %get3A_517, %gather3A_489 : vector<16xf32>
        %swap3A_519 = arith.index_cast %add3A_493 : i32 to index
        %swap3A_520 = arith.constant 32 : index
        %swap3A_521 = tpu.vector_load %arg8[%swap3A_519, %swap3A_520] {strides = array<i32>} : memref<128x128xf32, #tpu.memory_space<vmem>>, vector<1x16xf32>,
        %swap3A_522 = vector.shape_cast %swap3A_521 : vector<1x16xf32> to vector<16xf32>
        %swap3A_523 = vector.shape_cast %mul3A_518 : vector<16xf32> to vector<1x16xf32>
        tpu.vector_store %arg8[%swap3A_519, %swap3A_520], %swap3A_523 {strides = array<i32>} : memref<128x128xf32, #tpu.memory_space<vmem>>, vector<1x16xf32>,
        %get3A_524 = arith.index_cast %add3A_493 : i32 to index
        %get3A_525 = arith.constant 48 : index
        %get3A_526 = tpu.vector_load %arg8[%get3A_524, %get3A_525] {strides = array<i32>} : memref<128x128xf32, #tpu.memory_space<vmem>>, vector<1x16xf32>,
        %get3A_527 = vector.shape_cast %get3A_526 : vector<1x16xf32> to vector<16xf32>
        %mul3A_528 = arith.mulf %get3A_527, %gather3A_489 : vector<16xf32>
        %swap3A_529 = arith.index_cast %add3A_493 : i32 to index
        %swap3A_530 = arith.constant 48 : index
        %swap3A_531 = tpu.vector_load %arg8[%swap3A_529, %swap3A_530] {strides = array<i32>} : memref<128x128xf32, #tpu.memory_space<vmem>>, vector<1x16xf32>,
        %swap3A_532 = vector.shape_cast %swap3A_531 : vector<1x16xf32> to vector<16xf32>
        %swap3A_533 = vector.shape_cast %mul3A_528 : vector<16xf32> to vector<1x16xf32>
        tpu.vector_store %arg8[%swap3A_529, %swap3A_530], %swap3A_533 {strides = array<i32>} : memref<128x128xf32, #tpu.memory_space<vmem>>, vector<1x16xf32>,
        %get3A_534 = arith.index_cast %add3A_493 : i32 to index
        %get3A_535 = arith.constant 64 : index
        %get3A_536 = tpu.vector_load %arg8[%get3A_534, %get3A_535] {strides = array<i32>} : memref<128x128xf32, #tpu.memory_space<vmem>>, vector<1x16xf32>,
        %get3A_537 = vector.shape_cast %get3A_536 : vector<1x16xf32> to vector<16xf32>
        %mul3A_538 = arith.mulf %get3A_537, %gather3A_489 : vector<16xf32>
        %swap3A_539 = arith.index_cast %add3A_493 : i32 to index
        %swap3A_540 = arith.constant 64 : index
        %swap3A_541 = tpu.vector_load %arg8[%swap3A_539, %swap3A_540] {strides = array<i32>} : memref<128x128xf32, #tpu.memory_space<vmem>>, vector<1x16xf32>,
        %swap3A_542 = vector.shape_cast %swap3A_541 : vector<1x16xf32> to vector<16xf32>
        %swap3A_543 = vector.shape_cast %mul3A_538 : vector<16xf32> to vector<1x16xf32>
        tpu.vector_store %arg8[%swap3A_539, %swap3A_540], %swap3A_543 {strides = array<i32>} : memref<128x128xf32, #tpu.memory_space<vmem>>, vector<1x16xf32>,
        %get3A_544 = arith.index_cast %add3A_493 : i32 to index
        %get3A_545 = arith.constant 80 : index
        %get3A_546 = tpu.vector_load %arg8[%get3A_544, %get3A_545] {strides = array<i32>} : memref<128x128xf32, #tpu.memory_space<vmem>>, vector<1x16xf32>,
        %get3A_547 = vector.shape_cast %get3A_546 : vector<1x16xf32> to vector<16xf32>
        %mul3A_548 = arith.mulf %get3A_547, %gather3A_489 : vector<16xf32>
        %swap3A_549 = arith.index_cast %add3A_493 : i32 to index
        %swap3A_550 = arith.constant 80 : index
        %swap3A_551 = tpu.vector_load %arg8[%swap3A_549, %swap3A_550] {strides = array<i32>} : memref<128x128xf32, #tpu.memory_space<vmem>>, vector<1x16xf32>,
        %swap3A_552 = vector.shape_cast %swap3A_551 : vector<1x16xf32> to vector<16xf32>
        %swap3A_553 = vector.shape_cast %mul3A_548 : vector<16xf32> to vector<1x16xf32>
        tpu.vector_store %arg8[%swap3A_549, %swap3A_550], %swap3A_553 {strides = array<i32>} : memref<128x128xf32, #tpu.memory_space<vmem>>, vector<1x16xf32>,
        %get3A_554 = arith.index_cast %add3A_493 : i32 to index
        %get3A_555 = arith.constant 96 : index
        %get3A_556 = tpu.vector_load %arg8[%get3A_554, %get3A_555] {strides = array<i32>} : memref<128x128xf32, #tpu.memory_space<vmem>>, vector<1x16xf32>,
        %get3A_557 = vector.shape_cast %get3A_556 : vector<1x16xf32> to vector<16xf32>
        %mul3A_558 = arith.mulf %get3A_557, %gather3A_489 : vector<16xf32>
        %swap3A_559 = arith.index_cast %add3A_493 : i32 to index
        %swap3A_560 = arith.constant 96 : index
        %swap3A_561 = tpu.vector_load %arg8[%swap3A_559, %swap3A_560] {strides = array<i32>} : memref<128x128xf32, #tpu.memory_space<vmem>>, vector<1x16xf32>,
        %swap3A_562 = vector.shape_cast %swap3A_561 : vector<1x16xf32> to vector<16xf32>
        %swap3A_563 = vector.shape_cast %mul3A_558 : vector<16xf32> to vector<1x16xf32>
        tpu.vector_store %arg8[%swap3A_559, %swap3A_560], %swap3A_563 {strides = array<i32>} : memref<128x128xf32, #tpu.memory_space<vmem>>, vector<1x16xf32>,
        %get3A_564 = arith.index_cast %add3A_493 : i32 to index
        %get3A_565 = arith.constant 112 : index
        %get3A_566 = tpu.vector_load %arg8[%get3A_564, %get3A_565] {strides = array<i32>} : memref<128x128xf32, #tpu.memory_space<vmem>>, vector<1x16xf32>,
        %get3A_567 = vector.shape_cast %get3A_566 : vector<1x16xf32> to vector<16xf32>
        %mul3A_568 = arith.mulf %get3A_567, %gather3A_489 : vector<16xf32>
        %swap3A_569 = arith.index_cast %add3A_493 : i32 to index
        %swap3A_570 = arith.constant 112 : index
        %swap3A_571 = tpu.vector_load %arg8[%swap3A_569, %swap3A_570] {strides = array<i32>} : memref<128x128xf32, #tpu.memory_space<vmem>>, vector<1x16xf32>,
        %swap3A_572 = vector.shape_cast %swap3A_571 : vector<1x16xf32> to vector<16xf32>
        %swap3A_573 = vector.shape_cast %mul3A_568 : vector<16xf32> to vector<1x16xf32>
        tpu.vector_store %arg8[%swap3A_569, %swap3A_570], %swap3A_573 {strides = array<i32>} : memref<128x128xf32, #tpu.memory_space<vmem>>, vector<1x16xf32>,
        %broadcast_in_dim3A_574 = arith.constant 6 : i32
        %broadcast_in_dim3A_575 = vector.broadcast %broadcast_in_dim3A_574 : i32 to vector<16xi32>
        %broadcast_in_dim3A_576 = vector.shape_cast %broadcast_in_dim3A_575 : vector<16xi32> to vector<16x1xi32>
        %gather3A_577 = vector.shape_cast %broadcast_in_dim3A_576 : vector<16x1xi32> to vector<16xi32>
        %gather3A_578 = tpu.dynamic_gather %get3A_42[%gather3A_577] in [0] : vector<16xf32>, vector<16xi32> -> vector<16xf32>
        %mul3A_579 = arith.constant 16 : i32
        %mul3A_580 = arith.muli %scan3A_38, %mul3A_579 : i32
        %add3A_581 = arith.constant 6 : i32
        %add3A_582 = arith.addi %mul3A_580, %add3A_581 : i32
        %get3A_583 = arith.index_cast %add3A_582 : i32 to index
        %get3A_584 = arith.constant 0 : index
        %get3A_585 = tpu.vector_load %arg8[%get3A_583, %get3A_584] {strides = array<i32>} : memref<128x128xf32, #tpu.memory_space<vmem>>, vector<1x16xf32>,
        %get3A_586 = vector.shape_cast %get3A_585 : vector<1x16xf32> to vector<16xf32>
        %mul3A_587 = arith.mulf %get3A_586, %gather3A_578 : vector<16xf32>
        %swap3A_588 = arith.index_cast %add3A_582 : i32 to index
        %swap3A_589 = arith.constant 0 : index
        %swap3A_590 = tpu.vector_load %arg8[%swap3A_588, %swap3A_589] {strides = array<i32>} : memref<128x128xf32, #tpu.memory_space<vmem>>, vector<1x16xf32>,
        %swap3A_591 = vector.shape_cast %swap3A_590 : vector<1x16xf32> to vector<16xf32>
        %swap3A_592 = vector.shape_cast %mul3A_587 : vector<16xf32> to vector<1x16xf32>
        tpu.vector_store %arg8[%swap3A_588, %swap3A_589], %swap3A_592 {strides = array<i32>} : memref<128x128xf32, #tpu.memory_space<vmem>>, vector<1x16xf32>,
        %get3A_593 = arith.index_cast %add3A_582 : i32 to index
        %get3A_594 = arith.constant 16 : index
        %get3A_595 = tpu.vector_load %arg8[%get3A_593, %get3A_594] {strides = array<i32>} : memref<128x128xf32, #tpu.memory_space<vmem>>, vector<1x16xf32>,
        %get3A_596 = vector.shape_cast %get3A_595 : vector<1x16xf32> to vector<16xf32>
        %mul3A_597 = arith.mulf %get3A_596, %gather3A_578 : vector<16xf32>
        %swap3A_598 = arith.index_cast %add3A_582 : i32 to index
        %swap3A_599 = arith.constant 16 : index
        %swap3A_600 = tpu.vector_load %arg8[%swap3A_598, %swap3A_599] {strides = array<i32>} : memref<128x128xf32, #tpu.memory_space<vmem>>, vector<1x16xf32>,
        %swap3A_601 = vector.shape_cast %swap3A_600 : vector<1x16xf32> to vector<16xf32>
        %swap3A_602 = vector.shape_cast %mul3A_597 : vector<16xf32> to vector<1x16xf32>
        tpu.vector_store %arg8[%swap3A_598, %swap3A_599], %swap3A_602 {strides = array<i32>} : memref<128x128xf32, #tpu.memory_space<vmem>>, vector<1x16xf32>,
        %get3A_603 = arith.index_cast %add3A_582 : i32 to index
        %get3A_604 = arith.constant 32 : index
        %get3A_605 = tpu.vector_load %arg8[%get3A_603, %get3A_604] {strides = array<i32>} : memref<128x128xf32, #tpu.memory_space<vmem>>, vector<1x16xf32>,
        %get3A_606 = vector.shape_cast %get3A_605 : vector<1x16xf32> to vector<16xf32>
        %mul3A_607 = arith.mulf %get3A_606, %gather3A_578 : vector<16xf32>
        %swap3A_608 = arith.index_cast %add3A_582 : i32 to index
        %swap3A_609 = arith.constant 32 : index
        %swap3A_610 = tpu.vector_load %arg8[%swap3A_608, %swap3A_609] {strides = array<i32>} : memref<128x128xf32, #tpu.memory_space<vmem>>, vector<1x16xf32>,
        %swap3A_611 = vector.shape_cast %swap3A_610 : vector<1x16xf32> to vector<16xf32>
        %swap3A_612 = vector.shape_cast %mul3A_607 : vector<16xf32> to vector<1x16xf32>
        tpu.vector_store %arg8[%swap3A_608, %swap3A_609], %swap3A_612 {strides = array<i32>} : memref<128x128xf32, #tpu.memory_space<vmem>>, vector<1x16xf32>,
        %get3A_613 = arith.index_cast %add3A_582 : i32 to index
        %get3A_614 = arith.constant 48 : index
        %get3A_615 = tpu.vector_load %arg8[%get3A_613, %get3A_614] {strides = array<i32>} : memref<128x128xf32, #tpu.memory_space<vmem>>, vector<1x16xf32>,
        %get3A_616 = vector.shape_cast %get3A_615 : vector<1x16xf32> to vector<16xf32>
        %mul3A_617 = arith.mulf %get3A_616, %gather3A_578 : vector<16xf32>
        %swap3A_618 = arith.index_cast %add3A_582 : i32 to index
        %swap3A_619 = arith.constant 48 : index
        %swap3A_620 = tpu.vector_load %arg8[%swap3A_618, %swap3A_619] {strides = array<i32>} : memref<128x128xf32, #tpu.memory_space<vmem>>, vector<1x16xf32>,
        %swap3A_621 = vector.shape_cast %swap3A_620 : vector<1x16xf32> to vector<16xf32>
        %swap3A_622 = vector.shape_cast %mul3A_617 : vector<16xf32> to vector<1x16xf32>
        tpu.vector_store %arg8[%swap3A_618, %swap3A_619], %swap3A_622 {strides = array<i32>} : memref<128x128xf32, #tpu.memory_space<vmem>>, vector<1x16xf32>,
        %get3A_623 = arith.index_cast %add3A_582 : i32 to index
        %get3A_624 = arith.constant 64 : index
        %get3A_625 = tpu.vector_load %arg8[%get3A_623, %get3A_624] {strides = array<i32>} : memref<128x128xf32, #tpu.memory_space<vmem>>, vector<1x16xf32>,
        %get3A_626 = vector.shape_cast %get3A_625 : vector<1x16xf32> to vector<16xf32>
        %mul3A_627 = arith.mulf %get3A_626, %gather3A_578 : vector<16xf32>
        %swap3A_628 = arith.index_cast %add3A_582 : i32 to index
        %swap3A_629 = arith.constant 64 : index
        %swap3A_630 = tpu.vector_load %arg8[%swap3A_628, %swap3A_629] {strides = array<i32>} : memref<128x128xf32, #tpu.memory_space<vmem>>, vector<1x16xf32>,
        %swap3A_631 = vector.shape_cast %swap3A_630 : vector<1x16xf32> to vector<16xf32>
        %swap3A_632 = vector.shape_cast %mul3A_627 : vector<16xf32> to vector<1x16xf32>
        tpu.vector_store %arg8[%swap3A_628, %swap3A_629], %swap3A_632 {strides = array<i32>} : memref<128x128xf32, #tpu.memory_space<vmem>>, vector<1x16xf32>,
        %get3A_633 = arith.index_cast %add3A_582 : i32 to index
        %get3A_634 = arith.constant 80 : index
        %get3A_635 = tpu.vector_load %arg8[%get3A_633, %get3A_634] {strides = array<i32>} : memref<128x128xf32, #tpu.memory_space<vmem>>, vector<1x16xf32>,
        %get3A_636 = vector.shape_cast %get3A_635 : vector<1x16xf32> to vector<16xf32>
        %mul3A_637 = arith.mulf %get3A_636, %gather3A_578 : vector<16xf32>
        %swap3A_638 = arith.index_cast %add3A_582 : i32 to index
        %swap3A_639 = arith.constant 80 : index
        %swap3A_640 = tpu.vector_load %arg8[%swap3A_638, %swap3A_639] {strides = array<i32>} : memref<128x128xf32, #tpu.memory_space<vmem>>, vector<1x16xf32>,
        %swap3A_641 = vector.shape_cast %swap3A_640 : vector<1x16xf32> to vector<16xf32>
        %swap3A_642 = vector.shape_cast %mul3A_637 : vector<16xf32> to vector<1x16xf32>
        tpu.vector_store %arg8[%swap3A_638, %swap3A_639], %swap3A_642 {strides = array<i32>} : memref<128x128xf32, #tpu.memory_space<vmem>>, vector<1x16xf32>,
        %get3A_643 = arith.index_cast %add3A_582 : i32 to index
        %get3A_644 = arith.constant 96 : index
        %get3A_645 = tpu.vector_load %arg8[%get3A_643, %get3A_644] {strides = array<i32>} : memref<128x128xf32, #tpu.memory_space<vmem>>, vector<1x16xf32>,
        %get3A_646 = vector.shape_cast %get3A_645 : vector<1x16xf32> to vector<16xf32>
        %mul3A_647 = arith.mulf %get3A_646, %gather3A_578 : vector<16xf32>
        %swap3A_648 = arith.index_cast %add3A_582 : i32 to index
        %swap3A_649 = arith.constant 96 : index
        %swap3A_650 = tpu.vector_load %arg8[%swap3A_648, %swap3A_649] {strides = array<i32>} : memref<128x128xf32, #tpu.memory_space<vmem>>, vector<1x16xf32>,
        %swap3A_651 = vector.shape_cast %swap3A_650 : vector<1x16xf32> to vector<16xf32>
        %swap3A_652 = vector.shape_cast %mul3A_647 : vector<16xf32> to vector<1x16xf32>
        tpu.vector_store %arg8[%swap3A_648, %swap3A_649], %swap3A_652 {strides = array<i32>} : memref<128x128xf32, #tpu.memory_space<vmem>>, vector<1x16xf32>,
        %get3A_653 = arith.index_cast %add3A_582 : i32 to index
        %get3A_654 = arith.constant 112 : index
        %get3A_655 = tpu.vector_load %arg8[%get3A_653, %get3A_654] {strides = array<i32>} : memref<128x128xf32, #tpu.memory_space<vmem>>, vector<1x16xf32>,
        %get3A_656 = vector.shape_cast %get3A_655 : vector<1x16xf32> to vector<16xf32>
        %mul3A_657 = arith.mulf %get3A_656, %gather3A_578 : vector<16xf32>
        %swap3A_658 = arith.index_cast %add3A_582 : i32 to index
        %swap3A_659 = arith.constant 112 : index
        %swap3A_660 = tpu.vector_load %arg8[%swap3A_658, %swap3A_659] {strides = array<i32>} : memref<128x128xf32, #tpu.memory_space<vmem>>, vector<1x16xf32>,
        %swap3A_661 = vector.shape_cast %swap3A_660 : vector<1x16xf32> to vector<16xf32>
        %swap3A_662 = vector.shape_cast %mul3A_657 : vector<16xf32> to vector<1x16xf32>
        tpu.vector_store %arg8[%swap3A_658, %swap3A_659], %swap3A_662 {strides = array<i32>} : memref<128x128xf32, #tpu.memory_space<vmem>>, vector<1x16xf32>,
        %broadcast_in_dim3A_663 = arith.constant 7 : i32
        %broadcast_in_dim3A_664 = vector.broadcast %broadcast_in_dim3A_663 : i32 to vector<16xi32>
        %broadcast_in_dim3A_665 = vector.shape_cast %broadcast_in_dim3A_664 : vector<16xi32> to vector<16x1xi32>
        %gather3A_666 = vector.shape_cast %broadcast_in_dim3A_665 : vector<16x1xi32> to vector<16xi32>
        %gather3A_667 = tpu.dynamic_gather %get3A_42[%gather3A_666] in [0] : vector<16xf32>, vector<16xi32> -> vector<16xf32>
        %mul3A_668 = arith.constant 16 : i32
        %mul3A_669 = arith.muli %scan3A_38, %mul3A_668 : i32
        %add3A_670 = arith.constant 7 : i32
        %add3A_671 = arith.addi %mul3A_669, %add3A_670 : i32
        %get3A_672 = arith.index_cast %add3A_671 : i32 to index
        %get3A_673 = arith.constant 0 : index
        %get3A_674 = tpu.vector_load %arg8[%get3A_672, %get3A_673] {strides = array<i32>} : memref<128x128xf32, #tpu.memory_space<vmem>>, vector<1x16xf32>,
        %get3A_675 = vector.shape_cast %get3A_674 : vector<1x16xf32> to vector<16xf32>
        %mul3A_676 = arith.mulf %get3A_675, %gather3A_667 : vector<16xf32>
        %swap3A_677 = arith.index_cast %add3A_671 : i32 to index
        %swap3A_678 = arith.constant 0 : index
        %swap3A_679 = tpu.vector_load %arg8[%swap3A_677, %swap3A_678] {strides = array<i32>} : memref<128x128xf32, #tpu.memory_space<vmem>>, vector<1x16xf32>,
        %swap3A_680 = vector.shape_cast %swap3A_679 : vector<1x16xf32> to vector<16xf32>
        %swap3A_681 = vector.shape_cast %mul3A_676 : vector<16xf32> to vector<1x16xf32>
        tpu.vector_store %arg8[%swap3A_677, %swap3A_678], %swap3A_681 {strides = array<i32>} : memref<128x128xf32, #tpu.memory_space<vmem>>, vector<1x16xf32>,
        %get3A_682 = arith.index_cast %add3A_671 : i32 to index
        %get3A_683 = arith.constant 16 : index
        %get3A_684 = tpu.vector_load %arg8[%get3A_682, %get3A_683] {strides = array<i32>} : memref<128x128xf32, #tpu.memory_space<vmem>>, vector<1x16xf32>,
        %get3A_685 = vector.shape_cast %get3A_684 : vector<1x16xf32> to vector<16xf32>
        %mul3A_686 = arith.mulf %get3A_685, %gather3A_667 : vector<16xf32>
        %swap3A_687 = arith.index_cast %add3A_671 : i32 to index
        %swap3A_688 = arith.constant 16 : index
        %swap3A_689 = tpu.vector_load %arg8[%swap3A_687, %swap3A_688] {strides = array<i32>} : memref<128x128xf32, #tpu.memory_space<vmem>>, vector<1x16xf32>,
        %swap3A_690 = vector.shape_cast %swap3A_689 : vector<1x16xf32> to vector<16xf32>
        %swap3A_691 = vector.shape_cast %mul3A_686 : vector<16xf32> to vector<1x16xf32>
        tpu.vector_store %arg8[%swap3A_687, %swap3A_688], %swap3A_691 {strides = array<i32>} : memref<128x128xf32, #tpu.memory_space<vmem>>, vector<1x16xf32>,
        %get3A_692 = arith.index_cast %add3A_671 : i32 to index
        %get3A_693 = arith.constant 32 : index
        %get3A_694 = tpu.vector_load %arg8[%get3A_692, %get3A_693] {strides = array<i32>} : memref<128x128xf32, #tpu.memory_space<vmem>>, vector<1x16xf32>,
        %get3A_695 = vector.shape_cast %get3A_694 : vector<1x16xf32> to vector<16xf32>
        %mul3A_696 = arith.mulf %get3A_695, %gather3A_667 : vector<16xf32>
        %swap3A_697 = arith.index_cast %add3A_671 : i32 to index
        %swap3A_698 = arith.constant 32 : index
        %swap3A_699 = tpu.vector_load %arg8[%swap3A_697, %swap3A_698] {strides = array<i32>} : memref<128x128xf32, #tpu.memory_space<vmem>>, vector<1x16xf32>,
        %swap3A_700 = vector.shape_cast %swap3A_699 : vector<1x16xf32> to vector<16xf32>
        %swap3A_701 = vector.shape_cast %mul3A_696 : vector<16xf32> to vector<1x16xf32>
        tpu.vector_store %arg8[%swap3A_697, %swap3A_698], %swap3A_701 {strides = array<i32>} : memref<128x128xf32, #tpu.memory_space<vmem>>, vector<1x16xf32>,
        %get3A_702 = arith.index_cast %add3A_671 : i32 to index
        %get3A_703 = arith.constant 48 : index
        %get3A_704 = tpu.vector_load %arg8[%get3A_702, %get3A_703] {strides = array<i32>} : memref<128x128xf32, #tpu.memory_space<vmem>>, vector<1x16xf32>,
        %get3A_705 = vector.shape_cast %get3A_704 : vector<1x16xf32> to vector<16xf32>
        %mul3A_706 = arith.mulf %get3A_705, %gather3A_667 : vector<16xf32>
        %swap3A_707 = arith.index_cast %add3A_671 : i32 to index
        %swap3A_708 = arith.constant 48 : index
        %swap3A_709 = tpu.vector_load %arg8[%swap3A_707, %swap3A_708] {strides = array<i32>} : memref<128x128xf32, #tpu.memory_space<vmem>>, vector<1x16xf32>,
        %swap3A_710 = vector.shape_cast %swap3A_709 : vector<1x16xf32> to vector<16xf32>
        %swap3A_711 = vector.shape_cast %mul3A_706 : vector<16xf32> to vector<1x16xf32>
        tpu.vector_store %arg8[%swap3A_707, %swap3A_708], %swap3A_711 {strides = array<i32>} : memref<128x128xf32, #tpu.memory_space<vmem>>, vector<1x16xf32>,
        %get3A_712 = arith.index_cast %add3A_671 : i32 to index
        %get3A_713 = arith.constant 64 : index
        %get3A_714 = tpu.vector_load %arg8[%get3A_712, %get3A_713] {strides = array<i32>} : memref<128x128xf32, #tpu.memory_space<vmem>>, vector<1x16xf32>,
        %get3A_715 = vector.shape_cast %get3A_714 : vector<1x16xf32> to vector<16xf32>
        %mul3A_716 = arith.mulf %get3A_715, %gather3A_667 : vector<16xf32>
        %swap3A_717 = arith.index_cast %add3A_671 : i32 to index
        %swap3A_718 = arith.constant 64 : index
        %swap3A_719 = tpu.vector_load %arg8[%swap3A_717, %swap3A_718] {strides = array<i32>} : memref<128x128xf32, #tpu.memory_space<vmem>>, vector<1x16xf32>,
        %swap3A_720 = vector.shape_cast %swap3A_719 : vector<1x16xf32> to vector<16xf32>
        %swap3A_721 = vector.shape_cast %mul3A_716 : vector<16xf32> to vector<1x16xf32>
        tpu.vector_store %arg8[%swap3A_717, %swap3A_718], %swap3A_721 {strides = array<i32>} : memref<128x128xf32, #tpu.memory_space<vmem>>, vector<1x16xf32>,
        %get3A_722 = arith.index_cast %add3A_671 : i32 to index
        %get3A_723 = arith.constant 80 : index
        %get3A_724 = tpu.vector_load %arg8[%get3A_722, %get3A_723] {strides = array<i32>} : memref<128x128xf32, #tpu.memory_space<vmem>>, vector<1x16xf32>,
        %get3A_725 = vector.shape_cast %get3A_724 : vector<1x16xf32> to vector<16xf32>
        %mul3A_726 = arith.mulf %get3A_725, %gather3A_667 : vector<16xf32>
        %swap3A_727 = arith.index_cast %add3A_671 : i32 to index
        %swap3A_728 = arith.constant 80 : index
        %swap3A_729 = tpu.vector_load %arg8[%swap3A_727, %swap3A_728] {strides = array<i32>} : memref<128x128xf32, #tpu.memory_space<vmem>>, vector<1x16xf32>,
        %swap3A_730 = vector.shape_cast %swap3A_729 : vector<1x16xf32> to vector<16xf32>
        %swap3A_731 = vector.shape_cast %mul3A_726 : vector<16xf32> to vector<1x16xf32>
        tpu.vector_store %arg8[%swap3A_727, %swap3A_728], %swap3A_731 {strides = array<i32>} : memref<128x128xf32, #tpu.memory_space<vmem>>, vector<1x16xf32>,
        %get3A_732 = arith.index_cast %add3A_671 : i32 to index
        %get3A_733 = arith.constant 96 : index
        %get3A_734 = tpu.vector_load %arg8[%get3A_732, %get3A_733] {strides = array<i32>} : memref<128x128xf32, #tpu.memory_space<vmem>>, vector<1x16xf32>,
        %get3A_735 = vector.shape_cast %get3A_734 : vector<1x16xf32> to vector<16xf32>
        %mul3A_736 = arith.mulf %get3A_735, %gather3A_667 : vector<16xf32>
        %swap3A_737 = arith.index_cast %add3A_671 : i32 to index
        %swap3A_738 = arith.constant 96 : index
        %swap3A_739 = tpu.vector_load %arg8[%swap3A_737, %swap3A_738] {strides = array<i32>} : memref<128x128xf32, #tpu.memory_space<vmem>>, vector<1x16xf32>,
        %swap3A_740 = vector.shape_cast %swap3A_739 : vector<1x16xf32> to vector<16xf32>
        %swap3A_741 = vector.shape_cast %mul3A_736 : vector<16xf32> to vector<1x16xf32>
        tpu.vector_store %arg8[%swap3A_737, %swap3A_738], %swap3A_741 {strides = array<i32>} : memref<128x128xf32, #tpu.memory_space<vmem>>, vector<1x16xf32>,
        %get3A_742 = arith.index_cast %add3A_671 : i32 to index
        %get3A_743 = arith.constant 112 : index
        %get3A_744 = tpu.vector_load %arg8[%get3A_742, %get3A_743] {strides = array<i32>} : memref<128x128xf32, #tpu.memory_space<vmem>>, vector<1x16xf32>,
        %get3A_745 = vector.shape_cast %get3A_744 : vector<1x16xf32> to vector<16xf32>
        %mul3A_746 = arith.mulf %get3A_745, %gather3A_667 : vector<16xf32>
        %swap3A_747 = arith.index_cast %add3A_671 : i32 to index
        %swap3A_748 = arith.constant 112 : index
        %swap3A_749 = tpu.vector_load %arg8[%swap3A_747, %swap3A_748] {strides = array<i32>} : memref<128x128xf32, #tpu.memory_space<vmem>>, vector<1x16xf32>,
        %swap3A_750 = vector.shape_cast %swap3A_749 : vector<1x16xf32> to vector<16xf32>
        %swap3A_751 = vector.shape_cast %mul3A_746 : vector<16xf32> to vector<1x16xf32>
        tpu.vector_store %arg8[%swap3A_747, %swap3A_748], %swap3A_751 {strides = array<i32>} : memref<128x128xf32, #tpu.memory_space<vmem>>, vector<1x16xf32>,
        %broadcast_in_dim3A_752 = arith.constant 8 : i32
        %broadcast_in_dim3A_753 = vector.broadcast %broadcast_in_dim3A_752 : i32 to vector<16xi32>
        %broadcast_in_dim3A_754 = vector.shape_cast %broadcast_in_dim3A_753 : vector<16xi32> to vector<16x1xi32>
        %gather3A_755 = vector.shape_cast %broadcast_in_dim3A_754 : vector<16x1xi32> to vector<16xi32>
        %gather3A_756 = tpu.dynamic_gather %get3A_42[%gather3A_755] in [0] : vector<16xf32>, vector<16xi32> -> vector<16xf32>
        %mul3A_757 = arith.constant 16 : i32
        %mul3A_758 = arith.muli %scan3A_38, %mul3A_757 : i32
        %add3A_759 = arith.constant 8 : i32
        %add3A_760 = arith.addi %mul3A_758, %add3A_759 : i32
        %get3A_761 = arith.index_cast %add3A_760 : i32 to index
        %get3A_762 = arith.constant 0 : index
        %get3A_763 = tpu.vector_load %arg8[%get3A_761, %get3A_762] {strides = array<i32>} : memref<128x128xf32, #tpu.memory_space<vmem>>, vector<1x16xf32>,
        %get3A_764 = vector.shape_cast %get3A_763 : vector<1x16xf32> to vector<16xf32>
        %mul3A_765 = arith.mulf %get3A_764, %gather3A_756 : vector<16xf32>
        %swap3A_766 = arith.index_cast %add3A_760 : i32 to index
        %swap3A_767 = arith.constant 0 : index
        %swap3A_768 = tpu.vector_load %arg8[%swap3A_766, %swap3A_767] {strides = array<i32>} : memref<128x128xf32, #tpu.memory_space<vmem>>, vector<1x16xf32>,
        %swap3A_769 = vector.shape_cast %swap3A_768 : vector<1x16xf32> to vector<16xf32>
        %swap3A_770 = vector.shape_cast %mul3A_765 : vector<16xf32> to vector<1x16xf32>
        tpu.vector_store %arg8[%swap3A_766, %swap3A_767], %swap3A_770 {strides = array<i32>} : memref<128x128xf32, #tpu.memory_space<vmem>>, vector<1x16xf32>,
        %get3A_771 = arith.index_cast %add3A_760 : i32 to index
        %get3A_772 = arith.constant 16 : index
        %get3A_773 = tpu.vector_load %arg8[%get3A_771, %get3A_772] {strides = array<i32>} : memref<128x128xf32, #tpu.memory_space<vmem>>, vector<1x16xf32>,
        %get3A_774 = vector.shape_cast %get3A_773 : vector<1x16xf32> to vector<16xf32>
        %mul3A_775 = arith.mulf %get3A_774, %gather3A_756 : vector<16xf32>
        %swap3A_776 = arith.index_cast %add3A_760 : i32 to index
        %swap3A_777 = arith.constant 16 : index
        %swap3A_778 = tpu.vector_load %arg8[%swap3A_776, %swap3A_777] {strides = array<i32>} : memref<128x128xf32, #tpu.memory_space<vmem>>, vector<1x16xf32>,
        %swap3A_779 = vector.shape_cast %swap3A_778 : vector<1x16xf32> to vector<16xf32>
        %swap3A_780 = vector.shape_cast %mul3A_775 : vector<16xf32> to vector<1x16xf32>
        tpu.vector_store %arg8[%swap3A_776, %swap3A_777], %swap3A_780 {strides = array<i32>} : memref<128x128xf32, #tpu.memory_space<vmem>>, vector<1x16xf32>,
        %get3A_781 = arith.index_cast %add3A_760 : i32 to index
        %get3A_782 = arith.constant 32 : index
        %get3A_783 = tpu.vector_load %arg8[%get3A_781, %get3A_782] {strides = array<i32>} : memref<128x128xf32, #tpu.memory_space<vmem>>, vector<1x16xf32>,
        %get3A_784 = vector.shape_cast %get3A_783 : vector<1x16xf32> to vector<16xf32>
        %mul3A_785 = arith.mulf %get3A_784, %gather3A_756 : vector<16xf32>
        %swap3A_786 = arith.index_cast %add3A_760 : i32 to index
        %swap3A_787 = arith.constant 32 : index
        %swap3A_788 = tpu.vector_load %arg8[%swap3A_786, %swap3A_787] {strides = array<i32>} : memref<128x128xf32, #tpu.memory_space<vmem>>, vector<1x16xf32>,
        %swap3A_789 = vector.shape_cast %swap3A_788 : vector<1x16xf32> to vector<16xf32>
        %swap3A_790 = vector.shape_cast %mul3A_785 : vector<16xf32> to vector<1x16xf32>
        tpu.vector_store %arg8[%swap3A_786, %swap3A_787], %swap3A_790 {strides = array<i32>} : memref<128x128xf32, #tpu.memory_space<vmem>>, vector<1x16xf32>,
        %get3A_791 = arith.index_cast %add3A_760 : i32 to index
        %get3A_792 = arith.constant 48 : index
        %get3A_793 = tpu.vector_load %arg8[%get3A_791, %get3A_792] {strides = array<i32>} : memref<128x128xf32, #tpu.memory_space<vmem>>, vector<1x16xf32>,
        %get3A_794 = vector.shape_cast %get3A_793 : vector<1x16xf32> to vector<16xf32>
        %mul3A_795 = arith.mulf %get3A_794, %gather3A_756 : vector<16xf32>
        %swap3A_796 = arith.index_cast %add3A_760 : i32 to index
        %swap3A_797 = arith.constant 48 : index
        %swap3A_798 = tpu.vector_load %arg8[%swap3A_796, %swap3A_797] {strides = array<i32>} : memref<128x128xf32, #tpu.memory_space<vmem>>, vector<1x16xf32>,
        %swap3A_799 = vector.shape_cast %swap3A_798 : vector<1x16xf32> to vector<16xf32>
        %swap3A_800 = vector.shape_cast %mul3A_795 : vector<16xf32> to vector<1x16xf32>
        tpu.vector_store %arg8[%swap3A_796, %swap3A_797], %swap3A_800 {strides = array<i32>} : memref<128x128xf32, #tpu.memory_space<vmem>>, vector<1x16xf32>,
        %get3A_801 = arith.index_cast %add3A_760 : i32 to index
        %get3A_802 = arith.constant 64 : index
        %get3A_803 = tpu.vector_load %arg8[%get3A_801, %get3A_802] {strides = array<i32>} : memref<128x128xf32, #tpu.memory_space<vmem>>, vector<1x16xf32>,
        %get3A_804 = vector.shape_cast %get3A_803 : vector<1x16xf32> to vector<16xf32>
        %mul3A_805 = arith.mulf %get3A_804, %gather3A_756 : vector<16xf32>
        %swap3A_806 = arith.index_cast %add3A_760 : i32 to index
        %swap3A_807 = arith.constant 64 : index
        %swap3A_808 = tpu.vector_load %arg8[%swap3A_806, %swap3A_807] {strides = array<i32>} : memref<128x128xf32, #tpu.memory_space<vmem>>, vector<1x16xf32>,
        %swap3A_809 = vector.shape_cast %swap3A_808 : vector<1x16xf32> to vector<16xf32>
        %swap3A_810 = vector.shape_cast %mul3A_805 : vector<16xf32> to vector<1x16xf32>
        tpu.vector_store %arg8[%swap3A_806, %swap3A_807], %swap3A_810 {strides = array<i32>} : memref<128x128xf32, #tpu.memory_space<vmem>>, vector<1x16xf32>,
        %get3A_811 = arith.index_cast %add3A_760 : i32 to index
        %get3A_812 = arith.constant 80 : index
        %get3A_813 = tpu.vector_load %arg8[%get3A_811, %get3A_812] {strides = array<i32>} : memref<128x128xf32, #tpu.memory_space<vmem>>, vector<1x16xf32>,
        %get3A_814 = vector.shape_cast %get3A_813 : vector<1x16xf32> to vector<16xf32>
        %mul3A_815 = arith.mulf %get3A_814, %gather3A_756 : vector<16xf32>
        %swap3A_816 = arith.index_cast %add3A_760 : i32 to index
        %swap3A_817 = arith.constant 80 : index
        %swap3A_818 = tpu.vector_load %arg8[%swap3A_816, %swap3A_817] {strides = array<i32>} : memref<128x128xf32, #tpu.memory_space<vmem>>, vector<1x16xf32>,
        %swap3A_819 = vector.shape_cast %swap3A_818 : vector<1x16xf32> to vector<16xf32>
        %swap3A_820 = vector.shape_cast %mul3A_815 : vector<16xf32> to vector<1x16xf32>
        tpu.vector_store %arg8[%swap3A_816, %swap3A_817], %swap3A_820 {strides = array<i32>} : memref<128x128xf32, #tpu.memory_space<vmem>>, vector<1x16xf32>,
        %get3A_821 = arith.index_cast %add3A_760 : i32 to index
        %get3A_822 = arith.constant 96 : index
        %get3A_823 = tpu.vector_load %arg8[%get3A_821, %get3A_822] {strides = array<i32>} : memref<128x128xf32, #tpu.memory_space<vmem>>, vector<1x16xf32>,
        %get3A_824 = vector.shape_cast %get3A_823 : vector<1x16xf32> to vector<16xf32>
        %mul3A_825 = arith.mulf %get3A_824, %gather3A_756 : vector<16xf32>
        %swap3A_826 = arith.index_cast %add3A_760 : i32 to index
        %swap3A_827 = arith.constant 96 : index
        %swap3A_828 = tpu.vector_load %arg8[%swap3A_826, %swap3A_827] {strides = array<i32>} : memref<128x128xf32, #tpu.memory_space<vmem>>, vector<1x16xf32>,
        %swap3A_829 = vector.shape_cast %swap3A_828 : vector<1x16xf32> to vector<16xf32>
        %swap3A_830 = vector.shape_cast %mul3A_825 : vector<16xf32> to vector<1x16xf32>
        tpu.vector_store %arg8[%swap3A_826, %swap3A_827], %swap3A_830 {strides = array<i32>} : memref<128x128xf32, #tpu.memory_space<vmem>>, vector<1x16xf32>,
        %get3A_831 = arith.index_cast %add3A_760 : i32 to index
        %get3A_832 = arith.constant 112 : index
        %get3A_833 = tpu.vector_load %arg8[%get3A_831, %get3A_832] {strides = array<i32>} : memref<128x128xf32, #tpu.memory_space<vmem>>, vector<1x16xf32>,
        %get3A_834 = vector.shape_cast %get3A_833 : vector<1x16xf32> to vector<16xf32>
        %mul3A_835 = arith.mulf %get3A_834, %gather3A_756 : vector<16xf32>
        %swap3A_836 = arith.index_cast %add3A_760 : i32 to index
        %swap3A_837 = arith.constant 112 : index
        %swap3A_838 = tpu.vector_load %arg8[%swap3A_836, %swap3A_837] {strides = array<i32>} : memref<128x128xf32, #tpu.memory_space<vmem>>, vector<1x16xf32>,
        %swap3A_839 = vector.shape_cast %swap3A_838 : vector<1x16xf32> to vector<16xf32>
        %swap3A_840 = vector.shape_cast %mul3A_835 : vector<16xf32> to vector<1x16xf32>
        tpu.vector_store %arg8[%swap3A_836, %swap3A_837], %swap3A_840 {strides = array<i32>} : memref<128x128xf32, #tpu.memory_space<vmem>>, vector<1x16xf32>,
        %broadcast_in_dim3A_841 = arith.constant 9 : i32
        %broadcast_in_dim3A_842 = vector.broadcast %broadcast_in_dim3A_841 : i32 to vector<16xi32>
        %broadcast_in_dim3A_843 = vector.shape_cast %broadcast_in_dim3A_842 : vector<16xi32> to vector<16x1xi32>
        %gather3A_844 = vector.shape_cast %broadcast_in_dim3A_843 : vector<16x1xi32> to vector<16xi32>
        %gather3A_845 = tpu.dynamic_gather %get3A_42[%gather3A_844] in [0] : vector<16xf32>, vector<16xi32> -> vector<16xf32>
        %mul3A_846 = arith.constant 16 : i32
        %mul3A_847 = arith.muli %scan3A_38, %mul3A_846 : i32
        %add3A_848 = arith.constant 9 : i32
        %add3A_849 = arith.addi %mul3A_847, %add3A_848 : i32
        %get3A_850 = arith.index_cast %add3A_849 : i32 to index
        %get3A_851 = arith.constant 0 : index
        %get3A_852 = tpu.vector_load %arg8[%get3A_850, %get3A_851] {strides = array<i32>} : memref<128x128xf32, #tpu.memory_space<vmem>>, vector<1x16xf32>,
        %get3A_853 = vector.shape_cast %get3A_852 : vector<1x16xf32> to vector<16xf32>
        %mul3A_854 = arith.mulf %get3A_853, %gather3A_845 : vector<16xf32>
        %swap3A_855 = arith.index_cast %add3A_849 : i32 to index
        %swap3A_856 = arith.constant 0 : index
        %swap3A_857 = tpu.vector_load %arg8[%swap3A_855, %swap3A_856] {strides = array<i32>} : memref<128x128xf32, #tpu.memory_space<vmem>>, vector<1x16xf32>,
        %swap3A_858 = vector.shape_cast %swap3A_857 : vector<1x16xf32> to vector<16xf32>
        %swap3A_859 = vector.shape_cast %mul3A_854 : vector<16xf32> to vector<1x16xf32>
        tpu.vector_store %arg8[%swap3A_855, %swap3A_856], %swap3A_859 {strides = array<i32>} : memref<128x128xf32, #tpu.memory_space<vmem>>, vector<1x16xf32>,
        %get3A_860 = arith.index_cast %add3A_849 : i32 to index
        %get3A_861 = arith.constant 16 : index
        %get3A_862 = tpu.vector_load %arg8[%get3A_860, %get3A_861] {strides = array<i32>} : memref<128x128xf32, #tpu.memory_space<vmem>>, vector<1x16xf32>,
        %get3A_863 = vector.shape_cast %get3A_862 : vector<1x16xf32> to vector<16xf32>
        %mul3A_864 = arith.mulf %get3A_863, %gather3A_845 : vector<16xf32>
        %swap3A_865 = arith.index_cast %add3A_849 : i32 to index
        %swap3A_866 = arith.constant 16 : index
        %swap3A_867 = tpu.vector_load %arg8[%swap3A_865, %swap3A_866] {strides = array<i32>} : memref<128x128xf32, #tpu.memory_space<vmem>>, vector<1x16xf32>,
        %swap3A_868 = vector.shape_cast %swap3A_867 : vector<1x16xf32> to vector<16xf32>
        %swap3A_869 = vector.shape_cast %mul3A_864 : vector<16xf32> to vector<1x16xf32>
        tpu.vector_store %arg8[%swap3A_865, %swap3A_866], %swap3A_869 {strides = array<i32>} : memref<128x128xf32, #tpu.memory_space<vmem>>, vector<1x16xf32>,
        %get3A_870 = arith.index_cast %add3A_849 : i32 to index
        %get3A_871 = arith.constant 32 : index
        %get3A_872 = tpu.vector_load %arg8[%get3A_870, %get3A_871] {strides = array<i32>} : memref<128x128xf32, #tpu.memory_space<vmem>>, vector<1x16xf32>,
        %get3A_873 = vector.shape_cast %get3A_872 : vector<1x16xf32> to vector<16xf32>
        %mul3A_874 = arith.mulf %get3A_873, %gather3A_845 : vector<16xf32>
        %swap3A_875 = arith.index_cast %add3A_849 : i32 to index
        %swap3A_876 = arith.constant 32 : index
        %swap3A_877 = tpu.vector_load %arg8[%swap3A_875, %swap3A_876] {strides = array<i32>} : memref<128x128xf32, #tpu.memory_space<vmem>>, vector<1x16xf32>,
        %swap3A_878 = vector.shape_cast %swap3A_877 : vector<1x16xf32> to vector<16xf32>
        %swap3A_879 = vector.shape_cast %mul3A_874 : vector<16xf32> to vector<1x16xf32>
        tpu.vector_store %arg8[%swap3A_875, %swap3A_876], %swap3A_879 {strides = array<i32>} : memref<128x128xf32, #tpu.memory_space<vmem>>, vector<1x16xf32>,
        %get3A_880 = arith.index_cast %add3A_849 : i32 to index
        %get3A_881 = arith.constant 48 : index
        %get3A_882 = tpu.vector_load %arg8[%get3A_880, %get3A_881] {strides = array<i32>} : memref<128x128xf32, #tpu.memory_space<vmem>>, vector<1x16xf32>,
        %get3A_883 = vector.shape_cast %get3A_882 : vector<1x16xf32> to vector<16xf32>
        %mul3A_884 = arith.mulf %get3A_883, %gather3A_845 : vector<16xf32>
        %swap3A_885 = arith.index_cast %add3A_849 : i32 to index
        %swap3A_886 = arith.constant 48 : index
        %swap3A_887 = tpu.vector_load %arg8[%swap3A_885, %swap3A_886] {strides = array<i32>} : memref<128x128xf32, #tpu.memory_space<vmem>>, vector<1x16xf32>,
        %swap3A_888 = vector.shape_cast %swap3A_887 : vector<1x16xf32> to vector<16xf32>
        %swap3A_889 = vector.shape_cast %mul3A_884 : vector<16xf32> to vector<1x16xf32>
        tpu.vector_store %arg8[%swap3A_885, %swap3A_886], %swap3A_889 {strides = array<i32>} : memref<128x128xf32, #tpu.memory_space<vmem>>, vector<1x16xf32>,
        %get3A_890 = arith.index_cast %add3A_849 : i32 to index
        %get3A_891 = arith.constant 64 : index
        %get3A_892 = tpu.vector_load %arg8[%get3A_890, %get3A_891] {strides = array<i32>} : memref<128x128xf32, #tpu.memory_space<vmem>>, vector<1x16xf32>,
        %get3A_893 = vector.shape_cast %get3A_892 : vector<1x16xf32> to vector<16xf32>
        %mul3A_894 = arith.mulf %get3A_893, %gather3A_845 : vector<16xf32>
        %swap3A_895 = arith.index_cast %add3A_849 : i32 to index
        %swap3A_896 = arith.constant 64 : index
        %swap3A_897 = tpu.vector_load %arg8[%swap3A_895, %swap3A_896] {strides = array<i32>} : memref<128x128xf32, #tpu.memory_space<vmem>>, vector<1x16xf32>,
        %swap3A_898 = vector.shape_cast %swap3A_897 : vector<1x16xf32> to vector<16xf32>
        %swap3A_899 = vector.shape_cast %mul3A_894 : vector<16xf32> to vector<1x16xf32>
        tpu.vector_store %arg8[%swap3A_895, %swap3A_896], %swap3A_899 {strides = array<i32>} : memref<128x128xf32, #tpu.memory_space<vmem>>, vector<1x16xf32>,
        %get3A_900 = arith.index_cast %add3A_849 : i32 to index
        %get3A_901 = arith.constant 80 : index
        %get3A_902 = tpu.vector_load %arg8[%get3A_900, %get3A_901] {strides = array<i32>} : memref<128x128xf32, #tpu.memory_space<vmem>>, vector<1x16xf32>,
        %get3A_903 = vector.shape_cast %get3A_902 : vector<1x16xf32> to vector<16xf32>
        %mul3A_904 = arith.mulf %get3A_903, %gather3A_845 : vector<16xf32>
        %swap3A_905 = arith.index_cast %add3A_849 : i32 to index
        %swap3A_906 = arith.constant 80 : index
        %swap3A_907 = tpu.vector_load %arg8[%swap3A_905, %swap3A_906] {strides = array<i32>} : memref<128x128xf32, #tpu.memory_space<vmem>>, vector<1x16xf32>,
        %swap3A_908 = vector.shape_cast %swap3A_907 : vector<1x16xf32> to vector<16xf32>
        %swap3A_909 = vector.shape_cast %mul3A_904 : vector<16xf32> to vector<1x16xf32>
        tpu.vector_store %arg8[%swap3A_905, %swap3A_906], %swap3A_909 {strides = array<i32>} : memref<128x128xf32, #tpu.memory_space<vmem>>, vector<1x16xf32>,
        %get3A_910 = arith.index_cast %add3A_849 : i32 to index
        %get3A_911 = arith.constant 96 : index
        %get3A_912 = tpu.vector_load %arg8[%get3A_910, %get3A_911] {strides = array<i32>} : memref<128x128xf32, #tpu.memory_space<vmem>>, vector<1x16xf32>,
        %get3A_913 = vector.shape_cast %get3A_912 : vector<1x16xf32> to vector<16xf32>
        %mul3A_914 = arith.mulf %get3A_913, %gather3A_845 : vector<16xf32>
        %swap3A_915 = arith.index_cast %add3A_849 : i32 to index
        %swap3A_916 = arith.constant 96 : index
        %swap3A_917 = tpu.vector_load %arg8[%swap3A_915, %swap3A_916] {strides = array<i32>} : memref<128x128xf32, #tpu.memory_space<vmem>>, vector<1x16xf32>,
        %swap3A_918 = vector.shape_cast %swap3A_917 : vector<1x16xf32> to vector<16xf32>
        %swap3A_919 = vector.shape_cast %mul3A_914 : vector<16xf32> to vector<1x16xf32>
        tpu.vector_store %arg8[%swap3A_915, %swap3A_916], %swap3A_919 {strides = array<i32>} : memref<128x128xf32, #tpu.memory_space<vmem>>, vector<1x16xf32>,
        %get3A_920 = arith.index_cast %add3A_849 : i32 to index
        %get3A_921 = arith.constant 112 : index
        %get3A_922 = tpu.vector_load %arg8[%get3A_920, %get3A_921] {strides = array<i32>} : memref<128x128xf32, #tpu.memory_space<vmem>>, vector<1x16xf32>,
        %get3A_923 = vector.shape_cast %get3A_922 : vector<1x16xf32> to vector<16xf32>
        %mul3A_924 = arith.mulf %get3A_923, %gather3A_845 : vector<16xf32>
        %swap3A_925 = arith.index_cast %add3A_849 : i32 to index
        %swap3A_926 = arith.constant 112 : index
        %swap3A_927 = tpu.vector_load %arg8[%swap3A_925, %swap3A_926] {strides = array<i32>} : memref<128x128xf32, #tpu.memory_space<vmem>>, vector<1x16xf32>,
        %swap3A_928 = vector.shape_cast %swap3A_927 : vector<1x16xf32> to vector<16xf32>
        %swap3A_929 = vector.shape_cast %mul3A_924 : vector<16xf32> to vector<1x16xf32>
        tpu.vector_store %arg8[%swap3A_925, %swap3A_926], %swap3A_929 {strides = array<i32>} : memref<128x128xf32, #tpu.memory_space<vmem>>, vector<1x16xf32>,
        %broadcast_in_dim3A_930 = arith.constant 10 : i32
        %broadcast_in_dim3A_931 = vector.broadcast %broadcast_in_dim3A_930 : i32 to vector<16xi32>
        %broadcast_in_dim3A_932 = vector.shape_cast %broadcast_in_dim3A_931 : vector<16xi32> to vector<16x1xi32>
        %gather3A_933 = vector.shape_cast %broadcast_in_dim3A_932 : vector<16x1xi32> to vector<16xi32>
        %gather3A_934 = tpu.dynamic_gather %get3A_42[%gather3A_933] in [0] : vector<16xf32>, vector<16xi32> -> vector<16xf32>
        %mul3A_935 = arith.constant 16 : i32
        %mul3A_936 = arith.muli %scan3A_38, %mul3A_935 : i32
        %add3A_937 = arith.constant 10 : i32
        %add3A_938 = arith.addi %mul3A_936, %add3A_937 : i32
        %get3A_939 = arith.index_cast %add3A_938 : i32 to index
        %get3A_940 = arith.constant 0 : index
        %get3A_941 = tpu.vector_load %arg8[%get3A_939, %get3A_940] {strides = array<i32>} : memref<128x128xf32, #tpu.memory_space<vmem>>, vector<1x16xf32>,
        %get3A_942 = vector.shape_cast %get3A_941 : vector<1x16xf32> to vector<16xf32>
        %mul3A_943 = arith.mulf %get3A_942, %gather3A_934 : vector<16xf32>
        %swap3A_944 = arith.index_cast %add3A_938 : i32 to index
        %swap3A_945 = arith.constant 0 : index
        %swap3A_946 = tpu.vector_load %arg8[%swap3A_944, %swap3A_945] {strides = array<i32>} : memref<128x128xf32, #tpu.memory_space<vmem>>, vector<1x16xf32>,
        %swap3A_947 = vector.shape_cast %swap3A_946 : vector<1x16xf32> to vector<16xf32>
        %swap3A_948 = vector.shape_cast %mul3A_943 : vector<16xf32> to vector<1x16xf32>
        tpu.vector_store %arg8[%swap3A_944, %swap3A_945], %swap3A_948 {strides = array<i32>} : memref<128x128xf32, #tpu.memory_space<vmem>>, vector<1x16xf32>,
        %get3A_949 = arith.index_cast %add3A_938 : i32 to index
        %get3A_950 = arith.constant 16 : index
        %get3A_951 = tpu.vector_load %arg8[%get3A_949, %get3A_950] {strides = array<i32>} : memref<128x128xf32, #tpu.memory_space<vmem>>, vector<1x16xf32>,
        %get3A_952 = vector.shape_cast %get3A_951 : vector<1x16xf32> to vector<16xf32>
        %mul3A_953 = arith.mulf %get3A_952, %gather3A_934 : vector<16xf32>
        %swap3A_954 = arith.index_cast %add3A_938 : i32 to index
        %swap3A_955 = arith.constant 16 : index
        %swap3A_956 = tpu.vector_load %arg8[%swap3A_954, %swap3A_955] {strides = array<i32>} : memref<128x128xf32, #tpu.memory_space<vmem>>, vector<1x16xf32>,
        %swap3A_957 = vector.shape_cast %swap3A_956 : vector<1x16xf32> to vector<16xf32>
        %swap3A_958 = vector.shape_cast %mul3A_953 : vector<16xf32> to vector<1x16xf32>
        tpu.vector_store %arg8[%swap3A_954, %swap3A_955], %swap3A_958 {strides = array<i32>} : memref<128x128xf32, #tpu.memory_space<vmem>>, vector<1x16xf32>,
        %get3A_959 = arith.index_cast %add3A_938 : i32 to index
        %get3A_960 = arith.constant 32 : index
        %get3A_961 = tpu.vector_load %arg8[%get3A_959, %get3A_960] {strides = array<i32>} : memref<128x128xf32, #tpu.memory_space<vmem>>, vector<1x16xf32>,
        %get3A_962 = vector.shape_cast %get3A_961 : vector<1x16xf32> to vector<16xf32>
        %mul3A_963 = arith.mulf %get3A_962, %gather3A_934 : vector<16xf32>
        %swap3A_964 = arith.index_cast %add3A_938 : i32 to index
        %swap3A_965 = arith.constant 32 : index
        %swap3A_966 = tpu.vector_load %arg8[%swap3A_964, %swap3A_965] {strides = array<i32>} : memref<128x128xf32, #tpu.memory_space<vmem>>, vector<1x16xf32>,
        %swap3A_967 = vector.shape_cast %swap3A_966 : vector<1x16xf32> to vector<16xf32>
        %swap3A_968 = vector.shape_cast %mul3A_963 : vector<16xf32> to vector<1x16xf32>
        tpu.vector_store %arg8[%swap3A_964, %swap3A_965], %swap3A_968 {strides = array<i32>} : memref<128x128xf32, #tpu.memory_space<vmem>>, vector<1x16xf32>,
        %get3A_969 = arith.index_cast %add3A_938 : i32 to index
        %get3A_970 = arith.constant 48 : index
        %get3A_971 = tpu.vector_load %arg8[%get3A_969, %get3A_970] {strides = array<i32>} : memref<128x128xf32, #tpu.memory_space<vmem>>, vector<1x16xf32>,
        %get3A_972 = vector.shape_cast %get3A_971 : vector<1x16xf32> to vector<16xf32>
        %mul3A_973 = arith.mulf %get3A_972, %gather3A_934 : vector<16xf32>
        %swap3A_974 = arith.index_cast %add3A_938 : i32 to index
        %swap3A_975 = arith.constant 48 : index
        %swap3A_976 = tpu.vector_load %arg8[%swap3A_974, %swap3A_975] {strides = array<i32>} : memref<128x128xf32, #tpu.memory_space<vmem>>, vector<1x16xf32>,
        %swap3A_977 = vector.shape_cast %swap3A_976 : vector<1x16xf32> to vector<16xf32>
        %swap3A_978 = vector.shape_cast %mul3A_973 : vector<16xf32> to vector<1x16xf32>
        tpu.vector_store %arg8[%swap3A_974, %swap3A_975], %swap3A_978 {strides = array<i32>} : memref<128x128xf32, #tpu.memory_space<vmem>>, vector<1x16xf32>,
        %get3A_979 = arith.index_cast %add3A_938 : i32 to index
        %get3A_980 = arith.constant 64 : index
        %get3A_981 = tpu.vector_load %arg8[%get3A_979, %get3A_980] {strides = array<i32>} : memref<128x128xf32, #tpu.memory_space<vmem>>, vector<1x16xf32>,
        %get3A_982 = vector.shape_cast %get3A_981 : vector<1x16xf32> to vector<16xf32>
        %mul3A_983 = arith.mulf %get3A_982, %gather3A_934 : vector<16xf32>
        %swap3A_984 = arith.index_cast %add3A_938 : i32 to index
        %swap3A_985 = arith.constant 64 : index
        %swap3A_986 = tpu.vector_load %arg8[%swap3A_984, %swap3A_985] {strides = array<i32>} : memref<128x128xf32, #tpu.memory_space<vmem>>, vector<1x16xf32>,
        %swap3A_987 = vector.shape_cast %swap3A_986 : vector<1x16xf32> to vector<16xf32>
        %swap3A_988 = vector.shape_cast %mul3A_983 : vector<16xf32> to vector<1x16xf32>
        tpu.vector_store %arg8[%swap3A_984, %swap3A_985], %swap3A_988 {strides = array<i32>} : memref<128x128xf32, #tpu.memory_space<vmem>>, vector<1x16xf32>,
        %get3A_989 = arith.index_cast %add3A_938 : i32 to index
        %get3A_990 = arith.constant 80 : index
        %get3A_991 = tpu.vector_load %arg8[%get3A_989, %get3A_990] {strides = array<i32>} : memref<128x128xf32, #tpu.memory_space<vmem>>, vector<1x16xf32>,
        %get3A_992 = vector.shape_cast %get3A_991 : vector<1x16xf32> to vector<16xf32>
        %mul3A_993 = arith.mulf %get3A_992, %gather3A_934 : vector<16xf32>
        %swap3A_994 = arith.index_cast %add3A_938 : i32 to index
        %swap3A_995 = arith.constant 80 : index
        %swap3A_996 = tpu.vector_load %arg8[%swap3A_994, %swap3A_995] {strides = array<i32>} : memref<128x128xf32, #tpu.memory_space<vmem>>, vector<1x16xf32>,
        %swap3A_997 = vector.shape_cast %swap3A_996 : vector<1x16xf32> to vector<16xf32>
        %swap3A_998 = vector.shape_cast %mul3A_993 : vector<16xf32> to vector<1x16xf32>
        tpu.vector_store %arg8[%swap3A_994, %swap3A_995], %swap3A_998 {strides = array<i32>} : memref<128x128xf32, #tpu.memory_space<vmem>>, vector<1x16xf32>,
        %get3A_999 = arith.index_cast %add3A_938 : i32 to index
        %get3A_1000 = arith.constant 96 : index
        %get3A_1001 = tpu.vector_load %arg8[%get3A_999, %get3A_1000] {strides = array<i32>} : memref<128x128xf32, #tpu.memory_space<vmem>>, vector<1x16xf32>,
        %get3A_1002 = vector.shape_cast %get3A_1001 : vector<1x16xf32> to vector<16xf32>
        %mul3A_1003 = arith.mulf %get3A_1002, %gather3A_934 : vector<16xf32>
        %swap3A_1004 = arith.index_cast %add3A_938 : i32 to index
        %swap3A_1005 = arith.constant 96 : index
        %swap3A_1006 = tpu.vector_load %arg8[%swap3A_1004, %swap3A_1005] {strides = array<i32>} : memref<128x128xf32, #tpu.memory_space<vmem>>, vector<1x16xf32>,
        %swap3A_1007 = vector.shape_cast %swap3A_1006 : vector<1x16xf32> to vector<16xf32>
        %swap3A_1008 = vector.shape_cast %mul3A_1003 : vector<16xf32> to vector<1x16xf32>
        tpu.vector_store %arg8[%swap3A_1004, %swap3A_1005], %swap3A_1008 {strides = array<i32>} : memref<128x128xf32, #tpu.memory_space<vmem>>, vector<1x16xf32>,
        %get3A_1009 = arith.index_cast %add3A_938 : i32 to index
        %get3A_1010 = arith.constant 112 : index
        %get3A_1011 = tpu.vector_load %arg8[%get3A_1009, %get3A_1010] {strides = array<i32>} : memref<128x128xf32, #tpu.memory_space<vmem>>, vector<1x16xf32>,
        %get3A_1012 = vector.shape_cast %get3A_1011 : vector<1x16xf32> to vector<16xf32>
        %mul3A_1013 = arith.mulf %get3A_1012, %gather3A_934 : vector<16xf32>
        %swap3A_1014 = arith.index_cast %add3A_938 : i32 to index
        %swap3A_1015 = arith.constant 112 : index
        %swap3A_1016 = tpu.vector_load %arg8[%swap3A_1014, %swap3A_1015] {strides = array<i32>} : memref<128x128xf32, #tpu.memory_space<vmem>>, vector<1x16xf32>,
        %swap3A_1017 = vector.shape_cast %swap3A_1016 : vector<1x16xf32> to vector<16xf32>
        %swap3A_1018 = vector.shape_cast %mul3A_1013 : vector<16xf32> to vector<1x16xf32>
        tpu.vector_store %arg8[%swap3A_1014, %swap3A_1015], %swap3A_1018 {strides = array<i32>} : memref<128x128xf32, #tpu.memory_space<vmem>>, vector<1x16xf32>,
        %broadcast_in_dim3A_1019 = arith.constant 11 : i32
        %broadcast_in_dim3A_1020 = vector.broadcast %broadcast_in_dim3A_1019 : i32 to vector<16xi32>
        %broadcast_in_dim3A_1021 = vector.shape_cast %broadcast_in_dim3A_1020 : vector<16xi32> to vector<16x1xi32>
        %gather3A_1022 = vector.shape_cast %broadcast_in_dim3A_1021 : vector<16x1xi32> to vector<16xi32>
        %gather3A_1023 = tpu.dynamic_gather %get3A_42[%gather3A_1022] in [0] : vector<16xf32>, vector<16xi32> -> vector<16xf32>
        %mul3A_1024 = arith.constant 16 : i32
        %mul3A_1025 = arith.muli %scan3A_38, %mul3A_1024 : i32
        %add3A_1026 = arith.constant 11 : i32
        %add3A_1027 = arith.addi %mul3A_1025, %add3A_1026 : i32
        %get3A_1028 = arith.index_cast %add3A_1027 : i32 to index
        %get3A_1029 = arith.constant 0 : index
        %get3A_1030 = tpu.vector_load %arg8[%get3A_1028, %get3A_1029] {strides = array<i32>} : memref<128x128xf32, #tpu.memory_space<vmem>>, vector<1x16xf32>,
        %get3A_1031 = vector.shape_cast %get3A_1030 : vector<1x16xf32> to vector<16xf32>
        %mul3A_1032 = arith.mulf %get3A_1031, %gather3A_1023 : vector<16xf32>
        %swap3A_1033 = arith.index_cast %add3A_1027 : i32 to index
        %swap3A_1034 = arith.constant 0 : index
        %swap3A_1035 = tpu.vector_load %arg8[%swap3A_1033, %swap3A_1034] {strides = array<i32>} : memref<128x128xf32, #tpu.memory_space<vmem>>, vector<1x16xf32>,
        %swap3A_1036 = vector.shape_cast %swap3A_1035 : vector<1x16xf32> to vector<16xf32>
        %swap3A_1037 = vector.shape_cast %mul3A_1032 : vector<16xf32> to vector<1x16xf32>
        tpu.vector_store %arg8[%swap3A_1033, %swap3A_1034], %swap3A_1037 {strides = array<i32>} : memref<128x128xf32, #tpu.memory_space<vmem>>, vector<1x16xf32>,
        %get3A_1038 = arith.index_cast %add3A_1027 : i32 to index
        %get3A_1039 = arith.constant 16 : index
        %get3A_1040 = tpu.vector_load %arg8[%get3A_1038, %get3A_1039] {strides = array<i32>} : memref<128x128xf32, #tpu.memory_space<vmem>>, vector<1x16xf32>,
        %get3A_1041 = vector.shape_cast %get3A_1040 : vector<1x16xf32> to vector<16xf32>
        %mul3A_1042 = arith.mulf %get3A_1041, %gather3A_1023 : vector<16xf32>
        %swap3A_1043 = arith.index_cast %add3A_1027 : i32 to index
        %swap3A_1044 = arith.constant 16 : index
        %swap3A_1045 = tpu.vector_load %arg8[%swap3A_1043, %swap3A_1044] {strides = array<i32>} : memref<128x128xf32, #tpu.memory_space<vmem>>, vector<1x16xf32>,
        %swap3A_1046 = vector.shape_cast %swap3A_1045 : vector<1x16xf32> to vector<16xf32>
        %swap3A_1047 = vector.shape_cast %mul3A_1042 : vector<16xf32> to vector<1x16xf32>
        tpu.vector_store %arg8[%swap3A_1043, %swap3A_1044], %swap3A_1047 {strides = array<i32>} : memref<128x128xf32, #tpu.memory_space<vmem>>, vector<1x16xf32>,
        %get3A_1048 = arith.index_cast %add3A_1027 : i32 to index
        %get3A_1049 = arith.constant 32 : index
        %get3A_1050 = tpu.vector_load %arg8[%get3A_1048, %get3A_1049] {strides = array<i32>} : memref<128x128xf32, #tpu.memory_space<vmem>>, vector<1x16xf32>,
        %get3A_1051 = vector.shape_cast %get3A_1050 : vector<1x16xf32> to vector<16xf32>
        %mul3A_1052 = arith.mulf %get3A_1051, %gather3A_1023 : vector<16xf32>
        %swap3A_1053 = arith.index_cast %add3A_1027 : i32 to index
        %swap3A_1054 = arith.constant 32 : index
        %swap3A_1055 = tpu.vector_load %arg8[%swap3A_1053, %swap3A_1054] {strides = array<i32>} : memref<128x128xf32, #tpu.memory_space<vmem>>, vector<1x16xf32>,
        %swap3A_1056 = vector.shape_cast %swap3A_1055 : vector<1x16xf32> to vector<16xf32>
        %swap3A_1057 = vector.shape_cast %mul3A_1052 : vector<16xf32> to vector<1x16xf32>
        tpu.vector_store %arg8[%swap3A_1053, %swap3A_1054], %swap3A_1057 {strides = array<i32>} : memref<128x128xf32, #tpu.memory_space<vmem>>, vector<1x16xf32>,
        %get3A_1058 = arith.index_cast %add3A_1027 : i32 to index
        %get3A_1059 = arith.constant 48 : index
        %get3A_1060 = tpu.vector_load %arg8[%get3A_1058, %get3A_1059] {strides = array<i32>} : memref<128x128xf32, #tpu.memory_space<vmem>>, vector<1x16xf32>,
        %get3A_1061 = vector.shape_cast %get3A_1060 : vector<1x16xf32> to vector<16xf32>
        %mul3A_1062 = arith.mulf %get3A_1061, %gather3A_1023 : vector<16xf32>
        %swap3A_1063 = arith.index_cast %add3A_1027 : i32 to index
        %swap3A_1064 = arith.constant 48 : index
        %swap3A_1065 = tpu.vector_load %arg8[%swap3A_1063, %swap3A_1064] {strides = array<i32>} : memref<128x128xf32, #tpu.memory_space<vmem>>, vector<1x16xf32>,
        %swap3A_1066 = vector.shape_cast %swap3A_1065 : vector<1x16xf32> to vector<16xf32>
        %swap3A_1067 = vector.shape_cast %mul3A_1062 : vector<16xf32> to vector<1x16xf32>
        tpu.vector_store %arg8[%swap3A_1063, %swap3A_1064], %swap3A_1067 {strides = array<i32>} : memref<128x128xf32, #tpu.memory_space<vmem>>, vector<1x16xf32>,
        %get3A_1068 = arith.index_cast %add3A_1027 : i32 to index
        %get3A_1069 = arith.constant 64 : index
        %get3A_1070 = tpu.vector_load %arg8[%get3A_1068, %get3A_1069] {strides = array<i32>} : memref<128x128xf32, #tpu.memory_space<vmem>>, vector<1x16xf32>,
        %get3A_1071 = vector.shape_cast %get3A_1070 : vector<1x16xf32> to vector<16xf32>
        %mul3A_1072 = arith.mulf %get3A_1071, %gather3A_1023 : vector<16xf32>
        %swap3A_1073 = arith.index_cast %add3A_1027 : i32 to index
        %swap3A_1074 = arith.constant 64 : index
        %swap3A_1075 = tpu.vector_load %arg8[%swap3A_1073, %swap3A_1074] {strides = array<i32>} : memref<128x128xf32, #tpu.memory_space<vmem>>, vector<1x16xf32>,
        %swap3A_1076 = vector.shape_cast %swap3A_1075 : vector<1x16xf32> to vector<16xf32>
        %swap3A_1077 = vector.shape_cast %mul3A_1072 : vector<16xf32> to vector<1x16xf32>
        tpu.vector_store %arg8[%swap3A_1073, %swap3A_1074], %swap3A_1077 {strides = array<i32>} : memref<128x128xf32, #tpu.memory_space<vmem>>, vector<1x16xf32>,
        %get3A_1078 = arith.index_cast %add3A_1027 : i32 to index
        %get3A_1079 = arith.constant 80 : index
        %get3A_1080 = tpu.vector_load %arg8[%get3A_1078, %get3A_1079] {strides = array<i32>} : memref<128x128xf32, #tpu.memory_space<vmem>>, vector<1x16xf32>,
        %get3A_1081 = vector.shape_cast %get3A_1080 : vector<1x16xf32> to vector<16xf32>
        %mul3A_1082 = arith.mulf %get3A_1081, %gather3A_1023 : vector<16xf32>
        %swap3A_1083 = arith.index_cast %add3A_1027 : i32 to index
        %swap3A_1084 = arith.constant 80 : index
        %swap3A_1085 = tpu.vector_load %arg8[%swap3A_1083, %swap3A_1084] {strides = array<i32>} : memref<128x128xf32, #tpu.memory_space<vmem>>, vector<1x16xf32>,
        %swap3A_1086 = vector.shape_cast %swap3A_1085 : vector<1x16xf32> to vector<16xf32>
        %swap3A_1087 = vector.shape_cast %mul3A_1082 : vector<16xf32> to vector<1x16xf32>
        tpu.vector_store %arg8[%swap3A_1083, %swap3A_1084], %swap3A_1087 {strides = array<i32>} : memref<128x128xf32, #tpu.memory_space<vmem>>, vector<1x16xf32>,
        %get3A_1088 = arith.index_cast %add3A_1027 : i32 to index
        %get3A_1089 = arith.constant 96 : index
        %get3A_1090 = tpu.vector_load %arg8[%get3A_1088, %get3A_1089] {strides = array<i32>} : memref<128x128xf32, #tpu.memory_space<vmem>>, vector<1x16xf32>,
        %get3A_1091 = vector.shape_cast %get3A_1090 : vector<1x16xf32> to vector<16xf32>
        %mul3A_1092 = arith.mulf %get3A_1091, %gather3A_1023 : vector<16xf32>
        %swap3A_1093 = arith.index_cast %add3A_1027 : i32 to index
        %swap3A_1094 = arith.constant 96 : index
        %swap3A_1095 = tpu.vector_load %arg8[%swap3A_1093, %swap3A_1094] {strides = array<i32>} : memref<128x128xf32, #tpu.memory_space<vmem>>, vector<1x16xf32>,
        %swap3A_1096 = vector.shape_cast %swap3A_1095 : vector<1x16xf32> to vector<16xf32>
        %swap3A_1097 = vector.shape_cast %mul3A_1092 : vector<16xf32> to vector<1x16xf32>
        tpu.vector_store %arg8[%swap3A_1093, %swap3A_1094], %swap3A_1097 {strides = array<i32>} : memref<128x128xf32, #tpu.memory_space<vmem>>, vector<1x16xf32>,
        %get3A_1098 = arith.index_cast %add3A_1027 : i32 to index
        %get3A_1099 = arith.constant 112 : index
        %get3A_1100 = tpu.vector_load %arg8[%get3A_1098, %get3A_1099] {strides = array<i32>} : memref<128x128xf32, #tpu.memory_space<vmem>>, vector<1x16xf32>,
        %get3A_1101 = vector.shape_cast %get3A_1100 : vector<1x16xf32> to vector<16xf32>
        %mul3A_1102 = arith.mulf %get3A_1101, %gather3A_1023 : vector<16xf32>
        %swap3A_1103 = arith.index_cast %add3A_1027 : i32 to index
        %swap3A_1104 = arith.constant 112 : index
        %swap3A_1105 = tpu.vector_load %arg8[%swap3A_1103, %swap3A_1104] {strides = array<i32>} : memref<128x128xf32, #tpu.memory_space<vmem>>, vector<1x16xf32>,
        %swap3A_1106 = vector.shape_cast %swap3A_1105 : vector<1x16xf32> to vector<16xf32>
        %swap3A_1107 = vector.shape_cast %mul3A_1102 : vector<16xf32> to vector<1x16xf32>
        tpu.vector_store %arg8[%swap3A_1103, %swap3A_1104], %swap3A_1107 {strides = array<i32>} : memref<128x128xf32, #tpu.memory_space<vmem>>, vector<1x16xf32>,
        %broadcast_in_dim3A_1108 = arith.constant 12 : i32
        %broadcast_in_dim3A_1109 = vector.broadcast %broadcast_in_dim3A_1108 : i32 to vector<16xi32>
        %broadcast_in_dim3A_1110 = vector.shape_cast %broadcast_in_dim3A_1109 : vector<16xi32> to vector<16x1xi32>
        %gather3A_1111 = vector.shape_cast %broadcast_in_dim3A_1110 : vector<16x1xi32> to vector<16xi32>
        %gather3A_1112 = tpu.dynamic_gather %get3A_42[%gather3A_1111] in [0] : vector<16xf32>, vector<16xi32> -> vector<16xf32>
        %mul3A_1113 = arith.constant 16 : i32
        %mul3A_1114 = arith.muli %scan3A_38, %mul3A_1113 : i32
        %add3A_1115 = arith.constant 12 : i32
        %add3A_1116 = arith.addi %mul3A_1114, %add3A_1115 : i32
        %get3A_1117 = arith.index_cast %add3A_1116 : i32 to index
        %get3A_1118 = arith.constant 0 : index
        %get3A_1119 = tpu.vector_load %arg8[%get3A_1117, %get3A_1118] {strides = array<i32>} : memref<128x128xf32, #tpu.memory_space<vmem>>, vector<1x16xf32>,
        %get3A_1120 = vector.shape_cast %get3A_1119 : vector<1x16xf32> to vector<16xf32>
        %mul3A_1121 = arith.mulf %get3A_1120, %gather3A_1112 : vector<16xf32>
        %swap3A_1122 = arith.index_cast %add3A_1116 : i32 to index
        %swap3A_1123 = arith.constant 0 : index
        %swap3A_1124 = tpu.vector_load %arg8[%swap3A_1122, %swap3A_1123] {strides = array<i32>} : memref<128x128xf32, #tpu.memory_space<vmem>>, vector<1x16xf32>,
        %swap3A_1125 = vector.shape_cast %swap3A_1124 : vector<1x16xf32> to vector<16xf32>
        %swap3A_1126 = vector.shape_cast %mul3A_1121 : vector<16xf32> to vector<1x16xf32>
        tpu.vector_store %arg8[%swap3A_1122, %swap3A_1123], %swap3A_1126 {strides = array<i32>} : memref<128x128xf32, #tpu.memory_space<vmem>>, vector<1x16xf32>,
        %get3A_1127 = arith.index_cast %add3A_1116 : i32 to index
        %get3A_1128 = arith.constant 16 : index
        %get3A_1129 = tpu.vector_load %arg8[%get3A_1127, %get3A_1128] {strides = array<i32>} : memref<128x128xf32, #tpu.memory_space<vmem>>, vector<1x16xf32>,
        %get3A_1130 = vector.shape_cast %get3A_1129 : vector<1x16xf32> to vector<16xf32>
        %mul3A_1131 = arith.mulf %get3A_1130, %gather3A_1112 : vector<16xf32>
        %swap3A_1132 = arith.index_cast %add3A_1116 : i32 to index
        %swap3A_1133 = arith.constant 16 : index
        %swap3A_1134 = tpu.vector_load %arg8[%swap3A_1132, %swap3A_1133] {strides = array<i32>} : memref<128x128xf32, #tpu.memory_space<vmem>>, vector<1x16xf32>,
        %swap3A_1135 = vector.shape_cast %swap3A_1134 : vector<1x16xf32> to vector<16xf32>
        %swap3A_1136 = vector.shape_cast %mul3A_1131 : vector<16xf32> to vector<1x16xf32>
        tpu.vector_store %arg8[%swap3A_1132, %swap3A_1133], %swap3A_1136 {strides = array<i32>} : memref<128x128xf32, #tpu.memory_space<vmem>>, vector<1x16xf32>,
        %get3A_1137 = arith.index_cast %add3A_1116 : i32 to index
        %get3A_1138 = arith.constant 32 : index
        %get3A_1139 = tpu.vector_load %arg8[%get3A_1137, %get3A_1138] {strides = array<i32>} : memref<128x128xf32, #tpu.memory_space<vmem>>, vector<1x16xf32>,
        %get3A_1140 = vector.shape_cast %get3A_1139 : vector<1x16xf32> to vector<16xf32>
        %mul3A_1141 = arith.mulf %get3A_1140, %gather3A_1112 : vector<16xf32>
        %swap3A_1142 = arith.index_cast %add3A_1116 : i32 to index
        %swap3A_1143 = arith.constant 32 : index
        %swap3A_1144 = tpu.vector_load %arg8[%swap3A_1142, %swap3A_1143] {strides = array<i32>} : memref<128x128xf32, #tpu.memory_space<vmem>>, vector<1x16xf32>,
        %swap3A_1145 = vector.shape_cast %swap3A_1144 : vector<1x16xf32> to vector<16xf32>
        %swap3A_1146 = vector.shape_cast %mul3A_1141 : vector<16xf32> to vector<1x16xf32>
        tpu.vector_store %arg8[%swap3A_1142, %swap3A_1143], %swap3A_1146 {strides = array<i32>} : memref<128x128xf32, #tpu.memory_space<vmem>>, vector<1x16xf32>,
        %get3A_1147 = arith.index_cast %add3A_1116 : i32 to index
        %get3A_1148 = arith.constant 48 : index
        %get3A_1149 = tpu.vector_load %arg8[%get3A_1147, %get3A_1148] {strides = array<i32>} : memref<128x128xf32, #tpu.memory_space<vmem>>, vector<1x16xf32>,
        %get3A_1150 = vector.shape_cast %get3A_1149 : vector<1x16xf32> to vector<16xf32>
        %mul3A_1151 = arith.mulf %get3A_1150, %gather3A_1112 : vector<16xf32>
        %swap3A_1152 = arith.index_cast %add3A_1116 : i32 to index
        %swap3A_1153 = arith.constant 48 : index
        %swap3A_1154 = tpu.vector_load %arg8[%swap3A_1152, %swap3A_1153] {strides = array<i32>} : memref<128x128xf32, #tpu.memory_space<vmem>>, vector<1x16xf32>,
        %swap3A_1155 = vector.shape_cast %swap3A_1154 : vector<1x16xf32> to vector<16xf32>
        %swap3A_1156 = vector.shape_cast %mul3A_1151 : vector<16xf32> to vector<1x16xf32>
        tpu.vector_store %arg8[%swap3A_1152, %swap3A_1153], %swap3A_1156 {strides = array<i32>} : memref<128x128xf32, #tpu.memory_space<vmem>>, vector<1x16xf32>,
        %get3A_1157 = arith.index_cast %add3A_1116 : i32 to index
        %get3A_1158 = arith.constant 64 : index
        %get3A_1159 = tpu.vector_load %arg8[%get3A_1157, %get3A_1158] {strides = array<i32>} : memref<128x128xf32, #tpu.memory_space<vmem>>, vector<1x16xf32>,
        %get3A_1160 = vector.shape_cast %get3A_1159 : vector<1x16xf32> to vector<16xf32>
        %mul3A_1161 = arith.mulf %get3A_1160, %gather3A_1112 : vector<16xf32>
        %swap3A_1162 = arith.index_cast %add3A_1116 : i32 to index
        %swap3A_1163 = arith.constant 64 : index
        %swap3A_1164 = tpu.vector_load %arg8[%swap3A_1162, %swap3A_1163] {strides = array<i32>} : memref<128x128xf32, #tpu.memory_space<vmem>>, vector<1x16xf32>,
        %swap3A_1165 = vector.shape_cast %swap3A_1164 : vector<1x16xf32> to vector<16xf32>
        %swap3A_1166 = vector.shape_cast %mul3A_1161 : vector<16xf32> to vector<1x16xf32>
        tpu.vector_store %arg8[%swap3A_1162, %swap3A_1163], %swap3A_1166 {strides = array<i32>} : memref<128x128xf32, #tpu.memory_space<vmem>>, vector<1x16xf32>,
        %get3A_1167 = arith.index_cast %add3A_1116 : i32 to index
        %get3A_1168 = arith.constant 80 : index
        %get3A_1169 = tpu.vector_load %arg8[%get3A_1167, %get3A_1168] {strides = array<i32>} : memref<128x128xf32, #tpu.memory_space<vmem>>, vector<1x16xf32>,
        %get3A_1170 = vector.shape_cast %get3A_1169 : vector<1x16xf32> to vector<16xf32>
        %mul3A_1171 = arith.mulf %get3A_1170, %gather3A_1112 : vector<16xf32>
        %swap3A_1172 = arith.index_cast %add3A_1116 : i32 to index
        %swap3A_1173 = arith.constant 80 : index
        %swap3A_1174 = tpu.vector_load %arg8[%swap3A_1172, %swap3A_1173] {strides = array<i32>} : memref<128x128xf32, #tpu.memory_space<vmem>>, vector<1x16xf32>,
        %swap3A_1175 = vector.shape_cast %swap3A_1174 : vector<1x16xf32> to vector<16xf32>
        %swap3A_1176 = vector.shape_cast %mul3A_1171 : vector<16xf32> to vector<1x16xf32>
        tpu.vector_store %arg8[%swap3A_1172, %swap3A_1173], %swap3A_1176 {strides = array<i32>} : memref<128x128xf32, #tpu.memory_space<vmem>>, vector<1x16xf32>,
        %get3A_1177 = arith.index_cast %add3A_1116 : i32 to index
        %get3A_1178 = arith.constant 96 : index
        %get3A_1179 = tpu.vector_load %arg8[%get3A_1177, %get3A_1178] {strides = array<i32>} : memref<128x128xf32, #tpu.memory_space<vmem>>, vector<1x16xf32>,
        %get3A_1180 = vector.shape_cast %get3A_1179 : vector<1x16xf32> to vector<16xf32>
        %mul3A_1181 = arith.mulf %get3A_1180, %gather3A_1112 : vector<16xf32>
        %swap3A_1182 = arith.index_cast %add3A_1116 : i32 to index
        %swap3A_1183 = arith.constant 96 : index
        %swap3A_1184 = tpu.vector_load %arg8[%swap3A_1182, %swap3A_1183] {strides = array<i32>} : memref<128x128xf32, #tpu.memory_space<vmem>>, vector<1x16xf32>,
        %swap3A_1185 = vector.shape_cast %swap3A_1184 : vector<1x16xf32> to vector<16xf32>
        %swap3A_1186 = vector.shape_cast %mul3A_1181 : vector<16xf32> to vector<1x16xf32>
        tpu.vector_store %arg8[%swap3A_1182, %swap3A_1183], %swap3A_1186 {strides = array<i32>} : memref<128x128xf32, #tpu.memory_space<vmem>>, vector<1x16xf32>,
        %get3A_1187 = arith.index_cast %add3A_1116 : i32 to index
        %get3A_1188 = arith.constant 112 : index
        %get3A_1189 = tpu.vector_load %arg8[%get3A_1187, %get3A_1188] {strides = array<i32>} : memref<128x128xf32, #tpu.memory_space<vmem>>, vector<1x16xf32>,
        %get3A_1190 = vector.shape_cast %get3A_1189 : vector<1x16xf32> to vector<16xf32>
        %mul3A_1191 = arith.mulf %get3A_1190, %gather3A_1112 : vector<16xf32>
        %swap3A_1192 = arith.index_cast %add3A_1116 : i32 to index
        %swap3A_1193 = arith.constant 112 : index
        %swap3A_1194 = tpu.vector_load %arg8[%swap3A_1192, %swap3A_1193] {strides = array<i32>} : memref<128x128xf32, #tpu.memory_space<vmem>>, vector<1x16xf32>,
        %swap3A_1195 = vector.shape_cast %swap3A_1194 : vector<1x16xf32> to vector<16xf32>
        %swap3A_1196 = vector.shape_cast %mul3A_1191 : vector<16xf32> to vector<1x16xf32>
        tpu.vector_store %arg8[%swap3A_1192, %swap3A_1193], %swap3A_1196 {strides = array<i32>} : memref<128x128xf32, #tpu.memory_space<vmem>>, vector<1x16xf32>,
        %broadcast_in_dim3A_1197 = arith.constant 13 : i32
        %broadcast_in_dim3A_1198 = vector.broadcast %broadcast_in_dim3A_1197 : i32 to vector<16xi32>
        %broadcast_in_dim3A_1199 = vector.shape_cast %broadcast_in_dim3A_1198 : vector<16xi32> to vector<16x1xi32>
        %gather3A_1200 = vector.shape_cast %broadcast_in_dim3A_1199 : vector<16x1xi32> to vector<16xi32>
        %gather3A_1201 = tpu.dynamic_gather %get3A_42[%gather3A_1200] in [0] : vector<16xf32>, vector<16xi32> -> vector<16xf32>
        %mul3A_1202 = arith.constant 16 : i32
        %mul3A_1203 = arith.muli %scan3A_38, %mul3A_1202 : i32
        %add3A_1204 = arith.constant 13 : i32
        %add3A_1205 = arith.addi %mul3A_1203, %add3A_1204 : i32
        %get3A_1206 = arith.index_cast %add3A_1205 : i32 to index
        %get3A_1207 = arith.constant 0 : index
        %get3A_1208 = tpu.vector_load %arg8[%get3A_1206, %get3A_1207] {strides = array<i32>} : memref<128x128xf32, #tpu.memory_space<vmem>>, vector<1x16xf32>,
        %get3A_1209 = vector.shape_cast %get3A_1208 : vector<1x16xf32> to vector<16xf32>
        %mul3A_1210 = arith.mulf %get3A_1209, %gather3A_1201 : vector<16xf32>
        %swap3A_1211 = arith.index_cast %add3A_1205 : i32 to index
        %swap3A_1212 = arith.constant 0 : index
        %swap3A_1213 = tpu.vector_load %arg8[%swap3A_1211, %swap3A_1212] {strides = array<i32>} : memref<128x128xf32, #tpu.memory_space<vmem>>, vector<1x16xf32>,
        %swap3A_1214 = vector.shape_cast %swap3A_1213 : vector<1x16xf32> to vector<16xf32>
        %swap3A_1215 = vector.shape_cast %mul3A_1210 : vector<16xf32> to vector<1x16xf32>
        tpu.vector_store %arg8[%swap3A_1211, %swap3A_1212], %swap3A_1215 {strides = array<i32>} : memref<128x128xf32, #tpu.memory_space<vmem>>, vector<1x16xf32>,
        %get3A_1216 = arith.index_cast %add3A_1205 : i32 to index
        %get3A_1217 = arith.constant 16 : index
        %get3A_1218 = tpu.vector_load %arg8[%get3A_1216, %get3A_1217] {strides = array<i32>} : memref<128x128xf32, #tpu.memory_space<vmem>>, vector<1x16xf32>,
        %get3A_1219 = vector.shape_cast %get3A_1218 : vector<1x16xf32> to vector<16xf32>
        %mul3A_1220 = arith.mulf %get3A_1219, %gather3A_1201 : vector<16xf32>
        %swap3A_1221 = arith.index_cast %add3A_1205 : i32 to index
        %swap3A_1222 = arith.constant 16 : index
        %swap3A_1223 = tpu.vector_load %arg8[%swap3A_1221, %swap3A_1222] {strides = array<i32>} : memref<128x128xf32, #tpu.memory_space<vmem>>, vector<1x16xf32>,
        %swap3A_1224 = vector.shape_cast %swap3A_1223 : vector<1x16xf32> to vector<16xf32>
        %swap3A_1225 = vector.shape_cast %mul3A_1220 : vector<16xf32> to vector<1x16xf32>
        tpu.vector_store %arg8[%swap3A_1221, %swap3A_1222], %swap3A_1225 {strides = array<i32>} : memref<128x128xf32, #tpu.memory_space<vmem>>, vector<1x16xf32>,
        %get3A_1226 = arith.index_cast %add3A_1205 : i32 to index
        %get3A_1227 = arith.constant 32 : index
        %get3A_1228 = tpu.vector_load %arg8[%get3A_1226, %get3A_1227] {strides = array<i32>} : memref<128x128xf32, #tpu.memory_space<vmem>>, vector<1x16xf32>,
        %get3A_1229 = vector.shape_cast %get3A_1228 : vector<1x16xf32> to vector<16xf32>
        %mul3A_1230 = arith.mulf %get3A_1229, %gather3A_1201 : vector<16xf32>
        %swap3A_1231 = arith.index_cast %add3A_1205 : i32 to index
        %swap3A_1232 = arith.constant 32 : index
        %swap3A_1233 = tpu.vector_load %arg8[%swap3A_1231, %swap3A_1232] {strides = array<i32>} : memref<128x128xf32, #tpu.memory_space<vmem>>, vector<1x16xf32>,
        %swap3A_1234 = vector.shape_cast %swap3A_1233 : vector<1x16xf32> to vector<16xf32>
        %swap3A_1235 = vector.shape_cast %mul3A_1230 : vector<16xf32> to vector<1x16xf32>
        tpu.vector_store %arg8[%swap3A_1231, %swap3A_1232], %swap3A_1235 {strides = array<i32>} : memref<128x128xf32, #tpu.memory_space<vmem>>, vector<1x16xf32>,
        %get3A_1236 = arith.index_cast %add3A_1205 : i32 to index
        %get3A_1237 = arith.constant 48 : index
        %get3A_1238 = tpu.vector_load %arg8[%get3A_1236, %get3A_1237] {strides = array<i32>} : memref<128x128xf32, #tpu.memory_space<vmem>>, vector<1x16xf32>,
        %get3A_1239 = vector.shape_cast %get3A_1238 : vector<1x16xf32> to vector<16xf32>
        %mul3A_1240 = arith.mulf %get3A_1239, %gather3A_1201 : vector<16xf32>
        %swap3A_1241 = arith.index_cast %add3A_1205 : i32 to index
        %swap3A_1242 = arith.constant 48 : index
        %swap3A_1243 = tpu.vector_load %arg8[%swap3A_1241, %swap3A_1242] {strides = array<i32>} : memref<128x128xf32, #tpu.memory_space<vmem>>, vector<1x16xf32>,
        %swap3A_1244 = vector.shape_cast %swap3A_1243 : vector<1x16xf32> to vector<16xf32>
        %swap3A_1245 = vector.shape_cast %mul3A_1240 : vector<16xf32> to vector<1x16xf32>
        tpu.vector_store %arg8[%swap3A_1241, %swap3A_1242], %swap3A_1245 {strides = array<i32>} : memref<128x128xf32, #tpu.memory_space<vmem>>, vector<1x16xf32>,
        %get3A_1246 = arith.index_cast %add3A_1205 : i32 to index
        %get3A_1247 = arith.constant 64 : index
        %get3A_1248 = tpu.vector_load %arg8[%get3A_1246, %get3A_1247] {strides = array<i32>} : memref<128x128xf32, #tpu.memory_space<vmem>>, vector<1x16xf32>,
        %get3A_1249 = vector.shape_cast %get3A_1248 : vector<1x16xf32> to vector<16xf32>
        %mul3A_1250 = arith.mulf %get3A_1249, %gather3A_1201 : vector<16xf32>
        %swap3A_1251 = arith.index_cast %add3A_1205 : i32 to index
        %swap3A_1252 = arith.constant 64 : index
        %swap3A_1253 = tpu.vector_load %arg8[%swap3A_1251, %swap3A_1252] {strides = array<i32>} : memref<128x128xf32, #tpu.memory_space<vmem>>, vector<1x16xf32>,
        %swap3A_1254 = vector.shape_cast %swap3A_1253 : vector<1x16xf32> to vector<16xf32>
        %swap3A_1255 = vector.shape_cast %mul3A_1250 : vector<16xf32> to vector<1x16xf32>
        tpu.vector_store %arg8[%swap3A_1251, %swap3A_1252], %swap3A_1255 {strides = array<i32>} : memref<128x128xf32, #tpu.memory_space<vmem>>, vector<1x16xf32>,
        %get3A_1256 = arith.index_cast %add3A_1205 : i32 to index
        %get3A_1257 = arith.constant 80 : index
        %get3A_1258 = tpu.vector_load %arg8[%get3A_1256, %get3A_1257] {strides = array<i32>} : memref<128x128xf32, #tpu.memory_space<vmem>>, vector<1x16xf32>,
        %get3A_1259 = vector.shape_cast %get3A_1258 : vector<1x16xf32> to vector<16xf32>
        %mul3A_1260 = arith.mulf %get3A_1259, %gather3A_1201 : vector<16xf32>
        %swap3A_1261 = arith.index_cast %add3A_1205 : i32 to index
        %swap3A_1262 = arith.constant 80 : index
        %swap3A_1263 = tpu.vector_load %arg8[%swap3A_1261, %swap3A_1262] {strides = array<i32>} : memref<128x128xf32, #tpu.memory_space<vmem>>, vector<1x16xf32>,
        %swap3A_1264 = vector.shape_cast %swap3A_1263 : vector<1x16xf32> to vector<16xf32>
        %swap3A_1265 = vector.shape_cast %mul3A_1260 : vector<16xf32> to vector<1x16xf32>
        tpu.vector_store %arg8[%swap3A_1261, %swap3A_1262], %swap3A_1265 {strides = array<i32>} : memref<128x128xf32, #tpu.memory_space<vmem>>, vector<1x16xf32>,
        %get3A_1266 = arith.index_cast %add3A_1205 : i32 to index
        %get3A_1267 = arith.constant 96 : index
        %get3A_1268 = tpu.vector_load %arg8[%get3A_1266, %get3A_1267] {strides = array<i32>} : memref<128x128xf32, #tpu.memory_space<vmem>>, vector<1x16xf32>,
        %get3A_1269 = vector.shape_cast %get3A_1268 : vector<1x16xf32> to vector<16xf32>
        %mul3A_1270 = arith.mulf %get3A_1269, %gather3A_1201 : vector<16xf32>
        %swap3A_1271 = arith.index_cast %add3A_1205 : i32 to index
        %swap3A_1272 = arith.constant 96 : index
        %swap3A_1273 = tpu.vector_load %arg8[%swap3A_1271, %swap3A_1272] {strides = array<i32>} : memref<128x128xf32, #tpu.memory_space<vmem>>, vector<1x16xf32>,
        %swap3A_1274 = vector.shape_cast %swap3A_1273 : vector<1x16xf32> to vector<16xf32>
        %swap3A_1275 = vector.shape_cast %mul3A_1270 : vector<16xf32> to vector<1x16xf32>
        tpu.vector_store %arg8[%swap3A_1271, %swap3A_1272], %swap3A_1275 {strides = array<i32>} : memref<128x128xf32, #tpu.memory_space<vmem>>, vector<1x16xf32>,
        %get3A_1276 = arith.index_cast %add3A_1205 : i32 to index
        %get3A_1277 = arith.constant 112 : index
        %get3A_1278 = tpu.vector_load %arg8[%get3A_1276, %get3A_1277] {strides = array<i32>} : memref<128x128xf32, #tpu.memory_space<vmem>>, vector<1x16xf32>,
        %get3A_1279 = vector.shape_cast %get3A_1278 : vector<1x16xf32> to vector<16xf32>
        %mul3A_1280 = arith.mulf %get3A_1279, %gather3A_1201 : vector<16xf32>
        %swap3A_1281 = arith.index_cast %add3A_1205 : i32 to index
        %swap3A_1282 = arith.constant 112 : index
        %swap3A_1283 = tpu.vector_load %arg8[%swap3A_1281, %swap3A_1282] {strides = array<i32>} : memref<128x128xf32, #tpu.memory_space<vmem>>, vector<1x16xf32>,
        %swap3A_1284 = vector.shape_cast %swap3A_1283 : vector<1x16xf32> to vector<16xf32>
        %swap3A_1285 = vector.shape_cast %mul3A_1280 : vector<16xf32> to vector<1x16xf32>
        tpu.vector_store %arg8[%swap3A_1281, %swap3A_1282], %swap3A_1285 {strides = array<i32>} : memref<128x128xf32, #tpu.memory_space<vmem>>, vector<1x16xf32>,
        %broadcast_in_dim3A_1286 = arith.constant 14 : i32
        %broadcast_in_dim3A_1287 = vector.broadcast %broadcast_in_dim3A_1286 : i32 to vector<16xi32>
        %broadcast_in_dim3A_1288 = vector.shape_cast %broadcast_in_dim3A_1287 : vector<16xi32> to vector<16x1xi32>
        %gather3A_1289 = vector.shape_cast %broadcast_in_dim3A_1288 : vector<16x1xi32> to vector<16xi32>
        %gather3A_1290 = tpu.dynamic_gather %get3A_42[%gather3A_1289] in [0] : vector<16xf32>, vector<16xi32> -> vector<16xf32>
        %mul3A_1291 = arith.constant 16 : i32
        %mul3A_1292 = arith.muli %scan3A_38, %mul3A_1291 : i32
        %add3A_1293 = arith.constant 14 : i32
        %add3A_1294 = arith.addi %mul3A_1292, %add3A_1293 : i32
        %get3A_1295 = arith.index_cast %add3A_1294 : i32 to index
        %get3A_1296 = arith.constant 0 : index
        %get3A_1297 = tpu.vector_load %arg8[%get3A_1295, %get3A_1296] {strides = array<i32>} : memref<128x128xf32, #tpu.memory_space<vmem>>, vector<1x16xf32>,
        %get3A_1298 = vector.shape_cast %get3A_1297 : vector<1x16xf32> to vector<16xf32>
        %mul3A_1299 = arith.mulf %get3A_1298, %gather3A_1290 : vector<16xf32>
        %swap3A_1300 = arith.index_cast %add3A_1294 : i32 to index
        %swap3A_1301 = arith.constant 0 : index
        %swap3A_1302 = tpu.vector_load %arg8[%swap3A_1300, %swap3A_1301] {strides = array<i32>} : memref<128x128xf32, #tpu.memory_space<vmem>>, vector<1x16xf32>,
        %swap3A_1303 = vector.shape_cast %swap3A_1302 : vector<1x16xf32> to vector<16xf32>
        %swap3A_1304 = vector.shape_cast %mul3A_1299 : vector<16xf32> to vector<1x16xf32>
        tpu.vector_store %arg8[%swap3A_1300, %swap3A_1301], %swap3A_1304 {strides = array<i32>} : memref<128x128xf32, #tpu.memory_space<vmem>>, vector<1x16xf32>,
        %get3A_1305 = arith.index_cast %add3A_1294 : i32 to index
        %get3A_1306 = arith.constant 16 : index
        %get3A_1307 = tpu.vector_load %arg8[%get3A_1305, %get3A_1306] {strides = array<i32>} : memref<128x128xf32, #tpu.memory_space<vmem>>, vector<1x16xf32>,
        %get3A_1308 = vector.shape_cast %get3A_1307 : vector<1x16xf32> to vector<16xf32>
        %mul3A_1309 = arith.mulf %get3A_1308, %gather3A_1290 : vector<16xf32>
        %swap3A_1310 = arith.index_cast %add3A_1294 : i32 to index
        %swap3A_1311 = arith.constant 16 : index
        %swap3A_1312 = tpu.vector_load %arg8[%swap3A_1310, %swap3A_1311] {strides = array<i32>} : memref<128x128xf32, #tpu.memory_space<vmem>>, vector<1x16xf32>,
        %swap3A_1313 = vector.shape_cast %swap3A_1312 : vector<1x16xf32> to vector<16xf32>
        %swap3A_1314 = vector.shape_cast %mul3A_1309 : vector<16xf32> to vector<1x16xf32>
        tpu.vector_store %arg8[%swap3A_1310, %swap3A_1311], %swap3A_1314 {strides = array<i32>} : memref<128x128xf32, #tpu.memory_space<vmem>>, vector<1x16xf32>,
        %get3A_1315 = arith.index_cast %add3A_1294 : i32 to index
        %get3A_1316 = arith.constant 32 : index
        %get3A_1317 = tpu.vector_load %arg8[%get3A_1315, %get3A_1316] {strides = array<i32>} : memref<128x128xf32, #tpu.memory_space<vmem>>, vector<1x16xf32>,
        %get3A_1318 = vector.shape_cast %get3A_1317 : vector<1x16xf32> to vector<16xf32>
        %mul3A_1319 = arith.mulf %get3A_1318, %gather3A_1290 : vector<16xf32>
        %swap3A_1320 = arith.index_cast %add3A_1294 : i32 to index
        %swap3A_1321 = arith.constant 32 : index
        %swap3A_1322 = tpu.vector_load %arg8[%swap3A_1320, %swap3A_1321] {strides = array<i32>} : memref<128x128xf32, #tpu.memory_space<vmem>>, vector<1x16xf32>,
        %swap3A_1323 = vector.shape_cast %swap3A_1322 : vector<1x16xf32> to vector<16xf32>
        %swap3A_1324 = vector.shape_cast %mul3A_1319 : vector<16xf32> to vector<1x16xf32>
        tpu.vector_store %arg8[%swap3A_1320, %swap3A_1321], %swap3A_1324 {strides = array<i32>} : memref<128x128xf32, #tpu.memory_space<vmem>>, vector<1x16xf32>,
        %get3A_1325 = arith.index_cast %add3A_1294 : i32 to index
        %get3A_1326 = arith.constant 48 : index
        %get3A_1327 = tpu.vector_load %arg8[%get3A_1325, %get3A_1326] {strides = array<i32>} : memref<128x128xf32, #tpu.memory_space<vmem>>, vector<1x16xf32>,
        %get3A_1328 = vector.shape_cast %get3A_1327 : vector<1x16xf32> to vector<16xf32>
        %mul3A_1329 = arith.mulf %get3A_1328, %gather3A_1290 : vector<16xf32>
        %swap3A_1330 = arith.index_cast %add3A_1294 : i32 to index
        %swap3A_1331 = arith.constant 48 : index
        %swap3A_1332 = tpu.vector_load %arg8[%swap3A_1330, %swap3A_1331] {strides = array<i32>} : memref<128x128xf32, #tpu.memory_space<vmem>>, vector<1x16xf32>,
        %swap3A_1333 = vector.shape_cast %swap3A_1332 : vector<1x16xf32> to vector<16xf32>
        %swap3A_1334 = vector.shape_cast %mul3A_1329 : vector<16xf32> to vector<1x16xf32>
        tpu.vector_store %arg8[%swap3A_1330, %swap3A_1331], %swap3A_1334 {strides = array<i32>} : memref<128x128xf32, #tpu.memory_space<vmem>>, vector<1x16xf32>,
        %get3A_1335 = arith.index_cast %add3A_1294 : i32 to index
        %get3A_1336 = arith.constant 64 : index
        %get3A_1337 = tpu.vector_load %arg8[%get3A_1335, %get3A_1336] {strides = array<i32>} : memref<128x128xf32, #tpu.memory_space<vmem>>, vector<1x16xf32>,
        %get3A_1338 = vector.shape_cast %get3A_1337 : vector<1x16xf32> to vector<16xf32>
        %mul3A_1339 = arith.mulf %get3A_1338, %gather3A_1290 : vector<16xf32>
        %swap3A_1340 = arith.index_cast %add3A_1294 : i32 to index
        %swap3A_1341 = arith.constant 64 : index
        %swap3A_1342 = tpu.vector_load %arg8[%swap3A_1340, %swap3A_1341] {strides = array<i32>} : memref<128x128xf32, #tpu.memory_space<vmem>>, vector<1x16xf32>,
        %swap3A_1343 = vector.shape_cast %swap3A_1342 : vector<1x16xf32> to vector<16xf32>
        %swap3A_1344 = vector.shape_cast %mul3A_1339 : vector<16xf32> to vector<1x16xf32>
        tpu.vector_store %arg8[%swap3A_1340, %swap3A_1341], %swap3A_1344 {strides = array<i32>} : memref<128x128xf32, #tpu.memory_space<vmem>>, vector<1x16xf32>,
        %get3A_1345 = arith.index_cast %add3A_1294 : i32 to index
        %get3A_1346 = arith.constant 80 : index
        %get3A_1347 = tpu.vector_load %arg8[%get3A_1345, %get3A_1346] {strides = array<i32>} : memref<128x128xf32, #tpu.memory_space<vmem>>, vector<1x16xf32>,
        %get3A_1348 = vector.shape_cast %get3A_1347 : vector<1x16xf32> to vector<16xf32>
        %mul3A_1349 = arith.mulf %get3A_1348, %gather3A_1290 : vector<16xf32>
        %swap3A_1350 = arith.index_cast %add3A_1294 : i32 to index
        %swap3A_1351 = arith.constant 80 : index
        %swap3A_1352 = tpu.vector_load %arg8[%swap3A_1350, %swap3A_1351] {strides = array<i32>} : memref<128x128xf32, #tpu.memory_space<vmem>>, vector<1x16xf32>,
        %swap3A_1353 = vector.shape_cast %swap3A_1352 : vector<1x16xf32> to vector<16xf32>
        %swap3A_1354 = vector.shape_cast %mul3A_1349 : vector<16xf32> to vector<1x16xf32>
        tpu.vector_store %arg8[%swap3A_1350, %swap3A_1351], %swap3A_1354 {strides = array<i32>} : memref<128x128xf32, #tpu.memory_space<vmem>>, vector<1x16xf32>,
        %get3A_1355 = arith.index_cast %add3A_1294 : i32 to index
        %get3A_1356 = arith.constant 96 : index
        %get3A_1357 = tpu.vector_load %arg8[%get3A_1355, %get3A_1356] {strides = array<i32>} : memref<128x128xf32, #tpu.memory_space<vmem>>, vector<1x16xf32>,
        %get3A_1358 = vector.shape_cast %get3A_1357 : vector<1x16xf32> to vector<16xf32>
        %mul3A_1359 = arith.mulf %get3A_1358, %gather3A_1290 : vector<16xf32>
        %swap3A_1360 = arith.index_cast %add3A_1294 : i32 to index
        %swap3A_1361 = arith.constant 96 : index
        %swap3A_1362 = tpu.vector_load %arg8[%swap3A_1360, %swap3A_1361] {strides = array<i32>} : memref<128x128xf32, #tpu.memory_space<vmem>>, vector<1x16xf32>,
        %swap3A_1363 = vector.shape_cast %swap3A_1362 : vector<1x16xf32> to vector<16xf32>
        %swap3A_1364 = vector.shape_cast %mul3A_1359 : vector<16xf32> to vector<1x16xf32>
        tpu.vector_store %arg8[%swap3A_1360, %swap3A_1361], %swap3A_1364 {strides = array<i32>} : memref<128x128xf32, #tpu.memory_space<vmem>>, vector<1x16xf32>,
        %get3A_1365 = arith.index_cast %add3A_1294 : i32 to index
        %get3A_1366 = arith.constant 112 : index
        %get3A_1367 = tpu.vector_load %arg8[%get3A_1365, %get3A_1366] {strides = array<i32>} : memref<128x128xf32, #tpu.memory_space<vmem>>, vector<1x16xf32>,
        %get3A_1368 = vector.shape_cast %get3A_1367 : vector<1x16xf32> to vector<16xf32>
        %mul3A_1369 = arith.mulf %get3A_1368, %gather3A_1290 : vector<16xf32>
        %swap3A_1370 = arith.index_cast %add3A_1294 : i32 to index
        %swap3A_1371 = arith.constant 112 : index
        %swap3A_1372 = tpu.vector_load %arg8[%swap3A_1370, %swap3A_1371] {strides = array<i32>} : memref<128x128xf32, #tpu.memory_space<vmem>>, vector<1x16xf32>,
        %swap3A_1373 = vector.shape_cast %swap3A_1372 : vector<1x16xf32> to vector<16xf32>
        %swap3A_1374 = vector.shape_cast %mul3A_1369 : vector<16xf32> to vector<1x16xf32>
        tpu.vector_store %arg8[%swap3A_1370, %swap3A_1371], %swap3A_1374 {strides = array<i32>} : memref<128x128xf32, #tpu.memory_space<vmem>>, vector<1x16xf32>,
        %broadcast_in_dim3A_1375 = arith.constant 15 : i32
        %broadcast_in_dim3A_1376 = vector.broadcast %broadcast_in_dim3A_1375 : i32 to vector<16xi32>
        %broadcast_in_dim3A_1377 = vector.shape_cast %broadcast_in_dim3A_1376 : vector<16xi32> to vector<16x1xi32>
        %gather3A_1378 = vector.shape_cast %broadcast_in_dim3A_1377 : vector<16x1xi32> to vector<16xi32>
        %gather3A_1379 = tpu.dynamic_gather %get3A_42[%gather3A_1378] in [0] : vector<16xf32>, vector<16xi32> -> vector<16xf32>
        %mul3A_1380 = arith.constant 16 : i32
        %mul3A_1381 = arith.muli %scan3A_38, %mul3A_1380 : i32
        %add3A_1382 = arith.constant 15 : i32
        %add3A_1383 = arith.addi %mul3A_1381, %add3A_1382 : i32
        %get3A_1384 = arith.index_cast %add3A_1383 : i32 to index
        %get3A_1385 = arith.constant 0 : index
        %get3A_1386 = tpu.vector_load %arg8[%get3A_1384, %get3A_1385] {strides = array<i32>} : memref<128x128xf32, #tpu.memory_space<vmem>>, vector<1x16xf32>,
        %get3A_1387 = vector.shape_cast %get3A_1386 : vector<1x16xf32> to vector<16xf32>
        %mul3A_1388 = arith.mulf %get3A_1387, %gather3A_1379 : vector<16xf32>
        %swap3A_1389 = arith.index_cast %add3A_1383 : i32 to index
        %swap3A_1390 = arith.constant 0 : index
        %swap3A_1391 = tpu.vector_load %arg8[%swap3A_1389, %swap3A_1390] {strides = array<i32>} : memref<128x128xf32, #tpu.memory_space<vmem>>, vector<1x16xf32>,
        %swap3A_1392 = vector.shape_cast %swap3A_1391 : vector<1x16xf32> to vector<16xf32>
        %swap3A_1393 = vector.shape_cast %mul3A_1388 : vector<16xf32> to vector<1x16xf32>
        tpu.vector_store %arg8[%swap3A_1389, %swap3A_1390], %swap3A_1393 {strides = array<i32>} : memref<128x128xf32, #tpu.memory_space<vmem>>, vector<1x16xf32>,
        %get3A_1394 = arith.index_cast %add3A_1383 : i32 to index
        %get3A_1395 = arith.constant 16 : index
        %get3A_1396 = tpu.vector_load %arg8[%get3A_1394, %get3A_1395] {strides = array<i32>} : memref<128x128xf32, #tpu.memory_space<vmem>>, vector<1x16xf32>,
        %get3A_1397 = vector.shape_cast %get3A_1396 : vector<1x16xf32> to vector<16xf32>
        %mul3A_1398 = arith.mulf %get3A_1397, %gather3A_1379 : vector<16xf32>
        %swap3A_1399 = arith.index_cast %add3A_1383 : i32 to index
        %swap3A_1400 = arith.constant 16 : index
        %swap3A_1401 = tpu.vector_load %arg8[%swap3A_1399, %swap3A_1400] {strides = array<i32>} : memref<128x128xf32, #tpu.memory_space<vmem>>, vector<1x16xf32>,
        %swap3A_1402 = vector.shape_cast %swap3A_1401 : vector<1x16xf32> to vector<16xf32>
        %swap3A_1403 = vector.shape_cast %mul3A_1398 : vector<16xf32> to vector<1x16xf32>
        tpu.vector_store %arg8[%swap3A_1399, %swap3A_1400], %swap3A_1403 {strides = array<i32>} : memref<128x128xf32, #tpu.memory_space<vmem>>, vector<1x16xf32>,
        %get3A_1404 = arith.index_cast %add3A_1383 : i32 to index
        %get3A_1405 = arith.constant 32 : index
        %get3A_1406 = tpu.vector_load %arg8[%get3A_1404, %get3A_1405] {strides = array<i32>} : memref<128x128xf32, #tpu.memory_space<vmem>>, vector<1x16xf32>,
        %get3A_1407 = vector.shape_cast %get3A_1406 : vector<1x16xf32> to vector<16xf32>
        %mul3A_1408 = arith.mulf %get3A_1407, %gather3A_1379 : vector<16xf32>
        %swap3A_1409 = arith.index_cast %add3A_1383 : i32 to index
        %swap3A_1410 = arith.constant 32 : index
        %swap3A_1411 = tpu.vector_load %arg8[%swap3A_1409, %swap3A_1410] {strides = array<i32>} : memref<128x128xf32, #tpu.memory_space<vmem>>, vector<1x16xf32>,
        %swap3A_1412 = vector.shape_cast %swap3A_1411 : vector<1x16xf32> to vector<16xf32>
        %swap3A_1413 = vector.shape_cast %mul3A_1408 : vector<16xf32> to vector<1x16xf32>
        tpu.vector_store %arg8[%swap3A_1409, %swap3A_1410], %swap3A_1413 {strides = array<i32>} : memref<128x128xf32, #tpu.memory_space<vmem>>, vector<1x16xf32>,
        %get3A_1414 = arith.index_cast %add3A_1383 : i32 to index
        %get3A_1415 = arith.constant 48 : index
        %get3A_1416 = tpu.vector_load %arg8[%get3A_1414, %get3A_1415] {strides = array<i32>} : memref<128x128xf32, #tpu.memory_space<vmem>>, vector<1x16xf32>,
        %get3A_1417 = vector.shape_cast %get3A_1416 : vector<1x16xf32> to vector<16xf32>
        %mul3A_1418 = arith.mulf %get3A_1417, %gather3A_1379 : vector<16xf32>
        %swap3A_1419 = arith.index_cast %add3A_1383 : i32 to index
        %swap3A_1420 = arith.constant 48 : index
        %swap3A_1421 = tpu.vector_load %arg8[%swap3A_1419, %swap3A_1420] {strides = array<i32>} : memref<128x128xf32, #tpu.memory_space<vmem>>, vector<1x16xf32>,
        %swap3A_1422 = vector.shape_cast %swap3A_1421 : vector<1x16xf32> to vector<16xf32>
        %swap3A_1423 = vector.shape_cast %mul3A_1418 : vector<16xf32> to vector<1x16xf32>
        tpu.vector_store %arg8[%swap3A_1419, %swap3A_1420], %swap3A_1423 {strides = array<i32>} : memref<128x128xf32, #tpu.memory_space<vmem>>, vector<1x16xf32>,
        %get3A_1424 = arith.index_cast %add3A_1383 : i32 to index
        %get3A_1425 = arith.constant 64 : index
        %get3A_1426 = tpu.vector_load %arg8[%get3A_1424, %get3A_1425] {strides = array<i32>} : memref<128x128xf32, #tpu.memory_space<vmem>>, vector<1x16xf32>,
        %get3A_1427 = vector.shape_cast %get3A_1426 : vector<1x16xf32> to vector<16xf32>
        %mul3A_1428 = arith.mulf %get3A_1427, %gather3A_1379 : vector<16xf32>
        %swap3A_1429 = arith.index_cast %add3A_1383 : i32 to index
        %swap3A_1430 = arith.constant 64 : index
        %swap3A_1431 = tpu.vector_load %arg8[%swap3A_1429, %swap3A_1430] {strides = array<i32>} : memref<128x128xf32, #tpu.memory_space<vmem>>, vector<1x16xf32>,
        %swap3A_1432 = vector.shape_cast %swap3A_1431 : vector<1x16xf32> to vector<16xf32>
        %swap3A_1433 = vector.shape_cast %mul3A_1428 : vector<16xf32> to vector<1x16xf32>
        tpu.vector_store %arg8[%swap3A_1429, %swap3A_1430], %swap3A_1433 {strides = array<i32>} : memref<128x128xf32, #tpu.memory_space<vmem>>, vector<1x16xf32>,
        %get3A_1434 = arith.index_cast %add3A_1383 : i32 to index
        %get3A_1435 = arith.constant 80 : index
        %get3A_1436 = tpu.vector_load %arg8[%get3A_1434, %get3A_1435] {strides = array<i32>} : memref<128x128xf32, #tpu.memory_space<vmem>>, vector<1x16xf32>,
        %get3A_1437 = vector.shape_cast %get3A_1436 : vector<1x16xf32> to vector<16xf32>
        %mul3A_1438 = arith.mulf %get3A_1437, %gather3A_1379 : vector<16xf32>
        %swap3A_1439 = arith.index_cast %add3A_1383 : i32 to index
        %swap3A_1440 = arith.constant 80 : index
        %swap3A_1441 = tpu.vector_load %arg8[%swap3A_1439, %swap3A_1440] {strides = array<i32>} : memref<128x128xf32, #tpu.memory_space<vmem>>, vector<1x16xf32>,
        %swap3A_1442 = vector.shape_cast %swap3A_1441 : vector<1x16xf32> to vector<16xf32>
        %swap3A_1443 = vector.shape_cast %mul3A_1438 : vector<16xf32> to vector<1x16xf32>
        tpu.vector_store %arg8[%swap3A_1439, %swap3A_1440], %swap3A_1443 {strides = array<i32>} : memref<128x128xf32, #tpu.memory_space<vmem>>, vector<1x16xf32>,
        %get3A_1444 = arith.index_cast %add3A_1383 : i32 to index
        %get3A_1445 = arith.constant 96 : index
        %get3A_1446 = tpu.vector_load %arg8[%get3A_1444, %get3A_1445] {strides = array<i32>} : memref<128x128xf32, #tpu.memory_space<vmem>>, vector<1x16xf32>,
        %get3A_1447 = vector.shape_cast %get3A_1446 : vector<1x16xf32> to vector<16xf32>
        %mul3A_1448 = arith.mulf %get3A_1447, %gather3A_1379 : vector<16xf32>
        %swap3A_1449 = arith.index_cast %add3A_1383 : i32 to index
        %swap3A_1450 = arith.constant 96 : index
        %swap3A_1451 = tpu.vector_load %arg8[%swap3A_1449, %swap3A_1450] {strides = array<i32>} : memref<128x128xf32, #tpu.memory_space<vmem>>, vector<1x16xf32>,
        %swap3A_1452 = vector.shape_cast %swap3A_1451 : vector<1x16xf32> to vector<16xf32>
        %swap3A_1453 = vector.shape_cast %mul3A_1448 : vector<16xf32> to vector<1x16xf32>
        tpu.vector_store %arg8[%swap3A_1449, %swap3A_1450], %swap3A_1453 {strides = array<i32>} : memref<128x128xf32, #tpu.memory_space<vmem>>, vector<1x16xf32>,
        %get3A_1454 = arith.index_cast %add3A_1383 : i32 to index
        %get3A_1455 = arith.constant 112 : index
        %get3A_1456 = tpu.vector_load %arg8[%get3A_1454, %get3A_1455] {strides = array<i32>} : memref<128x128xf32, #tpu.memory_space<vmem>>, vector<1x16xf32>,
        %get3A_1457 = vector.shape_cast %get3A_1456 : vector<1x16xf32> to vector<16xf32>
        %mul3A_1458 = arith.mulf %get3A_1457, %gather3A_1379 : vector<16xf32>
        %swap3A_1459 = arith.index_cast %add3A_1383 : i32 to index
        %swap3A_1460 = arith.constant 112 : index
        %swap3A_1461 = tpu.vector_load %arg8[%swap3A_1459, %swap3A_1460] {strides = array<i32>} : memref<128x128xf32, #tpu.memory_space<vmem>>, vector<1x16xf32>,
        %swap3A_1462 = vector.shape_cast %swap3A_1461 : vector<1x16xf32> to vector<16xf32>
        %swap3A_1463 = vector.shape_cast %mul3A_1458 : vector<16xf32> to vector<1x16xf32>
        tpu.vector_store %arg8[%swap3A_1459, %swap3A_1460], %swap3A_1463 {strides = array<i32>} : memref<128x128xf32, #tpu.memory_space<vmem>>, vector<1x16xf32>,
      }
      %scan3A_37 = arith.constant 8 : i32
      "tpu.region"() ({
        %run_scoped3A = tpu.sem_alloc : memref<!tpu.dma_semaphore, #tpu.memory_space<semaphore_mem>>
        %dma_start3A_38 = arith.constant 0 : i32
        %dma_start3A_39 = arith.constant 0 : i32
        %dma_start3A_40 = tpu.memref_slice %arg12[%dma_start3A_38, %dma_start3A_39] : memref<10000x128xf32, #tpu.memory_space<vmem_shared>> -> memref<10000x128xf32, #tpu.memory_space<vmem_shared>>
        tpu.enqueue_indirect_dma source(%arg8 : memref<128x128xf32, #tpu.memory_space<vmem>>) target(%dma_start3A_40 : memref<10000x128xf32, #tpu.memory_space<vmem_shared>>) offsets(%arg9 : memref<128xi32, #tpu.memory_space<vmem>>) semaphore(%run_scoped3A : memref<!tpu.dma_semaphore, #tpu.memory_space<semaphore_mem>>) {add = true}
        %dma_wait3A_41 = arith.constant 0 : i32
        %dma_wait3A_42 = arith.constant 0 : i32
        %dma_wait3A_43 = tpu.memref_slice %arg12[%dma_wait3A_41, %dma_wait3A_42] : memref<10000x128xf32, #tpu.memory_space<vmem_shared>> -> memref<10000x128xf32, #tpu.memory_space<vmem_shared>>
        tpu.wait_indirect_dma semaphore(%run_scoped3A : memref<!tpu.dma_semaphore, #tpu.memory_space<semaphore_mem>>) src(%arg8 : memref<128x128xf32, #tpu.memory_space<vmem>>) dst(%dma_wait3A_43 : memref<10000x128xf32, #tpu.memory_space<vmem_shared>>)
        tpu.yield
      }) : () -> ()
    }
    %scan3A_11 = arith.constant 79 : i32
    %barrier3A_12 = arith.constant 0 : index
    tpu.barrier barrier_id(%barrier3A_12)
    %mul3A_13 = arith.constant 624 : i32
    %mul3A_14 = arith.muli %arg1, %mul3A_13 : i32
    %mul3A_15 = arith.constant 624 : i32
    %mul3A_16 = arith.muli %arg1, %mul3A_15 : i32
    "tpu.region"() ({
      %run_scoped3A = tpu.sem_alloc : memref<!tpu.dma_semaphore, #tpu.memory_space<semaphore_mem>>
      %dma_start3A = arith.constant 0 : i32
      %dma_start3A_22 = tpu.memref_slice %arg7[%arg0, %mul3A_16, %dma_start3A] : memref<2x10000x128xf32, #tpu.memory_space<hbm>> -> memref<1x624x128xf32, #tpu.memory_space<hbm>>
      %dma_start3A_23 = tpu.memref_squeeze %dma_start3A_22 : memref<1x624x128xf32, #tpu.memory_space<hbm>> -> memref<624x128xf32, #tpu.memory_space<hbm>>
      %dma_start3A_24 = arith.constant 0 : i32
      %dma_start3A_25 = tpu.memref_slice %arg12[%mul3A_14, %dma_start3A_24] : memref<10000x128xf32, #tpu.memory_space<vmem_shared>> -> memref<624x128xf32, #tpu.memory_space<vmem_shared>>
      tpu.enqueue_dma source(%dma_start3A_25 : memref<624x128xf32, #tpu.memory_space<vmem_shared>>) target(%dma_start3A_23 : memref<624x128xf32, #tpu.memory_space<hbm>>) target_semaphore(%run_scoped3A : memref<!tpu.dma_semaphore, #tpu.memory_space<semaphore_mem>>)
      %dma_wait3A = arith.constant 0 : i32
      %dma_wait3A_26 = tpu.memref_slice %arg7[%arg0, %mul3A_16, %dma_wait3A] : memref<2x10000x128xf32, #tpu.memory_space<hbm>> -> memref<1x624x128xf32, #tpu.memory_space<hbm>>
      %dma_wait3A_27 = tpu.memref_squeeze %dma_wait3A_26 : memref<1x624x128xf32, #tpu.memory_space<hbm>> -> memref<624x128xf32, #tpu.memory_space<hbm>>
      %dma_wait3A_28 = arith.constant 0 : i32
      %dma_wait3A_29 = tpu.memref_slice %arg12[%mul3A_14, %dma_wait3A_28] : memref<10000x128xf32, #tpu.memory_space<vmem_shared>> -> memref<624x128xf32, #tpu.memory_space<vmem_shared>>
      tpu.wait_dma2 semaphore(%run_scoped3A : memref<!tpu.dma_semaphore, #tpu.memory_space<semaphore_mem>>) src(%dma_wait3A_29 : memref<624x128xf32, #tpu.memory_space<vmem_shared>>) dst(%dma_wait3A_27 : memref<624x128xf32, #tpu.memory_space<hbm>>)
      tpu.yield
    }) : () -> ()
    %eq3A_17 = arith.constant 15 : i32
    %eq3A_18 = arith.cmpi eq, %arg1, %eq3A_17 : i32
    %convert_element_type3A_19 = arith.extui %eq3A_18 : i1 to i32
    %cond3A_20 = arith.constant 0 : i32
    %cond3A_21 = arith.cmpi ne, %convert_element_type3A_19, %cond3A_20 : i32
    scf.if %cond3A_21 {
      "tpu.region"() ({
        %run_scoped3A = tpu.sem_alloc : memref<!tpu.dma_semaphore, #tpu.memory_space<semaphore_mem>>
        %dma_start3A = arith.constant 9984 : i32
        %dma_start3A_22 = arith.constant 0 : i32
        %dma_start3A_23 = tpu.memref_slice %arg7[%arg0, %dma_start3A, %dma_start3A_22] : memref<2x10000x128xf32, #tpu.memory_space<hbm>> -> memref<1x16x128xf32, #tpu.memory_space<hbm>>
        %dma_start3A_24 = tpu.memref_squeeze %dma_start3A_23 : memref<1x16x128xf32, #tpu.memory_space<hbm>> -> memref<16x128xf32, #tpu.memory_space<hbm>>
        %dma_start3A_25 = arith.constant 9984 : i32
        %dma_start3A_26 = arith.constant 0 : i32
        %dma_start3A_27 = tpu.memref_slice %arg12[%dma_start3A_25, %dma_start3A_26] : memref<10000x128xf32, #tpu.memory_space<vmem_shared>> -> memref<16x128xf32, #tpu.memory_space<vmem_shared>>
        tpu.enqueue_dma source(%dma_start3A_27 : memref<16x128xf32, #tpu.memory_space<vmem_shared>>) target(%dma_start3A_24 : memref<16x128xf32, #tpu.memory_space<hbm>>) target_semaphore(%run_scoped3A : memref<!tpu.dma_semaphore, #tpu.memory_space<semaphore_mem>>)
        %dma_wait3A = arith.constant 9984 : i32
        %dma_wait3A_28 = arith.constant 0 : i32
        %dma_wait3A_29 = tpu.memref_slice %arg7[%arg0, %dma_wait3A, %dma_wait3A_28] : memref<2x10000x128xf32, #tpu.memory_space<hbm>> -> memref<1x16x128xf32, #tpu.memory_space<hbm>>
        %dma_wait3A_30 = tpu.memref_squeeze %dma_wait3A_29 : memref<1x16x128xf32, #tpu.memory_space<hbm>> -> memref<16x128xf32, #tpu.memory_space<hbm>>
        %dma_wait3A_31 = arith.constant 9984 : i32
        %dma_wait3A_32 = arith.constant 0 : i32
        %dma_wait3A_33 = tpu.memref_slice %arg12[%dma_wait3A_31, %dma_wait3A_32] : memref<10000x128xf32, #tpu.memory_space<vmem_shared>> -> memref<16x128xf32, #tpu.memory_space<vmem_shared>>
        tpu.wait_dma2 semaphore(%run_scoped3A : memref<!tpu.dma_semaphore, #tpu.memory_space<semaphore_mem>>) src(%dma_wait3A_33 : memref<16x128xf32, #tpu.memory_space<vmem_shared>>) dst(%dma_wait3A_30 : memref<16x128xf32, #tpu.memory_space<hbm>>)
        tpu.yield
      }) : () -> ()
    } else {
    }
    return
  }
}

module attributes {stable_mosaic.version = 14 : i64} {
  func.func @_mm_body(%arg0: i32, %arg1: memref<2000x128xf32, #tpu.memory_space<vmem>>, %arg2: memref<128x384xf32, #tpu.memory_space<vmem>>, %arg3: memref<2000x128xf32, #tpu.memory_space<vmem>>, %arg4: memref<2000x128xf32, #tpu.memory_space<vmem>>, %arg5: memref<2000x128xf32, #tpu.memory_space<vmem>>) attributes {dimension_semantics = [#tpu.dimension_semantics<arbitrary>], iteration_bounds = array<i64: 5>, scalar_prefetch = 0 : i64, scratch_operands = 0 : i64, tpu.core_type = #tpu.core_type<tc>, window_params = [{transform_indices = @transform_0, window_bounds = array<i64: 2000, 128>}, {pipeline_mode = #tpu.pipeline_mode<synchronous>, transform_indices = @transform_1, window_bounds = array<i64: 128, 384>}, {transform_indices = @transform_2, window_bounds = array<i64: 2000, 128>}, {transform_indices = @transform_3, window_bounds = array<i64: 2000, 128>}, {transform_indices = @transform_4, window_bounds = array<i64: 2000, 128>}]} {
    %get3A = arith.constant 0 : index
    %get3A_0 = arith.constant 0 : index
    %get3A_1 = vector.load %arg1[%get3A, %get3A_0] : memref<2000x128xf32, #tpu.memory_space<vmem>>, vector<2000x128xf32>
    %get3A_2 = arith.constant 0 : index
    %get3A_3 = arith.constant 0 : index
    %get3A_4 = vector.load %arg2[%get3A_2, %get3A_3] : memref<128x384xf32, #tpu.memory_space<vmem>>, vector<128x384xf32>
    %dot_general3A = arith.constant dense<0.000000e+00> : vector<2000x384xf32>
    %dot_general3A_5 = tpu.matmul %get3A_1, %get3A_4, %dot_general3A {dimension_numbers = #tpu.dot_dimension_numbers<[1], [0], [0], [1], [0, 0, 1, 1], [], []>, transpose_lhs_hint = false} : vector<2000x128xf32>, vector<128x384xf32>, vector<2000x384xf32> -> vector<2000x384xf32>
    %slice3A = vector.extract_strided_slice %dot_general3A_5 {offsets = [0, 0], sizes = [2000, 128], strides = [1, 1]} : vector<2000x384xf32> to vector<2000x128xf32>
    %swap3A = arith.constant 0 : index
    %swap3A_6 = arith.constant 0 : index
    %swap3A_7 = vector.load %arg3[%swap3A, %swap3A_6] : memref<2000x128xf32, #tpu.memory_space<vmem>>, vector<2000x128xf32>
    tpu.vector_store %arg3[%swap3A, %swap3A_6], %slice3A {strides = array<i32>} : memref<2000x128xf32, #tpu.memory_space<vmem>>, vector<2000x128xf32>,
    %slice3A_8 = vector.extract_strided_slice %dot_general3A_5 {offsets = [0, 128], sizes = [2000, 128], strides = [1, 1]} : vector<2000x384xf32> to vector<2000x128xf32>
    %swap3A_9 = arith.constant 0 : index
    %swap3A_10 = arith.constant 0 : index
    %swap3A_11 = vector.load %arg4[%swap3A_9, %swap3A_10] : memref<2000x128xf32, #tpu.memory_space<vmem>>, vector<2000x128xf32>
    tpu.vector_store %arg4[%swap3A_9, %swap3A_10], %slice3A_8 {strides = array<i32>} : memref<2000x128xf32, #tpu.memory_space<vmem>>, vector<2000x128xf32>,
    %slice3A_12 = vector.extract_strided_slice %dot_general3A_5 {offsets = [0, 256], sizes = [2000, 128], strides = [1, 1]} : vector<2000x384xf32> to vector<2000x128xf32>
    %swap3A_13 = arith.constant 0 : index
    %swap3A_14 = arith.constant 0 : index
    %swap3A_15 = vector.load %arg5[%swap3A_13, %swap3A_14] : memref<2000x128xf32, #tpu.memory_space<vmem>>, vector<2000x128xf32>
    tpu.vector_store %arg5[%swap3A_13, %swap3A_14], %slice3A_12 {strides = array<i32>} : memref<2000x128xf32, #tpu.memory_space<vmem>>, vector<2000x128xf32>,
    return
  }
  func.func @transform_0(%arg0: i32) -> (i32, i32) {
    %c0_i32 = arith.constant 0 : i32
    %c0_i32_0 = arith.constant 0 : i32
    return %arg0, %c0_i32 : i32, i32
  }
  func.func @transform_1(%arg0: i32) -> (i32, i32) {
    %c0_i32 = arith.constant 0 : i32
    %c0_i32_0 = arith.constant 0 : i32
    %c0_i32_1 = arith.constant 0 : i32
    return %c0_i32, %c0_i32_0 : i32, i32
  }
  func.func @transform_2(%arg0: i32) -> (i32, i32) {
    %c0_i32 = arith.constant 0 : i32
    %c0_i32_0 = arith.constant 0 : i32
    return %arg0, %c0_i32 : i32, i32
  }
  func.func @transform_3(%arg0: i32) -> (i32, i32) {
    %c0_i32 = arith.constant 0 : i32
    %c0_i32_0 = arith.constant 0 : i32
    return %arg0, %c0_i32 : i32, i32
  }
  func.func @transform_4(%arg0: i32) -> (i32, i32) {
    %c0_i32 = arith.constant 0 : i32
    %c0_i32_0 = arith.constant 0 : i32
    return %arg0, %c0_i32 : i32, i32
  }
}

module attributes {stable_mosaic.version = 14 : i64} {
  func.func @_add2_body(%arg0: i32, %arg1: memref<2000x128xf32, #tpu.memory_space<vmem>>, %arg2: memref<2000x128xf32, #tpu.memory_space<vmem>>, %arg3: memref<1x128xf32, #tpu.memory_space<vmem>>, %arg4: memref<2000x128xf32, #tpu.memory_space<vmem>>) attributes {dimension_semantics = [#tpu.dimension_semantics<arbitrary>], iteration_bounds = array<i64: 5>, scalar_prefetch = 0 : i64, scratch_operands = 0 : i64, tpu.core_type = #tpu.core_type<tc>, window_params = [{transform_indices = @transform_0, window_bounds = array<i64: 2000, 128>}, {transform_indices = @transform_1, window_bounds = array<i64: 2000, 128>}, {pipeline_mode = #tpu.pipeline_mode<synchronous>, transform_indices = @transform_2, window_bounds = array<i64: 1, 128>}, {transform_indices = @transform_3, window_bounds = array<i64: 2000, 128>}]} {
    %get3A = arith.constant 0 : index
    %get3A_0 = arith.constant 0 : index
    %get3A_1 = vector.load %arg1[%get3A, %get3A_0] : memref<2000x128xf32, #tpu.memory_space<vmem>>, vector<2000x128xf32>
    %get3A_2 = arith.constant 0 : index
    %get3A_3 = arith.constant 0 : index
    %get3A_4 = vector.load %arg2[%get3A_2, %get3A_3] : memref<2000x128xf32, #tpu.memory_space<vmem>>, vector<2000x128xf32>
    %add3A = arith.addf %get3A_1, %get3A_4 : vector<2000x128xf32>
    %get3A_5 = arith.constant 0 : index
    %get3A_6 = arith.constant 0 : index
    %get3A_7 = vector.load %arg3[%get3A_5, %get3A_6] : memref<1x128xf32, #tpu.memory_space<vmem>>, vector<1x128xf32>
    %add3A_8 = vector.broadcast %get3A_7 : vector<1x128xf32> to vector<2000x128xf32>
    %add3A_9 = arith.addf %add3A, %add3A_8 : vector<2000x128xf32>
    %swap3A = arith.constant 0 : index
    %swap3A_10 = arith.constant 0 : index
    %swap3A_11 = vector.load %arg4[%swap3A, %swap3A_10] : memref<2000x128xf32, #tpu.memory_space<vmem>>, vector<2000x128xf32>
    tpu.vector_store %arg4[%swap3A, %swap3A_10], %add3A_9 {strides = array<i32>} : memref<2000x128xf32, #tpu.memory_space<vmem>>, vector<2000x128xf32>,
    return
  }
  func.func @transform_0(%arg0: i32) -> (i32, i32) {
    %c0_i32 = arith.constant 0 : i32
    %c0_i32_0 = arith.constant 0 : i32
    return %arg0, %c0_i32 : i32, i32
  }
  func.func @transform_1(%arg0: i32) -> (i32, i32) {
    %c0_i32 = arith.constant 0 : i32
    %c0_i32_0 = arith.constant 0 : i32
    return %arg0, %c0_i32 : i32, i32
  }
  func.func @transform_2(%arg0: i32) -> (i32, i32) {
    %c0_i32 = arith.constant 0 : i32
    %c0_i32_0 = arith.constant 0 : i32
    %c0_i32_1 = arith.constant 0 : i32
    return %c0_i32, %c0_i32_0 : i32, i32
  }
  func.func @transform_3(%arg0: i32) -> (i32, i32) {
    %c0_i32 = arith.constant 0 : i32
    %c0_i32_0 = arith.constant 0 : i32
    return %arg0, %c0_i32 : i32, i32
  }
}

module attributes {stable_mosaic.version = 14 : i64} {
  func.func @_add2_body(%arg0: i32, %arg1: memref<2000x128xf32, #tpu.memory_space<vmem>>, %arg2: memref<2000x128xf32, #tpu.memory_space<vmem>>, %arg3: memref<1x128xf32, #tpu.memory_space<vmem>>, %arg4: memref<2000x128xf32, #tpu.memory_space<vmem>>) attributes {dimension_semantics = [#tpu.dimension_semantics<arbitrary>], iteration_bounds = array<i64: 5>, scalar_prefetch = 0 : i64, scratch_operands = 0 : i64, tpu.core_type = #tpu.core_type<tc>, window_params = [{transform_indices = @transform_0, window_bounds = array<i64: 2000, 128>}, {transform_indices = @transform_1, window_bounds = array<i64: 2000, 128>}, {pipeline_mode = #tpu.pipeline_mode<synchronous>, transform_indices = @transform_2, window_bounds = array<i64: 1, 128>}, {transform_indices = @transform_3, window_bounds = array<i64: 2000, 128>}]} {
    %get3A = arith.constant 0 : index
    %get3A_0 = arith.constant 0 : index
    %get3A_1 = vector.load %arg1[%get3A, %get3A_0] : memref<2000x128xf32, #tpu.memory_space<vmem>>, vector<2000x128xf32>
    %get3A_2 = arith.constant 0 : index
    %get3A_3 = arith.constant 0 : index
    %get3A_4 = vector.load %arg2[%get3A_2, %get3A_3] : memref<2000x128xf32, #tpu.memory_space<vmem>>, vector<2000x128xf32>
    %add3A = arith.addf %get3A_1, %get3A_4 : vector<2000x128xf32>
    %get3A_5 = arith.constant 0 : index
    %get3A_6 = arith.constant 0 : index
    %get3A_7 = vector.load %arg3[%get3A_5, %get3A_6] : memref<1x128xf32, #tpu.memory_space<vmem>>, vector<1x128xf32>
    %add3A_8 = vector.broadcast %get3A_7 : vector<1x128xf32> to vector<2000x128xf32>
    %add3A_9 = arith.addf %add3A, %add3A_8 : vector<2000x128xf32>
    %swap3A = arith.constant 0 : index
    %swap3A_10 = arith.constant 0 : index
    %swap3A_11 = vector.load %arg4[%swap3A, %swap3A_10] : memref<2000x128xf32, #tpu.memory_space<vmem>>, vector<2000x128xf32>
    tpu.vector_store %arg4[%swap3A, %swap3A_10], %add3A_9 {strides = array<i32>} : memref<2000x128xf32, #tpu.memory_space<vmem>>, vector<2000x128xf32>,
    return
  }
  func.func @transform_0(%arg0: i32) -> (i32, i32) {
    %c0_i32 = arith.constant 0 : i32
    %c0_i32_0 = arith.constant 0 : i32
    return %arg0, %c0_i32 : i32, i32
  }
  func.func @transform_1(%arg0: i32) -> (i32, i32) {
    %c0_i32 = arith.constant 0 : i32
    %c0_i32_0 = arith.constant 0 : i32
    return %arg0, %c0_i32 : i32, i32
  }
  func.func @transform_2(%arg0: i32) -> (i32, i32) {
    %c0_i32 = arith.constant 0 : i32
    %c0_i32_0 = arith.constant 0 : i32
    %c0_i32_1 = arith.constant 0 : i32
    return %c0_i32, %c0_i32_0 : i32, i32
  }
  func.func @transform_3(%arg0: i32) -> (i32, i32) {
    %c0_i32 = arith.constant 0 : i32
    %c0_i32_0 = arith.constant 0 : i32
    return %arg0, %c0_i32 : i32, i32
  }
}

</mosaic_0001>

<sc_bundles>
// kernel: kernel.10.cloned.1.call-start
scs
__scs_entry_jumppad:
0x0: {  	(pc) =	sbr.rel $0x88, $3  }
0x1: {  	(tag) =	ssettag $0x0;
	lr =	simm.s32 $0x1  }
0x2: {  	[smem:$0x3F9C] =	sst lr;
	_ =	strace $0xD0000000  }
0x3: {  	_ = 	snop  }
0x4: {  	_ = 	snop  }
0x5: {  	_ = 	snop  }
0x6: {  	_ = 	snop  }
0x7: {  	_ = 	snop  }
__scs_overlays_trampoline_lowered:
0x8: {  	[smem:$0x3FAB] =	sst s0  }
0x9: {  	[smem:$0x3FAC] =	sst s1  }
0xa: {  	[smem:$0x3FAD] =	sst s2  }
0xb: {  	[smem:$0x3FAE] =	sst s3  }
0xc: {  	[smem:$0x3FAF] =	sst s4  }
0xd: {  	[smem:$0x3FB0] =	sst s5  }
0xe: {  	[smem:$0x3FB1] =	sst s6  }
0xf: {  	[smem:$0x3FB2] =	sst s7  }
0x10: {  	[smem:$0x3FB3] =	sst s8  }
0x11: {  	[smem:$0x3FB4] =	sst s9;
	s0 =	simm.s32 @!p0 $0x0  }
0x12: {  	s1 =	sld [smem:$0x3F9A];
	s0 =	simm.s32 @p0 $0x1  }
0x13: {  	[smem:$0x3FB5] =	sst s0;
	s0 =	simm.s32 @!p1 $0x0  }
0x14: {  	s2 =	sld [smem:$0x3F99];
	s0 =	simm.s32 @p1 $0x1  }
0x15: {  	[smem:$0x3FB6] =	sst s0;
	s0 =	simm.s32 @!p2 $0x0  }
0x16: {  	s3 =	sld [smem:$0x3FDB];
	s0 =	simm.s32 @p2 $0x1  }
0x17: {  	s4 =	simm.s32 $0x1BF5;
	[smem:$0x3FB8] =	sst s0  }
0x18: {  	s0 =	sld [smem:$0x3F9B];
	_ =	swait.ge [sflag:s4], $0x0  }
0x19: {  	s7 =	sld [smem:$0x3F9C]  }
0x1a: {  	s8 =	sadd.s32 $0xFFFFE003, lr  }
0x1b: {  	s9 =	sadd.s32 $0xFFFFFEF7, lr;
	s5 =	simm.s32 $0xFFFFFFFF;
	p2 =	slt.u32 s8, $0xFFFFF086  }
0x1c: {  	p1 =	slt.u32 s9, $0xF7A;
	s5 =	simm.s32 @!p2 $0x0  }
0x1d: {  	s5 =	simm.s32 @p1 $0x1;
	p0 =	seq.s32 s7, s2  }
0x1e: {  	s7 =	smul.u32 @!p0 $0xF7A, s2;
	p2 =	seq.s32 @!p0 s5, $0x0  }
0x1f: {  	s9 =	smul.u32 $0xF7A, s1;
	s8 =	simm.s32 @!p0 $0x1BF5;
	p2 =	por !p2, p0  }
0x20: {  	[sflag:s8] =	ssyncset.s32 @!p0 $0xFFFFF086;
	s6 =	sadd.s32 @!p0 s3, s7;
	s7 =	simm.s32 @!p0 $0x108  }
0x21: {  	s3 =	sadd.s32 s3, s9;
	s6 =	sadd.s32 @!p0 $0x88, s6;
	s7 =	simm.s32 @p2 $0x1082  }
0x22: {  	[simem:s7], [sflag:s8] =	dma.local @!p0 [hbm:s6], $0xF7A  }
0x23: {  	s9 =	sor.u32 $0xD0000000, s2;
	s6 =	simm.s32 $0x108;
	_ =	swait.ge @!p0 [sflag:s8], $0x0  }
0x24: {  	s3 =	sadd.s32 $0x88, s3;
	s6 =	simm.s32 @!p1 $0x1082;
	[sflag:s4] =	ssyncset.s32 $0xFFFFF086  }
0x25: {  	[simem:s6], [sflag:s4] =	dma.local [hbm:s3], $0xF7A  }
0x26: {  	[smem:$0x3F9C] =	sst s1;
	(tag) =	ssettag s2;
	_ =	strace s9  }
0x27: {  	s1 =	sld [smem:$0x3FAC]  }
0x28: {  	s2 =	sld [smem:$0x3FAD]  }
0x29: {  	s4 =	sld [smem:$0x3FAF]  }
0x2a: {  	p0 =	seq.s32 s5, $0x0;
	s5 =	sld [smem:$0x3FB0]  }
0x2b: {  	s6 =	sld [smem:$0x3FB1]  }
0x2c: {  	s7 =	sld [smem:$0x3FB2]  }
0x2d: {  	s3 =	simm.s32 $0x108;
	s8 =	sld [smem:$0x3FB3]  }
0x2e: {  	s3 =	simm.s32 @!p0 $0x1082;
	s9 =	sld [smem:$0x3FB4]  }
0x2f: {  	lr =	sadd.s32 s0, s3;
	s0 =	sld [smem:$0x3FAB]  }
0x30: {  	s3 =	sld [smem:$0x3FAE]  }
0x31: {  	[smem:$0x3FB7] =	sst s10  }
0x32: {  	s10 =	sld [smem:$0x3FB5];
	_ =	sdelay $0x3  }
0x33: {  	p0 =	seq.s32 s10, $0x1;
	s10 =	sld [smem:$0x3FB7];
	_ =	sdelay $0x3  }
0x34: {  	[smem:$0x3FB7] =	sst s10  }
0x35: {  	s10 =	sld [smem:$0x3FB6];
	_ =	sdelay $0x3  }
0x36: {  	p1 =	seq.s32 s10, $0x1;
	s10 =	sld [smem:$0x3FB7];
	_ =	sdelay $0x3  }
0x37: {  	[smem:$0x3FB7] =	sst s10  }
0x38: {  	s10 =	sld [smem:$0x3FB8]  }
0x39: {  	_ = 	snop;
	(pc) =	sbr.ind lr, $3  }
0x3a: {  	_ = 	snop  }
0x3b: {  	_ = 	snop  }
0x3c: {  	p2 =	seq.s32 s10, $0x1;
	s10 =	sld [smem:$0x3FB7]  }
0x3d: {  	_ =	shalt  }
0x3e: {  	_ =	shalt  }
0x3f: {  	_ =	shalt  }
0x40: {  	_ =	shalt  }
0x41: {  	_ =	shalt  }
0x42: {  	_ =	shalt  }
0x43: {  	_ =	shalt  }
0x44: {  	_ =	shalt  }
0x45: {  	_ =	shalt  }
0x46: {  	_ =	shalt  }
0x47: {  	_ =	shalt  }
0x48: {  	_ =	shalt  }
0x49: {  	_ =	shalt  }
0x4a: {  	_ =	shalt  }
0x4b: {  	_ =	shalt  }
0x4c: {  	_ =	shalt  }
0x4d: {  	_ =	shalt  }
0x4e: {  	_ =	shalt  }
0x4f: {  	_ =	shalt  }
0x50: {  	_ =	shalt  }
0x51: {  	_ =	shalt  }
0x52: {  	_ =	shalt  }
0x53: {  	_ =	shalt  }
0x54: {  	_ =	shalt  }
0x55: {  	_ =	shalt  }
0x56: {  	_ =	shalt  }
0x57: {  	_ =	shalt  }
0x58: {  	_ =	shalt  }
0x59: {  	_ =	shalt  }
0x5a: {  	_ =	shalt  }
0x5b: {  	_ =	shalt  }
0x5c: {  	_ =	shalt  }
0x5d: {  	_ =	shalt  }
0x5e: {  	_ =	shalt  }
0x5f: {  	_ =	shalt  }
0x60: {  	_ =	shalt  }
0x61: {  	_ =	shalt  }
0x62: {  	_ =	shalt  }
0x63: {  	_ =	shalt  }
0x64: {  	_ =	shalt  }
0x65: {  	_ =	shalt  }
0x66: {  	_ =	shalt  }
0x67: {  	_ =	shalt  }
0x68: {  	_ =	shalt  }
0x69: {  	_ =	shalt  }
0x6a: {  	_ =	shalt  }
0x6b: {  	_ =	shalt  }
0x6c: {  	_ =	shalt  }
0x6d: {  	_ =	shalt  }
0x6e: {  	_ =	shalt  }
0x6f: {  	_ =	shalt  }
0x70: {  	_ =	shalt  }
0x71: {  	_ =	shalt  }
0x72: {  	_ =	shalt  }
0x73: {  	_ =	shalt  }
0x74: {  	_ =	shalt  }
0x75: {  	_ =	shalt  }
0x76: {  	_ =	shalt  }
0x77: {  	_ =	shalt  }
0x78: {  	_ =	shalt  }
0x79: {  	_ =	shalt  }
0x7a: {  	_ =	shalt  }
0x7b: {  	_ =	shalt  }
0x7c: {  	_ =	shalt  }
0x7d: {  	_ =	shalt  }
0x7e: {  	_ =	shalt  }
0x7f: {  	_ =	shalt  }
0x80: {  	_ =	shalt  }
0x81: {  	_ =	shalt  }
0x82: {  	_ =	shalt  }
0x83: {  	_ =	shalt  }
0x84: {  	_ =	shalt  }
0x85: {  	_ =	shalt  }
0x86: {  	_ =	shalt  }
0x87: {  	_ =	shalt  }
.Lfunc_end0:
.L_simem_size_0:
called_computation.1_lowered:
.L_overlay_start_0:
0x88: {  	s2 =	sld [smem:$0x3FD9]  }
0x89: {  	s3 =	sld [smem:$0x3FFE];
	_ =	sdelay $0x1  }
0x8a: {  	s1 =	srdreg.scid  }
0x8b: {  	s0 =	sand.u32 $0x1, s1  }
0x8c: {  	s17 =	sshll.u32 s0, $0xA;
	s2 =	sadd.s32 s3, s2  }
0x8d: {  	s2 =	sadd.s32 s2, s17  }
0x8e: {  	[smem:$0x3FC3] =	sst s2  }
0x8f: {  	_ = 	snop  }
0x90: {  	s2 =	sld [smem:$0x3FD0];
	(tm) =	ssettm $0x1  }
0x91: {  	s18 =	sld [smem:$0x3FFB];
	_ =	sdelay $0x3  }
0x92: {  	_ =	strace s18  }
0x93: {  	s3 =	sld [smem:$0x3FFC];
	_ =	sdelay $0x3  }
0x94: {  	_ =	strace s3  }
0x95: {  	s3 =	sld [smem:$0x3FFD];
	_ =	sdelay $0x3  }
0x96: {  	_ =	strace s3  }
0x97: {  	_ =	strace $0x8FFFFFFF  }
0x98: {  	s19 =	sld [smem:$0x3FDB];
	_ =	sdelay $0x1  }
0x99: {  	s4 =	simm.s32 $_scs_section_size  }
0x9a: {  	s5 =	simm.s32 $_size__tile_overlayer_lowered;
	s6 =	simm.s32 $_tile_overlayer_lowered  }
0x9b: {  	s22 =	simm.s32 $0x1BFF;
	s21 =	sshll.u32 s6, $0x1;
	s3 =	sadd.s32 s4, s19  }
0x9c: {  	s7 =	simm.s32 $0x0;
	s20 =	sshll.u32 s5, $0x1;
	s5 =	sadd.s32 s21, s3  }
0x9d: {  	[timem:s7], [sflag:s22] =	dma.local [hbm:s5], s20  }
0x9e: {  	_ =	swait.ge [sflag:s22], s20  }
0x9f: {  	s4 =	ssub.s32 $0x0, s20;
	[sflag:s22] =	ssyncset.done $0x0  }
0xa0: {  	[sflag:s22] =	ssyncadd.s32 s4;
	_ =	sdelay $0x1  }
0xa1: {  	s23 =	simm.s32 $0x1B8B  }
0xa2: {  	_ =	swait.ge [sflag:s23], $0x1  }
0xa3: {  	[sflag:s23] =	ssyncset.done $0x0  }
0xa4: {  	s25 =	simm.s32 $0x1B8E;
	s24 =	sld [smem:$0x3FFE];
	[sflag:s23] =	ssyncadd.s32 $0xFFFFFFFF  }
0xa5: {  	s26 =	simm.s32 $execute0_lowered;
	[smem:$0x3FD2] =	sst s25  }
0xa6: {  	s5 =	sshll.u32 s26, $0x1;
	_ =	strace $0x80000049;
	[dreg:$0x1] =	wrdreg $0xFFFFFFFF  }
0xa7: {  	s28 =	simm.s32 $_size_execute0_lowered;
	s3 =	sadd.s32 s3, s5;
	[dreg:$0x0] =	wrdreg $0x0  }
0xa8: {  	s5 =	sshll.u32 s28, $0x1;
	[dreg:$0x2] =	wrdreg s3  }
0xa9: {  	[dreg:$0x3] =	wrdreg s5  }
0xaa: {  	[dreg:$0x4] =	wrdreg $0xC0  }
0xab: {  	_ =	task [dreg:s7], $0x5FFFF  }
0xac: {  	[dreg:$0x1] =	wrdreg $0xFFFFFFFF  }
0xad: {  	[dreg:$0x0] =	wrdreg $0x60  }
0xae: {  	[dreg:$0x2] =	wrdreg s24  }
0xaf: {  	[dreg:$0x3] =	wrdreg s2  }
0xb0: {  	[dreg:$0x4] =	wrdreg $0x41800  }
0xb1: {  	[dreg:$0x5] =	wrdreg $0x9  }
0xb2: {  	_ =	task.clear_ibuf [dreg:s7], $0x6FFFF;
	_ =	strace $0x90000049  }
0xb3: {  	s29 =	simm.s32 $0x9;
	_ =	strace $0x8000004B  }
0xb4: {  	_ =	swait.ge [sflag:s29], $0x1  }
0xb5: {  	[sflag:s29] =	ssyncadd.s32 $0xFFFFFFFF  }
0xb6: {  	_ =	strace $0x9000004B  }
0xb7: {  	_ =	sfence  }
0xb8: {  	s30 =	sld [smem:$0x0];
	_ =	sdelay $0x2  }
0xb9: {  	s31 =	sshll.u32 s1, $0xD;
	s1 =	sshrl.u32 s1, $0x2  }
0xba: {  	s3 =	sand.u32 $0x4000, s31;
	s1 =	sadd.s32 s1, s30  }
0xbb: {  	s0 =	sor.u32 s3, s0;
	s1 =	sshll.u32 s1, $0x11  }
0xbc: {  	s0 =	sor.u32 s1, s0  }
0xbd: {  	s0 =	sadd.s32 $0x8F2B, s0  }
0xbe: {  	[sflag:s0] =	ssyncadd.remote.s32 $0x1  }
0xbf: {  	_ =	sfence.sel $0xFFFF  }
0xc0: {  	[dreg:$0x0] =	wrdreg $0xFFFFFFFF;
	(pc) =	sbr.abs _section_cstart, $3  }
0xc1: {  	[dreg:$0x1] =	wrdreg $0xFFFFFFFF  }
0xc2: {  	_ =	task.clear_ibuf [dreg:s7], $0x2FFFF;
	_ =	strace $0x9FFFFFFF  }
0xc3: {  	(tm) =	ssettm $0x7FFFFFFF  }
tec
execute0_lowered:
.L_overlay_start_1:
0x0: {  	(tag) =	ssettag $0x1  }
0x1: {  	s8 =	rddreg [dreg:$0x0]  }
0x2: {  	s1 =	rddreg [dreg:$0x1]  }
0x3: {  	s2 =	rddreg [dreg:$0x2]  }
0x4: {  	s0 =	rddreg [dreg:$0x3];
	s3 =	simm.s32 $0x0;
	s4 =	srdreg.scid  }
0x5: {  	s20 =	simm.s32 $0x4100;
	s21 =	simm.s32 $0x80;
	s22 =	simm.s32 $0x1  }
0x6: {  	s23 =	simm.s32 $0x0;
	[smem:$0x7FF] =	sst s3;
	s10 =	sand.u32 $0x1, s4  }
0x7: {  	s5 =	sadd.s32 $0x63200, s8;
	s4 =	stileid.u32;
	s6 =	sadd.s32 $0x59400, s8  }
0x8: {  	s7 =	sadd.s32 $0x4F600, s8;
	s12 =	sadd.s32 $0xBB200, s8;
	s11 =	smul.u32 $0x138800, s10  }
0x9: {  	s15 =	sadd.s32 $0x1400, s8;
	s18 =	sadd.s32 $0x138000, s2;
	s9 =	smul.u32 $0x13800, s4  }
0xa: {  	_ =	strace $0x8000004A;
	s13 =	ssub.s32 $0x2, s10;
	s14 =	smul.u32 $0x4E000, s4  }
0xb: {  	s29 =	sshll.u32 s4, $0x6;
	s31 =	sshll.u32 s10, $0x8;
	s19 =	sshll.u32 s4, $0x4  }
0xc: {  	p0 =	sne.s32 s4, $0xF;
	s25 =	sshrl.u32 s13, $0x1;
	s9 =	sadd.s32 s9, s11  }
0xd: {  	v0 =	vimm.s32 $0x0;
	s16 =	ssub.s32 s13, s25;
	s26 =	sshrl.u32 s14, $0x2;
	s11 =	sshrl.u32 s11, $0x3  }
0xe: {  	v1 =	vimm.s32 $0x1;
	v2 =	vimm.s32 $0x2;
	v3 =	vimm.s32 $0x3;
	s28 =	sshrl.u32 s9, $0x3;
	s17 =	sadd.s32 s26, s2;
	s9 =	sor.u32 $0x1C02, s29  }
0xf: {  	v4 =	vimm.s32 $0x4;
	v5 =	vimm.s32 $0x5;
	v6 =	vimm.s32 $0x6;
	s30 =	sadd.s32 $0x27000, s11;
	s11 =	sor.u32 s19, s31;
	s14 =	smax.u32 s16, $0x1  }
0x10: {  	v7 =	vimm.s32 $0x7;
	v8 =	vimm.s32 $0x8;
	v9 =	vimm.s32 $0x9;
	s16 =	simm.s32 $0x2;
	s19 =	simm.s32 $0x4080;
	s8 =	sadd.s32 s12, s28  }
0x11: {  	v10 =	vimm.s32 $0xA;
	v11 =	vimm.s32 $0xB;
	v12 =	vimm.s32 $0xC;
	s10 =	sadd.s32 s12, s30;
	s12 =	sadd.s32 s15, s28;
	s13 =	sadd.s32 s15, s30  }
0x12: {  	v13 =	vimm.s32 $0xD;
	v14 =	vimm.s32 $0xE;
	v15 =	vimm.s32 $0xF;
	s15 =	sshrl.u32 s17, $0x3;
	s17 =	sshrl.u32 @!p0 s18, $0x3;
	s18 =	simm.s32 $0x4000  }
.LBB2_1:
0x13: {  	[spmem:s15], [sflag:s9] =	dma.local [hbm:s8], $0x2700  }
0x14: {  	_ =	swait.ge [sflag:s16], $0x2700  }
0x15: {  	[sflag:s16] =	ssyncset.done $0x0  }
0x16: {  	s24 =	simm.s32 @!p0 $0x2;
	[sflag:s16] =	ssyncadd.s32 $0xFFFFD900  }
0x17: {  	[spmem:s17], [sflag:s9] =	dma.local @!p0 [hbm:s10], $0x100  }
0x18: {  	_ =	swait.ge @!p0 [sflag:s24], $0x100  }
0x19: {  	[sflag:s24] =	ssyncset.done @!p0 $0x0  }
0x1a: {  	[sflag:s24] =	ssyncadd.s32 @!p0 $0xFFFFFF00  }
0x1b: {  	s24 =	simm.s32 $0x0;
	[bflag:$0x0] =	sbarrier.arrive $0xFFFF  }
.LBB2_2:
0x1c: {  	s25 =	sshll.u32 s24, $0x9  }
0x1d: {  	s26 =	sor.u32 s11, s25  }
0x1e: {  	s25 =	simm.s32 $0x0;
	s28 =	sadd.s32 s5, s26  }
0x1f: {  	[tilespmem:s18], [sflag:$0x2] =	stream.linear.gather [hbm4b:s28+s25], $0x80, $0x38;
	[tilespmem:$0x17A00] =	vst v63  }
0x20: {  	_ =	swait.ge [sflag:s16], $0x80  }
0x21: {  	[sflag:s16] =	ssyncset.done $0x0  }
0x22: {  	s31 =	sadd.s32 s6, s26;
	[sflag:s16] =	ssyncadd.s32 $0xFFFFFF80  }
0x23: {  	[tilespmem:s19], [sflag:$0x2] =	stream.linear.gather [hbm4b:s31+s25], $0x80, $0x38;
	[tilespmem:$0x17A00] =	vst v63  }
0x24: {  	_ =	swait.ge [sflag:s16], $0x80  }
0x25: {  	[sflag:s16] =	ssyncset.done $0x0  }
0x26: {  	s26 =	sadd.s32 s7, s26;
	[sflag:s16] =	ssyncadd.s32 $0xFFFFFF80  }
0x27: {  	[tilespmem:s20], [sflag:$0x2] =	stream.linear.gather [hbm4b:s26+s25], $0x80, $0x38;
	[tilespmem:$0x17A00] =	vst v63  }
0x28: {  	_ =	swait.ge [sflag:s16], $0x80  }
0x29: {  	[sflag:s16] =	ssyncset.done $0x0  }
0x2a: {  	[sflag:s16] =	ssyncadd.s32 $0xFFFFFF80  }
0x2b: {  	[tilespmem:s25], [sflag:$0x1] =	stream.indirect.gather [hbm4b:s1+s21], $0x80, s19, s21, $0xb8;
	[tilespmem:$0x17A00] =	vst v63  }
0x2c: {  	_ =	swait.ge [sflag:s22], $0x4000  }
0x2d: {  	[sflag:s22] =	ssyncset.done $0x0  }
0x2e: {  	[sflag:s22] =	ssyncadd.s32 $0xFFFFC000  }
.LBB2_3:
0x2f: {  	s26 =	sshll.u32 s25, $0x4  }
0x30: {  	s26 =	sand.u32 $0x3FFFFFF0, s26  }
0x31: {  	s31 =	sshll.u32 s25, $0xB;
	v16 =	vld [tilespmem:s26+$0x4100]  }
0x32: {  	s26 =	sand.u32 $0x3FFFF800, s31  }
0x33: {  	v17 =	vld [tilespmem:s26+$0x0]  }
0x34: {  	v18 =	vld [tilespmem:s26+$0x10]  }
0x35: {  	v19 =	vld [tilespmem:s26+$0x20]  }
0x36: {  	v21 =	vld [tilespmem:s26+$0x30];
	v20 =	vperm.xlane v16, v0  }
0x37: {  	v22 =	vld [tilespmem:s26+$0x40]  }
0x38: {  	v23 =	vld [tilespmem:s26+$0x50];
	v17 =	vmul.f32 v17, v20  }
0x39: {  	v24 =	vld [tilespmem:s26+$0x60];
	v18 =	vmul.f32 v18, v20  }
0x3a: {  	v48 =	vld [tilespmem:s26+$0x70];
	[tilespmem:s26+$0x0] =	vst v17;
	v17 =	vmul.f32 v19, v20  }
0x3b: {  	v50 =	vld [tilespmem:s26+$0x80];
	v49 =	vmul.f32 v21, v20;
	[tilespmem:s26+$0x10] =	vst v18  }
0x3c: {  	v51 =	vld [tilespmem:s26+$0x90];
	[tilespmem:s26+$0x20] =	vst v17;
	v17 =	vmul.f32 v22, v20  }
0x3d: {  	v53 =	vld [tilespmem:s26+$0xA0];
	v52 =	vmul.f32 v23, v20;
	[tilespmem:s26+$0x30] =	vst v49  }
0x3e: {  	v25 =	vld [tilespmem:s26+$0xB0];
	v54 =	vperm.xlane v16, v1;
	[tilespmem:s26+$0x40] =	vst v17;
	v17 =	vmul.f32 v24, v20  }
0x3f: {  	v56 =	vld [tilespmem:s26+$0xC0];
	v55 =	vmul.f32 v48, v20;
	[tilespmem:s26+$0x50] =	vst v52  }
0x40: {  	v57 =	vld [tilespmem:s26+$0xD0];
	[tilespmem:s26+$0x60] =	vst v17;
	v17 =	vmul.f32 v50, v54  }
0x41: {  	v59 =	vld [tilespmem:s26+$0xE0];
	v58 =	vmul.f32 v51, v54;
	[tilespmem:s26+$0x70] =	vst v55  }
0x42: {  	v60 =	vld [tilespmem:s26+$0xF0];
	[tilespmem:s26+$0x80] =	vst v17;
	v17 =	vmul.f32 v53, v54  }
0x43: {  	v62 =	vld [tilespmem:s26+$0x100];
	v61 =	vmul.f32 v25, v54;
	[tilespmem:s26+$0x90] =	vst v58  }
0x44: {  	v63 =	vld [tilespmem:s26+$0x110];
	[tilespmem:s26+$0xA0] =	vst v17;
	v17 =	vmul.f32 v56, v54  }
0x45: {  	v29 =	vld [tilespmem:s26+$0x120];
	v28 =	vmul.f32 v57, v54;
	[tilespmem:s26+$0xB0] =	vst v61  }
0x46: {  	v31 =	vld [tilespmem:s26+$0x130];
	v30 =	vperm.xlane v16, v2;
	[tilespmem:s26+$0xC0] =	vst v17;
	v17 =	vmul.f32 v59, v54  }
0x47: {  	v33 =	vld [tilespmem:s26+$0x140];
	v32 =	vmul.f32 v60, v54;
	[tilespmem:s26+$0xD0] =	vst v28  }
0x48: {  	v34 =	vld [tilespmem:s26+$0x150];
	[tilespmem:s26+$0xE0] =	vst v17;
	v17 =	vmul.f32 v62, v30  }
0x49: {  	v36 =	vld [tilespmem:s26+$0x160];
	v35 =	vmul.f32 v63, v30;
	[tilespmem:s26+$0xF0] =	vst v32  }
0x4a: {  	v37 =	vld [tilespmem:s26+$0x170];
	[tilespmem:s26+$0x100] =	vst v17;
	v17 =	vmul.f32 v29, v30  }
0x4b: {  	v39 =	vld [tilespmem:s26+$0x180];
	v38 =	vmul.f32 v31, v30;
	[tilespmem:s26+$0x110] =	vst v35  }
0x4c: {  	v40 =	vld [tilespmem:s26+$0x190];
	[tilespmem:s26+$0x120] =	vst v17;
	v17 =	vmul.f32 v33, v30  }
0x4d: {  	v42 =	vld [tilespmem:s26+$0x1A0];
	v41 =	vmul.f32 v34, v30;
	[tilespmem:s26+$0x130] =	vst v38  }
0x4e: {  	v44 =	vld [tilespmem:s26+$0x1B0];
	v43 =	vperm.xlane v16, v3;
	[tilespmem:s26+$0x140] =	vst v17;
	v17 =	vmul.f32 v36, v30  }
0x4f: {  	v46 =	vld [tilespmem:s26+$0x1C0];
	v45 =	vmul.f32 v37, v30;
	[tilespmem:s26+$0x150] =	vst v41  }
0x50: {  	v50 =	vld [tilespmem:s26+$0x1F0];
	[tilespmem:s26+$0x160] =	vst v17;
	v17 =	vmul.f32 v39, v43  }
0x51: {  	v48 =	vmul.f32 v40, v43;
	[tilespmem:s26+$0x170] =	vst v45;
	v49 =	vld [tilespmem:s26+$0x1E0]  }
0x52: {  	v47 =	vld [tilespmem:s26+$0x1D0];
	[tilespmem:s26+$0x180] =	vst v17;
	v17 =	vmul.f32 v42, v43  }
0x53: {  	v51 =	vmul.f32 v44, v43;
	[tilespmem:s26+$0x190] =	vst v48;
	v52 =	vld [tilespmem:s26+$0x200]  }
0x54: {  	v57 =	vld [tilespmem:s26+$0x230];
	[tilespmem:s26+$0x1A0] =	vst v17;
	v17 =	vmul.f32 v46, v43  }
0x55: {  	[tilespmem:s26+$0x1B0] =	vst v51;
	v55 =	vld [tilespmem:s26+$0x220];
	v58 =	vmul.f32 v50, v43  }
0x56: {  	v60 =	vld [tilespmem:s26+$0x250];
	v56 =	vperm.xlane v16, v4;
	[tilespmem:s26+$0x1C0] =	vst v17;
	v17 =	vmul.f32 v49, v43  }
0x57: {  	v54 =	vmul.f32 v47, v43;
	v59 =	vld [tilespmem:s26+$0x240];
	[tilespmem:s26+$0x1F0] =	vst v58  }
0x58: {  	v63 =	vld [tilespmem:s26+$0x270];
	[tilespmem:s26+$0x1E0] =	vst v17;
	v17 =	vmul.f32 v52, v56  }
0x59: {  	v28 =	vmul.f32 v57, v56;
	[tilespmem:s26+$0x1D0] =	vst v54;
	v62 =	vld [tilespmem:s26+$0x260]  }
0x5a: {  	v53 =	vld [tilespmem:s26+$0x210];
	[tilespmem:s26+$0x200] =	vst v17;
	v17 =	vmul.f32 v55, v56  }
0x5b: {  	v31 =	vmul.f32 v60, v56;
	[tilespmem:s26+$0x230] =	vst v28;
	v29 =	vld [tilespmem:s26+$0x280]  }
0x5c: {  	v34 =	vld [tilespmem:s26+$0x2B0];
	[tilespmem:s26+$0x220] =	vst v17;
	v17 =	vmul.f32 v59, v56  }
0x5d: {  	v32 =	vld [tilespmem:s26+$0x2A0];
	v35 =	vmul.f32 v63, v56;
	[tilespmem:s26+$0x250] =	vst v31  }
0x5e: {  	v37 =	vld [tilespmem:s26+$0x2D0];
	v33 =	vperm.xlane v16, v5;
	[tilespmem:s26+$0x240] =	vst v17;
	v17 =	vmul.f32 v62, v56  }
0x5f: {  	v61 =	vmul.f32 v53, v56;
	[tilespmem:s26+$0x270] =	vst v35;
	v36 =	vld [tilespmem:s26+$0x2C0]  }
0x60: {  	v40 =	vld [tilespmem:s26+$0x2F0];
	[tilespmem:s26+$0x260] =	vst v17;
	v17 =	vmul.f32 v29, v33  }
0x61: {  	[tilespmem:s26+$0x210] =	vst v61;
	v41 =	vmul.f32 v34, v33;
	v39 =	vld [tilespmem:s26+$0x2E0]  }
0x62: {  	v30 =	vld [tilespmem:s26+$0x290];
	[tilespmem:s26+$0x280] =	vst v17;
	v17 =	vmul.f32 v32, v33  }
0x63: {  	v44 =	vmul.f32 v37, v33;
	[tilespmem:s26+$0x2B0] =	vst v41;
	v42 =	vld [tilespmem:s26+$0x300]  }
0x64: {  	v47 =	vld [tilespmem:s26+$0x330];
	[tilespmem:s26+$0x2A0] =	vst v17;
	v17 =	vmul.f32 v36, v33  }
0x65: {  	v45 =	vld [tilespmem:s26+$0x320];
	v48 =	vmul.f32 v40, v33;
	[tilespmem:s26+$0x2D0] =	vst v44  }
0x66: {  	v50 =	vld [tilespmem:s26+$0x350];
	v46 =	vperm.xlane v16, v6;
	[tilespmem:s26+$0x2C0] =	vst v17;
	v17 =	vmul.f32 v39, v33  }
0x67: {  	[tilespmem:s26+$0x2F0] =	vst v48;
	v38 =	vmul.f32 v30, v33;
	v49 =	vld [tilespmem:s26+$0x340]  }
0x68: {  	v53 =	vld [tilespmem:s26+$0x370];
	[tilespmem:s26+$0x2E0] =	vst v17;
	v17 =	vmul.f32 v42, v46  }
0x69: {  	[tilespmem:s26+$0x290] =	vst v38;
	v54 =	vmul.f32 v47, v46;
	v52 =	vld [tilespmem:s26+$0x360]  }
0x6a: {  	v43 =	vld [tilespmem:s26+$0x310];
	[tilespmem:s26+$0x300] =	vst v17;
	v17 =	vmul.f32 v45, v46  }
0x6b: {  	v57 =	vmul.f32 v50, v46;
	[tilespmem:s26+$0x330] =	vst v54;
	v55 =	vld [tilespmem:s26+$0x380]  }
0x6c: {  	v60 =	vld [tilespmem:s26+$0x3B0];
	[tilespmem:s26+$0x320] =	vst v17;
	v17 =	vmul.f32 v49, v46  }
0x6d: {  	v58 =	vld [tilespmem:s26+$0x3A0];
	v61 =	vmul.f32 v53, v46;
	[tilespmem:s26+$0x350] =	vst v57  }
0x6e: {  	v63 =	vld [tilespmem:s26+$0x3D0];
	v59 =	vperm.xlane v16, v7;
	[tilespmem:s26+$0x340] =	vst v17;
	v17 =	vmul.f32 v52, v46  }
0x6f: {  	[tilespmem:s26+$0x370] =	vst v61;
	v51 =	vmul.f32 v43, v46;
	v62 =	vld [tilespmem:s26+$0x3C0]  }
0x70: {  	v30 =	vld [tilespmem:s26+$0x3F0];
	[tilespmem:s26+$0x360] =	vst v17;
	v17 =	vmul.f32 v55, v59  }
0x71: {  	[tilespmem:s26+$0x310] =	vst v51;
	v31 =	vmul.f32 v60, v59;
	v29 =	vld [tilespmem:s26+$0x3E0]  }
0x72: {  	v56 =	vld [tilespmem:s26+$0x390];
	[tilespmem:s26+$0x380] =	vst v17;
	v17 =	vmul.f32 v58, v59  }
0x73: {  	v34 =	vmul.f32 v63, v59;
	[tilespmem:s26+$0x3B0] =	vst v31;
	v32 =	vld [tilespmem:s26+$0x400]  }
0x74: {  	v37 =	vld [tilespmem:s26+$0x430];
	[tilespmem:s26+$0x3A0] =	vst v17;
	v17 =	vmul.f32 v62, v59  }
0x75: {  	v35 =	vld [tilespmem:s26+$0x420];
	v38 =	vmul.f32 v30, v59;
	[tilespmem:s26+$0x3D0] =	vst v34  }
0x76: {  	v40 =	vld [tilespmem:s26+$0x450];
	v36 =	vperm.xlane v16, v8;
	[tilespmem:s26+$0x3C0] =	vst v17;
	v17 =	vmul.f32 v29, v59  }
0x77: {  	[tilespmem:s26+$0x3F0] =	vst v38;
	v28 =	vmul.f32 v56, v59;
	v39 =	vld [tilespmem:s26+$0x440]  }
0x78: {  	v43 =	vld [tilespmem:s26+$0x470];
	[tilespmem:s26+$0x3E0] =	vst v17;
	v17 =	vmul.f32 v32, v36  }
0x79: {  	[tilespmem:s26+$0x390] =	vst v28;
	v44 =	vmul.f32 v37, v36;
	v42 =	vld [tilespmem:s26+$0x460]  }
0x7a: {  	v33 =	vld [tilespmem:s26+$0x410];
	[tilespmem:s26+$0x400] =	vst v17;
	v17 =	vmul.f32 v35, v36  }
0x7b: {  	v47 =	vmul.f32 v40, v36;
	[tilespmem:s26+$0x430] =	vst v44;
	v45 =	vld [tilespmem:s26+$0x480]  }
0x7c: {  	v50 =	vld [tilespmem:s26+$0x4B0];
	[tilespmem:s26+$0x420] =	vst v17;
	v17 =	vmul.f32 v39, v36  }
0x7d: {  	v48 =	vld [tilespmem:s26+$0x4A0];
	v51 =	vmul.f32 v43, v36;
	[tilespmem:s26+$0x450] =	vst v47  }
0x7e: {  	v53 =	vld [tilespmem:s26+$0x4D0];
	v49 =	vperm.xlane v16, v9;
	[tilespmem:s26+$0x440] =	vst v17;
	v17 =	vmul.f32 v42, v36  }
0x7f: {  	[tilespmem:s26+$0x470] =	vst v51;
	v41 =	vmul.f32 v33, v36;
	v52 =	vld [tilespmem:s26+$0x4C0]  }
0x80: {  	v56 =	vld [tilespmem:s26+$0x4F0];
	[tilespmem:s26+$0x460] =	vst v17;
	v17 =	vmul.f32 v45, v49  }
0x81: {  	[tilespmem:s26+$0x410] =	vst v41;
	v57 =	vmul.f32 v50, v49;
	v55 =	vld [tilespmem:s26+$0x4E0]  }
0x82: {  	v46 =	vld [tilespmem:s26+$0x490];
	[tilespmem:s26+$0x480] =	vst v17;
	v17 =	vmul.f32 v48, v49  }
0x83: {  	v60 =	vmul.f32 v53, v49;
	[tilespmem:s26+$0x4B0] =	vst v57;
	v58 =	vld [tilespmem:s26+$0x500]  }
0x84: {  	v63 =	vld [tilespmem:s26+$0x530];
	[tilespmem:s26+$0x4A0] =	vst v17;
	v17 =	vmul.f32 v52, v49  }
0x85: {  	v61 =	vld [tilespmem:s26+$0x520];
	v28 =	vmul.f32 v56, v49;
	[tilespmem:s26+$0x4D0] =	vst v60  }
0x86: {  	v30 =	vld [tilespmem:s26+$0x550];
	v62 =	vperm.xlane v16, v10;
	[tilespmem:s26+$0x4C0] =	vst v17;
	v17 =	vmul.f32 v55, v49  }
0x87: {  	[tilespmem:s26+$0x4F0] =	vst v28;
	v54 =	vmul.f32 v46, v49;
	v29 =	vld [tilespmem:s26+$0x540]  }
0x88: {  	v33 =	vld [tilespmem:s26+$0x570];
	[tilespmem:s26+$0x4E0] =	vst v17;
	v17 =	vmul.f32 v58, v62  }
0x89: {  	[tilespmem:s26+$0x490] =	vst v54;
	v34 =	vmul.f32 v63, v62;
	v32 =	vld [tilespmem:s26+$0x560]  }
0x8a: {  	v59 =	vld [tilespmem:s26+$0x510];
	[tilespmem:s26+$0x500] =	vst v17;
	v17 =	vmul.f32 v61, v62  }
0x8b: {  	v37 =	vmul.f32 v30, v62;
	[tilespmem:s26+$0x530] =	vst v34;
	v35 =	vld [tilespmem:s26+$0x580]  }
0x8c: {  	v40 =	vld [tilespmem:s26+$0x5B0];
	[tilespmem:s26+$0x520] =	vst v17;
	v17 =	vmul.f32 v29, v62  }
0x8d: {  	v38 =	vld [tilespmem:s26+$0x5A0];
	v41 =	vmul.f32 v33, v62;
	[tilespmem:s26+$0x550] =	vst v37  }
0x8e: {  	v43 =	vld [tilespmem:s26+$0x5D0];
	v39 =	vperm.xlane v16, v11;
	[tilespmem:s26+$0x540] =	vst v17;
	v17 =	vmul.f32 v32, v62  }
0x8f: {  	[tilespmem:s26+$0x570] =	vst v41;
	v31 =	vmul.f32 v59, v62;
	v42 =	vld [tilespmem:s26+$0x5C0]  }
0x90: {  	v46 =	vld [tilespmem:s26+$0x5F0];
	[tilespmem:s26+$0x560] =	vst v17;
	v17 =	vmul.f32 v35, v39  }
0x91: {  	[tilespmem:s26+$0x510] =	vst v31;
	v47 =	vmul.f32 v40, v39;
	v45 =	vld [tilespmem:s26+$0x5E0]  }
0x92: {  	v36 =	vld [tilespmem:s26+$0x590];
	[tilespmem:s26+$0x580] =	vst v17;
	v17 =	vmul.f32 v38, v39  }
0x93: {  	v50 =	vmul.f32 v43, v39;
	[tilespmem:s26+$0x5B0] =	vst v47;
	v48 =	vld [tilespmem:s26+$0x600]  }
0x94: {  	v53 =	vld [tilespmem:s26+$0x630];
	[tilespmem:s26+$0x5A0] =	vst v17;
	v17 =	vmul.f32 v42, v39  }
0x95: {  	v51 =	vld [tilespmem:s26+$0x620];
	v54 =	vmul.f32 v46, v39;
	[tilespmem:s26+$0x5D0] =	vst v50  }
0x96: {  	v56 =	vld [tilespmem:s26+$0x650];
	v52 =	vperm.xlane v16, v12;
	[tilespmem:s26+$0x5C0] =	vst v17;
	v17 =	vmul.f32 v45, v39  }
0x97: {  	[tilespmem:s26+$0x5F0] =	vst v54;
	v44 =	vmul.f32 v36, v39;
	v55 =	vld [tilespmem:s26+$0x640]  }
0x98: {  	v59 =	vld [tilespmem:s26+$0x670];
	[tilespmem:s26+$0x5E0] =	vst v17;
	v17 =	vmul.f32 v48, v52  }
0x99: {  	[tilespmem:s26+$0x590] =	vst v44;
	v60 =	vmul.f32 v53, v52;
	v58 =	vld [tilespmem:s26+$0x660]  }
0x9a: {  	v49 =	vld [tilespmem:s26+$0x610];
	[tilespmem:s26+$0x600] =	vst v17;
	v17 =	vmul.f32 v51, v52  }
0x9b: {  	v63 =	vmul.f32 v56, v52;
	[tilespmem:s26+$0x630] =	vst v60;
	v61 =	vld [tilespmem:s26+$0x680]  }
0x9c: {  	v30 =	vld [tilespmem:s26+$0x6B0];
	[tilespmem:s26+$0x620] =	vst v17;
	v17 =	vmul.f32 v55, v52  }
0x9d: {  	v28 =	vld [tilespmem:s26+$0x6A0];
	v31 =	vmul.f32 v59, v52;
	[tilespmem:s26+$0x650] =	vst v63  }
0x9e: {  	v33 =	vld [tilespmem:s26+$0x6D0];
	v29 =	vperm.xlane v16, v13;
	[tilespmem:s26+$0x640] =	vst v17;
	v17 =	vmul.f32 v58, v52  }
0x9f: {  	[tilespmem:s26+$0x670] =	vst v31;
	v57 =	vmul.f32 v49, v52;
	v32 =	vld [tilespmem:s26+$0x6C0]  }
0xa0: {  	v36 =	vld [tilespmem:s26+$0x6F0];
	[tilespmem:s26+$0x660] =	vst v17;
	v17 =	vmul.f32 v61, v29  }
0xa1: {  	[tilespmem:s26+$0x610] =	vst v57;
	v37 =	vmul.f32 v30, v29;
	v35 =	vld [tilespmem:s26+$0x6E0]  }
0xa2: {  	v62 =	vld [tilespmem:s26+$0x690];
	[tilespmem:s26+$0x680] =	vst v17;
	v17 =	vmul.f32 v28, v29  }
0xa3: {  	v40 =	vmul.f32 v33, v29;
	[tilespmem:s26+$0x6B0] =	vst v37;
	v38 =	vld [tilespmem:s26+$0x700]  }
0xa4: {  	v43 =	vld [tilespmem:s26+$0x730];
	[tilespmem:s26+$0x6A0] =	vst v17;
	v17 =	vmul.f32 v32, v29  }
0xa5: {  	v41 =	vld [tilespmem:s26+$0x720];
	v44 =	vmul.f32 v36, v29;
	[tilespmem:s26+$0x6D0] =	vst v40  }
0xa6: {  	v46 =	vld [tilespmem:s26+$0x750];
	v42 =	vperm.xlane v16, v14;
	[tilespmem:s26+$0x6C0] =	vst v17;
	v17 =	vmul.f32 v35, v29  }
0xa7: {  	[tilespmem:s26+$0x6F0] =	vst v44;
	v34 =	vmul.f32 v62, v29;
	v45 =	vld [tilespmem:s26+$0x740]  }
0xa8: {  	v49 =	vld [tilespmem:s26+$0x770];
	[tilespmem:s26+$0x6E0] =	vst v17;
	v17 =	vmul.f32 v38, v42  }
0xa9: {  	[tilespmem:s26+$0x690] =	vst v34;
	v50 =	vmul.f32 v43, v42;
	v48 =	vld [tilespmem:s26+$0x760]  }
0xaa: {  	v39 =	vld [tilespmem:s26+$0x710];
	[tilespmem:s26+$0x700] =	vst v17;
	v17 =	vmul.f32 v41, v42  }
0xab: {  	v53 =	vmul.f32 v46, v42;
	[tilespmem:s26+$0x730] =	vst v50;
	v51 =	vld [tilespmem:s26+$0x780]  }
0xac: {  	v55 =	vld [tilespmem:s26+$0x7B0];
	[tilespmem:s26+$0x720] =	vst v17;
	v17 =	vmul.f32 v45, v42  }
0xad: {  	v54 =	vld [tilespmem:s26+$0x7A0];
	v56 =	vmul.f32 v49, v42;
	[tilespmem:s26+$0x750] =	vst v53  }
0xae: {  	v16 =	vperm.xlane v16, v15;
	v52 =	vld [tilespmem:s26+$0x790];
	[tilespmem:s26+$0x740] =	vst v17;
	v17 =	vmul.f32 v48, v42  }
0xaf: {  	v57 =	vld [tilespmem:s26+$0x7C0];
	[tilespmem:s26+$0x770] =	vst v56;
	v47 =	vmul.f32 v39, v42  }
0xb0: {  	v58 =	vld [tilespmem:s26+$0x7D0];
	[tilespmem:s26+$0x760] =	vst v17;
	v17 =	vmul.f32 v51, v16  }
0xb1: {  	v60 =	vld [tilespmem:s26+$0x7E0];
	[tilespmem:s26+$0x710] =	vst v47;
	v62 =	vmul.f32 v55, v16  }
0xb2: {  	v61 =	vld [tilespmem:s26+$0x7F0];
	[tilespmem:s26+$0x780] =	vst v17;
	v17 =	vmul.f32 v54, v16  }
0xb3: {  	v59 =	vmul.f32 v52, v16;
	[tilespmem:s26+$0x7B0] =	vst v62  }
0xb4: {  	p1 =	sne.s32 s25, $0x7;
	[tilespmem:s26+$0x7A0] =	vst v17;
	v17 =	vmul.f32 v57, v16  }
.Ltmp0:
0xb5: {  	v63 =	vmul.f32 v58, v16;
	[tilespmem:s26+$0x790] =	vst v59;
	(pc) =	sbr.rel @p1 .LBB2_3-.Ltmp0, $4  }
0xb6: {  	[tilespmem:s26+$0x7C0] =	vst v17;
	v17 =	vmul.f32 v60, v16  }
0xb7: {  	[tilespmem:s26+$0x7D0] =	vst v63;
	v16 =	vmul.f32 v61, v16  }
0xb8: {  	[tilespmem:s26+$0x7E0] =	vst v17  }
0xb9: {  	s25 =	sadd.s32 $0x1, s25;
	[tilespmem:s26+$0x7F0] =	vst v16  }
0xba: {  	s24 =	sadd.s32 $0x1, s24  }
0xbb: {  	p1 =	sne.s32 s24, $0x4F  }
.Ltmp1:
0xbc: {  	_ = 	snop;
	(pc) =	sbr.rel @p1 .LBB2_2-.Ltmp1, $4  }
0xbd: {  	[spmem:s2] =	stream.indirect.scatter.add.f32 [tilespmem:s3], [sflag:$0x2], $0x80, s18, s21, $0xb8;
	[tilespmem:$0x17A00] =	vst v63  }
0xbe: {  	_ =	swait.ge [sflag:s16], $0x4000  }
0xbf: {  	[sflag:s16] =	ssyncset.done $0x0  }
0xc0: {  	[sflag:s16] =	ssyncadd.s32 $0xFFFFC000  }
0xc1: {  	[bflag:$0x0] =	sbarrier.arrive $0xFFFF  }
0xc2: {  	[hbm:s12], [sflag:s9] =	dma.local [spmem:s15], $0x2700  }
0xc3: {  	s23 =	sadd.s32 $0x1, s23;
	_ =	swait.ge [sflag:s16], $0x2700  }
0xc4: {  	p1 =	sne.s32 s23, s14;
	[sflag:s16] =	ssyncset.done $0x0  }
.Ltmp2:
0xc5: {  	s24 =	simm.s32 @!p0 $0x2;
	[sflag:s16] =	ssyncadd.s32 $0xFFFFD900;
	(pc) =	sbr.rel @p1 .LBB2_1-.Ltmp2, $4  }
0xc6: {  	[hbm:s13], [sflag:s9] =	dma.local @!p0 [spmem:s17], $0x100  }
0xc7: {  	_ =	swait.ge @!p0 [sflag:s24], $0x100  }
0xc8: {  	[sflag:s24] =	ssyncset.done @!p0 $0x0  }
0xc9: {  	[sflag:s24] =	ssyncadd.s32 @!p0 $0xFFFFFF00  }
0xca: {  	_ =	sfence.sel $0x180000  }
0xcb: {  	[bflag:$0x0] =	sbarrier.arrive $0xFFFF  }
0xcc: {  	p0 =	sne.s32 s4, $0x0;
	_ =	strace $0x9000004A  }
0xcd: {  	s0 =	sadd.s32 @!p0 $0x100000, s0;
	[bflag:$0x2] =	sbarrier.arrive $0xFFFF  }
0xce: {  	[sflag:s0] =	ssyncadd.tile.s32 @!p0 $0x1;
	_ =	shalt  }
.Lfunc_end2:
_tile_overlayer_lowered:
.L_overlay_start_2:
0xcf: {  	(tag) =	ssettag $0x2  }
0xd0: {  	s0 =	rddreg [dreg:$0x0];
	s2 =	stileid.u32  }
0xd1: {  	s1 =	rddreg [dreg:$0x1];
	p0 =	sne.s32 s2, $0x0  }
0xd2: {  	s3 =	rddreg [dreg:$0x2];
	[bflag:$0x3] =	sbarrier.arrive $0xFFFF;
	s2 =	simm.s32 @!p0 $0x1C02  }
0xd3: {  	[timem:s3], [sflag:s2] =	dma.local @!p0 [hbm:s0], s1  }
0xd4: {  	s0 =	simm.s32 @!p0 $0x2  }
0xd5: {  	_ =	swait.ge @!p0 [sflag:s0], s1  }
0xd6: {  	s1 =	ssub.s32 @!p0 $0x0, s1;
	[sflag:s0] =	ssyncset.done @!p0 $0x0  }
0xd7: {  	[sflag:s0] =	ssyncadd.s32 @!p0 s1  }
0xd8: {  	[bflag:$0x3] =	sbarrier.arrive $0xFFFF  }
0xd9: {  	_ =	shalt  }

// kernel: kernel.7.cloned.1.call-start
scs
__scs_entry_jumppad:
0x0: {  	(pc) =	sbr.rel $0x88, $3  }
0x1: {  	(tag) =	ssettag $0x0;
	lr =	simm.s32 $0x1  }
0x2: {  	[smem:$0x3F9C] =	sst lr;
	_ =	strace $0xD0000000  }
0x3: {  	_ = 	snop  }
0x4: {  	_ = 	snop  }
0x5: {  	_ = 	snop  }
0x6: {  	_ = 	snop  }
0x7: {  	_ = 	snop  }
__scs_overlays_trampoline_lowered:
0x8: {  	[smem:$0x3FAB] =	sst s0  }
0x9: {  	[smem:$0x3FAC] =	sst s1  }
0xa: {  	[smem:$0x3FAD] =	sst s2  }
0xb: {  	[smem:$0x3FAE] =	sst s3  }
0xc: {  	[smem:$0x3FAF] =	sst s4  }
0xd: {  	[smem:$0x3FB0] =	sst s5  }
0xe: {  	[smem:$0x3FB1] =	sst s6  }
0xf: {  	[smem:$0x3FB2] =	sst s7  }
0x10: {  	[smem:$0x3FB3] =	sst s8  }
0x11: {  	[smem:$0x3FB4] =	sst s9;
	s0 =	simm.s32 @!p0 $0x0  }
0x12: {  	s1 =	sld [smem:$0x3F9A];
	s0 =	simm.s32 @p0 $0x1  }
0x13: {  	[smem:$0x3FB5] =	sst s0;
	s0 =	simm.s32 @!p1 $0x0  }
0x14: {  	s2 =	sld [smem:$0x3F99];
	s0 =	simm.s32 @p1 $0x1  }
0x15: {  	[smem:$0x3FB6] =	sst s0;
	s0 =	simm.s32 @!p2 $0x0  }
0x16: {  	s3 =	sld [smem:$0x3FDB];
	s0 =	simm.s32 @p2 $0x1  }
0x17: {  	s4 =	simm.s32 $0x1BF5;
	[smem:$0x3FB8] =	sst s0  }
0x18: {  	s0 =	sld [smem:$0x3F9B];
	_ =	swait.ge [sflag:s4], $0x0  }
0x19: {  	s7 =	sld [smem:$0x3F9C]  }
0x1a: {  	s8 =	sadd.s32 $0xFFFFE003, lr  }
0x1b: {  	s9 =	sadd.s32 $0xFFFFFEF7, lr;
	s5 =	simm.s32 $0xFFFFFFFF;
	p2 =	slt.u32 s8, $0xFFFFF086  }
0x1c: {  	p1 =	slt.u32 s9, $0xF7A;
	s5 =	simm.s32 @!p2 $0x0  }
0x1d: {  	s5 =	simm.s32 @p1 $0x1;
	p0 =	seq.s32 s7, s2  }
0x1e: {  	s7 =	smul.u32 @!p0 $0xF7A, s2;
	p2 =	seq.s32 @!p0 s5, $0x0  }
0x1f: {  	s9 =	smul.u32 $0xF7A, s1;
	s8 =	simm.s32 @!p0 $0x1BF5;
	p2 =	por !p2, p0  }
0x20: {  	[sflag:s8] =	ssyncset.s32 @!p0 $0xFFFFF086;
	s6 =	sadd.s32 @!p0 s3, s7;
	s7 =	simm.s32 @!p0 $0x108  }
0x21: {  	s3 =	sadd.s32 s3, s9;
	s6 =	sadd.s32 @!p0 $0x88, s6;
	s7 =	simm.s32 @p2 $0x1082  }
0x22: {  	[simem:s7], [sflag:s8] =	dma.local @!p0 [hbm:s6], $0xF7A  }
0x23: {  	s9 =	sor.u32 $0xD0000000, s2;
	s6 =	simm.s32 $0x108;
	_ =	swait.ge @!p0 [sflag:s8], $0x0  }
0x24: {  	s3 =	sadd.s32 $0x88, s3;
	s6 =	simm.s32 @!p1 $0x1082;
	[sflag:s4] =	ssyncset.s32 $0xFFFFF086  }
0x25: {  	[simem:s6], [sflag:s4] =	dma.local [hbm:s3], $0xF7A  }
0x26: {  	[smem:$0x3F9C] =	sst s1;
	(tag) =	ssettag s2;
	_ =	strace s9  }
0x27: {  	s1 =	sld [smem:$0x3FAC]  }
0x28: {  	s2 =	sld [smem:$0x3FAD]  }
0x29: {  	s4 =	sld [smem:$0x3FAF]  }
0x2a: {  	p0 =	seq.s32 s5, $0x0;
	s5 =	sld [smem:$0x3FB0]  }
0x2b: {  	s6 =	sld [smem:$0x3FB1]  }
0x2c: {  	s7 =	sld [smem:$0x3FB2]  }
0x2d: {  	s3 =	simm.s32 $0x108;
	s8 =	sld [smem:$0x3FB3]  }
0x2e: {  	s3 =	simm.s32 @!p0 $0x1082;
	s9 =	sld [smem:$0x3FB4]  }
0x2f: {  	lr =	sadd.s32 s0, s3;
	s0 =	sld [smem:$0x3FAB]  }
0x30: {  	s3 =	sld [smem:$0x3FAE]  }
0x31: {  	[smem:$0x3FB7] =	sst s10  }
0x32: {  	s10 =	sld [smem:$0x3FB5];
	_ =	sdelay $0x3  }
0x33: {  	p0 =	seq.s32 s10, $0x1;
	s10 =	sld [smem:$0x3FB7];
	_ =	sdelay $0x3  }
0x34: {  	[smem:$0x3FB7] =	sst s10  }
0x35: {  	s10 =	sld [smem:$0x3FB6];
	_ =	sdelay $0x3  }
0x36: {  	p1 =	seq.s32 s10, $0x1;
	s10 =	sld [smem:$0x3FB7];
	_ =	sdelay $0x3  }
0x37: {  	[smem:$0x3FB7] =	sst s10  }
0x38: {  	s10 =	sld [smem:$0x3FB8]  }
0x39: {  	_ = 	snop;
	(pc) =	sbr.ind lr, $3  }
0x3a: {  	_ = 	snop  }
0x3b: {  	_ = 	snop  }
0x3c: {  	p2 =	seq.s32 s10, $0x1;
	s10 =	sld [smem:$0x3FB7]  }
0x3d: {  	_ =	shalt  }
0x3e: {  	_ =	shalt  }
0x3f: {  	_ =	shalt  }
0x40: {  	_ =	shalt  }
0x41: {  	_ =	shalt  }
0x42: {  	_ =	shalt  }
0x43: {  	_ =	shalt  }
0x44: {  	_ =	shalt  }
0x45: {  	_ =	shalt  }
0x46: {  	_ =	shalt  }
0x47: {  	_ =	shalt  }
0x48: {  	_ =	shalt  }
0x49: {  	_ =	shalt  }
0x4a: {  	_ =	shalt  }
0x4b: {  	_ =	shalt  }
0x4c: {  	_ =	shalt  }
0x4d: {  	_ =	shalt  }
0x4e: {  	_ =	shalt  }
0x4f: {  	_ =	shalt  }
0x50: {  	_ =	shalt  }
0x51: {  	_ =	shalt  }
0x52: {  	_ =	shalt  }
0x53: {  	_ =	shalt  }
0x54: {  	_ =	shalt  }
0x55: {  	_ =	shalt  }
0x56: {  	_ =	shalt  }
0x57: {  	_ =	shalt  }
0x58: {  	_ =	shalt  }
0x59: {  	_ =	shalt  }
0x5a: {  	_ =	shalt  }
0x5b: {  	_ =	shalt  }
0x5c: {  	_ =	shalt  }
0x5d: {  	_ =	shalt  }
0x5e: {  	_ =	shalt  }
0x5f: {  	_ =	shalt  }
0x60: {  	_ =	shalt  }
0x61: {  	_ =	shalt  }
0x62: {  	_ =	shalt  }
0x63: {  	_ =	shalt  }
0x64: {  	_ =	shalt  }
0x65: {  	_ =	shalt  }
0x66: {  	_ =	shalt  }
0x67: {  	_ =	shalt  }
0x68: {  	_ =	shalt  }
0x69: {  	_ =	shalt  }
0x6a: {  	_ =	shalt  }
0x6b: {  	_ =	shalt  }
0x6c: {  	_ =	shalt  }
0x6d: {  	_ =	shalt  }
0x6e: {  	_ =	shalt  }
0x6f: {  	_ =	shalt  }
0x70: {  	_ =	shalt  }
0x71: {  	_ =	shalt  }
0x72: {  	_ =	shalt  }
0x73: {  	_ =	shalt  }
0x74: {  	_ =	shalt  }
0x75: {  	_ =	shalt  }
0x76: {  	_ =	shalt  }
0x77: {  	_ =	shalt  }
0x78: {  	_ =	shalt  }
0x79: {  	_ =	shalt  }
0x7a: {  	_ =	shalt  }
0x7b: {  	_ =	shalt  }
0x7c: {  	_ =	shalt  }
0x7d: {  	_ =	shalt  }
0x7e: {  	_ =	shalt  }
0x7f: {  	_ =	shalt  }
0x80: {  	_ =	shalt  }
0x81: {  	_ =	shalt  }
0x82: {  	_ =	shalt  }
0x83: {  	_ =	shalt  }
0x84: {  	_ =	shalt  }
0x85: {  	_ =	shalt  }
0x86: {  	_ =	shalt  }
0x87: {  	_ =	shalt  }
.Lfunc_end0:
.L_simem_size_0:
called_computation_lowered:
.L_overlay_start_0:
0x88: {  	s2 =	sld [smem:$0x3FD9]  }
0x89: {  	s3 =	sld [smem:$0x3FFE];
	_ =	sdelay $0x1  }
0x8a: {  	s1 =	srdreg.scid  }
0x8b: {  	s0 =	sand.u32 $0x1, s1  }
0x8c: {  	s17 =	sshll.u32 s0, $0xA;
	s2 =	sadd.s32 s3, s2  }
0x8d: {  	s2 =	sadd.s32 s2, s17  }
0x8e: {  	[smem:$0x3FC3] =	sst s2  }
0x8f: {  	_ = 	snop  }
0x90: {  	s2 =	sld [smem:$0x3FD0];
	(tm) =	ssettm $0x1  }
0x91: {  	s18 =	sld [smem:$0x3FFB];
	_ =	sdelay $0x3  }
0x92: {  	_ =	strace s18  }
0x93: {  	s3 =	sld [smem:$0x3FFC];
	_ =	sdelay $0x3  }
0x94: {  	_ =	strace s3  }
0x95: {  	s3 =	sld [smem:$0x3FFD];
	_ =	sdelay $0x3  }
0x96: {  	_ =	strace s3  }
0x97: {  	_ =	strace $0x8FFFFFFF  }
0x98: {  	s19 =	sld [smem:$0x3FDB];
	_ =	sdelay $0x1  }
0x99: {  	s4 =	simm.s32 $_scs_section_size  }
0x9a: {  	s5 =	simm.s32 $_size__tile_overlayer_lowered;
	s6 =	simm.s32 $_tile_overlayer_lowered  }
0x9b: {  	s22 =	simm.s32 $0x1BFF;
	s21 =	sshll.u32 s6, $0x1;
	s3 =	sadd.s32 s4, s19  }
0x9c: {  	s7 =	simm.s32 $0x0;
	s20 =	sshll.u32 s5, $0x1;
	s5 =	sadd.s32 s21, s3  }
0x9d: {  	[timem:s7], [sflag:s22] =	dma.local [hbm:s5], s20  }
0x9e: {  	_ =	swait.ge [sflag:s22], s20  }
0x9f: {  	s4 =	ssub.s32 $0x0, s20;
	[sflag:s22] =	ssyncset.done $0x0  }
0xa0: {  	[sflag:s22] =	ssyncadd.s32 s4;
	_ =	sdelay $0x1  }
0xa1: {  	s23 =	simm.s32 $0x1B8B  }
0xa2: {  	_ =	swait.ge [sflag:s23], $0x1  }
0xa3: {  	[sflag:s23] =	ssyncset.done $0x0  }
0xa4: {  	s25 =	simm.s32 $0x1B8E;
	s24 =	sld [smem:$0x3FFE];
	[sflag:s23] =	ssyncadd.s32 $0xFFFFFFFF  }
0xa5: {  	s26 =	simm.s32 $execute0_lowered;
	[smem:$0x3FD2] =	sst s25  }
0xa6: {  	s5 =	sshll.u32 s26, $0x1;
	_ =	strace $0x80000046;
	[dreg:$0x1] =	wrdreg $0xFFFFFFFF  }
0xa7: {  	s28 =	simm.s32 $_size_execute0_lowered;
	s3 =	sadd.s32 s3, s5;
	[dreg:$0x0] =	wrdreg $0x0  }
0xa8: {  	s5 =	sshll.u32 s28, $0x1;
	[dreg:$0x2] =	wrdreg s3  }
0xa9: {  	[dreg:$0x3] =	wrdreg s5  }
0xaa: {  	[dreg:$0x4] =	wrdreg $0xC0  }
0xab: {  	_ =	task [dreg:s7], $0x5FFFF  }
0xac: {  	[dreg:$0x1] =	wrdreg $0xFFFFFFFF  }
0xad: {  	[dreg:$0x0] =	wrdreg $0x60  }
0xae: {  	[dreg:$0x2] =	wrdreg s24  }
0xaf: {  	[dreg:$0x3] =	wrdreg s2  }
0xb0: {  	[dreg:$0x4] =	wrdreg $0x41800  }
0xb1: {  	[dreg:$0x5] =	wrdreg $0x9  }
0xb2: {  	_ =	task.clear_ibuf [dreg:s7], $0x6FFFF;
	_ =	strace $0x90000046  }
0xb3: {  	s29 =	simm.s32 $0x9;
	_ =	strace $0x80000048  }
0xb4: {  	_ =	swait.ge [sflag:s29], $0x1  }
0xb5: {  	[sflag:s29] =	ssyncadd.s32 $0xFFFFFFFF  }
0xb6: {  	_ =	strace $0x90000048  }
0xb7: {  	_ =	sfence  }
0xb8: {  	s30 =	sld [smem:$0x0];
	_ =	sdelay $0x2  }
0xb9: {  	s31 =	sshll.u32 s1, $0xD;
	s1 =	sshrl.u32 s1, $0x2  }
0xba: {  	s3 =	sand.u32 $0x4000, s31;
	s1 =	sadd.s32 s1, s30  }
0xbb: {  	s0 =	sor.u32 s3, s0;
	s1 =	sshll.u32 s1, $0x11  }
0xbc: {  	s0 =	sor.u32 s1, s0  }
0xbd: {  	s0 =	sadd.s32 $0x8F2B, s0  }
0xbe: {  	[sflag:s0] =	ssyncadd.remote.s32 $0x1  }
0xbf: {  	_ =	sfence.sel $0xFFFF  }
0xc0: {  	[dreg:$0x0] =	wrdreg $0xFFFFFFFF;
	(pc) =	sbr.abs _section_cstart, $3  }
0xc1: {  	[dreg:$0x1] =	wrdreg $0xFFFFFFFF  }
0xc2: {  	_ =	task.clear_ibuf [dreg:s7], $0x2FFFF;
	_ =	strace $0x9FFFFFFF  }
0xc3: {  	(tm) =	ssettm $0x7FFFFFFF  }
tec
execute0_lowered:
.L_overlay_start_1:
0x0: {  	(tag) =	ssettag $0x1  }
0x1: {  	s8 =	rddreg [dreg:$0x0]  }
0x2: {  	s1 =	rddreg [dreg:$0x1]  }
0x3: {  	s2 =	rddreg [dreg:$0x2]  }
0x4: {  	s0 =	rddreg [dreg:$0x3];
	s3 =	simm.s32 $0x0;
	s4 =	srdreg.scid  }
0x5: {  	s20 =	simm.s32 $0x4100;
	s21 =	simm.s32 $0x80;
	s22 =	simm.s32 $0x1  }
0x6: {  	s23 =	simm.s32 $0x0;
	[smem:$0x7FF] =	sst s3;
	s10 =	sand.u32 $0x1, s4  }
0x7: {  	s5 =	sadd.s32 $0x63200, s8;
	s4 =	stileid.u32;
	s6 =	sadd.s32 $0x59400, s8  }
0x8: {  	s7 =	sadd.s32 $0x4F600, s8;
	s12 =	sadd.s32 $0x1400, s8;
	s11 =	smul.u32 $0x138800, s10  }
0x9: {  	s15 =	sadd.s32 $0x6D000, s8;
	s18 =	sadd.s32 $0x138000, s2;
	s9 =	smul.u32 $0x13800, s4  }
0xa: {  	_ =	strace $0x80000047;
	s13 =	ssub.s32 $0x2, s10;
	s14 =	smul.u32 $0x4E000, s4  }
0xb: {  	s29 =	sshll.u32 s4, $0x6;
	s31 =	sshll.u32 s10, $0x8;
	s19 =	sshll.u32 s4, $0x4  }
0xc: {  	p0 =	sne.s32 s4, $0xF;
	s25 =	sshrl.u32 s13, $0x1;
	s9 =	sadd.s32 s9, s11  }
0xd: {  	v0 =	vimm.s32 $0x0;
	s16 =	ssub.s32 s13, s25;
	s26 =	sshrl.u32 s14, $0x2;
	s11 =	sshrl.u32 s11, $0x3  }
0xe: {  	v1 =	vimm.s32 $0x1;
	v2 =	vimm.s32 $0x2;
	v3 =	vimm.s32 $0x3;
	s28 =	sshrl.u32 s9, $0x3;
	s17 =	sadd.s32 s26, s2;
	s9 =	sor.u32 $0x1C02, s29  }
0xf: {  	v4 =	vimm.s32 $0x4;
	v5 =	vimm.s32 $0x5;
	v6 =	vimm.s32 $0x6;
	s30 =	sadd.s32 $0x27000, s11;
	s11 =	sor.u32 s19, s31;
	s14 =	smax.u32 s16, $0x1  }
0x10: {  	v7 =	vimm.s32 $0x7;
	v8 =	vimm.s32 $0x8;
	v9 =	vimm.s32 $0x9;
	s16 =	simm.s32 $0x2;
	s19 =	simm.s32 $0x4080;
	s8 =	sadd.s32 s12, s28  }
0x11: {  	v10 =	vimm.s32 $0xA;
	v11 =	vimm.s32 $0xB;
	v12 =	vimm.s32 $0xC;
	s10 =	sadd.s32 s12, s30;
	s12 =	sadd.s32 s15, s28;
	s13 =	sadd.s32 s15, s30  }
0x12: {  	v13 =	vimm.s32 $0xD;
	v14 =	vimm.s32 $0xE;
	v15 =	vimm.s32 $0xF;
	s15 =	sshrl.u32 s17, $0x3;
	s17 =	sshrl.u32 @!p0 s18, $0x3;
	s18 =	simm.s32 $0x4000  }
.LBB2_1:
0x13: {  	[spmem:s15], [sflag:s9] =	dma.local [hbm:s8], $0x2700  }
0x14: {  	_ =	swait.ge [sflag:s16], $0x2700  }
0x15: {  	[sflag:s16] =	ssyncset.done $0x0  }
0x16: {  	s24 =	simm.s32 @!p0 $0x2;
	[sflag:s16] =	ssyncadd.s32 $0xFFFFD900  }
0x17: {  	[spmem:s17], [sflag:s9] =	dma.local @!p0 [hbm:s10], $0x100  }
0x18: {  	_ =	swait.ge @!p0 [sflag:s24], $0x100  }
0x19: {  	[sflag:s24] =	ssyncset.done @!p0 $0x0  }
0x1a: {  	[sflag:s24] =	ssyncadd.s32 @!p0 $0xFFFFFF00  }
0x1b: {  	s24 =	simm.s32 $0x0;
	[bflag:$0x0] =	sbarrier.arrive $0xFFFF  }
.LBB2_2:
0x1c: {  	s25 =	sshll.u32 s24, $0x9  }
0x1d: {  	s26 =	sor.u32 s11, s25  }
0x1e: {  	s25 =	simm.s32 $0x0;
	s28 =	sadd.s32 s5, s26  }
0x1f: {  	[tilespmem:s18], [sflag:$0x2] =	stream.linear.gather [hbm4b:s28+s25], $0x80, $0x38;
	[tilespmem:$0x17A00] =	vst v63  }
0x20: {  	_ =	swait.ge [sflag:s16], $0x80  }
0x21: {  	[sflag:s16] =	ssyncset.done $0x0  }
0x22: {  	s31 =	sadd.s32 s6, s26;
	[sflag:s16] =	ssyncadd.s32 $0xFFFFFF80  }
0x23: {  	[tilespmem:s19], [sflag:$0x2] =	stream.linear.gather [hbm4b:s31+s25], $0x80, $0x38;
	[tilespmem:$0x17A00] =	vst v63  }
0x24: {  	_ =	swait.ge [sflag:s16], $0x80  }
0x25: {  	[sflag:s16] =	ssyncset.done $0x0  }
0x26: {  	s26 =	sadd.s32 s7, s26;
	[sflag:s16] =	ssyncadd.s32 $0xFFFFFF80  }
0x27: {  	[tilespmem:s20], [sflag:$0x2] =	stream.linear.gather [hbm4b:s26+s25], $0x80, $0x38;
	[tilespmem:$0x17A00] =	vst v63  }
0x28: {  	_ =	swait.ge [sflag:s16], $0x80  }
0x29: {  	[sflag:s16] =	ssyncset.done $0x0  }
0x2a: {  	[sflag:s16] =	ssyncadd.s32 $0xFFFFFF80  }
0x2b: {  	[tilespmem:s25], [sflag:$0x1] =	stream.indirect.gather [hbm4b:s1+s21], $0x80, s19, s21, $0xb8;
	[tilespmem:$0x17A00] =	vst v63  }
0x2c: {  	_ =	swait.ge [sflag:s22], $0x4000  }
0x2d: {  	[sflag:s22] =	ssyncset.done $0x0  }
0x2e: {  	[sflag:s22] =	ssyncadd.s32 $0xFFFFC000  }
.LBB2_3:
0x2f: {  	s26 =	sshll.u32 s25, $0x4  }
0x30: {  	s26 =	sand.u32 $0x3FFFFFF0, s26  }
0x31: {  	s31 =	sshll.u32 s25, $0xB;
	v16 =	vld [tilespmem:s26+$0x4100]  }
0x32: {  	s26 =	sand.u32 $0x3FFFF800, s31  }
0x33: {  	v17 =	vld [tilespmem:s26+$0x0]  }
0x34: {  	v18 =	vld [tilespmem:s26+$0x10]  }
0x35: {  	v19 =	vld [tilespmem:s26+$0x20]  }
0x36: {  	v21 =	vld [tilespmem:s26+$0x30];
	v20 =	vperm.xlane v16, v0  }
0x37: {  	v22 =	vld [tilespmem:s26+$0x40]  }
0x38: {  	v23 =	vld [tilespmem:s26+$0x50];
	v17 =	vmul.f32 v17, v20  }
0x39: {  	v24 =	vld [tilespmem:s26+$0x60];
	v18 =	vmul.f32 v18, v20  }
0x3a: {  	v48 =	vld [tilespmem:s26+$0x70];
	[tilespmem:s26+$0x0] =	vst v17;
	v17 =	vmul.f32 v19, v20  }
0x3b: {  	v50 =	vld [tilespmem:s26+$0x80];
	v49 =	vmul.f32 v21, v20;
	[tilespmem:s26+$0x10] =	vst v18  }
0x3c: {  	v51 =	vld [tilespmem:s26+$0x90];
	[tilespmem:s26+$0x20] =	vst v17;
	v17 =	vmul.f32 v22, v20  }
0x3d: {  	v53 =	vld [tilespmem:s26+$0xA0];
	v52 =	vmul.f32 v23, v20;
	[tilespmem:s26+$0x30] =	vst v49  }
0x3e: {  	v25 =	vld [tilespmem:s26+$0xB0];
	v54 =	vperm.xlane v16, v1;
	[tilespmem:s26+$0x40] =	vst v17;
	v17 =	vmul.f32 v24, v20  }
0x3f: {  	v56 =	vld [tilespmem:s26+$0xC0];
	v55 =	vmul.f32 v48, v20;
	[tilespmem:s26+$0x50] =	vst v52  }
0x40: {  	v57 =	vld [tilespmem:s26+$0xD0];
	[tilespmem:s26+$0x60] =	vst v17;
	v17 =	vmul.f32 v50, v54  }
0x41: {  	v59 =	vld [tilespmem:s26+$0xE0];
	v58 =	vmul.f32 v51, v54;
	[tilespmem:s26+$0x70] =	vst v55  }
0x42: {  	v60 =	vld [tilespmem:s26+$0xF0];
	[tilespmem:s26+$0x80] =	vst v17;
	v17 =	vmul.f32 v53, v54  }
0x43: {  	v62 =	vld [tilespmem:s26+$0x100];
	v61 =	vmul.f32 v25, v54;
	[tilespmem:s26+$0x90] =	vst v58  }
0x44: {  	v63 =	vld [tilespmem:s26+$0x110];
	[tilespmem:s26+$0xA0] =	vst v17;
	v17 =	vmul.f32 v56, v54  }
0x45: {  	v29 =	vld [tilespmem:s26+$0x120];
	v28 =	vmul.f32 v57, v54;
	[tilespmem:s26+$0xB0] =	vst v61  }
0x46: {  	v31 =	vld [tilespmem:s26+$0x130];
	v30 =	vperm.xlane v16, v2;
	[tilespmem:s26+$0xC0] =	vst v17;
	v17 =	vmul.f32 v59, v54  }
0x47: {  	v33 =	vld [tilespmem:s26+$0x140];
	v32 =	vmul.f32 v60, v54;
	[tilespmem:s26+$0xD0] =	vst v28  }
0x48: {  	v34 =	vld [tilespmem:s26+$0x150];
	[tilespmem:s26+$0xE0] =	vst v17;
	v17 =	vmul.f32 v62, v30  }
0x49: {  	v36 =	vld [tilespmem:s26+$0x160];
	v35 =	vmul.f32 v63, v30;
	[tilespmem:s26+$0xF0] =	vst v32  }
0x4a: {  	v37 =	vld [tilespmem:s26+$0x170];
	[tilespmem:s26+$0x100] =	vst v17;
	v17 =	vmul.f32 v29, v30  }
0x4b: {  	v39 =	vld [tilespmem:s26+$0x180];
	v38 =	vmul.f32 v31, v30;
	[tilespmem:s26+$0x110] =	vst v35  }
0x4c: {  	v40 =	vld [tilespmem:s26+$0x190];
	[tilespmem:s26+$0x120] =	vst v17;
	v17 =	vmul.f32 v33, v30  }
0x4d: {  	v42 =	vld [tilespmem:s26+$0x1A0];
	v41 =	vmul.f32 v34, v30;
	[tilespmem:s26+$0x130] =	vst v38  }
0x4e: {  	v44 =	vld [tilespmem:s26+$0x1B0];
	v43 =	vperm.xlane v16, v3;
	[tilespmem:s26+$0x140] =	vst v17;
	v17 =	vmul.f32 v36, v30  }
0x4f: {  	v46 =	vld [tilespmem:s26+$0x1C0];
	v45 =	vmul.f32 v37, v30;
	[tilespmem:s26+$0x150] =	vst v41  }
0x50: {  	v50 =	vld [tilespmem:s26+$0x1F0];
	[tilespmem:s26+$0x160] =	vst v17;
	v17 =	vmul.f32 v39, v43  }
0x51: {  	v48 =	vmul.f32 v40, v43;
	[tilespmem:s26+$0x170] =	vst v45;
	v49 =	vld [tilespmem:s26+$0x1E0]  }
0x52: {  	v47 =	vld [tilespmem:s26+$0x1D0];
	[tilespmem:s26+$0x180] =	vst v17;
	v17 =	vmul.f32 v42, v43  }
0x53: {  	v51 =	vmul.f32 v44, v43;
	[tilespmem:s26+$0x190] =	vst v48;
	v52 =	vld [tilespmem:s26+$0x200]  }
0x54: {  	v57 =	vld [tilespmem:s26+$0x230];
	[tilespmem:s26+$0x1A0] =	vst v17;
	v17 =	vmul.f32 v46, v43  }
0x55: {  	[tilespmem:s26+$0x1B0] =	vst v51;
	v55 =	vld [tilespmem:s26+$0x220];
	v58 =	vmul.f32 v50, v43  }
0x56: {  	v60 =	vld [tilespmem:s26+$0x250];
	v56 =	vperm.xlane v16, v4;
	[tilespmem:s26+$0x1C0] =	vst v17;
	v17 =	vmul.f32 v49, v43  }
0x57: {  	v54 =	vmul.f32 v47, v43;
	v59 =	vld [tilespmem:s26+$0x240];
	[tilespmem:s26+$0x1F0] =	vst v58  }
0x58: {  	v63 =	vld [tilespmem:s26+$0x270];
	[tilespmem:s26+$0x1E0] =	vst v17;
	v17 =	vmul.f32 v52, v56  }
0x59: {  	v28 =	vmul.f32 v57, v56;
	[tilespmem:s26+$0x1D0] =	vst v54;
	v62 =	vld [tilespmem:s26+$0x260]  }
0x5a: {  	v53 =	vld [tilespmem:s26+$0x210];
	[tilespmem:s26+$0x200] =	vst v17;
	v17 =	vmul.f32 v55, v56  }
0x5b: {  	v31 =	vmul.f32 v60, v56;
	[tilespmem:s26+$0x230] =	vst v28;
	v29 =	vld [tilespmem:s26+$0x280]  }
0x5c: {  	v34 =	vld [tilespmem:s26+$0x2B0];
	[tilespmem:s26+$0x220] =	vst v17;
	v17 =	vmul.f32 v59, v56  }
0x5d: {  	v32 =	vld [tilespmem:s26+$0x2A0];
	v35 =	vmul.f32 v63, v56;
	[tilespmem:s26+$0x250] =	vst v31  }
0x5e: {  	v37 =	vld [tilespmem:s26+$0x2D0];
	v33 =	vperm.xlane v16, v5;
	[tilespmem:s26+$0x240] =	vst v17;
	v17 =	vmul.f32 v62, v56  }
0x5f: {  	v61 =	vmul.f32 v53, v56;
	[tilespmem:s26+$0x270] =	vst v35;
	v36 =	vld [tilespmem:s26+$0x2C0]  }
0x60: {  	v40 =	vld [tilespmem:s26+$0x2F0];
	[tilespmem:s26+$0x260] =	vst v17;
	v17 =	vmul.f32 v29, v33  }
0x61: {  	[tilespmem:s26+$0x210] =	vst v61;
	v41 =	vmul.f32 v34, v33;
	v39 =	vld [tilespmem:s26+$0x2E0]  }
0x62: {  	v30 =	vld [tilespmem:s26+$0x290];
	[tilespmem:s26+$0x280] =	vst v17;
	v17 =	vmul.f32 v32, v33  }
0x63: {  	v44 =	vmul.f32 v37, v33;
	[tilespmem:s26+$0x2B0] =	vst v41;
	v42 =	vld [tilespmem:s26+$0x300]  }
0x64: {  	v47 =	vld [tilespmem:s26+$0x330];
	[tilespmem:s26+$0x2A0] =	vst v17;
	v17 =	vmul.f32 v36, v33  }
0x65: {  	v45 =	vld [tilespmem:s26+$0x320];
	v48 =	vmul.f32 v40, v33;
	[tilespmem:s26+$0x2D0] =	vst v44  }
0x66: {  	v50 =	vld [tilespmem:s26+$0x350];
	v46 =	vperm.xlane v16, v6;
	[tilespmem:s26+$0x2C0] =	vst v17;
	v17 =	vmul.f32 v39, v33  }
0x67: {  	[tilespmem:s26+$0x2F0] =	vst v48;
	v38 =	vmul.f32 v30, v33;
	v49 =	vld [tilespmem:s26+$0x340]  }
0x68: {  	v53 =	vld [tilespmem:s26+$0x370];
	[tilespmem:s26+$0x2E0] =	vst v17;
	v17 =	vmul.f32 v42, v46  }
0x69: {  	[tilespmem:s26+$0x290] =	vst v38;
	v54 =	vmul.f32 v47, v46;
	v52 =	vld [tilespmem:s26+$0x360]  }
0x6a: {  	v43 =	vld [tilespmem:s26+$0x310];
	[tilespmem:s26+$0x300] =	vst v17;
	v17 =	vmul.f32 v45, v46  }
0x6b: {  	v57 =	vmul.f32 v50, v46;
	[tilespmem:s26+$0x330] =	vst v54;
	v55 =	vld [tilespmem:s26+$0x380]  }
0x6c: {  	v60 =	vld [tilespmem:s26+$0x3B0];
	[tilespmem:s26+$0x320] =	vst v17;
	v17 =	vmul.f32 v49, v46  }
0x6d: {  	v58 =	vld [tilespmem:s26+$0x3A0];
	v61 =	vmul.f32 v53, v46;
	[tilespmem:s26+$0x350] =	vst v57  }
0x6e: {  	v63 =	vld [tilespmem:s26+$0x3D0];
	v59 =	vperm.xlane v16, v7;
	[tilespmem:s26+$0x340] =	vst v17;
	v17 =	vmul.f32 v52, v46  }
0x6f: {  	[tilespmem:s26+$0x370] =	vst v61;
	v51 =	vmul.f32 v43, v46;
	v62 =	vld [tilespmem:s26+$0x3C0]  }
0x70: {  	v30 =	vld [tilespmem:s26+$0x3F0];
	[tilespmem:s26+$0x360] =	vst v17;
	v17 =	vmul.f32 v55, v59  }
0x71: {  	[tilespmem:s26+$0x310] =	vst v51;
	v31 =	vmul.f32 v60, v59;
	v29 =	vld [tilespmem:s26+$0x3E0]  }
0x72: {  	v56 =	vld [tilespmem:s26+$0x390];
	[tilespmem:s26+$0x380] =	vst v17;
	v17 =	vmul.f32 v58, v59  }
0x73: {  	v34 =	vmul.f32 v63, v59;
	[tilespmem:s26+$0x3B0] =	vst v31;
	v32 =	vld [tilespmem:s26+$0x400]  }
0x74: {  	v37 =	vld [tilespmem:s26+$0x430];
	[tilespmem:s26+$0x3A0] =	vst v17;
	v17 =	vmul.f32 v62, v59  }
0x75: {  	v35 =	vld [tilespmem:s26+$0x420];
	v38 =	vmul.f32 v30, v59;
	[tilespmem:s26+$0x3D0] =	vst v34  }
0x76: {  	v40 =	vld [tilespmem:s26+$0x450];
	v36 =	vperm.xlane v16, v8;
	[tilespmem:s26+$0x3C0] =	vst v17;
	v17 =	vmul.f32 v29, v59  }
0x77: {  	[tilespmem:s26+$0x3F0] =	vst v38;
	v28 =	vmul.f32 v56, v59;
	v39 =	vld [tilespmem:s26+$0x440]  }
0x78: {  	v43 =	vld [tilespmem:s26+$0x470];
	[tilespmem:s26+$0x3E0] =	vst v17;
	v17 =	vmul.f32 v32, v36  }
0x79: {  	[tilespmem:s26+$0x390] =	vst v28;
	v44 =	vmul.f32 v37, v36;
	v42 =	vld [tilespmem:s26+$0x460]  }
0x7a: {  	v33 =	vld [tilespmem:s26+$0x410];
	[tilespmem:s26+$0x400] =	vst v17;
	v17 =	vmul.f32 v35, v36  }
0x7b: {  	v47 =	vmul.f32 v40, v36;
	[tilespmem:s26+$0x430] =	vst v44;
	v45 =	vld [tilespmem:s26+$0x480]  }
0x7c: {  	v50 =	vld [tilespmem:s26+$0x4B0];
	[tilespmem:s26+$0x420] =	vst v17;
	v17 =	vmul.f32 v39, v36  }
0x7d: {  	v48 =	vld [tilespmem:s26+$0x4A0];
	v51 =	vmul.f32 v43, v36;
	[tilespmem:s26+$0x450] =	vst v47  }
0x7e: {  	v53 =	vld [tilespmem:s26+$0x4D0];
	v49 =	vperm.xlane v16, v9;
	[tilespmem:s26+$0x440] =	vst v17;
	v17 =	vmul.f32 v42, v36  }
0x7f: {  	[tilespmem:s26+$0x470] =	vst v51;
	v41 =	vmul.f32 v33, v36;
	v52 =	vld [tilespmem:s26+$0x4C0]  }
0x80: {  	v56 =	vld [tilespmem:s26+$0x4F0];
	[tilespmem:s26+$0x460] =	vst v17;
	v17 =	vmul.f32 v45, v49  }
0x81: {  	[tilespmem:s26+$0x410] =	vst v41;
	v57 =	vmul.f32 v50, v49;
	v55 =	vld [tilespmem:s26+$0x4E0]  }
0x82: {  	v46 =	vld [tilespmem:s26+$0x490];
	[tilespmem:s26+$0x480] =	vst v17;
	v17 =	vmul.f32 v48, v49  }
0x83: {  	v60 =	vmul.f32 v53, v49;
	[tilespmem:s26+$0x4B0] =	vst v57;
	v58 =	vld [tilespmem:s26+$0x500]  }
0x84: {  	v63 =	vld [tilespmem:s26+$0x530];
	[tilespmem:s26+$0x4A0] =	vst v17;
	v17 =	vmul.f32 v52, v49  }
0x85: {  	v61 =	vld [tilespmem:s26+$0x520];
	v28 =	vmul.f32 v56, v49;
	[tilespmem:s26+$0x4D0] =	vst v60  }
0x86: {  	v30 =	vld [tilespmem:s26+$0x550];
	v62 =	vperm.xlane v16, v10;
	[tilespmem:s26+$0x4C0] =	vst v17;
	v17 =	vmul.f32 v55, v49  }
0x87: {  	[tilespmem:s26+$0x4F0] =	vst v28;
	v54 =	vmul.f32 v46, v49;
	v29 =	vld [tilespmem:s26+$0x540]  }
0x88: {  	v33 =	vld [tilespmem:s26+$0x570];
	[tilespmem:s26+$0x4E0] =	vst v17;
	v17 =	vmul.f32 v58, v62  }
0x89: {  	[tilespmem:s26+$0x490] =	vst v54;
	v34 =	vmul.f32 v63, v62;
	v32 =	vld [tilespmem:s26+$0x560]  }
0x8a: {  	v59 =	vld [tilespmem:s26+$0x510];
	[tilespmem:s26+$0x500] =	vst v17;
	v17 =	vmul.f32 v61, v62  }
0x8b: {  	v37 =	vmul.f32 v30, v62;
	[tilespmem:s26+$0x530] =	vst v34;
	v35 =	vld [tilespmem:s26+$0x580]  }
0x8c: {  	v40 =	vld [tilespmem:s26+$0x5B0];
	[tilespmem:s26+$0x520] =	vst v17;
	v17 =	vmul.f32 v29, v62  }
0x8d: {  	v38 =	vld [tilespmem:s26+$0x5A0];
	v41 =	vmul.f32 v33, v62;
	[tilespmem:s26+$0x550] =	vst v37  }
0x8e: {  	v43 =	vld [tilespmem:s26+$0x5D0];
	v39 =	vperm.xlane v16, v11;
	[tilespmem:s26+$0x540] =	vst v17;
	v17 =	vmul.f32 v32, v62  }
0x8f: {  	[tilespmem:s26+$0x570] =	vst v41;
	v31 =	vmul.f32 v59, v62;
	v42 =	vld [tilespmem:s26+$0x5C0]  }
0x90: {  	v46 =	vld [tilespmem:s26+$0x5F0];
	[tilespmem:s26+$0x560] =	vst v17;
	v17 =	vmul.f32 v35, v39  }
0x91: {  	[tilespmem:s26+$0x510] =	vst v31;
	v47 =	vmul.f32 v40, v39;
	v45 =	vld [tilespmem:s26+$0x5E0]  }
0x92: {  	v36 =	vld [tilespmem:s26+$0x590];
	[tilespmem:s26+$0x580] =	vst v17;
	v17 =	vmul.f32 v38, v39  }
0x93: {  	v50 =	vmul.f32 v43, v39;
	[tilespmem:s26+$0x5B0] =	vst v47;
	v48 =	vld [tilespmem:s26+$0x600]  }
0x94: {  	v53 =	vld [tilespmem:s26+$0x630];
	[tilespmem:s26+$0x5A0] =	vst v17;
	v17 =	vmul.f32 v42, v39  }
0x95: {  	v51 =	vld [tilespmem:s26+$0x620];
	v54 =	vmul.f32 v46, v39;
	[tilespmem:s26+$0x5D0] =	vst v50  }
0x96: {  	v56 =	vld [tilespmem:s26+$0x650];
	v52 =	vperm.xlane v16, v12;
	[tilespmem:s26+$0x5C0] =	vst v17;
	v17 =	vmul.f32 v45, v39  }
0x97: {  	[tilespmem:s26+$0x5F0] =	vst v54;
	v44 =	vmul.f32 v36, v39;
	v55 =	vld [tilespmem:s26+$0x640]  }
0x98: {  	v59 =	vld [tilespmem:s26+$0x670];
	[tilespmem:s26+$0x5E0] =	vst v17;
	v17 =	vmul.f32 v48, v52  }
0x99: {  	[tilespmem:s26+$0x590] =	vst v44;
	v60 =	vmul.f32 v53, v52;
	v58 =	vld [tilespmem:s26+$0x660]  }
0x9a: {  	v49 =	vld [tilespmem:s26+$0x610];
	[tilespmem:s26+$0x600] =	vst v17;
	v17 =	vmul.f32 v51, v52  }
0x9b: {  	v63 =	vmul.f32 v56, v52;
	[tilespmem:s26+$0x630] =	vst v60;
	v61 =	vld [tilespmem:s26+$0x680]  }
0x9c: {  	v30 =	vld [tilespmem:s26+$0x6B0];
	[tilespmem:s26+$0x620] =	vst v17;
	v17 =	vmul.f32 v55, v52  }
0x9d: {  	v28 =	vld [tilespmem:s26+$0x6A0];
	v31 =	vmul.f32 v59, v52;
	[tilespmem:s26+$0x650] =	vst v63  }
0x9e: {  	v33 =	vld [tilespmem:s26+$0x6D0];
	v29 =	vperm.xlane v16, v13;
	[tilespmem:s26+$0x640] =	vst v17;
	v17 =	vmul.f32 v58, v52  }
0x9f: {  	[tilespmem:s26+$0x670] =	vst v31;
	v57 =	vmul.f32 v49, v52;
	v32 =	vld [tilespmem:s26+$0x6C0]  }
0xa0: {  	v36 =	vld [tilespmem:s26+$0x6F0];
	[tilespmem:s26+$0x660] =	vst v17;
	v17 =	vmul.f32 v61, v29  }
0xa1: {  	[tilespmem:s26+$0x610] =	vst v57;
	v37 =	vmul.f32 v30, v29;
	v35 =	vld [tilespmem:s26+$0x6E0]  }
0xa2: {  	v62 =	vld [tilespmem:s26+$0x690];
	[tilespmem:s26+$0x680] =	vst v17;
	v17 =	vmul.f32 v28, v29  }
0xa3: {  	v40 =	vmul.f32 v33, v29;
	[tilespmem:s26+$0x6B0] =	vst v37;
	v38 =	vld [tilespmem:s26+$0x700]  }
0xa4: {  	v43 =	vld [tilespmem:s26+$0x730];
	[tilespmem:s26+$0x6A0] =	vst v17;
	v17 =	vmul.f32 v32, v29  }
0xa5: {  	v41 =	vld [tilespmem:s26+$0x720];
	v44 =	vmul.f32 v36, v29;
	[tilespmem:s26+$0x6D0] =	vst v40  }
0xa6: {  	v46 =	vld [tilespmem:s26+$0x750];
	v42 =	vperm.xlane v16, v14;
	[tilespmem:s26+$0x6C0] =	vst v17;
	v17 =	vmul.f32 v35, v29  }
0xa7: {  	[tilespmem:s26+$0x6F0] =	vst v44;
	v34 =	vmul.f32 v62, v29;
	v45 =	vld [tilespmem:s26+$0x740]  }
0xa8: {  	v49 =	vld [tilespmem:s26+$0x770];
	[tilespmem:s26+$0x6E0] =	vst v17;
	v17 =	vmul.f32 v38, v42  }
0xa9: {  	[tilespmem:s26+$0x690] =	vst v34;
	v50 =	vmul.f32 v43, v42;
	v48 =	vld [tilespmem:s26+$0x760]  }
0xaa: {  	v39 =	vld [tilespmem:s26+$0x710];
	[tilespmem:s26+$0x700] =	vst v17;
	v17 =	vmul.f32 v41, v42  }
0xab: {  	v53 =	vmul.f32 v46, v42;
	[tilespmem:s26+$0x730] =	vst v50;
	v51 =	vld [tilespmem:s26+$0x780]  }
0xac: {  	v55 =	vld [tilespmem:s26+$0x7B0];
	[tilespmem:s26+$0x720] =	vst v17;
	v17 =	vmul.f32 v45, v42  }
0xad: {  	v54 =	vld [tilespmem:s26+$0x7A0];
	v56 =	vmul.f32 v49, v42;
	[tilespmem:s26+$0x750] =	vst v53  }
0xae: {  	v16 =	vperm.xlane v16, v15;
	v52 =	vld [tilespmem:s26+$0x790];
	[tilespmem:s26+$0x740] =	vst v17;
	v17 =	vmul.f32 v48, v42  }
0xaf: {  	v57 =	vld [tilespmem:s26+$0x7C0];
	[tilespmem:s26+$0x770] =	vst v56;
	v47 =	vmul.f32 v39, v42  }
0xb0: {  	v58 =	vld [tilespmem:s26+$0x7D0];
	[tilespmem:s26+$0x760] =	vst v17;
	v17 =	vmul.f32 v51, v16  }
0xb1: {  	v60 =	vld [tilespmem:s26+$0x7E0];
	[tilespmem:s26+$0x710] =	vst v47;
	v62 =	vmul.f32 v55, v16  }
0xb2: {  	v61 =	vld [tilespmem:s26+$0x7F0];
	[tilespmem:s26+$0x780] =	vst v17;
	v17 =	vmul.f32 v54, v16  }
0xb3: {  	v59 =	vmul.f32 v52, v16;
	[tilespmem:s26+$0x7B0] =	vst v62  }
0xb4: {  	p1 =	sne.s32 s25, $0x7;
	[tilespmem:s26+$0x7A0] =	vst v17;
	v17 =	vmul.f32 v57, v16  }
.Ltmp0:
0xb5: {  	v63 =	vmul.f32 v58, v16;
	[tilespmem:s26+$0x790] =	vst v59;
	(pc) =	sbr.rel @p1 .LBB2_3-.Ltmp0, $4  }
0xb6: {  	[tilespmem:s26+$0x7C0] =	vst v17;
	v17 =	vmul.f32 v60, v16  }
0xb7: {  	[tilespmem:s26+$0x7D0] =	vst v63;
	v16 =	vmul.f32 v61, v16  }
0xb8: {  	[tilespmem:s26+$0x7E0] =	vst v17  }
0xb9: {  	s25 =	sadd.s32 $0x1, s25;
	[tilespmem:s26+$0x7F0] =	vst v16  }
0xba: {  	s24 =	sadd.s32 $0x1, s24  }
0xbb: {  	p1 =	sne.s32 s24, $0x4F  }
.Ltmp1:
0xbc: {  	_ = 	snop;
	(pc) =	sbr.rel @p1 .LBB2_2-.Ltmp1, $4  }
0xbd: {  	[spmem:s2] =	stream.indirect.scatter.add.f32 [tilespmem:s3], [sflag:$0x2], $0x80, s18, s21, $0xb8;
	[tilespmem:$0x17A00] =	vst v63  }
0xbe: {  	_ =	swait.ge [sflag:s16], $0x4000  }
0xbf: {  	[sflag:s16] =	ssyncset.done $0x0  }
0xc0: {  	[sflag:s16] =	ssyncadd.s32 $0xFFFFC000  }
0xc1: {  	[bflag:$0x0] =	sbarrier.arrive $0xFFFF  }
0xc2: {  	[hbm:s12], [sflag:s9] =	dma.local [spmem:s15], $0x2700  }
0xc3: {  	s23 =	sadd.s32 $0x1, s23;
	_ =	swait.ge [sflag:s16], $0x2700  }
0xc4: {  	p1 =	sne.s32 s23, s14;
	[sflag:s16] =	ssyncset.done $0x0  }
.Ltmp2:
0xc5: {  	s24 =	simm.s32 @!p0 $0x2;
	[sflag:s16] =	ssyncadd.s32 $0xFFFFD900;
	(pc) =	sbr.rel @p1 .LBB2_1-.Ltmp2, $4  }
0xc6: {  	[hbm:s13], [sflag:s9] =	dma.local @!p0 [spmem:s17], $0x100  }
0xc7: {  	_ =	swait.ge @!p0 [sflag:s24], $0x100  }
0xc8: {  	[sflag:s24] =	ssyncset.done @!p0 $0x0  }
0xc9: {  	[sflag:s24] =	ssyncadd.s32 @!p0 $0xFFFFFF00  }
0xca: {  	_ =	sfence.sel $0x180000  }
0xcb: {  	[bflag:$0x0] =	sbarrier.arrive $0xFFFF  }
0xcc: {  	p0 =	sne.s32 s4, $0x0;
	_ =	strace $0x90000047  }
0xcd: {  	s0 =	sadd.s32 @!p0 $0x100000, s0;
	[bflag:$0x2] =	sbarrier.arrive $0xFFFF  }
0xce: {  	[sflag:s0] =	ssyncadd.tile.s32 @!p0 $0x1;
	_ =	shalt  }
.Lfunc_end2:
_tile_overlayer_lowered:
.L_overlay_start_2:
0xcf: {  	(tag) =	ssettag $0x2  }
0xd0: {  	s0 =	rddreg [dreg:$0x0];
	s2 =	stileid.u32  }
0xd1: {  	s1 =	rddreg [dreg:$0x1];
	p0 =	sne.s32 s2, $0x0  }
0xd2: {  	s3 =	rddreg [dreg:$0x2];
	[bflag:$0x3] =	sbarrier.arrive $0xFFFF;
	s2 =	simm.s32 @!p0 $0x1C02  }
0xd3: {  	[timem:s3], [sflag:s2] =	dma.local @!p0 [hbm:s0], s1  }
0xd4: {  	s0 =	simm.s32 @!p0 $0x2  }
0xd5: {  	_ =	swait.ge @!p0 [sflag:s0], s1  }
0xd6: {  	s1 =	ssub.s32 @!p0 $0x0, s1;
	[sflag:s0] =	ssyncset.done @!p0 $0x0  }
0xd7: {  	[sflag:s0] =	ssyncadd.s32 @!p0 s1  }
0xd8: {  	[bflag:$0x3] =	sbarrier.arrive $0xFFFF  }
0xd9: {  	_ =	shalt  }

</sc_bundles>
